<compile_context>
chip_gen: v7x
topology: tpu7x:2x2x1
jax: 0.10.2.dev20260603
libtpu: 0.0.44.dev20260713+nightly
codegen_flags: <defaults>
</compile_context>

<pallas_src>
import functools

import jax
import jax.numpy as jnp
import numpy as np
from jax import lax
from jax.experimental import pallas as pl
from jax.experimental.pallas import tpu as pltpu
from jax.experimental.pallas import tpu_sc as plsc

N, T = 1048576, 64
NC, NS = 2, 16
NW = NC * NS
CHUNK = 256
R_TC = 786432
R_SC = N - R_TC
ROWS_PER_W = R_SC // NW
NCHUNKS = ROWS_PER_W // CHUNK
NPAIR = NCHUNKS // 2
NG = CHUNK // 16
BR = 8192
assert R_SC % (NW * CHUNK * 2) == 0 and R_TC % BR == 0


def _logf(x):
    bits = lax.bitcast_convert_type(x, jnp.int32)
    e = (bits >> 23) - 126
    m = lax.bitcast_convert_type((bits & 0x007FFFFF) | 0x3F000000, jnp.float32)
    c = m < 0.70710678
    e = e - c.astype(jnp.int32)
    t = jnp.where(c, m + m - 1.0, m - 1.0)
    z = t * t
    p = jnp.full((16,), 7.0376836292e-2, jnp.float32)
    for coef in (-1.1514610310e-1, 1.1676998740e-1, -1.2420140846e-1,
                 1.4249322787e-1, -1.6668057665e-1, 2.0000714765e-1,
                 -2.4999993993e-1, 3.3333331174e-1):
        p = p * t + jnp.float32(coef)
    y = p * t * z
    ef = e.astype(jnp.float32)
    y = y + ef * jnp.float32(-2.12194440e-4)
    y = y - 0.5 * z
    return t + y + ef * jnp.float32(0.693359375)


def _sc_body(preds_h, labs_h, cen_h, out_h,
             pb0, pb1, lb0, lb1, cb0, cb1, stage, ibuf, sem0, sem1):
    ci = lax.axis_index("c")
    si = lax.axis_index("s")
    wid = si * NC + ci
    rbase = R_TC + wid * ROWS_PER_W

    pbs = (pb0, pb1)
    lbs = (lb0, lb1)
    cbs = (cb0, cb1)
    sems = (sem0, sem1)

    def start(c, b):
        off = rbase + c * CHUNK
        pltpu.async_copy(preds_h.at[pl.ds(off, CHUNK)], pbs[b], sems[b])
        pltpu.async_copy(labs_h.at[pl.ds(off, CHUNK)], lbs[b], sems[b])
        pltpu.async_copy(cen_h.at[pl.ds(off, CHUNK)], cbs[b], sems[b])

    def wait(c, b):
        off = rbase + c * CHUNK
        pltpu.make_async_copy(preds_h.at[pl.ds(off, CHUNK)], pbs[b], sems[b]).wait()
        pltpu.make_async_copy(labs_h.at[pl.ds(off, CHUNK)], lbs[b], sems[b]).wait()
        pltpu.make_async_copy(cen_h.at[pl.ds(off, CHUNK)], cbs[b], sems[b]).wait()

    iota = lax.iota(jnp.int32, 16)
    ibuf[...] = iota

    def process(b, acc):
        pb, lb, cb = pbs[b], lbs[b], cbs[b]

        @plsc.parallel_loop(0, NG, carry=acc)
        def gbody(t, acc):
            labs_v = lb[pl.ds(t * 16, 16)]
            cen_v = cb[pl.ds(t * 16, 16)]
            iota_rt = ibuf[...]
            rows = t * 16 + iota_rt
            skew = jnp.bitwise_xor(iota_rt, (iota_rt * 4) & 63)
            g = plsc.load_gather(pb, [rows, labs_v]) + jnp.float32(1e-10)
            zero = jnp.zeros((16,), jnp.float32)
            t0 = (63 - labs_v).astype(jnp.float32) * jnp.float32(1e-10)
            accs = [t0, zero, zero, zero]
            for j in range(T):
                cols = jnp.bitwise_xor(skew, j)
                col = plsc.load_gather(pb, [rows, cols])
                accs[j % 4] = accs[j % 4] + jnp.where(cols > labs_v, col, zero)
            tail = (accs[0] + accs[1]) + (accs[2] + accs[3])
            uncen = cen_v == 0
            val = jnp.where(uncen, g, tail)
            w = jnp.where(uncen, jnp.float32(1.0), jnp.float32(0.5))
            return acc + w * _logf(val)

        return gbody

    start(0, 0)

    def pair(p, acc):
        c0 = 2 * p
        start(c0 + 1, 1)
        wait(c0, 0)
        acc = process(0, acc)

        @pl.when(p < NPAIR - 1)
        def _():
            start(c0 + 2, 0)

        wait(c0 + 1, 1)
        return process(1, acc)

    acc = lax.fori_loop(0, NPAIR, pair, jnp.zeros((16,), jnp.float32))
    stage[...] = acc
    pltpu.sync_copy(stage, out_h.at[pl.ds(wid * 16, 16)])


def _tc_body(enc_ref, preds_ref, out_ref):
    i = pl.program_id(0)
    enc = enc_ref[0]
    labs = enc & 63
    cen = enc >> 6
    pT = jnp.swapaxes(preds_ref[...], 0, 1)
    kio = lax.broadcasted_iota(jnp.int32, (T, BR), 0)
    zero = jnp.zeros((), jnp.float32)
    tail = jnp.sum(jnp.where(kio > labs, pT, zero), axis=0, keepdims=True)
    tail = tail + (63 - labs).astype(jnp.float32) * jnp.float32(1e-10)
    g = jnp.sum(jnp.where(kio == labs, pT, zero), axis=0, keepdims=True)
    g = g + jnp.float32(1e-10)
    uncen = cen == 0
    val = jnp.where(uncen, g, tail)
    w = jnp.where(uncen, jnp.float32(1.0), jnp.float32(0.5))
    contrib = jnp.sum(w * jnp.log(val))

    @pl.when(i == 0)
    def _():
        out_ref[...] = jnp.zeros((1, 1), jnp.float32)

    out_ref[...] += contrib.reshape(1, 1)


def _tc_part(preds, enc):
    enc3 = enc[:R_TC].reshape(R_TC // BR, 1, BR)
    return pl.pallas_call(
        _tc_body,
        grid=(R_TC // BR,),
        in_specs=[
            pl.BlockSpec((1, 1, BR), lambda i: (i, 0, 0)),
            pl.BlockSpec((BR, T), lambda i: (i, 0)),
        ],
        out_specs=pl.BlockSpec((1, 1), lambda i: (0, 0)),
        out_shape=jax.ShapeDtypeStruct((1, 1), jnp.float32),
    )(enc3, preds)


@jax.jit
def kernel(preds, labs, cen_in):
    mesh = plsc.VectorSubcoreMesh(core_axis_name="c", subcore_axis_name="s")
    partials = pl.kernel(
        _sc_body,
        out_type=jax.ShapeDtypeStruct((NW * 16,), jnp.float32),
        mesh=mesh,
        compiler_params=pltpu.CompilerParams(needs_layout_passes=False),
        scratch_types=[
            pltpu.VMEM((CHUNK, T), jnp.float32),
            pltpu.VMEM((CHUNK, T), jnp.float32),
            pltpu.VMEM((CHUNK,), jnp.int32),
            pltpu.VMEM((CHUNK,), jnp.int32),
            pltpu.VMEM((CHUNK,), jnp.int32),
            pltpu.VMEM((CHUNK,), jnp.int32),
            pltpu.VMEM((16,), jnp.float32),
            pltpu.VMEM((16,), jnp.int32),
            pltpu.SemaphoreType.DMA,
            pltpu.SemaphoreType.DMA,
        ],
    )(preds, labs, cen_in)
    enc = labs + T * cen_in
    s_tc = _tc_part(preds, enc)
    total = jnp.sum(partials) + s_tc[0, 0]
    return (-total / np.float32(N)).reshape(1)

# --- scband reference (transcript-rebuilt; emitter-appended) ---
"""Pipeline reference for scband-proposed3-loss-70308614635977 (READ-ONLY COPY).

The authoritative reference and input builder live on the scoring server;
editing this copy changes nothing except your own understanding.
"""

import jax, jax.numpy as jnp
import numpy as np

CEN_WEIGHT = 0.5
N, T = 1048576, 64


def setup_inputs(seed: int = 0):
    key = jax.random.key(seed)
    k1, k2, k3 = jax.random.split(key, 3)
    preds = jax.random.uniform(k1, (N, T), dtype=jnp.float32)
    labs = jax.random.randint(k2, (N,), 0, 63)
    cen_in = jax.random.randint(k3, (N,), 0, 2)
    return {"preds": preds, "labs": labs, "cen_in": cen_in}


def reference(preds, labs, cen_in):
    # Faithful translation of proposed3_loss.forward with train_final=False,
    # have_gt=no_neg=marg=False: loss = forward_lab(outputs, labs, 0, extra_args)
    uncen_mask = (cen_in == 0)
    cen_mask = (cen_in == 1)
    num_uncen = jnp.sum(uncen_mask)
    num_cen = jnp.sum(cen_mask)
    num_ex = num_cen + num_uncen
    bin_idx = labs.reshape(-1, 1)
    gathered = jnp.take_along_axis(preds + 1e-10, bin_idx, axis=1)
    uncen_terms = jnp.log(gathered).reshape(-1) * uncen_mask.astype(preds.dtype)
    uncen_loss = (-jnp.sum(uncen_terms) / jnp.maximum(num_uncen, 1)).reshape(1)
    # Original loops over unique censoring times i and sums
    # -log(sum(preds[row, i+1:] + 1e-10)) / num_cen for rows with lab==i.
    # Equivalent vectorized form: masked tail-sum per censored row.
    cols = jnp.arange(T)
    mask = (cols[None, :] >= (labs[:, None] + 1)).astype(preds.dtype)
    tail = jnp.sum((preds + 1e-10) * mask, axis=1)
    cen_terms = -jnp.log(tail) * cen_mask.astype(preds.dtype)
    cen_loss = (jnp.sum(cen_terms) / jnp.maximum(num_cen, 1)).reshape(1)
    num_ex_f = num_ex.astype(preds.dtype)
    loss = (num_uncen.astype(preds.dtype) / num_ex_f) * uncen_loss + (num_cen.astype(preds.dtype) / num_ex_f) * cen_loss * CEN_WEIGHT
    return loss


if False:  # reference __main__ guard neutralized (emitter)
    out = reference(**setup_inputs())
    print(out.shape, out)

if __name__ == "__main__":
    import jax
    _d = setup_inputs()
    print(jax.jit(kernel)(*tuple(_d.values())))

</pallas_src>

<mosaic_0001>
#map = affine_map<(d0, d1) -> (0, 0)>
#map1 = affine_map<(d0, d1) -> (0)>
module attributes {stable_mosaic.version = 14 : i64} {
  func.func @_sc_body(%arg0: i32, %arg1: i32, %arg2: memref<1048576x64xf32, #tpu.memory_space<hbm>>, %arg3: memref<1048576xi32, #tpu.memory_space<hbm>>, %arg4: memref<1048576xi32, #tpu.memory_space<hbm>>, %arg5: memref<512xf32, #tpu.memory_space<hbm>>, %arg6: memref<256x64xf32, #tpu.memory_space<vmem>>, %arg7: memref<256x64xf32, #tpu.memory_space<vmem>>, %arg8: memref<256xi32, #tpu.memory_space<vmem>>, %arg9: memref<256xi32, #tpu.memory_space<vmem>>, %arg10: memref<256xi32, #tpu.memory_space<vmem>>, %arg11: memref<256xi32, #tpu.memory_space<vmem>>, %arg12: memref<16xf32, #tpu.memory_space<vmem>>, %arg13: memref<16xi32, #tpu.memory_space<vmem>>, %arg14: memref<!tpu.dma_semaphore, #tpu.memory_space<semaphore_mem>>, %arg15: memref<!tpu.dma_semaphore, #tpu.memory_space<semaphore_mem>>) attributes {dimension_semantics = [#tpu.dimension_semantics<core_parallel>, #tpu.dimension_semantics<subcore_parallel>], iteration_bounds = array<i64: 2, 16>, scalar_prefetch = 0 : i64, scratch_operands = 10 : i64, tpu.core_type = #tpu.core_type<sc_vector_subcore>, window_params = [{transform_indices = #map}, {transform_indices = #map1}, {transform_indices = #map1}, {transform_indices = #map1}]} {
    %mul3A = arith.constant 2 : i32
    %mul3A_0 = arith.muli %arg1, %mul3A : i32
    %add3A = arith.addi %mul3A_0, %arg0 : i32
    %mul3A_1 = arith.constant 8192 : i32
    %mul3A_2 = arith.muli %add3A, %mul3A_1 : i32
    %add3A_3 = arith.constant 786432 : i32
    %add3A_4 = arith.addi %add3A_3, %mul3A_2 : i32
    %iota3A = tpu.iota {dimensions = array<i32: 0>} : vector<16xi32>
    %swap3A = arith.constant 0 : index
    %swap3A_5 = tpu.vector_load %arg13[%swap3A] {strides = array<i32>} : memref<16xi32, #tpu.memory_space<vmem>>, vector<16xi32>,
    tpu.vector_store %arg13[%swap3A], %iota3A {strides = array<i32>} : memref<16xi32, #tpu.memory_space<vmem>>, vector<16xi32>,
    %add3A_6 = arith.constant 0 : i32
    %add3A_7 = arith.addi %add3A_4, %add3A_6 : i32
    %dma_start3A = arith.constant 0 : i32
    %dma_start3A_8 = tpu.memref_slice %arg2[%add3A_7, %dma_start3A] : memref<1048576x64xf32, #tpu.memory_space<hbm>> -> memref<256x64xf32, #tpu.memory_space<hbm>>
    %dma_start3A_9 = arith.constant 0 : i32
    %dma_start3A_10 = tpu.memref_slice %arg2[%add3A_7, %dma_start3A_9] : memref<1048576x64xf32, #tpu.memory_space<hbm>> -> memref<256x64xf32, #tpu.memory_space<hbm>>
    tpu.enqueue_dma source(%dma_start3A_10 : memref<256x64xf32, #tpu.memory_space<hbm>>) target(%arg6 : memref<256x64xf32, #tpu.memory_space<vmem>>) target_semaphore(%arg14 : memref<!tpu.dma_semaphore, #tpu.memory_space<semaphore_mem>>)
    %dma_start3A_11 = tpu.memref_slice %arg3[%add3A_7] : memref<1048576xi32, #tpu.memory_space<hbm>> -> memref<256xi32, #tpu.memory_space<hbm>>
    %dma_start3A_12 = tpu.memref_slice %arg3[%add3A_7] : memref<1048576xi32, #tpu.memory_space<hbm>> -> memref<256xi32, #tpu.memory_space<hbm>>
    tpu.enqueue_dma source(%dma_start3A_12 : memref<256xi32, #tpu.memory_space<hbm>>) target(%arg8 : memref<256xi32, #tpu.memory_space<vmem>>) target_semaphore(%arg14 : memref<!tpu.dma_semaphore, #tpu.memory_space<semaphore_mem>>)
    %dma_start3A_13 = tpu.memref_slice %arg4[%add3A_7] : memref<1048576xi32, #tpu.memory_space<hbm>> -> memref<256xi32, #tpu.memory_space<hbm>>
    %dma_start3A_14 = tpu.memref_slice %arg4[%add3A_7] : memref<1048576xi32, #tpu.memory_space<hbm>> -> memref<256xi32, #tpu.memory_space<hbm>>
    tpu.enqueue_dma source(%dma_start3A_14 : memref<256xi32, #tpu.memory_space<hbm>>) target(%arg10 : memref<256xi32, #tpu.memory_space<vmem>>) target_semaphore(%arg14 : memref<!tpu.dma_semaphore, #tpu.memory_space<semaphore_mem>>)
    %broadcast_in_dim3A = arith.constant 0.000000e+00 : f32
    %broadcast_in_dim3A_15 = vector.broadcast %broadcast_in_dim3A : f32 to vector<16xf32>
    %scan3A = arith.constant 0 : i32
    %scan3A_16 = arith.constant 16 : i32
    %scan3A_17 = arith.addi %scan3A, %scan3A_16 : i32
    %scan3A_18 = arith.constant 1 : i32
    %scan3A_19 = scf.for %scan3A_25 = %scan3A to %scan3A_17 step %scan3A_18 iter_args(%scan3A_26 = %broadcast_in_dim3A_15) -> (vector<16xf32>)  : i32 {
      %mul3A_27 = arith.constant 2 : i32
      %mul3A_28 = arith.muli %mul3A_27, %scan3A_25 : i32
      %add3A_29 = arith.constant 1 : i32
      %add3A_30 = arith.addi %mul3A_28, %add3A_29 : i32
      %mul3A_31 = arith.constant 256 : i32
      %mul3A_32 = arith.muli %add3A_30, %mul3A_31 : i32
      %add3A_33 = arith.addi %add3A_4, %mul3A_32 : i32
      %dma_start3A_34 = arith.constant 0 : i32
      %dma_start3A_35 = tpu.memref_slice %arg2[%add3A_33, %dma_start3A_34] : memref<1048576x64xf32, #tpu.memory_space<hbm>> -> memref<256x64xf32, #tpu.memory_space<hbm>>
      %dma_start3A_36 = arith.constant 0 : i32
      %dma_start3A_37 = tpu.memref_slice %arg2[%add3A_33, %dma_start3A_36] : memref<1048576x64xf32, #tpu.memory_space<hbm>> -> memref<256x64xf32, #tpu.memory_space<hbm>>
      tpu.enqueue_dma source(%dma_start3A_37 : memref<256x64xf32, #tpu.memory_space<hbm>>) target(%arg7 : memref<256x64xf32, #tpu.memory_space<vmem>>) target_semaphore(%arg15 : memref<!tpu.dma_semaphore, #tpu.memory_space<semaphore_mem>>)
      %dma_start3A_38 = tpu.memref_slice %arg3[%add3A_33] : memref<1048576xi32, #tpu.memory_space<hbm>> -> memref<256xi32, #tpu.memory_space<hbm>>
      %dma_start3A_39 = tpu.memref_slice %arg3[%add3A_33] : memref<1048576xi32, #tpu.memory_space<hbm>> -> memref<256xi32, #tpu.memory_space<hbm>>
      tpu.enqueue_dma source(%dma_start3A_39 : memref<256xi32, #tpu.memory_space<hbm>>) target(%arg9 : memref<256xi32, #tpu.memory_space<vmem>>) target_semaphore(%arg15 : memref<!tpu.dma_semaphore, #tpu.memory_space<semaphore_mem>>)
      %dma_start3A_40 = tpu.memref_slice %arg4[%add3A_33] : memref<1048576xi32, #tpu.memory_space<hbm>> -> memref<256xi32, #tpu.memory_space<hbm>>
      %dma_start3A_41 = tpu.memref_slice %arg4[%add3A_33] : memref<1048576xi32, #tpu.memory_space<hbm>> -> memref<256xi32, #tpu.memory_space<hbm>>
      tpu.enqueue_dma source(%dma_start3A_41 : memref<256xi32, #tpu.memory_space<hbm>>) target(%arg11 : memref<256xi32, #tpu.memory_space<vmem>>) target_semaphore(%arg15 : memref<!tpu.dma_semaphore, #tpu.memory_space<semaphore_mem>>)
      %mul3A_42 = arith.constant 256 : i32
      %mul3A_43 = arith.muli %mul3A_28, %mul3A_42 : i32
      %add3A_44 = arith.addi %add3A_4, %mul3A_43 : i32
      %dma_wait3A = arith.constant 0 : i32
      %dma_wait3A_45 = tpu.memref_slice %arg2[%add3A_44, %dma_wait3A] : memref<1048576x64xf32, #tpu.memory_space<hbm>> -> memref<256x64xf32, #tpu.memory_space<hbm>>
      %dma_wait3A_46 = arith.constant 0 : i32
      %dma_wait3A_47 = tpu.memref_slice %arg2[%add3A_44, %dma_wait3A_46] : memref<1048576x64xf32, #tpu.memory_space<hbm>> -> memref<256x64xf32, #tpu.memory_space<hbm>>
      tpu.wait_dma2 semaphore(%arg14 : memref<!tpu.dma_semaphore, #tpu.memory_space<semaphore_mem>>) src(%dma_wait3A_47 : memref<256x64xf32, #tpu.memory_space<hbm>>) dst(%arg6 : memref<256x64xf32, #tpu.memory_space<vmem>>)
      %dma_wait3A_48 = tpu.memref_slice %arg3[%add3A_44] : memref<1048576xi32, #tpu.memory_space<hbm>> -> memref<256xi32, #tpu.memory_space<hbm>>
      %dma_wait3A_49 = tpu.memref_slice %arg3[%add3A_44] : memref<1048576xi32, #tpu.memory_space<hbm>> -> memref<256xi32, #tpu.memory_space<hbm>>
      tpu.wait_dma2 semaphore(%arg14 : memref<!tpu.dma_semaphore, #tpu.memory_space<semaphore_mem>>) src(%dma_wait3A_49 : memref<256xi32, #tpu.memory_space<hbm>>) dst(%arg8 : memref<256xi32, #tpu.memory_space<vmem>>)
      %dma_wait3A_50 = tpu.memref_slice %arg4[%add3A_44] : memref<1048576xi32, #tpu.memory_space<hbm>> -> memref<256xi32, #tpu.memory_space<hbm>>
      %dma_wait3A_51 = tpu.memref_slice %arg4[%add3A_44] : memref<1048576xi32, #tpu.memory_space<hbm>> -> memref<256xi32, #tpu.memory_space<hbm>>
      tpu.wait_dma2 semaphore(%arg14 : memref<!tpu.dma_semaphore, #tpu.memory_space<semaphore_mem>>) src(%dma_wait3A_51 : memref<256xi32, #tpu.memory_space<hbm>>) dst(%arg10 : memref<256xi32, #tpu.memory_space<vmem>>)
      %parallel_loop3A = arith.constant 0 : i32
      %parallel_loop3A_52 = arith.constant 16 : i32
      %parallel_loop3A_53 = arith.constant 1 : i32
      %parallel_loop3A_54 = scf.for %parallel_loop3A_74 = %parallel_loop3A to %parallel_loop3A_52 step %parallel_loop3A_53 iter_args(%parallel_loop3A_75 = %scan3A_26) -> (vector<16xf32>)  : i32 {
        %parallel_loop3A_76 = arith.constant 16 : i32
        %parallel_loop3A_77 = arith.muli %parallel_loop3A_74, %parallel_loop3A_76 : i32
        %parallel_loop3A_78 = arith.index_cast %parallel_loop3A_77 : i32 to index
        %parallel_loop3A_79 = tpu.vector_load %arg8[%parallel_loop3A_78] {strides = array<i32>} : memref<256xi32, #tpu.memory_space<vmem>>, vector<16xi32>,
        %parallel_loop3A_80 = arith.constant 16 : i32
        %parallel_loop3A_81 = arith.muli %parallel_loop3A_74, %parallel_loop3A_80 : i32
        %parallel_loop3A_82 = arith.index_cast %parallel_loop3A_81 : i32 to index
        %parallel_loop3A_83 = tpu.vector_load %arg10[%parallel_loop3A_82] {strides = array<i32>} : memref<256xi32, #tpu.memory_space<vmem>>, vector<16xi32>,
        %parallel_loop3A_84 = arith.constant 0 : index
        %parallel_loop3A_85 = tpu.vector_load %arg13[%parallel_loop3A_84] {strides = array<i32>} : memref<16xi32, #tpu.memory_space<vmem>>, vector<16xi32>,
        %parallel_loop3A_86 = arith.constant 16 : i32
        %parallel_loop3A_87 = arith.muli %parallel_loop3A_74, %parallel_loop3A_86 : i32
        %parallel_loop3A_88 = vector.broadcast %parallel_loop3A_87 : i32 to vector<16xi32>
        %parallel_loop3A_89 = arith.addi %parallel_loop3A_88, %parallel_loop3A_85 : vector<16xi32>
        %parallel_loop3A_90 = arith.constant 4 : i32
        %parallel_loop3A_91 = vector.broadcast %parallel_loop3A_90 : i32 to vector<16xi32>
        %parallel_loop3A_92 = arith.muli %parallel_loop3A_85, %parallel_loop3A_91 : vector<16xi32>
        %parallel_loop3A_93 = arith.constant 63 : i32
        %parallel_loop3A_94 = vector.broadcast %parallel_loop3A_93 : i32 to vector<16xi32>
        %parallel_loop3A_95 = arith.andi %parallel_loop3A_92, %parallel_loop3A_94 : vector<16xi32>
        %parallel_loop3A_96 = arith.xori %parallel_loop3A_85, %parallel_loop3A_95 : vector<16xi32>
        %parallel_loop3A_97 = tpu.vector_load_idx %arg6[%parallel_loop3A_89, %parallel_loop3A_79] : memref<256x64xf32, #tpu.memory_space<vmem>>[vector<16xi32>, vector<16xi32>], vector<16xf32>,
        %parallel_loop3A_98 = arith.constant 1.000000e-10 : f32
        %parallel_loop3A_99 = vector.broadcast %parallel_loop3A_98 : f32 to vector<16xf32>
        %parallel_loop3A_100 = arith.addf %parallel_loop3A_97, %parallel_loop3A_99 : vector<16xf32>
        %parallel_loop3A_101 = arith.constant 0.000000e+00 : f32
        %parallel_loop3A_102 = vector.broadcast %parallel_loop3A_101 : f32 to vector<16xf32>
        %parallel_loop3A_103 = arith.constant 63 : i32
        %parallel_loop3A_104 = vector.broadcast %parallel_loop3A_103 : i32 to vector<16xi32>
        %parallel_loop3A_105 = arith.subi %parallel_loop3A_104, %parallel_loop3A_79 : vector<16xi32>
        %parallel_loop3A_106 = arith.sitofp %parallel_loop3A_105 : vector<16xi32> to vector<16xf32>
        %parallel_loop3A_107 = arith.constant 1.000000e-10 : f32
        %parallel_loop3A_108 = vector.broadcast %parallel_loop3A_107 : f32 to vector<16xf32>
        %parallel_loop3A_109 = arith.mulf %parallel_loop3A_106, %parallel_loop3A_108 : vector<16xf32>
        %parallel_loop3A_110 = arith.constant 0 : i32
        %parallel_loop3A_111 = vector.broadcast %parallel_loop3A_110 : i32 to vector<16xi32>
        %parallel_loop3A_112 = arith.xori %parallel_loop3A_96, %parallel_loop3A_111 : vector<16xi32>
        %parallel_loop3A_113 = tpu.vector_load_idx %arg6[%parallel_loop3A_89, %parallel_loop3A_112] : memref<256x64xf32, #tpu.memory_space<vmem>>[vector<16xi32>, vector<16xi32>], vector<16xf32>,
        %parallel_loop3A_114 = arith.cmpi sgt, %parallel_loop3A_112, %parallel_loop3A_79 : vector<16xi32>
        %parallel_loop3A_115 = arith.select %parallel_loop3A_114, %parallel_loop3A_113, %parallel_loop3A_102 : vector<16xi1>, vector<16xf32>
        %parallel_loop3A_116 = arith.addf %parallel_loop3A_109, %parallel_loop3A_115 : vector<16xf32>
        %parallel_loop3A_117 = arith.constant 1 : i32
        %parallel_loop3A_118 = vector.broadcast %parallel_loop3A_117 : i32 to vector<16xi32>
        %parallel_loop3A_119 = arith.xori %parallel_loop3A_96, %parallel_loop3A_118 : vector<16xi32>
        %parallel_loop3A_120 = tpu.vector_load_idx %arg6[%parallel_loop3A_89, %parallel_loop3A_119] : memref<256x64xf32, #tpu.memory_space<vmem>>[vector<16xi32>, vector<16xi32>], vector<16xf32>,
        %parallel_loop3A_121 = arith.cmpi sgt, %parallel_loop3A_119, %parallel_loop3A_79 : vector<16xi32>
        %parallel_loop3A_122 = arith.select %parallel_loop3A_121, %parallel_loop3A_120, %parallel_loop3A_102 : vector<16xi1>, vector<16xf32>
        %parallel_loop3A_123 = arith.addf %parallel_loop3A_102, %parallel_loop3A_122 : vector<16xf32>
        %parallel_loop3A_124 = arith.constant 2 : i32
        %parallel_loop3A_125 = vector.broadcast %parallel_loop3A_124 : i32 to vector<16xi32>
        %parallel_loop3A_126 = arith.xori %parallel_loop3A_96, %parallel_loop3A_125 : vector<16xi32>
        %parallel_loop3A_127 = tpu.vector_load_idx %arg6[%parallel_loop3A_89, %parallel_loop3A_126] : memref<256x64xf32, #tpu.memory_space<vmem>>[vector<16xi32>, vector<16xi32>], vector<16xf32>,
        %parallel_loop3A_128 = arith.cmpi sgt, %parallel_loop3A_126, %parallel_loop3A_79 : vector<16xi32>
        %parallel_loop3A_129 = arith.select %parallel_loop3A_128, %parallel_loop3A_127, %parallel_loop3A_102 : vector<16xi1>, vector<16xf32>
        %parallel_loop3A_130 = arith.addf %parallel_loop3A_102, %parallel_loop3A_129 : vector<16xf32>
        %parallel_loop3A_131 = arith.constant 3 : i32
        %parallel_loop3A_132 = vector.broadcast %parallel_loop3A_131 : i32 to vector<16xi32>
        %parallel_loop3A_133 = arith.xori %parallel_loop3A_96, %parallel_loop3A_132 : vector<16xi32>
        %parallel_loop3A_134 = tpu.vector_load_idx %arg6[%parallel_loop3A_89, %parallel_loop3A_133] : memref<256x64xf32, #tpu.memory_space<vmem>>[vector<16xi32>, vector<16xi32>], vector<16xf32>,
        %parallel_loop3A_135 = arith.cmpi sgt, %parallel_loop3A_133, %parallel_loop3A_79 : vector<16xi32>
        %parallel_loop3A_136 = arith.select %parallel_loop3A_135, %parallel_loop3A_134, %parallel_loop3A_102 : vector<16xi1>, vector<16xf32>
        %parallel_loop3A_137 = arith.addf %parallel_loop3A_102, %parallel_loop3A_136 : vector<16xf32>
        %parallel_loop3A_138 = arith.constant 4 : i32
        %parallel_loop3A_139 = vector.broadcast %parallel_loop3A_138 : i32 to vector<16xi32>
        %parallel_loop3A_140 = arith.xori %parallel_loop3A_96, %parallel_loop3A_139 : vector<16xi32>
        %parallel_loop3A_141 = tpu.vector_load_idx %arg6[%parallel_loop3A_89, %parallel_loop3A_140] : memref<256x64xf32, #tpu.memory_space<vmem>>[vector<16xi32>, vector<16xi32>], vector<16xf32>,
        %parallel_loop3A_142 = arith.cmpi sgt, %parallel_loop3A_140, %parallel_loop3A_79 : vector<16xi32>
        %parallel_loop3A_143 = arith.select %parallel_loop3A_142, %parallel_loop3A_141, %parallel_loop3A_102 : vector<16xi1>, vector<16xf32>
        %parallel_loop3A_144 = arith.addf %parallel_loop3A_116, %parallel_loop3A_143 : vector<16xf32>
        %parallel_loop3A_145 = arith.constant 5 : i32
        %parallel_loop3A_146 = vector.broadcast %parallel_loop3A_145 : i32 to vector<16xi32>
        %parallel_loop3A_147 = arith.xori %parallel_loop3A_96, %parallel_loop3A_146 : vector<16xi32>
        %parallel_loop3A_148 = tpu.vector_load_idx %arg6[%parallel_loop3A_89, %parallel_loop3A_147] : memref<256x64xf32, #tpu.memory_space<vmem>>[vector<16xi32>, vector<16xi32>], vector<16xf32>,
        %parallel_loop3A_149 = arith.cmpi sgt, %parallel_loop3A_147, %parallel_loop3A_79 : vector<16xi32>
        %parallel_loop3A_150 = arith.select %parallel_loop3A_149, %parallel_loop3A_148, %parallel_loop3A_102 : vector<16xi1>, vector<16xf32>
        %parallel_loop3A_151 = arith.addf %parallel_loop3A_123, %parallel_loop3A_150 : vector<16xf32>
        %parallel_loop3A_152 = arith.constant 6 : i32
        %parallel_loop3A_153 = vector.broadcast %parallel_loop3A_152 : i32 to vector<16xi32>
        %parallel_loop3A_154 = arith.xori %parallel_loop3A_96, %parallel_loop3A_153 : vector<16xi32>
        %parallel_loop3A_155 = tpu.vector_load_idx %arg6[%parallel_loop3A_89, %parallel_loop3A_154] : memref<256x64xf32, #tpu.memory_space<vmem>>[vector<16xi32>, vector<16xi32>], vector<16xf32>,
        %parallel_loop3A_156 = arith.cmpi sgt, %parallel_loop3A_154, %parallel_loop3A_79 : vector<16xi32>
        %parallel_loop3A_157 = arith.select %parallel_loop3A_156, %parallel_loop3A_155, %parallel_loop3A_102 : vector<16xi1>, vector<16xf32>
        %parallel_loop3A_158 = arith.addf %parallel_loop3A_130, %parallel_loop3A_157 : vector<16xf32>
        %parallel_loop3A_159 = arith.constant 7 : i32
        %parallel_loop3A_160 = vector.broadcast %parallel_loop3A_159 : i32 to vector<16xi32>
        %parallel_loop3A_161 = arith.xori %parallel_loop3A_96, %parallel_loop3A_160 : vector<16xi32>
        %parallel_loop3A_162 = tpu.vector_load_idx %arg6[%parallel_loop3A_89, %parallel_loop3A_161] : memref<256x64xf32, #tpu.memory_space<vmem>>[vector<16xi32>, vector<16xi32>], vector<16xf32>,
        %parallel_loop3A_163 = arith.cmpi sgt, %parallel_loop3A_161, %parallel_loop3A_79 : vector<16xi32>
        %parallel_loop3A_164 = arith.select %parallel_loop3A_163, %parallel_loop3A_162, %parallel_loop3A_102 : vector<16xi1>, vector<16xf32>
        %parallel_loop3A_165 = arith.addf %parallel_loop3A_137, %parallel_loop3A_164 : vector<16xf32>
        %parallel_loop3A_166 = arith.constant 8 : i32
        %parallel_loop3A_167 = vector.broadcast %parallel_loop3A_166 : i32 to vector<16xi32>
        %parallel_loop3A_168 = arith.xori %parallel_loop3A_96, %parallel_loop3A_167 : vector<16xi32>
        %parallel_loop3A_169 = tpu.vector_load_idx %arg6[%parallel_loop3A_89, %parallel_loop3A_168] : memref<256x64xf32, #tpu.memory_space<vmem>>[vector<16xi32>, vector<16xi32>], vector<16xf32>,
        %parallel_loop3A_170 = arith.cmpi sgt, %parallel_loop3A_168, %parallel_loop3A_79 : vector<16xi32>
        %parallel_loop3A_171 = arith.select %parallel_loop3A_170, %parallel_loop3A_169, %parallel_loop3A_102 : vector<16xi1>, vector<16xf32>
        %parallel_loop3A_172 = arith.addf %parallel_loop3A_144, %parallel_loop3A_171 : vector<16xf32>
        %parallel_loop3A_173 = arith.constant 9 : i32
        %parallel_loop3A_174 = vector.broadcast %parallel_loop3A_173 : i32 to vector<16xi32>
        %parallel_loop3A_175 = arith.xori %parallel_loop3A_96, %parallel_loop3A_174 : vector<16xi32>
        %parallel_loop3A_176 = tpu.vector_load_idx %arg6[%parallel_loop3A_89, %parallel_loop3A_175] : memref<256x64xf32, #tpu.memory_space<vmem>>[vector<16xi32>, vector<16xi32>], vector<16xf32>,
        %parallel_loop3A_177 = arith.cmpi sgt, %parallel_loop3A_175, %parallel_loop3A_79 : vector<16xi32>
        %parallel_loop3A_178 = arith.select %parallel_loop3A_177, %parallel_loop3A_176, %parallel_loop3A_102 : vector<16xi1>, vector<16xf32>
        %parallel_loop3A_179 = arith.addf %parallel_loop3A_151, %parallel_loop3A_178 : vector<16xf32>
        %parallel_loop3A_180 = arith.constant 10 : i32
        %parallel_loop3A_181 = vector.broadcast %parallel_loop3A_180 : i32 to vector<16xi32>
        %parallel_loop3A_182 = arith.xori %parallel_loop3A_96, %parallel_loop3A_181 : vector<16xi32>
        %parallel_loop3A_183 = tpu.vector_load_idx %arg6[%parallel_loop3A_89, %parallel_loop3A_182] : memref<256x64xf32, #tpu.memory_space<vmem>>[vector<16xi32>, vector<16xi32>], vector<16xf32>,
        %parallel_loop3A_184 = arith.cmpi sgt, %parallel_loop3A_182, %parallel_loop3A_79 : vector<16xi32>
        %parallel_loop3A_185 = arith.select %parallel_loop3A_184, %parallel_loop3A_183, %parallel_loop3A_102 : vector<16xi1>, vector<16xf32>
        %parallel_loop3A_186 = arith.addf %parallel_loop3A_158, %parallel_loop3A_185 : vector<16xf32>
        %parallel_loop3A_187 = arith.constant 11 : i32
        %parallel_loop3A_188 = vector.broadcast %parallel_loop3A_187 : i32 to vector<16xi32>
        %parallel_loop3A_189 = arith.xori %parallel_loop3A_96, %parallel_loop3A_188 : vector<16xi32>
        %parallel_loop3A_190 = tpu.vector_load_idx %arg6[%parallel_loop3A_89, %parallel_loop3A_189] : memref<256x64xf32, #tpu.memory_space<vmem>>[vector<16xi32>, vector<16xi32>], vector<16xf32>,
        %parallel_loop3A_191 = arith.cmpi sgt, %parallel_loop3A_189, %parallel_loop3A_79 : vector<16xi32>
        %parallel_loop3A_192 = arith.select %parallel_loop3A_191, %parallel_loop3A_190, %parallel_loop3A_102 : vector<16xi1>, vector<16xf32>
        %parallel_loop3A_193 = arith.addf %parallel_loop3A_165, %parallel_loop3A_192 : vector<16xf32>
        %parallel_loop3A_194 = arith.constant 12 : i32
        %parallel_loop3A_195 = vector.broadcast %parallel_loop3A_194 : i32 to vector<16xi32>
        %parallel_loop3A_196 = arith.xori %parallel_loop3A_96, %parallel_loop3A_195 : vector<16xi32>
        %parallel_loop3A_197 = tpu.vector_load_idx %arg6[%parallel_loop3A_89, %parallel_loop3A_196] : memref<256x64xf32, #tpu.memory_space<vmem>>[vector<16xi32>, vector<16xi32>], vector<16xf32>,
        %parallel_loop3A_198 = arith.cmpi sgt, %parallel_loop3A_196, %parallel_loop3A_79 : vector<16xi32>
        %parallel_loop3A_199 = arith.select %parallel_loop3A_198, %parallel_loop3A_197, %parallel_loop3A_102 : vector<16xi1>, vector<16xf32>
        %parallel_loop3A_200 = arith.addf %parallel_loop3A_172, %parallel_loop3A_199 : vector<16xf32>
        %parallel_loop3A_201 = arith.constant 13 : i32
        %parallel_loop3A_202 = vector.broadcast %parallel_loop3A_201 : i32 to vector<16xi32>
        %parallel_loop3A_203 = arith.xori %parallel_loop3A_96, %parallel_loop3A_202 : vector<16xi32>
        %parallel_loop3A_204 = tpu.vector_load_idx %arg6[%parallel_loop3A_89, %parallel_loop3A_203] : memref<256x64xf32, #tpu.memory_space<vmem>>[vector<16xi32>, vector<16xi32>], vector<16xf32>,
        %parallel_loop3A_205 = arith.cmpi sgt, %parallel_loop3A_203, %parallel_loop3A_79 : vector<16xi32>
        %parallel_loop3A_206 = arith.select %parallel_loop3A_205, %parallel_loop3A_204, %parallel_loop3A_102 : vector<16xi1>, vector<16xf32>
        %parallel_loop3A_207 = arith.addf %parallel_loop3A_179, %parallel_loop3A_206 : vector<16xf32>
        %parallel_loop3A_208 = arith.constant 14 : i32
        %parallel_loop3A_209 = vector.broadcast %parallel_loop3A_208 : i32 to vector<16xi32>
        %parallel_loop3A_210 = arith.xori %parallel_loop3A_96, %parallel_loop3A_209 : vector<16xi32>
        %parallel_loop3A_211 = tpu.vector_load_idx %arg6[%parallel_loop3A_89, %parallel_loop3A_210] : memref<256x64xf32, #tpu.memory_space<vmem>>[vector<16xi32>, vector<16xi32>], vector<16xf32>,
        %parallel_loop3A_212 = arith.cmpi sgt, %parallel_loop3A_210, %parallel_loop3A_79 : vector<16xi32>
        %parallel_loop3A_213 = arith.select %parallel_loop3A_212, %parallel_loop3A_211, %parallel_loop3A_102 : vector<16xi1>, vector<16xf32>
        %parallel_loop3A_214 = arith.addf %parallel_loop3A_186, %parallel_loop3A_213 : vector<16xf32>
        %parallel_loop3A_215 = arith.constant 15 : i32
        %parallel_loop3A_216 = vector.broadcast %parallel_loop3A_215 : i32 to vector<16xi32>
        %parallel_loop3A_217 = arith.xori %parallel_loop3A_96, %parallel_loop3A_216 : vector<16xi32>
        %parallel_loop3A_218 = tpu.vector_load_idx %arg6[%parallel_loop3A_89, %parallel_loop3A_217] : memref<256x64xf32, #tpu.memory_space<vmem>>[vector<16xi32>, vector<16xi32>], vector<16xf32>,
        %parallel_loop3A_219 = arith.cmpi sgt, %parallel_loop3A_217, %parallel_loop3A_79 : vector<16xi32>
        %parallel_loop3A_220 = arith.select %parallel_loop3A_219, %parallel_loop3A_218, %parallel_loop3A_102 : vector<16xi1>, vector<16xf32>
        %parallel_loop3A_221 = arith.addf %parallel_loop3A_193, %parallel_loop3A_220 : vector<16xf32>
        %parallel_loop3A_222 = arith.constant 16 : i32
        %parallel_loop3A_223 = vector.broadcast %parallel_loop3A_222 : i32 to vector<16xi32>
        %parallel_loop3A_224 = arith.xori %parallel_loop3A_96, %parallel_loop3A_223 : vector<16xi32>
        %parallel_loop3A_225 = tpu.vector_load_idx %arg6[%parallel_loop3A_89, %parallel_loop3A_224] : memref<256x64xf32, #tpu.memory_space<vmem>>[vector<16xi32>, vector<16xi32>], vector<16xf32>,
        %parallel_loop3A_226 = arith.cmpi sgt, %parallel_loop3A_224, %parallel_loop3A_79 : vector<16xi32>
        %parallel_loop3A_227 = arith.select %parallel_loop3A_226, %parallel_loop3A_225, %parallel_loop3A_102 : vector<16xi1>, vector<16xf32>
        %parallel_loop3A_228 = arith.addf %parallel_loop3A_200, %parallel_loop3A_227 : vector<16xf32>
        %parallel_loop3A_229 = arith.constant 17 : i32
        %parallel_loop3A_230 = vector.broadcast %parallel_loop3A_229 : i32 to vector<16xi32>
        %parallel_loop3A_231 = arith.xori %parallel_loop3A_96, %parallel_loop3A_230 : vector<16xi32>
        %parallel_loop3A_232 = tpu.vector_load_idx %arg6[%parallel_loop3A_89, %parallel_loop3A_231] : memref<256x64xf32, #tpu.memory_space<vmem>>[vector<16xi32>, vector<16xi32>], vector<16xf32>,
        %parallel_loop3A_233 = arith.cmpi sgt, %parallel_loop3A_231, %parallel_loop3A_79 : vector<16xi32>
        %parallel_loop3A_234 = arith.select %parallel_loop3A_233, %parallel_loop3A_232, %parallel_loop3A_102 : vector<16xi1>, vector<16xf32>
        %parallel_loop3A_235 = arith.addf %parallel_loop3A_207, %parallel_loop3A_234 : vector<16xf32>
        %parallel_loop3A_236 = arith.constant 18 : i32
        %parallel_loop3A_237 = vector.broadcast %parallel_loop3A_236 : i32 to vector<16xi32>
        %parallel_loop3A_238 = arith.xori %parallel_loop3A_96, %parallel_loop3A_237 : vector<16xi32>
        %parallel_loop3A_239 = tpu.vector_load_idx %arg6[%parallel_loop3A_89, %parallel_loop3A_238] : memref<256x64xf32, #tpu.memory_space<vmem>>[vector<16xi32>, vector<16xi32>], vector<16xf32>,
        %parallel_loop3A_240 = arith.cmpi sgt, %parallel_loop3A_238, %parallel_loop3A_79 : vector<16xi32>
        %parallel_loop3A_241 = arith.select %parallel_loop3A_240, %parallel_loop3A_239, %parallel_loop3A_102 : vector<16xi1>, vector<16xf32>
        %parallel_loop3A_242 = arith.addf %parallel_loop3A_214, %parallel_loop3A_241 : vector<16xf32>
        %parallel_loop3A_243 = arith.constant 19 : i32
        %parallel_loop3A_244 = vector.broadcast %parallel_loop3A_243 : i32 to vector<16xi32>
        %parallel_loop3A_245 = arith.xori %parallel_loop3A_96, %parallel_loop3A_244 : vector<16xi32>
        %parallel_loop3A_246 = tpu.vector_load_idx %arg6[%parallel_loop3A_89, %parallel_loop3A_245] : memref<256x64xf32, #tpu.memory_space<vmem>>[vector<16xi32>, vector<16xi32>], vector<16xf32>,
        %parallel_loop3A_247 = arith.cmpi sgt, %parallel_loop3A_245, %parallel_loop3A_79 : vector<16xi32>
        %parallel_loop3A_248 = arith.select %parallel_loop3A_247, %parallel_loop3A_246, %parallel_loop3A_102 : vector<16xi1>, vector<16xf32>
        %parallel_loop3A_249 = arith.addf %parallel_loop3A_221, %parallel_loop3A_248 : vector<16xf32>
        %parallel_loop3A_250 = arith.constant 20 : i32
        %parallel_loop3A_251 = vector.broadcast %parallel_loop3A_250 : i32 to vector<16xi32>
        %parallel_loop3A_252 = arith.xori %parallel_loop3A_96, %parallel_loop3A_251 : vector<16xi32>
        %parallel_loop3A_253 = tpu.vector_load_idx %arg6[%parallel_loop3A_89, %parallel_loop3A_252] : memref<256x64xf32, #tpu.memory_space<vmem>>[vector<16xi32>, vector<16xi32>], vector<16xf32>,
        %parallel_loop3A_254 = arith.cmpi sgt, %parallel_loop3A_252, %parallel_loop3A_79 : vector<16xi32>
        %parallel_loop3A_255 = arith.select %parallel_loop3A_254, %parallel_loop3A_253, %parallel_loop3A_102 : vector<16xi1>, vector<16xf32>
        %parallel_loop3A_256 = arith.addf %parallel_loop3A_228, %parallel_loop3A_255 : vector<16xf32>
        %parallel_loop3A_257 = arith.constant 21 : i32
        %parallel_loop3A_258 = vector.broadcast %parallel_loop3A_257 : i32 to vector<16xi32>
        %parallel_loop3A_259 = arith.xori %parallel_loop3A_96, %parallel_loop3A_258 : vector<16xi32>
        %parallel_loop3A_260 = tpu.vector_load_idx %arg6[%parallel_loop3A_89, %parallel_loop3A_259] : memref<256x64xf32, #tpu.memory_space<vmem>>[vector<16xi32>, vector<16xi32>], vector<16xf32>,
        %parallel_loop3A_261 = arith.cmpi sgt, %parallel_loop3A_259, %parallel_loop3A_79 : vector<16xi32>
        %parallel_loop3A_262 = arith.select %parallel_loop3A_261, %parallel_loop3A_260, %parallel_loop3A_102 : vector<16xi1>, vector<16xf32>
        %parallel_loop3A_263 = arith.addf %parallel_loop3A_235, %parallel_loop3A_262 : vector<16xf32>
        %parallel_loop3A_264 = arith.constant 22 : i32
        %parallel_loop3A_265 = vector.broadcast %parallel_loop3A_264 : i32 to vector<16xi32>
        %parallel_loop3A_266 = arith.xori %parallel_loop3A_96, %parallel_loop3A_265 : vector<16xi32>
        %parallel_loop3A_267 = tpu.vector_load_idx %arg6[%parallel_loop3A_89, %parallel_loop3A_266] : memref<256x64xf32, #tpu.memory_space<vmem>>[vector<16xi32>, vector<16xi32>], vector<16xf32>,
        %parallel_loop3A_268 = arith.cmpi sgt, %parallel_loop3A_266, %parallel_loop3A_79 : vector<16xi32>
        %parallel_loop3A_269 = arith.select %parallel_loop3A_268, %parallel_loop3A_267, %parallel_loop3A_102 : vector<16xi1>, vector<16xf32>
        %parallel_loop3A_270 = arith.addf %parallel_loop3A_242, %parallel_loop3A_269 : vector<16xf32>
        %parallel_loop3A_271 = arith.constant 23 : i32
        %parallel_loop3A_272 = vector.broadcast %parallel_loop3A_271 : i32 to vector<16xi32>
        %parallel_loop3A_273 = arith.xori %parallel_loop3A_96, %parallel_loop3A_272 : vector<16xi32>
        %parallel_loop3A_274 = tpu.vector_load_idx %arg6[%parallel_loop3A_89, %parallel_loop3A_273] : memref<256x64xf32, #tpu.memory_space<vmem>>[vector<16xi32>, vector<16xi32>], vector<16xf32>,
        %parallel_loop3A_275 = arith.cmpi sgt, %parallel_loop3A_273, %parallel_loop3A_79 : vector<16xi32>
        %parallel_loop3A_276 = arith.select %parallel_loop3A_275, %parallel_loop3A_274, %parallel_loop3A_102 : vector<16xi1>, vector<16xf32>
        %parallel_loop3A_277 = arith.addf %parallel_loop3A_249, %parallel_loop3A_276 : vector<16xf32>
        %parallel_loop3A_278 = arith.constant 24 : i32
        %parallel_loop3A_279 = vector.broadcast %parallel_loop3A_278 : i32 to vector<16xi32>
        %parallel_loop3A_280 = arith.xori %parallel_loop3A_96, %parallel_loop3A_279 : vector<16xi32>
        %parallel_loop3A_281 = tpu.vector_load_idx %arg6[%parallel_loop3A_89, %parallel_loop3A_280] : memref<256x64xf32, #tpu.memory_space<vmem>>[vector<16xi32>, vector<16xi32>], vector<16xf32>,
        %parallel_loop3A_282 = arith.cmpi sgt, %parallel_loop3A_280, %parallel_loop3A_79 : vector<16xi32>
        %parallel_loop3A_283 = arith.select %parallel_loop3A_282, %parallel_loop3A_281, %parallel_loop3A_102 : vector<16xi1>, vector<16xf32>
        %parallel_loop3A_284 = arith.addf %parallel_loop3A_256, %parallel_loop3A_283 : vector<16xf32>
        %parallel_loop3A_285 = arith.constant 25 : i32
        %parallel_loop3A_286 = vector.broadcast %parallel_loop3A_285 : i32 to vector<16xi32>
        %parallel_loop3A_287 = arith.xori %parallel_loop3A_96, %parallel_loop3A_286 : vector<16xi32>
        %parallel_loop3A_288 = tpu.vector_load_idx %arg6[%parallel_loop3A_89, %parallel_loop3A_287] : memref<256x64xf32, #tpu.memory_space<vmem>>[vector<16xi32>, vector<16xi32>], vector<16xf32>,
        %parallel_loop3A_289 = arith.cmpi sgt, %parallel_loop3A_287, %parallel_loop3A_79 : vector<16xi32>
        %parallel_loop3A_290 = arith.select %parallel_loop3A_289, %parallel_loop3A_288, %parallel_loop3A_102 : vector<16xi1>, vector<16xf32>
        %parallel_loop3A_291 = arith.addf %parallel_loop3A_263, %parallel_loop3A_290 : vector<16xf32>
        %parallel_loop3A_292 = arith.constant 26 : i32
        %parallel_loop3A_293 = vector.broadcast %parallel_loop3A_292 : i32 to vector<16xi32>
        %parallel_loop3A_294 = arith.xori %parallel_loop3A_96, %parallel_loop3A_293 : vector<16xi32>
        %parallel_loop3A_295 = tpu.vector_load_idx %arg6[%parallel_loop3A_89, %parallel_loop3A_294] : memref<256x64xf32, #tpu.memory_space<vmem>>[vector<16xi32>, vector<16xi32>], vector<16xf32>,
        %parallel_loop3A_296 = arith.cmpi sgt, %parallel_loop3A_294, %parallel_loop3A_79 : vector<16xi32>
        %parallel_loop3A_297 = arith.select %parallel_loop3A_296, %parallel_loop3A_295, %parallel_loop3A_102 : vector<16xi1>, vector<16xf32>
        %parallel_loop3A_298 = arith.addf %parallel_loop3A_270, %parallel_loop3A_297 : vector<16xf32>
        %parallel_loop3A_299 = arith.constant 27 : i32
        %parallel_loop3A_300 = vector.broadcast %parallel_loop3A_299 : i32 to vector<16xi32>
        %parallel_loop3A_301 = arith.xori %parallel_loop3A_96, %parallel_loop3A_300 : vector<16xi32>
        %parallel_loop3A_302 = tpu.vector_load_idx %arg6[%parallel_loop3A_89, %parallel_loop3A_301] : memref<256x64xf32, #tpu.memory_space<vmem>>[vector<16xi32>, vector<16xi32>], vector<16xf32>,
        %parallel_loop3A_303 = arith.cmpi sgt, %parallel_loop3A_301, %parallel_loop3A_79 : vector<16xi32>
        %parallel_loop3A_304 = arith.select %parallel_loop3A_303, %parallel_loop3A_302, %parallel_loop3A_102 : vector<16xi1>, vector<16xf32>
        %parallel_loop3A_305 = arith.addf %parallel_loop3A_277, %parallel_loop3A_304 : vector<16xf32>
        %parallel_loop3A_306 = arith.constant 28 : i32
        %parallel_loop3A_307 = vector.broadcast %parallel_loop3A_306 : i32 to vector<16xi32>
        %parallel_loop3A_308 = arith.xori %parallel_loop3A_96, %parallel_loop3A_307 : vector<16xi32>
        %parallel_loop3A_309 = tpu.vector_load_idx %arg6[%parallel_loop3A_89, %parallel_loop3A_308] : memref<256x64xf32, #tpu.memory_space<vmem>>[vector<16xi32>, vector<16xi32>], vector<16xf32>,
        %parallel_loop3A_310 = arith.cmpi sgt, %parallel_loop3A_308, %parallel_loop3A_79 : vector<16xi32>
        %parallel_loop3A_311 = arith.select %parallel_loop3A_310, %parallel_loop3A_309, %parallel_loop3A_102 : vector<16xi1>, vector<16xf32>
        %parallel_loop3A_312 = arith.addf %parallel_loop3A_284, %parallel_loop3A_311 : vector<16xf32>
        %parallel_loop3A_313 = arith.constant 29 : i32
        %parallel_loop3A_314 = vector.broadcast %parallel_loop3A_313 : i32 to vector<16xi32>
        %parallel_loop3A_315 = arith.xori %parallel_loop3A_96, %parallel_loop3A_314 : vector<16xi32>
        %parallel_loop3A_316 = tpu.vector_load_idx %arg6[%parallel_loop3A_89, %parallel_loop3A_315] : memref<256x64xf32, #tpu.memory_space<vmem>>[vector<16xi32>, vector<16xi32>], vector<16xf32>,
        %parallel_loop3A_317 = arith.cmpi sgt, %parallel_loop3A_315, %parallel_loop3A_79 : vector<16xi32>
        %parallel_loop3A_318 = arith.select %parallel_loop3A_317, %parallel_loop3A_316, %parallel_loop3A_102 : vector<16xi1>, vector<16xf32>
        %parallel_loop3A_319 = arith.addf %parallel_loop3A_291, %parallel_loop3A_318 : vector<16xf32>
        %parallel_loop3A_320 = arith.constant 30 : i32
        %parallel_loop3A_321 = vector.broadcast %parallel_loop3A_320 : i32 to vector<16xi32>
        %parallel_loop3A_322 = arith.xori %parallel_loop3A_96, %parallel_loop3A_321 : vector<16xi32>
        %parallel_loop3A_323 = tpu.vector_load_idx %arg6[%parallel_loop3A_89, %parallel_loop3A_322] : memref<256x64xf32, #tpu.memory_space<vmem>>[vector<16xi32>, vector<16xi32>], vector<16xf32>,
        %parallel_loop3A_324 = arith.cmpi sgt, %parallel_loop3A_322, %parallel_loop3A_79 : vector<16xi32>
        %parallel_loop3A_325 = arith.select %parallel_loop3A_324, %parallel_loop3A_323, %parallel_loop3A_102 : vector<16xi1>, vector<16xf32>
        %parallel_loop3A_326 = arith.addf %parallel_loop3A_298, %parallel_loop3A_325 : vector<16xf32>
        %parallel_loop3A_327 = arith.constant 31 : i32
        %parallel_loop3A_328 = vector.broadcast %parallel_loop3A_327 : i32 to vector<16xi32>
        %parallel_loop3A_329 = arith.xori %parallel_loop3A_96, %parallel_loop3A_328 : vector<16xi32>
        %parallel_loop3A_330 = tpu.vector_load_idx %arg6[%parallel_loop3A_89, %parallel_loop3A_329] : memref<256x64xf32, #tpu.memory_space<vmem>>[vector<16xi32>, vector<16xi32>], vector<16xf32>,
        %parallel_loop3A_331 = arith.cmpi sgt, %parallel_loop3A_329, %parallel_loop3A_79 : vector<16xi32>
        %parallel_loop3A_332 = arith.select %parallel_loop3A_331, %parallel_loop3A_330, %parallel_loop3A_102 : vector<16xi1>, vector<16xf32>
        %parallel_loop3A_333 = arith.addf %parallel_loop3A_305, %parallel_loop3A_332 : vector<16xf32>
        %parallel_loop3A_334 = arith.constant 32 : i32
        %parallel_loop3A_335 = vector.broadcast %parallel_loop3A_334 : i32 to vector<16xi32>
        %parallel_loop3A_336 = arith.xori %parallel_loop3A_96, %parallel_loop3A_335 : vector<16xi32>
        %parallel_loop3A_337 = tpu.vector_load_idx %arg6[%parallel_loop3A_89, %parallel_loop3A_336] : memref<256x64xf32, #tpu.memory_space<vmem>>[vector<16xi32>, vector<16xi32>], vector<16xf32>,
        %parallel_loop3A_338 = arith.cmpi sgt, %parallel_loop3A_336, %parallel_loop3A_79 : vector<16xi32>
        %parallel_loop3A_339 = arith.select %parallel_loop3A_338, %parallel_loop3A_337, %parallel_loop3A_102 : vector<16xi1>, vector<16xf32>
        %parallel_loop3A_340 = arith.addf %parallel_loop3A_312, %parallel_loop3A_339 : vector<16xf32>
        %parallel_loop3A_341 = arith.constant 33 : i32
        %parallel_loop3A_342 = vector.broadcast %parallel_loop3A_341 : i32 to vector<16xi32>
        %parallel_loop3A_343 = arith.xori %parallel_loop3A_96, %parallel_loop3A_342 : vector<16xi32>
        %parallel_loop3A_344 = tpu.vector_load_idx %arg6[%parallel_loop3A_89, %parallel_loop3A_343] : memref<256x64xf32, #tpu.memory_space<vmem>>[vector<16xi32>, vector<16xi32>], vector<16xf32>,
        %parallel_loop3A_345 = arith.cmpi sgt, %parallel_loop3A_343, %parallel_loop3A_79 : vector<16xi32>
        %parallel_loop3A_346 = arith.select %parallel_loop3A_345, %parallel_loop3A_344, %parallel_loop3A_102 : vector<16xi1>, vector<16xf32>
        %parallel_loop3A_347 = arith.addf %parallel_loop3A_319, %parallel_loop3A_346 : vector<16xf32>
        %parallel_loop3A_348 = arith.constant 34 : i32
        %parallel_loop3A_349 = vector.broadcast %parallel_loop3A_348 : i32 to vector<16xi32>
        %parallel_loop3A_350 = arith.xori %parallel_loop3A_96, %parallel_loop3A_349 : vector<16xi32>
        %parallel_loop3A_351 = tpu.vector_load_idx %arg6[%parallel_loop3A_89, %parallel_loop3A_350] : memref<256x64xf32, #tpu.memory_space<vmem>>[vector<16xi32>, vector<16xi32>], vector<16xf32>,
        %parallel_loop3A_352 = arith.cmpi sgt, %parallel_loop3A_350, %parallel_loop3A_79 : vector<16xi32>
        %parallel_loop3A_353 = arith.select %parallel_loop3A_352, %parallel_loop3A_351, %parallel_loop3A_102 : vector<16xi1>, vector<16xf32>
        %parallel_loop3A_354 = arith.addf %parallel_loop3A_326, %parallel_loop3A_353 : vector<16xf32>
        %parallel_loop3A_355 = arith.constant 35 : i32
        %parallel_loop3A_356 = vector.broadcast %parallel_loop3A_355 : i32 to vector<16xi32>
        %parallel_loop3A_357 = arith.xori %parallel_loop3A_96, %parallel_loop3A_356 : vector<16xi32>
        %parallel_loop3A_358 = tpu.vector_load_idx %arg6[%parallel_loop3A_89, %parallel_loop3A_357] : memref<256x64xf32, #tpu.memory_space<vmem>>[vector<16xi32>, vector<16xi32>], vector<16xf32>,
        %parallel_loop3A_359 = arith.cmpi sgt, %parallel_loop3A_357, %parallel_loop3A_79 : vector<16xi32>
        %parallel_loop3A_360 = arith.select %parallel_loop3A_359, %parallel_loop3A_358, %parallel_loop3A_102 : vector<16xi1>, vector<16xf32>
        %parallel_loop3A_361 = arith.addf %parallel_loop3A_333, %parallel_loop3A_360 : vector<16xf32>
        %parallel_loop3A_362 = arith.constant 36 : i32
        %parallel_loop3A_363 = vector.broadcast %parallel_loop3A_362 : i32 to vector<16xi32>
        %parallel_loop3A_364 = arith.xori %parallel_loop3A_96, %parallel_loop3A_363 : vector<16xi32>
        %parallel_loop3A_365 = tpu.vector_load_idx %arg6[%parallel_loop3A_89, %parallel_loop3A_364] : memref<256x64xf32, #tpu.memory_space<vmem>>[vector<16xi32>, vector<16xi32>], vector<16xf32>,
        %parallel_loop3A_366 = arith.cmpi sgt, %parallel_loop3A_364, %parallel_loop3A_79 : vector<16xi32>
        %parallel_loop3A_367 = arith.select %parallel_loop3A_366, %parallel_loop3A_365, %parallel_loop3A_102 : vector<16xi1>, vector<16xf32>
        %parallel_loop3A_368 = arith.addf %parallel_loop3A_340, %parallel_loop3A_367 : vector<16xf32>
        %parallel_loop3A_369 = arith.constant 37 : i32
        %parallel_loop3A_370 = vector.broadcast %parallel_loop3A_369 : i32 to vector<16xi32>
        %parallel_loop3A_371 = arith.xori %parallel_loop3A_96, %parallel_loop3A_370 : vector<16xi32>
        %parallel_loop3A_372 = tpu.vector_load_idx %arg6[%parallel_loop3A_89, %parallel_loop3A_371] : memref<256x64xf32, #tpu.memory_space<vmem>>[vector<16xi32>, vector<16xi32>], vector<16xf32>,
        %parallel_loop3A_373 = arith.cmpi sgt, %parallel_loop3A_371, %parallel_loop3A_79 : vector<16xi32>
        %parallel_loop3A_374 = arith.select %parallel_loop3A_373, %parallel_loop3A_372, %parallel_loop3A_102 : vector<16xi1>, vector<16xf32>
        %parallel_loop3A_375 = arith.addf %parallel_loop3A_347, %parallel_loop3A_374 : vector<16xf32>
        %parallel_loop3A_376 = arith.constant 38 : i32
        %parallel_loop3A_377 = vector.broadcast %parallel_loop3A_376 : i32 to vector<16xi32>
        %parallel_loop3A_378 = arith.xori %parallel_loop3A_96, %parallel_loop3A_377 : vector<16xi32>
        %parallel_loop3A_379 = tpu.vector_load_idx %arg6[%parallel_loop3A_89, %parallel_loop3A_378] : memref<256x64xf32, #tpu.memory_space<vmem>>[vector<16xi32>, vector<16xi32>], vector<16xf32>,
        %parallel_loop3A_380 = arith.cmpi sgt, %parallel_loop3A_378, %parallel_loop3A_79 : vector<16xi32>
        %parallel_loop3A_381 = arith.select %parallel_loop3A_380, %parallel_loop3A_379, %parallel_loop3A_102 : vector<16xi1>, vector<16xf32>
        %parallel_loop3A_382 = arith.addf %parallel_loop3A_354, %parallel_loop3A_381 : vector<16xf32>
        %parallel_loop3A_383 = arith.constant 39 : i32
        %parallel_loop3A_384 = vector.broadcast %parallel_loop3A_383 : i32 to vector<16xi32>
        %parallel_loop3A_385 = arith.xori %parallel_loop3A_96, %parallel_loop3A_384 : vector<16xi32>
        %parallel_loop3A_386 = tpu.vector_load_idx %arg6[%parallel_loop3A_89, %parallel_loop3A_385] : memref<256x64xf32, #tpu.memory_space<vmem>>[vector<16xi32>, vector<16xi32>], vector<16xf32>,
        %parallel_loop3A_387 = arith.cmpi sgt, %parallel_loop3A_385, %parallel_loop3A_79 : vector<16xi32>
        %parallel_loop3A_388 = arith.select %parallel_loop3A_387, %parallel_loop3A_386, %parallel_loop3A_102 : vector<16xi1>, vector<16xf32>
        %parallel_loop3A_389 = arith.addf %parallel_loop3A_361, %parallel_loop3A_388 : vector<16xf32>
        %parallel_loop3A_390 = arith.constant 40 : i32
        %parallel_loop3A_391 = vector.broadcast %parallel_loop3A_390 : i32 to vector<16xi32>
        %parallel_loop3A_392 = arith.xori %parallel_loop3A_96, %parallel_loop3A_391 : vector<16xi32>
        %parallel_loop3A_393 = tpu.vector_load_idx %arg6[%parallel_loop3A_89, %parallel_loop3A_392] : memref<256x64xf32, #tpu.memory_space<vmem>>[vector<16xi32>, vector<16xi32>], vector<16xf32>,
        %parallel_loop3A_394 = arith.cmpi sgt, %parallel_loop3A_392, %parallel_loop3A_79 : vector<16xi32>
        %parallel_loop3A_395 = arith.select %parallel_loop3A_394, %parallel_loop3A_393, %parallel_loop3A_102 : vector<16xi1>, vector<16xf32>
        %parallel_loop3A_396 = arith.addf %parallel_loop3A_368, %parallel_loop3A_395 : vector<16xf32>
        %parallel_loop3A_397 = arith.constant 41 : i32
        %parallel_loop3A_398 = vector.broadcast %parallel_loop3A_397 : i32 to vector<16xi32>
        %parallel_loop3A_399 = arith.xori %parallel_loop3A_96, %parallel_loop3A_398 : vector<16xi32>
        %parallel_loop3A_400 = tpu.vector_load_idx %arg6[%parallel_loop3A_89, %parallel_loop3A_399] : memref<256x64xf32, #tpu.memory_space<vmem>>[vector<16xi32>, vector<16xi32>], vector<16xf32>,
        %parallel_loop3A_401 = arith.cmpi sgt, %parallel_loop3A_399, %parallel_loop3A_79 : vector<16xi32>
        %parallel_loop3A_402 = arith.select %parallel_loop3A_401, %parallel_loop3A_400, %parallel_loop3A_102 : vector<16xi1>, vector<16xf32>
        %parallel_loop3A_403 = arith.addf %parallel_loop3A_375, %parallel_loop3A_402 : vector<16xf32>
        %parallel_loop3A_404 = arith.constant 42 : i32
        %parallel_loop3A_405 = vector.broadcast %parallel_loop3A_404 : i32 to vector<16xi32>
        %parallel_loop3A_406 = arith.xori %parallel_loop3A_96, %parallel_loop3A_405 : vector<16xi32>
        %parallel_loop3A_407 = tpu.vector_load_idx %arg6[%parallel_loop3A_89, %parallel_loop3A_406] : memref<256x64xf32, #tpu.memory_space<vmem>>[vector<16xi32>, vector<16xi32>], vector<16xf32>,
        %parallel_loop3A_408 = arith.cmpi sgt, %parallel_loop3A_406, %parallel_loop3A_79 : vector<16xi32>
        %parallel_loop3A_409 = arith.select %parallel_loop3A_408, %parallel_loop3A_407, %parallel_loop3A_102 : vector<16xi1>, vector<16xf32>
        %parallel_loop3A_410 = arith.addf %parallel_loop3A_382, %parallel_loop3A_409 : vector<16xf32>
        %parallel_loop3A_411 = arith.constant 43 : i32
        %parallel_loop3A_412 = vector.broadcast %parallel_loop3A_411 : i32 to vector<16xi32>
        %parallel_loop3A_413 = arith.xori %parallel_loop3A_96, %parallel_loop3A_412 : vector<16xi32>
        %parallel_loop3A_414 = tpu.vector_load_idx %arg6[%parallel_loop3A_89, %parallel_loop3A_413] : memref<256x64xf32, #tpu.memory_space<vmem>>[vector<16xi32>, vector<16xi32>], vector<16xf32>,
        %parallel_loop3A_415 = arith.cmpi sgt, %parallel_loop3A_413, %parallel_loop3A_79 : vector<16xi32>
        %parallel_loop3A_416 = arith.select %parallel_loop3A_415, %parallel_loop3A_414, %parallel_loop3A_102 : vector<16xi1>, vector<16xf32>
        %parallel_loop3A_417 = arith.addf %parallel_loop3A_389, %parallel_loop3A_416 : vector<16xf32>
        %parallel_loop3A_418 = arith.constant 44 : i32
        %parallel_loop3A_419 = vector.broadcast %parallel_loop3A_418 : i32 to vector<16xi32>
        %parallel_loop3A_420 = arith.xori %parallel_loop3A_96, %parallel_loop3A_419 : vector<16xi32>
        %parallel_loop3A_421 = tpu.vector_load_idx %arg6[%parallel_loop3A_89, %parallel_loop3A_420] : memref<256x64xf32, #tpu.memory_space<vmem>>[vector<16xi32>, vector<16xi32>], vector<16xf32>,
        %parallel_loop3A_422 = arith.cmpi sgt, %parallel_loop3A_420, %parallel_loop3A_79 : vector<16xi32>
        %parallel_loop3A_423 = arith.select %parallel_loop3A_422, %parallel_loop3A_421, %parallel_loop3A_102 : vector<16xi1>, vector<16xf32>
        %parallel_loop3A_424 = arith.addf %parallel_loop3A_396, %parallel_loop3A_423 : vector<16xf32>
        %parallel_loop3A_425 = arith.constant 45 : i32
        %parallel_loop3A_426 = vector.broadcast %parallel_loop3A_425 : i32 to vector<16xi32>
        %parallel_loop3A_427 = arith.xori %parallel_loop3A_96, %parallel_loop3A_426 : vector<16xi32>
        %parallel_loop3A_428 = tpu.vector_load_idx %arg6[%parallel_loop3A_89, %parallel_loop3A_427] : memref<256x64xf32, #tpu.memory_space<vmem>>[vector<16xi32>, vector<16xi32>], vector<16xf32>,
        %parallel_loop3A_429 = arith.cmpi sgt, %parallel_loop3A_427, %parallel_loop3A_79 : vector<16xi32>
        %parallel_loop3A_430 = arith.select %parallel_loop3A_429, %parallel_loop3A_428, %parallel_loop3A_102 : vector<16xi1>, vector<16xf32>
        %parallel_loop3A_431 = arith.addf %parallel_loop3A_403, %parallel_loop3A_430 : vector<16xf32>
        %parallel_loop3A_432 = arith.constant 46 : i32
        %parallel_loop3A_433 = vector.broadcast %parallel_loop3A_432 : i32 to vector<16xi32>
        %parallel_loop3A_434 = arith.xori %parallel_loop3A_96, %parallel_loop3A_433 : vector<16xi32>
        %parallel_loop3A_435 = tpu.vector_load_idx %arg6[%parallel_loop3A_89, %parallel_loop3A_434] : memref<256x64xf32, #tpu.memory_space<vmem>>[vector<16xi32>, vector<16xi32>], vector<16xf32>,
        %parallel_loop3A_436 = arith.cmpi sgt, %parallel_loop3A_434, %parallel_loop3A_79 : vector<16xi32>
        %parallel_loop3A_437 = arith.select %parallel_loop3A_436, %parallel_loop3A_435, %parallel_loop3A_102 : vector<16xi1>, vector<16xf32>
        %parallel_loop3A_438 = arith.addf %parallel_loop3A_410, %parallel_loop3A_437 : vector<16xf32>
        %parallel_loop3A_439 = arith.constant 47 : i32
        %parallel_loop3A_440 = vector.broadcast %parallel_loop3A_439 : i32 to vector<16xi32>
        %parallel_loop3A_441 = arith.xori %parallel_loop3A_96, %parallel_loop3A_440 : vector<16xi32>
        %parallel_loop3A_442 = tpu.vector_load_idx %arg6[%parallel_loop3A_89, %parallel_loop3A_441] : memref<256x64xf32, #tpu.memory_space<vmem>>[vector<16xi32>, vector<16xi32>], vector<16xf32>,
        %parallel_loop3A_443 = arith.cmpi sgt, %parallel_loop3A_441, %parallel_loop3A_79 : vector<16xi32>
        %parallel_loop3A_444 = arith.select %parallel_loop3A_443, %parallel_loop3A_442, %parallel_loop3A_102 : vector<16xi1>, vector<16xf32>
        %parallel_loop3A_445 = arith.addf %parallel_loop3A_417, %parallel_loop3A_444 : vector<16xf32>
        %parallel_loop3A_446 = arith.constant 48 : i32
        %parallel_loop3A_447 = vector.broadcast %parallel_loop3A_446 : i32 to vector<16xi32>
        %parallel_loop3A_448 = arith.xori %parallel_loop3A_96, %parallel_loop3A_447 : vector<16xi32>
        %parallel_loop3A_449 = tpu.vector_load_idx %arg6[%parallel_loop3A_89, %parallel_loop3A_448] : memref<256x64xf32, #tpu.memory_space<vmem>>[vector<16xi32>, vector<16xi32>], vector<16xf32>,
        %parallel_loop3A_450 = arith.cmpi sgt, %parallel_loop3A_448, %parallel_loop3A_79 : vector<16xi32>
        %parallel_loop3A_451 = arith.select %parallel_loop3A_450, %parallel_loop3A_449, %parallel_loop3A_102 : vector<16xi1>, vector<16xf32>
        %parallel_loop3A_452 = arith.addf %parallel_loop3A_424, %parallel_loop3A_451 : vector<16xf32>
        %parallel_loop3A_453 = arith.constant 49 : i32
        %parallel_loop3A_454 = vector.broadcast %parallel_loop3A_453 : i32 to vector<16xi32>
        %parallel_loop3A_455 = arith.xori %parallel_loop3A_96, %parallel_loop3A_454 : vector<16xi32>
        %parallel_loop3A_456 = tpu.vector_load_idx %arg6[%parallel_loop3A_89, %parallel_loop3A_455] : memref<256x64xf32, #tpu.memory_space<vmem>>[vector<16xi32>, vector<16xi32>], vector<16xf32>,
        %parallel_loop3A_457 = arith.cmpi sgt, %parallel_loop3A_455, %parallel_loop3A_79 : vector<16xi32>
        %parallel_loop3A_458 = arith.select %parallel_loop3A_457, %parallel_loop3A_456, %parallel_loop3A_102 : vector<16xi1>, vector<16xf32>
        %parallel_loop3A_459 = arith.addf %parallel_loop3A_431, %parallel_loop3A_458 : vector<16xf32>
        %parallel_loop3A_460 = arith.constant 50 : i32
        %parallel_loop3A_461 = vector.broadcast %parallel_loop3A_460 : i32 to vector<16xi32>
        %parallel_loop3A_462 = arith.xori %parallel_loop3A_96, %parallel_loop3A_461 : vector<16xi32>
        %parallel_loop3A_463 = tpu.vector_load_idx %arg6[%parallel_loop3A_89, %parallel_loop3A_462] : memref<256x64xf32, #tpu.memory_space<vmem>>[vector<16xi32>, vector<16xi32>], vector<16xf32>,
        %parallel_loop3A_464 = arith.cmpi sgt, %parallel_loop3A_462, %parallel_loop3A_79 : vector<16xi32>
        %parallel_loop3A_465 = arith.select %parallel_loop3A_464, %parallel_loop3A_463, %parallel_loop3A_102 : vector<16xi1>, vector<16xf32>
        %parallel_loop3A_466 = arith.addf %parallel_loop3A_438, %parallel_loop3A_465 : vector<16xf32>
        %parallel_loop3A_467 = arith.constant 51 : i32
        %parallel_loop3A_468 = vector.broadcast %parallel_loop3A_467 : i32 to vector<16xi32>
        %parallel_loop3A_469 = arith.xori %parallel_loop3A_96, %parallel_loop3A_468 : vector<16xi32>
        %parallel_loop3A_470 = tpu.vector_load_idx %arg6[%parallel_loop3A_89, %parallel_loop3A_469] : memref<256x64xf32, #tpu.memory_space<vmem>>[vector<16xi32>, vector<16xi32>], vector<16xf32>,
        %parallel_loop3A_471 = arith.cmpi sgt, %parallel_loop3A_469, %parallel_loop3A_79 : vector<16xi32>
        %parallel_loop3A_472 = arith.select %parallel_loop3A_471, %parallel_loop3A_470, %parallel_loop3A_102 : vector<16xi1>, vector<16xf32>
        %parallel_loop3A_473 = arith.addf %parallel_loop3A_445, %parallel_loop3A_472 : vector<16xf32>
        %parallel_loop3A_474 = arith.constant 52 : i32
        %parallel_loop3A_475 = vector.broadcast %parallel_loop3A_474 : i32 to vector<16xi32>
        %parallel_loop3A_476 = arith.xori %parallel_loop3A_96, %parallel_loop3A_475 : vector<16xi32>
        %parallel_loop3A_477 = tpu.vector_load_idx %arg6[%parallel_loop3A_89, %parallel_loop3A_476] : memref<256x64xf32, #tpu.memory_space<vmem>>[vector<16xi32>, vector<16xi32>], vector<16xf32>,
        %parallel_loop3A_478 = arith.cmpi sgt, %parallel_loop3A_476, %parallel_loop3A_79 : vector<16xi32>
        %parallel_loop3A_479 = arith.select %parallel_loop3A_478, %parallel_loop3A_477, %parallel_loop3A_102 : vector<16xi1>, vector<16xf32>
        %parallel_loop3A_480 = arith.addf %parallel_loop3A_452, %parallel_loop3A_479 : vector<16xf32>
        %parallel_loop3A_481 = arith.constant 53 : i32
        %parallel_loop3A_482 = vector.broadcast %parallel_loop3A_481 : i32 to vector<16xi32>
        %parallel_loop3A_483 = arith.xori %parallel_loop3A_96, %parallel_loop3A_482 : vector<16xi32>
        %parallel_loop3A_484 = tpu.vector_load_idx %arg6[%parallel_loop3A_89, %parallel_loop3A_483] : memref<256x64xf32, #tpu.memory_space<vmem>>[vector<16xi32>, vector<16xi32>], vector<16xf32>,
        %parallel_loop3A_485 = arith.cmpi sgt, %parallel_loop3A_483, %parallel_loop3A_79 : vector<16xi32>
        %parallel_loop3A_486 = arith.select %parallel_loop3A_485, %parallel_loop3A_484, %parallel_loop3A_102 : vector<16xi1>, vector<16xf32>
        %parallel_loop3A_487 = arith.addf %parallel_loop3A_459, %parallel_loop3A_486 : vector<16xf32>
        %parallel_loop3A_488 = arith.constant 54 : i32
        %parallel_loop3A_489 = vector.broadcast %parallel_loop3A_488 : i32 to vector<16xi32>
        %parallel_loop3A_490 = arith.xori %parallel_loop3A_96, %parallel_loop3A_489 : vector<16xi32>
        %parallel_loop3A_491 = tpu.vector_load_idx %arg6[%parallel_loop3A_89, %parallel_loop3A_490] : memref<256x64xf32, #tpu.memory_space<vmem>>[vector<16xi32>, vector<16xi32>], vector<16xf32>,
        %parallel_loop3A_492 = arith.cmpi sgt, %parallel_loop3A_490, %parallel_loop3A_79 : vector<16xi32>
        %parallel_loop3A_493 = arith.select %parallel_loop3A_492, %parallel_loop3A_491, %parallel_loop3A_102 : vector<16xi1>, vector<16xf32>
        %parallel_loop3A_494 = arith.addf %parallel_loop3A_466, %parallel_loop3A_493 : vector<16xf32>
        %parallel_loop3A_495 = arith.constant 55 : i32
        %parallel_loop3A_496 = vector.broadcast %parallel_loop3A_495 : i32 to vector<16xi32>
        %parallel_loop3A_497 = arith.xori %parallel_loop3A_96, %parallel_loop3A_496 : vector<16xi32>
        %parallel_loop3A_498 = tpu.vector_load_idx %arg6[%parallel_loop3A_89, %parallel_loop3A_497] : memref<256x64xf32, #tpu.memory_space<vmem>>[vector<16xi32>, vector<16xi32>], vector<16xf32>,
        %parallel_loop3A_499 = arith.cmpi sgt, %parallel_loop3A_497, %parallel_loop3A_79 : vector<16xi32>
        %parallel_loop3A_500 = arith.select %parallel_loop3A_499, %parallel_loop3A_498, %parallel_loop3A_102 : vector<16xi1>, vector<16xf32>
        %parallel_loop3A_501 = arith.addf %parallel_loop3A_473, %parallel_loop3A_500 : vector<16xf32>
        %parallel_loop3A_502 = arith.constant 56 : i32
        %parallel_loop3A_503 = vector.broadcast %parallel_loop3A_502 : i32 to vector<16xi32>
        %parallel_loop3A_504 = arith.xori %parallel_loop3A_96, %parallel_loop3A_503 : vector<16xi32>
        %parallel_loop3A_505 = tpu.vector_load_idx %arg6[%parallel_loop3A_89, %parallel_loop3A_504] : memref<256x64xf32, #tpu.memory_space<vmem>>[vector<16xi32>, vector<16xi32>], vector<16xf32>,
        %parallel_loop3A_506 = arith.cmpi sgt, %parallel_loop3A_504, %parallel_loop3A_79 : vector<16xi32>
        %parallel_loop3A_507 = arith.select %parallel_loop3A_506, %parallel_loop3A_505, %parallel_loop3A_102 : vector<16xi1>, vector<16xf32>
        %parallel_loop3A_508 = arith.addf %parallel_loop3A_480, %parallel_loop3A_507 : vector<16xf32>
        %parallel_loop3A_509 = arith.constant 57 : i32
        %parallel_loop3A_510 = vector.broadcast %parallel_loop3A_509 : i32 to vector<16xi32>
        %parallel_loop3A_511 = arith.xori %parallel_loop3A_96, %parallel_loop3A_510 : vector<16xi32>
        %parallel_loop3A_512 = tpu.vector_load_idx %arg6[%parallel_loop3A_89, %parallel_loop3A_511] : memref<256x64xf32, #tpu.memory_space<vmem>>[vector<16xi32>, vector<16xi32>], vector<16xf32>,
        %parallel_loop3A_513 = arith.cmpi sgt, %parallel_loop3A_511, %parallel_loop3A_79 : vector<16xi32>
        %parallel_loop3A_514 = arith.select %parallel_loop3A_513, %parallel_loop3A_512, %parallel_loop3A_102 : vector<16xi1>, vector<16xf32>
        %parallel_loop3A_515 = arith.addf %parallel_loop3A_487, %parallel_loop3A_514 : vector<16xf32>
        %parallel_loop3A_516 = arith.constant 58 : i32
        %parallel_loop3A_517 = vector.broadcast %parallel_loop3A_516 : i32 to vector<16xi32>
        %parallel_loop3A_518 = arith.xori %parallel_loop3A_96, %parallel_loop3A_517 : vector<16xi32>
        %parallel_loop3A_519 = tpu.vector_load_idx %arg6[%parallel_loop3A_89, %parallel_loop3A_518] : memref<256x64xf32, #tpu.memory_space<vmem>>[vector<16xi32>, vector<16xi32>], vector<16xf32>,
        %parallel_loop3A_520 = arith.cmpi sgt, %parallel_loop3A_518, %parallel_loop3A_79 : vector<16xi32>
        %parallel_loop3A_521 = arith.select %parallel_loop3A_520, %parallel_loop3A_519, %parallel_loop3A_102 : vector<16xi1>, vector<16xf32>
        %parallel_loop3A_522 = arith.addf %parallel_loop3A_494, %parallel_loop3A_521 : vector<16xf32>
        %parallel_loop3A_523 = arith.constant 59 : i32
        %parallel_loop3A_524 = vector.broadcast %parallel_loop3A_523 : i32 to vector<16xi32>
        %parallel_loop3A_525 = arith.xori %parallel_loop3A_96, %parallel_loop3A_524 : vector<16xi32>
        %parallel_loop3A_526 = tpu.vector_load_idx %arg6[%parallel_loop3A_89, %parallel_loop3A_525] : memref<256x64xf32, #tpu.memory_space<vmem>>[vector<16xi32>, vector<16xi32>], vector<16xf32>,
        %parallel_loop3A_527 = arith.cmpi sgt, %parallel_loop3A_525, %parallel_loop3A_79 : vector<16xi32>
        %parallel_loop3A_528 = arith.select %parallel_loop3A_527, %parallel_loop3A_526, %parallel_loop3A_102 : vector<16xi1>, vector<16xf32>
        %parallel_loop3A_529 = arith.addf %parallel_loop3A_501, %parallel_loop3A_528 : vector<16xf32>
        %parallel_loop3A_530 = arith.constant 60 : i32
        %parallel_loop3A_531 = vector.broadcast %parallel_loop3A_530 : i32 to vector<16xi32>
        %parallel_loop3A_532 = arith.xori %parallel_loop3A_96, %parallel_loop3A_531 : vector<16xi32>
        %parallel_loop3A_533 = tpu.vector_load_idx %arg6[%parallel_loop3A_89, %parallel_loop3A_532] : memref<256x64xf32, #tpu.memory_space<vmem>>[vector<16xi32>, vector<16xi32>], vector<16xf32>,
        %parallel_loop3A_534 = arith.cmpi sgt, %parallel_loop3A_532, %parallel_loop3A_79 : vector<16xi32>
        %parallel_loop3A_535 = arith.select %parallel_loop3A_534, %parallel_loop3A_533, %parallel_loop3A_102 : vector<16xi1>, vector<16xf32>
        %parallel_loop3A_536 = arith.addf %parallel_loop3A_508, %parallel_loop3A_535 : vector<16xf32>
        %parallel_loop3A_537 = arith.constant 61 : i32
        %parallel_loop3A_538 = vector.broadcast %parallel_loop3A_537 : i32 to vector<16xi32>
        %parallel_loop3A_539 = arith.xori %parallel_loop3A_96, %parallel_loop3A_538 : vector<16xi32>
        %parallel_loop3A_540 = tpu.vector_load_idx %arg6[%parallel_loop3A_89, %parallel_loop3A_539] : memref<256x64xf32, #tpu.memory_space<vmem>>[vector<16xi32>, vector<16xi32>], vector<16xf32>,
        %parallel_loop3A_541 = arith.cmpi sgt, %parallel_loop3A_539, %parallel_loop3A_79 : vector<16xi32>
        %parallel_loop3A_542 = arith.select %parallel_loop3A_541, %parallel_loop3A_540, %parallel_loop3A_102 : vector<16xi1>, vector<16xf32>
        %parallel_loop3A_543 = arith.addf %parallel_loop3A_515, %parallel_loop3A_542 : vector<16xf32>
        %parallel_loop3A_544 = arith.constant 62 : i32
        %parallel_loop3A_545 = vector.broadcast %parallel_loop3A_544 : i32 to vector<16xi32>
        %parallel_loop3A_546 = arith.xori %parallel_loop3A_96, %parallel_loop3A_545 : vector<16xi32>
        %parallel_loop3A_547 = tpu.vector_load_idx %arg6[%parallel_loop3A_89, %parallel_loop3A_546] : memref<256x64xf32, #tpu.memory_space<vmem>>[vector<16xi32>, vector<16xi32>], vector<16xf32>,
        %parallel_loop3A_548 = arith.cmpi sgt, %parallel_loop3A_546, %parallel_loop3A_79 : vector<16xi32>
        %parallel_loop3A_549 = arith.select %parallel_loop3A_548, %parallel_loop3A_547, %parallel_loop3A_102 : vector<16xi1>, vector<16xf32>
        %parallel_loop3A_550 = arith.addf %parallel_loop3A_522, %parallel_loop3A_549 : vector<16xf32>
        %parallel_loop3A_551 = arith.constant 63 : i32
        %parallel_loop3A_552 = vector.broadcast %parallel_loop3A_551 : i32 to vector<16xi32>
        %parallel_loop3A_553 = arith.xori %parallel_loop3A_96, %parallel_loop3A_552 : vector<16xi32>
        %parallel_loop3A_554 = tpu.vector_load_idx %arg6[%parallel_loop3A_89, %parallel_loop3A_553] : memref<256x64xf32, #tpu.memory_space<vmem>>[vector<16xi32>, vector<16xi32>], vector<16xf32>,
        %parallel_loop3A_555 = arith.cmpi sgt, %parallel_loop3A_553, %parallel_loop3A_79 : vector<16xi32>
        %parallel_loop3A_556 = arith.select %parallel_loop3A_555, %parallel_loop3A_554, %parallel_loop3A_102 : vector<16xi1>, vector<16xf32>
        %parallel_loop3A_557 = arith.addf %parallel_loop3A_529, %parallel_loop3A_556 : vector<16xf32>
        %parallel_loop3A_558 = arith.addf %parallel_loop3A_536, %parallel_loop3A_543 : vector<16xf32>
        %parallel_loop3A_559 = arith.addf %parallel_loop3A_550, %parallel_loop3A_557 : vector<16xf32>
        %parallel_loop3A_560 = arith.addf %parallel_loop3A_558, %parallel_loop3A_559 : vector<16xf32>
        %parallel_loop3A_561 = arith.constant 0 : i32
        %parallel_loop3A_562 = vector.broadcast %parallel_loop3A_561 : i32 to vector<16xi32>
        %parallel_loop3A_563 = arith.cmpi eq, %parallel_loop3A_83, %parallel_loop3A_562 : vector<16xi32>
        %parallel_loop3A_564 = arith.select %parallel_loop3A_563, %parallel_loop3A_100, %parallel_loop3A_560 : vector<16xi1>, vector<16xf32>
        %parallel_loop3A_565 = arith.constant 1.000000e+00 : f32
        %parallel_loop3A_566 = arith.constant 5.000000e-01 : f32
        %parallel_loop3A_567 = vector.broadcast %parallel_loop3A_565 : f32 to vector<16xf32>
        %parallel_loop3A_568 = vector.broadcast %parallel_loop3A_566 : f32 to vector<16xf32>
        %parallel_loop3A_569 = arith.select %parallel_loop3A_563, %parallel_loop3A_567, %parallel_loop3A_568 : vector<16xi1>, vector<16xf32>
        %parallel_loop3A_570 = tpu.bitcast %parallel_loop3A_564 : vector<16xf32> -> vector<16xi32>
        %parallel_loop3A_571 = arith.constant 23 : i32
        %parallel_loop3A_572 = vector.broadcast %parallel_loop3A_571 : i32 to vector<16xi32>
        %parallel_loop3A_573 = arith.shrsi %parallel_loop3A_570, %parallel_loop3A_572 : vector<16xi32>
        %parallel_loop3A_574 = arith.constant 126 : i32
        %parallel_loop3A_575 = vector.broadcast %parallel_loop3A_574 : i32 to vector<16xi32>
        %parallel_loop3A_576 = arith.subi %parallel_loop3A_573, %parallel_loop3A_575 : vector<16xi32>
        %parallel_loop3A_577 = arith.constant 8388607 : i32
        %parallel_loop3A_578 = vector.broadcast %parallel_loop3A_577 : i32 to vector<16xi32>
        %parallel_loop3A_579 = arith.andi %parallel_loop3A_570, %parallel_loop3A_578 : vector<16xi32>
        %parallel_loop3A_580 = arith.constant 1056964608 : i32
        %parallel_loop3A_581 = vector.broadcast %parallel_loop3A_580 : i32 to vector<16xi32>
        %parallel_loop3A_582 = arith.ori %parallel_loop3A_579, %parallel_loop3A_581 : vector<16xi32>
        %parallel_loop3A_583 = tpu.bitcast %parallel_loop3A_582 : vector<16xi32> -> vector<16xf32>
        %parallel_loop3A_584 = arith.constant 0.707106769 : f32
        %parallel_loop3A_585 = vector.broadcast %parallel_loop3A_584 : f32 to vector<16xf32>
        %parallel_loop3A_586 = arith.cmpf olt, %parallel_loop3A_583, %parallel_loop3A_585 : vector<16xf32>
        %parallel_loop3A_587 = arith.extui %parallel_loop3A_586 : vector<16xi1> to vector<16xi32>
        %parallel_loop3A_588 = arith.subi %parallel_loop3A_576, %parallel_loop3A_587 : vector<16xi32>
        %parallel_loop3A_589 = arith.addf %parallel_loop3A_583, %parallel_loop3A_583 : vector<16xf32>
        %parallel_loop3A_590 = arith.constant 1.000000e+00 : f32
        %parallel_loop3A_591 = vector.broadcast %parallel_loop3A_590 : f32 to vector<16xf32>
        %parallel_loop3A_592 = arith.subf %parallel_loop3A_589, %parallel_loop3A_591 : vector<16xf32>
        %parallel_loop3A_593 = arith.constant 1.000000e+00 : f32
        %parallel_loop3A_594 = vector.broadcast %parallel_loop3A_593 : f32 to vector<16xf32>
        %parallel_loop3A_595 = arith.subf %parallel_loop3A_583, %parallel_loop3A_594 : vector<16xf32>
        %parallel_loop3A_596 = arith.select %parallel_loop3A_586, %parallel_loop3A_592, %parallel_loop3A_595 : vector<16xi1>, vector<16xf32>
        %parallel_loop3A_597 = arith.mulf %parallel_loop3A_596, %parallel_loop3A_596 : vector<16xf32>
        %parallel_loop3A_598 = arith.constant 0.0703768358 : f32
        %parallel_loop3A_599 = vector.broadcast %parallel_loop3A_598 : f32 to vector<16xf32>
        %parallel_loop3A_600 = arith.mulf %parallel_loop3A_599, %parallel_loop3A_596 : vector<16xf32>
        %parallel_loop3A_601 = arith.constant -0.115146101 : f32
        %parallel_loop3A_602 = vector.broadcast %parallel_loop3A_601 : f32 to vector<16xf32>
        %parallel_loop3A_603 = arith.addf %parallel_loop3A_600, %parallel_loop3A_602 : vector<16xf32>
        %parallel_loop3A_604 = arith.mulf %parallel_loop3A_603, %parallel_loop3A_596 : vector<16xf32>
        %parallel_loop3A_605 = arith.constant 0.116769984 : f32
        %parallel_loop3A_606 = vector.broadcast %parallel_loop3A_605 : f32 to vector<16xf32>
        %parallel_loop3A_607 = arith.addf %parallel_loop3A_604, %parallel_loop3A_606 : vector<16xf32>
        %parallel_loop3A_608 = arith.mulf %parallel_loop3A_607, %parallel_loop3A_596 : vector<16xf32>
        %parallel_loop3A_609 = arith.constant -0.12420141 : f32
        %parallel_loop3A_610 = vector.broadcast %parallel_loop3A_609 : f32 to vector<16xf32>
        %parallel_loop3A_611 = arith.addf %parallel_loop3A_608, %parallel_loop3A_610 : vector<16xf32>
        %parallel_loop3A_612 = arith.mulf %parallel_loop3A_611, %parallel_loop3A_596 : vector<16xf32>
        %parallel_loop3A_613 = arith.constant 0.142493233 : f32
        %parallel_loop3A_614 = vector.broadcast %parallel_loop3A_613 : f32 to vector<16xf32>
        %parallel_loop3A_615 = arith.addf %parallel_loop3A_612, %parallel_loop3A_614 : vector<16xf32>
        %parallel_loop3A_616 = arith.mulf %parallel_loop3A_615, %parallel_loop3A_596 : vector<16xf32>
        %parallel_loop3A_617 = arith.constant -0.166680574 : f32
        %parallel_loop3A_618 = vector.broadcast %parallel_loop3A_617 : f32 to vector<16xf32>
        %parallel_loop3A_619 = arith.addf %parallel_loop3A_616, %parallel_loop3A_618 : vector<16xf32>
        %parallel_loop3A_620 = arith.mulf %parallel_loop3A_619, %parallel_loop3A_596 : vector<16xf32>
        %parallel_loop3A_621 = arith.constant 0.200007141 : f32
        %parallel_loop3A_622 = vector.broadcast %parallel_loop3A_621 : f32 to vector<16xf32>
        %parallel_loop3A_623 = arith.addf %parallel_loop3A_620, %parallel_loop3A_622 : vector<16xf32>
        %parallel_loop3A_624 = arith.mulf %parallel_loop3A_623, %parallel_loop3A_596 : vector<16xf32>
        %parallel_loop3A_625 = arith.constant -0.24999994 : f32
        %parallel_loop3A_626 = vector.broadcast %parallel_loop3A_625 : f32 to vector<16xf32>
        %parallel_loop3A_627 = arith.addf %parallel_loop3A_624, %parallel_loop3A_626 : vector<16xf32>
        %parallel_loop3A_628 = arith.mulf %parallel_loop3A_627, %parallel_loop3A_596 : vector<16xf32>
        %parallel_loop3A_629 = arith.constant 0.333333313 : f32
        %parallel_loop3A_630 = vector.broadcast %parallel_loop3A_629 : f32 to vector<16xf32>
        %parallel_loop3A_631 = arith.addf %parallel_loop3A_628, %parallel_loop3A_630 : vector<16xf32>
        %parallel_loop3A_632 = arith.mulf %parallel_loop3A_631, %parallel_loop3A_596 : vector<16xf32>
        %parallel_loop3A_633 = arith.mulf %parallel_loop3A_632, %parallel_loop3A_597 : vector<16xf32>
        %parallel_loop3A_634 = arith.sitofp %parallel_loop3A_588 : vector<16xi32> to vector<16xf32>
        %parallel_loop3A_635 = arith.constant -2.12194442E-4 : f32
        %parallel_loop3A_636 = vector.broadcast %parallel_loop3A_635 : f32 to vector<16xf32>
        %parallel_loop3A_637 = arith.mulf %parallel_loop3A_634, %parallel_loop3A_636 : vector<16xf32>
        %parallel_loop3A_638 = arith.addf %parallel_loop3A_633, %parallel_loop3A_637 : vector<16xf32>
        %parallel_loop3A_639 = arith.constant 5.000000e-01 : f32
        %parallel_loop3A_640 = vector.broadcast %parallel_loop3A_639 : f32 to vector<16xf32>
        %parallel_loop3A_641 = arith.mulf %parallel_loop3A_640, %parallel_loop3A_597 : vector<16xf32>
        %parallel_loop3A_642 = arith.subf %parallel_loop3A_638, %parallel_loop3A_641 : vector<16xf32>
        %parallel_loop3A_643 = arith.addf %parallel_loop3A_596, %parallel_loop3A_642 : vector<16xf32>
        %parallel_loop3A_644 = arith.constant 0.693359375 : f32
        %parallel_loop3A_645 = vector.broadcast %parallel_loop3A_644 : f32 to vector<16xf32>
        %parallel_loop3A_646 = arith.mulf %parallel_loop3A_634, %parallel_loop3A_645 : vector<16xf32>
        %parallel_loop3A_647 = arith.addf %parallel_loop3A_643, %parallel_loop3A_646 : vector<16xf32>
        %parallel_loop3A_648 = arith.mulf %parallel_loop3A_569, %parallel_loop3A_647 : vector<16xf32>
        %parallel_loop3A_649 = arith.addf %parallel_loop3A_75, %parallel_loop3A_648 : vector<16xf32>
        scf.yield %parallel_loop3A_649 : vector<16xf32>
      } {sc.loop_unroll_factor = 1 : i64, sc.parallel_access}
      %lt3A = arith.constant 15 : i32
      %lt3A_55 = arith.cmpi slt, %scan3A_25, %lt3A : i32
      %convert_element_type3A = arith.extui %lt3A_55 : i1 to i32
      %cond3A = arith.constant 0 : i32
      %cond3A_56 = arith.cmpi ne, %convert_element_type3A, %cond3A : i32
      scf.if %cond3A_56 {
        %add3A_74 = arith.constant 2 : i32
        %add3A_75 = arith.addi %mul3A_28, %add3A_74 : i32
        %mul3A_76 = arith.constant 256 : i32
        %mul3A_77 = arith.muli %add3A_75, %mul3A_76 : i32
        %add3A_78 = arith.addi %add3A_4, %mul3A_77 : i32
        %dma_start3A_79 = arith.constant 0 : i32
        %dma_start3A_80 = tpu.memref_slice %arg2[%add3A_78, %dma_start3A_79] : memref<1048576x64xf32, #tpu.memory_space<hbm>> -> memref<256x64xf32, #tpu.memory_space<hbm>>
        %dma_start3A_81 = arith.constant 0 : i32
        %dma_start3A_82 = tpu.memref_slice %arg2[%add3A_78, %dma_start3A_81] : memref<1048576x64xf32, #tpu.memory_space<hbm>> -> memref<256x64xf32, #tpu.memory_space<hbm>>
        tpu.enqueue_dma source(%dma_start3A_82 : memref<256x64xf32, #tpu.memory_space<hbm>>) target(%arg6 : memref<256x64xf32, #tpu.memory_space<vmem>>) target_semaphore(%arg14 : memref<!tpu.dma_semaphore, #tpu.memory_space<semaphore_mem>>)
        %dma_start3A_83 = tpu.memref_slice %arg3[%add3A_78] : memref<1048576xi32, #tpu.memory_space<hbm>> -> memref<256xi32, #tpu.memory_space<hbm>>
        %dma_start3A_84 = tpu.memref_slice %arg3[%add3A_78] : memref<1048576xi32, #tpu.memory_space<hbm>> -> memref<256xi32, #tpu.memory_space<hbm>>
        tpu.enqueue_dma source(%dma_start3A_84 : memref<256xi32, #tpu.memory_space<hbm>>) target(%arg8 : memref<256xi32, #tpu.memory_space<vmem>>) target_semaphore(%arg14 : memref<!tpu.dma_semaphore, #tpu.memory_space<semaphore_mem>>)
        %dma_start3A_85 = tpu.memref_slice %arg4[%add3A_78] : memref<1048576xi32, #tpu.memory_space<hbm>> -> memref<256xi32, #tpu.memory_space<hbm>>
        %dma_start3A_86 = tpu.memref_slice %arg4[%add3A_78] : memref<1048576xi32, #tpu.memory_space<hbm>> -> memref<256xi32, #tpu.memory_space<hbm>>
        tpu.enqueue_dma source(%dma_start3A_86 : memref<256xi32, #tpu.memory_space<hbm>>) target(%arg10 : memref<256xi32, #tpu.memory_space<vmem>>) target_semaphore(%arg14 : memref<!tpu.dma_semaphore, #tpu.memory_space<semaphore_mem>>)
      } else {
      }
      %add3A_57 = arith.constant 1 : i32
      %add3A_58 = arith.addi %mul3A_28, %add3A_57 : i32
      %mul3A_59 = arith.constant 256 : i32
      %mul3A_60 = arith.muli %add3A_58, %mul3A_59 : i32
      %add3A_61 = arith.addi %add3A_4, %mul3A_60 : i32
      %dma_wait3A_62 = arith.constant 0 : i32
      %dma_wait3A_63 = tpu.memref_slice %arg2[%add3A_61, %dma_wait3A_62] : memref<1048576x64xf32, #tpu.memory_space<hbm>> -> memref<256x64xf32, #tpu.memory_space<hbm>>
      %dma_wait3A_64 = arith.constant 0 : i32
      %dma_wait3A_65 = tpu.memref_slice %arg2[%add3A_61, %dma_wait3A_64] : memref<1048576x64xf32, #tpu.memory_space<hbm>> -> memref<256x64xf32, #tpu.memory_space<hbm>>
      tpu.wait_dma2 semaphore(%arg15 : memref<!tpu.dma_semaphore, #tpu.memory_space<semaphore_mem>>) src(%dma_wait3A_65 : memref<256x64xf32, #tpu.memory_space<hbm>>) dst(%arg7 : memref<256x64xf32, #tpu.memory_space<vmem>>)
      %dma_wait3A_66 = tpu.memref_slice %arg3[%add3A_61] : memref<1048576xi32, #tpu.memory_space<hbm>> -> memref<256xi32, #tpu.memory_space<hbm>>
      %dma_wait3A_67 = tpu.memref_slice %arg3[%add3A_61] : memref<1048576xi32, #tpu.memory_space<hbm>> -> memref<256xi32, #tpu.memory_space<hbm>>
      tpu.wait_dma2 semaphore(%arg15 : memref<!tpu.dma_semaphore, #tpu.memory_space<semaphore_mem>>) src(%dma_wait3A_67 : memref<256xi32, #tpu.memory_space<hbm>>) dst(%arg9 : memref<256xi32, #tpu.memory_space<vmem>>)
      %dma_wait3A_68 = tpu.memref_slice %arg4[%add3A_61] : memref<1048576xi32, #tpu.memory_space<hbm>> -> memref<256xi32, #tpu.memory_space<hbm>>
      %dma_wait3A_69 = tpu.memref_slice %arg4[%add3A_61] : memref<1048576xi32, #tpu.memory_space<hbm>> -> memref<256xi32, #tpu.memory_space<hbm>>
      tpu.wait_dma2 semaphore(%arg15 : memref<!tpu.dma_semaphore, #tpu.memory_space<semaphore_mem>>) src(%dma_wait3A_69 : memref<256xi32, #tpu.memory_space<hbm>>) dst(%arg11 : memref<256xi32, #tpu.memory_space<vmem>>)
      %parallel_loop3A_70 = arith.constant 0 : i32
      %parallel_loop3A_71 = arith.constant 16 : i32
      %parallel_loop3A_72 = arith.constant 1 : i32
      %parallel_loop3A_73 = scf.for %parallel_loop3A_74 = %parallel_loop3A_70 to %parallel_loop3A_71 step %parallel_loop3A_72 iter_args(%parallel_loop3A_75 = %parallel_loop3A_54) -> (vector<16xf32>)  : i32 {
        %parallel_loop3A_76 = arith.constant 16 : i32
        %parallel_loop3A_77 = arith.muli %parallel_loop3A_74, %parallel_loop3A_76 : i32
        %parallel_loop3A_78 = arith.index_cast %parallel_loop3A_77 : i32 to index
        %parallel_loop3A_79 = tpu.vector_load %arg9[%parallel_loop3A_78] {strides = array<i32>} : memref<256xi32, #tpu.memory_space<vmem>>, vector<16xi32>,
        %parallel_loop3A_80 = arith.constant 16 : i32
        %parallel_loop3A_81 = arith.muli %parallel_loop3A_74, %parallel_loop3A_80 : i32
        %parallel_loop3A_82 = arith.index_cast %parallel_loop3A_81 : i32 to index
        %parallel_loop3A_83 = tpu.vector_load %arg11[%parallel_loop3A_82] {strides = array<i32>} : memref<256xi32, #tpu.memory_space<vmem>>, vector<16xi32>,
        %parallel_loop3A_84 = arith.constant 0 : index
        %parallel_loop3A_85 = tpu.vector_load %arg13[%parallel_loop3A_84] {strides = array<i32>} : memref<16xi32, #tpu.memory_space<vmem>>, vector<16xi32>,
        %parallel_loop3A_86 = arith.constant 16 : i32
        %parallel_loop3A_87 = arith.muli %parallel_loop3A_74, %parallel_loop3A_86 : i32
        %parallel_loop3A_88 = vector.broadcast %parallel_loop3A_87 : i32 to vector<16xi32>
        %parallel_loop3A_89 = arith.addi %parallel_loop3A_88, %parallel_loop3A_85 : vector<16xi32>
        %parallel_loop3A_90 = arith.constant 4 : i32
        %parallel_loop3A_91 = vector.broadcast %parallel_loop3A_90 : i32 to vector<16xi32>
        %parallel_loop3A_92 = arith.muli %parallel_loop3A_85, %parallel_loop3A_91 : vector<16xi32>
        %parallel_loop3A_93 = arith.constant 63 : i32
        %parallel_loop3A_94 = vector.broadcast %parallel_loop3A_93 : i32 to vector<16xi32>
        %parallel_loop3A_95 = arith.andi %parallel_loop3A_92, %parallel_loop3A_94 : vector<16xi32>
        %parallel_loop3A_96 = arith.xori %parallel_loop3A_85, %parallel_loop3A_95 : vector<16xi32>
        %parallel_loop3A_97 = tpu.vector_load_idx %arg7[%parallel_loop3A_89, %parallel_loop3A_79] : memref<256x64xf32, #tpu.memory_space<vmem>>[vector<16xi32>, vector<16xi32>], vector<16xf32>,
        %parallel_loop3A_98 = arith.constant 1.000000e-10 : f32
        %parallel_loop3A_99 = vector.broadcast %parallel_loop3A_98 : f32 to vector<16xf32>
        %parallel_loop3A_100 = arith.addf %parallel_loop3A_97, %parallel_loop3A_99 : vector<16xf32>
        %parallel_loop3A_101 = arith.constant 0.000000e+00 : f32
        %parallel_loop3A_102 = vector.broadcast %parallel_loop3A_101 : f32 to vector<16xf32>
        %parallel_loop3A_103 = arith.constant 63 : i32
        %parallel_loop3A_104 = vector.broadcast %parallel_loop3A_103 : i32 to vector<16xi32>
        %parallel_loop3A_105 = arith.subi %parallel_loop3A_104, %parallel_loop3A_79 : vector<16xi32>
        %parallel_loop3A_106 = arith.sitofp %parallel_loop3A_105 : vector<16xi32> to vector<16xf32>
        %parallel_loop3A_107 = arith.constant 1.000000e-10 : f32
        %parallel_loop3A_108 = vector.broadcast %parallel_loop3A_107 : f32 to vector<16xf32>
        %parallel_loop3A_109 = arith.mulf %parallel_loop3A_106, %parallel_loop3A_108 : vector<16xf32>
        %parallel_loop3A_110 = arith.constant 0 : i32
        %parallel_loop3A_111 = vector.broadcast %parallel_loop3A_110 : i32 to vector<16xi32>
        %parallel_loop3A_112 = arith.xori %parallel_loop3A_96, %parallel_loop3A_111 : vector<16xi32>
        %parallel_loop3A_113 = tpu.vector_load_idx %arg7[%parallel_loop3A_89, %parallel_loop3A_112] : memref<256x64xf32, #tpu.memory_space<vmem>>[vector<16xi32>, vector<16xi32>], vector<16xf32>,
        %parallel_loop3A_114 = arith.cmpi sgt, %parallel_loop3A_112, %parallel_loop3A_79 : vector<16xi32>
        %parallel_loop3A_115 = arith.select %parallel_loop3A_114, %parallel_loop3A_113, %parallel_loop3A_102 : vector<16xi1>, vector<16xf32>
        %parallel_loop3A_116 = arith.addf %parallel_loop3A_109, %parallel_loop3A_115 : vector<16xf32>
        %parallel_loop3A_117 = arith.constant 1 : i32
        %parallel_loop3A_118 = vector.broadcast %parallel_loop3A_117 : i32 to vector<16xi32>
        %parallel_loop3A_119 = arith.xori %parallel_loop3A_96, %parallel_loop3A_118 : vector<16xi32>
        %parallel_loop3A_120 = tpu.vector_load_idx %arg7[%parallel_loop3A_89, %parallel_loop3A_119] : memref<256x64xf32, #tpu.memory_space<vmem>>[vector<16xi32>, vector<16xi32>], vector<16xf32>,
        %parallel_loop3A_121 = arith.cmpi sgt, %parallel_loop3A_119, %parallel_loop3A_79 : vector<16xi32>
        %parallel_loop3A_122 = arith.select %parallel_loop3A_121, %parallel_loop3A_120, %parallel_loop3A_102 : vector<16xi1>, vector<16xf32>
        %parallel_loop3A_123 = arith.addf %parallel_loop3A_102, %parallel_loop3A_122 : vector<16xf32>
        %parallel_loop3A_124 = arith.constant 2 : i32
        %parallel_loop3A_125 = vector.broadcast %parallel_loop3A_124 : i32 to vector<16xi32>
        %parallel_loop3A_126 = arith.xori %parallel_loop3A_96, %parallel_loop3A_125 : vector<16xi32>
        %parallel_loop3A_127 = tpu.vector_load_idx %arg7[%parallel_loop3A_89, %parallel_loop3A_126] : memref<256x64xf32, #tpu.memory_space<vmem>>[vector<16xi32>, vector<16xi32>], vector<16xf32>,
        %parallel_loop3A_128 = arith.cmpi sgt, %parallel_loop3A_126, %parallel_loop3A_79 : vector<16xi32>
        %parallel_loop3A_129 = arith.select %parallel_loop3A_128, %parallel_loop3A_127, %parallel_loop3A_102 : vector<16xi1>, vector<16xf32>
        %parallel_loop3A_130 = arith.addf %parallel_loop3A_102, %parallel_loop3A_129 : vector<16xf32>
        %parallel_loop3A_131 = arith.constant 3 : i32
        %parallel_loop3A_132 = vector.broadcast %parallel_loop3A_131 : i32 to vector<16xi32>
        %parallel_loop3A_133 = arith.xori %parallel_loop3A_96, %parallel_loop3A_132 : vector<16xi32>
        %parallel_loop3A_134 = tpu.vector_load_idx %arg7[%parallel_loop3A_89, %parallel_loop3A_133] : memref<256x64xf32, #tpu.memory_space<vmem>>[vector<16xi32>, vector<16xi32>], vector<16xf32>,
        %parallel_loop3A_135 = arith.cmpi sgt, %parallel_loop3A_133, %parallel_loop3A_79 : vector<16xi32>
        %parallel_loop3A_136 = arith.select %parallel_loop3A_135, %parallel_loop3A_134, %parallel_loop3A_102 : vector<16xi1>, vector<16xf32>
        %parallel_loop3A_137 = arith.addf %parallel_loop3A_102, %parallel_loop3A_136 : vector<16xf32>
        %parallel_loop3A_138 = arith.constant 4 : i32
        %parallel_loop3A_139 = vector.broadcast %parallel_loop3A_138 : i32 to vector<16xi32>
        %parallel_loop3A_140 = arith.xori %parallel_loop3A_96, %parallel_loop3A_139 : vector<16xi32>
        %parallel_loop3A_141 = tpu.vector_load_idx %arg7[%parallel_loop3A_89, %parallel_loop3A_140] : memref<256x64xf32, #tpu.memory_space<vmem>>[vector<16xi32>, vector<16xi32>], vector<16xf32>,
        %parallel_loop3A_142 = arith.cmpi sgt, %parallel_loop3A_140, %parallel_loop3A_79 : vector<16xi32>
        %parallel_loop3A_143 = arith.select %parallel_loop3A_142, %parallel_loop3A_141, %parallel_loop3A_102 : vector<16xi1>, vector<16xf32>
        %parallel_loop3A_144 = arith.addf %parallel_loop3A_116, %parallel_loop3A_143 : vector<16xf32>
        %parallel_loop3A_145 = arith.constant 5 : i32
        %parallel_loop3A_146 = vector.broadcast %parallel_loop3A_145 : i32 to vector<16xi32>
        %parallel_loop3A_147 = arith.xori %parallel_loop3A_96, %parallel_loop3A_146 : vector<16xi32>
        %parallel_loop3A_148 = tpu.vector_load_idx %arg7[%parallel_loop3A_89, %parallel_loop3A_147] : memref<256x64xf32, #tpu.memory_space<vmem>>[vector<16xi32>, vector<16xi32>], vector<16xf32>,
        %parallel_loop3A_149 = arith.cmpi sgt, %parallel_loop3A_147, %parallel_loop3A_79 : vector<16xi32>
        %parallel_loop3A_150 = arith.select %parallel_loop3A_149, %parallel_loop3A_148, %parallel_loop3A_102 : vector<16xi1>, vector<16xf32>
        %parallel_loop3A_151 = arith.addf %parallel_loop3A_123, %parallel_loop3A_150 : vector<16xf32>
        %parallel_loop3A_152 = arith.constant 6 : i32
        %parallel_loop3A_153 = vector.broadcast %parallel_loop3A_152 : i32 to vector<16xi32>
        %parallel_loop3A_154 = arith.xori %parallel_loop3A_96, %parallel_loop3A_153 : vector<16xi32>
        %parallel_loop3A_155 = tpu.vector_load_idx %arg7[%parallel_loop3A_89, %parallel_loop3A_154] : memref<256x64xf32, #tpu.memory_space<vmem>>[vector<16xi32>, vector<16xi32>], vector<16xf32>,
        %parallel_loop3A_156 = arith.cmpi sgt, %parallel_loop3A_154, %parallel_loop3A_79 : vector<16xi32>
        %parallel_loop3A_157 = arith.select %parallel_loop3A_156, %parallel_loop3A_155, %parallel_loop3A_102 : vector<16xi1>, vector<16xf32>
        %parallel_loop3A_158 = arith.addf %parallel_loop3A_130, %parallel_loop3A_157 : vector<16xf32>
        %parallel_loop3A_159 = arith.constant 7 : i32
        %parallel_loop3A_160 = vector.broadcast %parallel_loop3A_159 : i32 to vector<16xi32>
        %parallel_loop3A_161 = arith.xori %parallel_loop3A_96, %parallel_loop3A_160 : vector<16xi32>
        %parallel_loop3A_162 = tpu.vector_load_idx %arg7[%parallel_loop3A_89, %parallel_loop3A_161] : memref<256x64xf32, #tpu.memory_space<vmem>>[vector<16xi32>, vector<16xi32>], vector<16xf32>,
        %parallel_loop3A_163 = arith.cmpi sgt, %parallel_loop3A_161, %parallel_loop3A_79 : vector<16xi32>
        %parallel_loop3A_164 = arith.select %parallel_loop3A_163, %parallel_loop3A_162, %parallel_loop3A_102 : vector<16xi1>, vector<16xf32>
        %parallel_loop3A_165 = arith.addf %parallel_loop3A_137, %parallel_loop3A_164 : vector<16xf32>
        %parallel_loop3A_166 = arith.constant 8 : i32
        %parallel_loop3A_167 = vector.broadcast %parallel_loop3A_166 : i32 to vector<16xi32>
        %parallel_loop3A_168 = arith.xori %parallel_loop3A_96, %parallel_loop3A_167 : vector<16xi32>
        %parallel_loop3A_169 = tpu.vector_load_idx %arg7[%parallel_loop3A_89, %parallel_loop3A_168] : memref<256x64xf32, #tpu.memory_space<vmem>>[vector<16xi32>, vector<16xi32>], vector<16xf32>,
        %parallel_loop3A_170 = arith.cmpi sgt, %parallel_loop3A_168, %parallel_loop3A_79 : vector<16xi32>
        %parallel_loop3A_171 = arith.select %parallel_loop3A_170, %parallel_loop3A_169, %parallel_loop3A_102 : vector<16xi1>, vector<16xf32>
        %parallel_loop3A_172 = arith.addf %parallel_loop3A_144, %parallel_loop3A_171 : vector<16xf32>
        %parallel_loop3A_173 = arith.constant 9 : i32
        %parallel_loop3A_174 = vector.broadcast %parallel_loop3A_173 : i32 to vector<16xi32>
        %parallel_loop3A_175 = arith.xori %parallel_loop3A_96, %parallel_loop3A_174 : vector<16xi32>
        %parallel_loop3A_176 = tpu.vector_load_idx %arg7[%parallel_loop3A_89, %parallel_loop3A_175] : memref<256x64xf32, #tpu.memory_space<vmem>>[vector<16xi32>, vector<16xi32>], vector<16xf32>,
        %parallel_loop3A_177 = arith.cmpi sgt, %parallel_loop3A_175, %parallel_loop3A_79 : vector<16xi32>
        %parallel_loop3A_178 = arith.select %parallel_loop3A_177, %parallel_loop3A_176, %parallel_loop3A_102 : vector<16xi1>, vector<16xf32>
        %parallel_loop3A_179 = arith.addf %parallel_loop3A_151, %parallel_loop3A_178 : vector<16xf32>
        %parallel_loop3A_180 = arith.constant 10 : i32
        %parallel_loop3A_181 = vector.broadcast %parallel_loop3A_180 : i32 to vector<16xi32>
        %parallel_loop3A_182 = arith.xori %parallel_loop3A_96, %parallel_loop3A_181 : vector<16xi32>
        %parallel_loop3A_183 = tpu.vector_load_idx %arg7[%parallel_loop3A_89, %parallel_loop3A_182] : memref<256x64xf32, #tpu.memory_space<vmem>>[vector<16xi32>, vector<16xi32>], vector<16xf32>,
        %parallel_loop3A_184 = arith.cmpi sgt, %parallel_loop3A_182, %parallel_loop3A_79 : vector<16xi32>
        %parallel_loop3A_185 = arith.select %parallel_loop3A_184, %parallel_loop3A_183, %parallel_loop3A_102 : vector<16xi1>, vector<16xf32>
        %parallel_loop3A_186 = arith.addf %parallel_loop3A_158, %parallel_loop3A_185 : vector<16xf32>
        %parallel_loop3A_187 = arith.constant 11 : i32
        %parallel_loop3A_188 = vector.broadcast %parallel_loop3A_187 : i32 to vector<16xi32>
        %parallel_loop3A_189 = arith.xori %parallel_loop3A_96, %parallel_loop3A_188 : vector<16xi32>
        %parallel_loop3A_190 = tpu.vector_load_idx %arg7[%parallel_loop3A_89, %parallel_loop3A_189] : memref<256x64xf32, #tpu.memory_space<vmem>>[vector<16xi32>, vector<16xi32>], vector<16xf32>,
        %parallel_loop3A_191 = arith.cmpi sgt, %parallel_loop3A_189, %parallel_loop3A_79 : vector<16xi32>
        %parallel_loop3A_192 = arith.select %parallel_loop3A_191, %parallel_loop3A_190, %parallel_loop3A_102 : vector<16xi1>, vector<16xf32>
        %parallel_loop3A_193 = arith.addf %parallel_loop3A_165, %parallel_loop3A_192 : vector<16xf32>
        %parallel_loop3A_194 = arith.constant 12 : i32
        %parallel_loop3A_195 = vector.broadcast %parallel_loop3A_194 : i32 to vector<16xi32>
        %parallel_loop3A_196 = arith.xori %parallel_loop3A_96, %parallel_loop3A_195 : vector<16xi32>
        %parallel_loop3A_197 = tpu.vector_load_idx %arg7[%parallel_loop3A_89, %parallel_loop3A_196] : memref<256x64xf32, #tpu.memory_space<vmem>>[vector<16xi32>, vector<16xi32>], vector<16xf32>,
        %parallel_loop3A_198 = arith.cmpi sgt, %parallel_loop3A_196, %parallel_loop3A_79 : vector<16xi32>
        %parallel_loop3A_199 = arith.select %parallel_loop3A_198, %parallel_loop3A_197, %parallel_loop3A_102 : vector<16xi1>, vector<16xf32>
        %parallel_loop3A_200 = arith.addf %parallel_loop3A_172, %parallel_loop3A_199 : vector<16xf32>
        %parallel_loop3A_201 = arith.constant 13 : i32
        %parallel_loop3A_202 = vector.broadcast %parallel_loop3A_201 : i32 to vector<16xi32>
        %parallel_loop3A_203 = arith.xori %parallel_loop3A_96, %parallel_loop3A_202 : vector<16xi32>
        %parallel_loop3A_204 = tpu.vector_load_idx %arg7[%parallel_loop3A_89, %parallel_loop3A_203] : memref<256x64xf32, #tpu.memory_space<vmem>>[vector<16xi32>, vector<16xi32>], vector<16xf32>,
        %parallel_loop3A_205 = arith.cmpi sgt, %parallel_loop3A_203, %parallel_loop3A_79 : vector<16xi32>
        %parallel_loop3A_206 = arith.select %parallel_loop3A_205, %parallel_loop3A_204, %parallel_loop3A_102 : vector<16xi1>, vector<16xf32>
        %parallel_loop3A_207 = arith.addf %parallel_loop3A_179, %parallel_loop3A_206 : vector<16xf32>
        %parallel_loop3A_208 = arith.constant 14 : i32
        %parallel_loop3A_209 = vector.broadcast %parallel_loop3A_208 : i32 to vector<16xi32>
        %parallel_loop3A_210 = arith.xori %parallel_loop3A_96, %parallel_loop3A_209 : vector<16xi32>
        %parallel_loop3A_211 = tpu.vector_load_idx %arg7[%parallel_loop3A_89, %parallel_loop3A_210] : memref<256x64xf32, #tpu.memory_space<vmem>>[vector<16xi32>, vector<16xi32>], vector<16xf32>,
        %parallel_loop3A_212 = arith.cmpi sgt, %parallel_loop3A_210, %parallel_loop3A_79 : vector<16xi32>
        %parallel_loop3A_213 = arith.select %parallel_loop3A_212, %parallel_loop3A_211, %parallel_loop3A_102 : vector<16xi1>, vector<16xf32>
        %parallel_loop3A_214 = arith.addf %parallel_loop3A_186, %parallel_loop3A_213 : vector<16xf32>
        %parallel_loop3A_215 = arith.constant 15 : i32
        %parallel_loop3A_216 = vector.broadcast %parallel_loop3A_215 : i32 to vector<16xi32>
        %parallel_loop3A_217 = arith.xori %parallel_loop3A_96, %parallel_loop3A_216 : vector<16xi32>
        %parallel_loop3A_218 = tpu.vector_load_idx %arg7[%parallel_loop3A_89, %parallel_loop3A_217] : memref<256x64xf32, #tpu.memory_space<vmem>>[vector<16xi32>, vector<16xi32>], vector<16xf32>,
        %parallel_loop3A_219 = arith.cmpi sgt, %parallel_loop3A_217, %parallel_loop3A_79 : vector<16xi32>
        %parallel_loop3A_220 = arith.select %parallel_loop3A_219, %parallel_loop3A_218, %parallel_loop3A_102 : vector<16xi1>, vector<16xf32>
        %parallel_loop3A_221 = arith.addf %parallel_loop3A_193, %parallel_loop3A_220 : vector<16xf32>
        %parallel_loop3A_222 = arith.constant 16 : i32
        %parallel_loop3A_223 = vector.broadcast %parallel_loop3A_222 : i32 to vector<16xi32>
        %parallel_loop3A_224 = arith.xori %parallel_loop3A_96, %parallel_loop3A_223 : vector<16xi32>
        %parallel_loop3A_225 = tpu.vector_load_idx %arg7[%parallel_loop3A_89, %parallel_loop3A_224] : memref<256x64xf32, #tpu.memory_space<vmem>>[vector<16xi32>, vector<16xi32>], vector<16xf32>,
        %parallel_loop3A_226 = arith.cmpi sgt, %parallel_loop3A_224, %parallel_loop3A_79 : vector<16xi32>
        %parallel_loop3A_227 = arith.select %parallel_loop3A_226, %parallel_loop3A_225, %parallel_loop3A_102 : vector<16xi1>, vector<16xf32>
        %parallel_loop3A_228 = arith.addf %parallel_loop3A_200, %parallel_loop3A_227 : vector<16xf32>
        %parallel_loop3A_229 = arith.constant 17 : i32
        %parallel_loop3A_230 = vector.broadcast %parallel_loop3A_229 : i32 to vector<16xi32>
        %parallel_loop3A_231 = arith.xori %parallel_loop3A_96, %parallel_loop3A_230 : vector<16xi32>
        %parallel_loop3A_232 = tpu.vector_load_idx %arg7[%parallel_loop3A_89, %parallel_loop3A_231] : memref<256x64xf32, #tpu.memory_space<vmem>>[vector<16xi32>, vector<16xi32>], vector<16xf32>,
        %parallel_loop3A_233 = arith.cmpi sgt, %parallel_loop3A_231, %parallel_loop3A_79 : vector<16xi32>
        %parallel_loop3A_234 = arith.select %parallel_loop3A_233, %parallel_loop3A_232, %parallel_loop3A_102 : vector<16xi1>, vector<16xf32>
        %parallel_loop3A_235 = arith.addf %parallel_loop3A_207, %parallel_loop3A_234 : vector<16xf32>
        %parallel_loop3A_236 = arith.constant 18 : i32
        %parallel_loop3A_237 = vector.broadcast %parallel_loop3A_236 : i32 to vector<16xi32>
        %parallel_loop3A_238 = arith.xori %parallel_loop3A_96, %parallel_loop3A_237 : vector<16xi32>
        %parallel_loop3A_239 = tpu.vector_load_idx %arg7[%parallel_loop3A_89, %parallel_loop3A_238] : memref<256x64xf32, #tpu.memory_space<vmem>>[vector<16xi32>, vector<16xi32>], vector<16xf32>,
        %parallel_loop3A_240 = arith.cmpi sgt, %parallel_loop3A_238, %parallel_loop3A_79 : vector<16xi32>
        %parallel_loop3A_241 = arith.select %parallel_loop3A_240, %parallel_loop3A_239, %parallel_loop3A_102 : vector<16xi1>, vector<16xf32>
        %parallel_loop3A_242 = arith.addf %parallel_loop3A_214, %parallel_loop3A_241 : vector<16xf32>
        %parallel_loop3A_243 = arith.constant 19 : i32
        %parallel_loop3A_244 = vector.broadcast %parallel_loop3A_243 : i32 to vector<16xi32>
        %parallel_loop3A_245 = arith.xori %parallel_loop3A_96, %parallel_loop3A_244 : vector<16xi32>
        %parallel_loop3A_246 = tpu.vector_load_idx %arg7[%parallel_loop3A_89, %parallel_loop3A_245] : memref<256x64xf32, #tpu.memory_space<vmem>>[vector<16xi32>, vector<16xi32>], vector<16xf32>,
        %parallel_loop3A_247 = arith.cmpi sgt, %parallel_loop3A_245, %parallel_loop3A_79 : vector<16xi32>
        %parallel_loop3A_248 = arith.select %parallel_loop3A_247, %parallel_loop3A_246, %parallel_loop3A_102 : vector<16xi1>, vector<16xf32>
        %parallel_loop3A_249 = arith.addf %parallel_loop3A_221, %parallel_loop3A_248 : vector<16xf32>
        %parallel_loop3A_250 = arith.constant 20 : i32
        %parallel_loop3A_251 = vector.broadcast %parallel_loop3A_250 : i32 to vector<16xi32>
        %parallel_loop3A_252 = arith.xori %parallel_loop3A_96, %parallel_loop3A_251 : vector<16xi32>
        %parallel_loop3A_253 = tpu.vector_load_idx %arg7[%parallel_loop3A_89, %parallel_loop3A_252] : memref<256x64xf32, #tpu.memory_space<vmem>>[vector<16xi32>, vector<16xi32>], vector<16xf32>,
        %parallel_loop3A_254 = arith.cmpi sgt, %parallel_loop3A_252, %parallel_loop3A_79 : vector<16xi32>
        %parallel_loop3A_255 = arith.select %parallel_loop3A_254, %parallel_loop3A_253, %parallel_loop3A_102 : vector<16xi1>, vector<16xf32>
        %parallel_loop3A_256 = arith.addf %parallel_loop3A_228, %parallel_loop3A_255 : vector<16xf32>
        %parallel_loop3A_257 = arith.constant 21 : i32
        %parallel_loop3A_258 = vector.broadcast %parallel_loop3A_257 : i32 to vector<16xi32>
        %parallel_loop3A_259 = arith.xori %parallel_loop3A_96, %parallel_loop3A_258 : vector<16xi32>
        %parallel_loop3A_260 = tpu.vector_load_idx %arg7[%parallel_loop3A_89, %parallel_loop3A_259] : memref<256x64xf32, #tpu.memory_space<vmem>>[vector<16xi32>, vector<16xi32>], vector<16xf32>,
        %parallel_loop3A_261 = arith.cmpi sgt, %parallel_loop3A_259, %parallel_loop3A_79 : vector<16xi32>
        %parallel_loop3A_262 = arith.select %parallel_loop3A_261, %parallel_loop3A_260, %parallel_loop3A_102 : vector<16xi1>, vector<16xf32>
        %parallel_loop3A_263 = arith.addf %parallel_loop3A_235, %parallel_loop3A_262 : vector<16xf32>
        %parallel_loop3A_264 = arith.constant 22 : i32
        %parallel_loop3A_265 = vector.broadcast %parallel_loop3A_264 : i32 to vector<16xi32>
        %parallel_loop3A_266 = arith.xori %parallel_loop3A_96, %parallel_loop3A_265 : vector<16xi32>
        %parallel_loop3A_267 = tpu.vector_load_idx %arg7[%parallel_loop3A_89, %parallel_loop3A_266] : memref<256x64xf32, #tpu.memory_space<vmem>>[vector<16xi32>, vector<16xi32>], vector<16xf32>,
        %parallel_loop3A_268 = arith.cmpi sgt, %parallel_loop3A_266, %parallel_loop3A_79 : vector<16xi32>
        %parallel_loop3A_269 = arith.select %parallel_loop3A_268, %parallel_loop3A_267, %parallel_loop3A_102 : vector<16xi1>, vector<16xf32>
        %parallel_loop3A_270 = arith.addf %parallel_loop3A_242, %parallel_loop3A_269 : vector<16xf32>
        %parallel_loop3A_271 = arith.constant 23 : i32
        %parallel_loop3A_272 = vector.broadcast %parallel_loop3A_271 : i32 to vector<16xi32>
        %parallel_loop3A_273 = arith.xori %parallel_loop3A_96, %parallel_loop3A_272 : vector<16xi32>
        %parallel_loop3A_274 = tpu.vector_load_idx %arg7[%parallel_loop3A_89, %parallel_loop3A_273] : memref<256x64xf32, #tpu.memory_space<vmem>>[vector<16xi32>, vector<16xi32>], vector<16xf32>,
        %parallel_loop3A_275 = arith.cmpi sgt, %parallel_loop3A_273, %parallel_loop3A_79 : vector<16xi32>
        %parallel_loop3A_276 = arith.select %parallel_loop3A_275, %parallel_loop3A_274, %parallel_loop3A_102 : vector<16xi1>, vector<16xf32>
        %parallel_loop3A_277 = arith.addf %parallel_loop3A_249, %parallel_loop3A_276 : vector<16xf32>
        %parallel_loop3A_278 = arith.constant 24 : i32
        %parallel_loop3A_279 = vector.broadcast %parallel_loop3A_278 : i32 to vector<16xi32>
        %parallel_loop3A_280 = arith.xori %parallel_loop3A_96, %parallel_loop3A_279 : vector<16xi32>
        %parallel_loop3A_281 = tpu.vector_load_idx %arg7[%parallel_loop3A_89, %parallel_loop3A_280] : memref<256x64xf32, #tpu.memory_space<vmem>>[vector<16xi32>, vector<16xi32>], vector<16xf32>,
        %parallel_loop3A_282 = arith.cmpi sgt, %parallel_loop3A_280, %parallel_loop3A_79 : vector<16xi32>
        %parallel_loop3A_283 = arith.select %parallel_loop3A_282, %parallel_loop3A_281, %parallel_loop3A_102 : vector<16xi1>, vector<16xf32>
        %parallel_loop3A_284 = arith.addf %parallel_loop3A_256, %parallel_loop3A_283 : vector<16xf32>
        %parallel_loop3A_285 = arith.constant 25 : i32
        %parallel_loop3A_286 = vector.broadcast %parallel_loop3A_285 : i32 to vector<16xi32>
        %parallel_loop3A_287 = arith.xori %parallel_loop3A_96, %parallel_loop3A_286 : vector<16xi32>
        %parallel_loop3A_288 = tpu.vector_load_idx %arg7[%parallel_loop3A_89, %parallel_loop3A_287] : memref<256x64xf32, #tpu.memory_space<vmem>>[vector<16xi32>, vector<16xi32>], vector<16xf32>,
        %parallel_loop3A_289 = arith.cmpi sgt, %parallel_loop3A_287, %parallel_loop3A_79 : vector<16xi32>
        %parallel_loop3A_290 = arith.select %parallel_loop3A_289, %parallel_loop3A_288, %parallel_loop3A_102 : vector<16xi1>, vector<16xf32>
        %parallel_loop3A_291 = arith.addf %parallel_loop3A_263, %parallel_loop3A_290 : vector<16xf32>
        %parallel_loop3A_292 = arith.constant 26 : i32
        %parallel_loop3A_293 = vector.broadcast %parallel_loop3A_292 : i32 to vector<16xi32>
        %parallel_loop3A_294 = arith.xori %parallel_loop3A_96, %parallel_loop3A_293 : vector<16xi32>
        %parallel_loop3A_295 = tpu.vector_load_idx %arg7[%parallel_loop3A_89, %parallel_loop3A_294] : memref<256x64xf32, #tpu.memory_space<vmem>>[vector<16xi32>, vector<16xi32>], vector<16xf32>,
        %parallel_loop3A_296 = arith.cmpi sgt, %parallel_loop3A_294, %parallel_loop3A_79 : vector<16xi32>
        %parallel_loop3A_297 = arith.select %parallel_loop3A_296, %parallel_loop3A_295, %parallel_loop3A_102 : vector<16xi1>, vector<16xf32>
        %parallel_loop3A_298 = arith.addf %parallel_loop3A_270, %parallel_loop3A_297 : vector<16xf32>
        %parallel_loop3A_299 = arith.constant 27 : i32
        %parallel_loop3A_300 = vector.broadcast %parallel_loop3A_299 : i32 to vector<16xi32>
        %parallel_loop3A_301 = arith.xori %parallel_loop3A_96, %parallel_loop3A_300 : vector<16xi32>
        %parallel_loop3A_302 = tpu.vector_load_idx %arg7[%parallel_loop3A_89, %parallel_loop3A_301] : memref<256x64xf32, #tpu.memory_space<vmem>>[vector<16xi32>, vector<16xi32>], vector<16xf32>,
        %parallel_loop3A_303 = arith.cmpi sgt, %parallel_loop3A_301, %parallel_loop3A_79 : vector<16xi32>
        %parallel_loop3A_304 = arith.select %parallel_loop3A_303, %parallel_loop3A_302, %parallel_loop3A_102 : vector<16xi1>, vector<16xf32>
        %parallel_loop3A_305 = arith.addf %parallel_loop3A_277, %parallel_loop3A_304 : vector<16xf32>
        %parallel_loop3A_306 = arith.constant 28 : i32
        %parallel_loop3A_307 = vector.broadcast %parallel_loop3A_306 : i32 to vector<16xi32>
        %parallel_loop3A_308 = arith.xori %parallel_loop3A_96, %parallel_loop3A_307 : vector<16xi32>
        %parallel_loop3A_309 = tpu.vector_load_idx %arg7[%parallel_loop3A_89, %parallel_loop3A_308] : memref<256x64xf32, #tpu.memory_space<vmem>>[vector<16xi32>, vector<16xi32>], vector<16xf32>,
        %parallel_loop3A_310 = arith.cmpi sgt, %parallel_loop3A_308, %parallel_loop3A_79 : vector<16xi32>
        %parallel_loop3A_311 = arith.select %parallel_loop3A_310, %parallel_loop3A_309, %parallel_loop3A_102 : vector<16xi1>, vector<16xf32>
        %parallel_loop3A_312 = arith.addf %parallel_loop3A_284, %parallel_loop3A_311 : vector<16xf32>
        %parallel_loop3A_313 = arith.constant 29 : i32
        %parallel_loop3A_314 = vector.broadcast %parallel_loop3A_313 : i32 to vector<16xi32>
        %parallel_loop3A_315 = arith.xori %parallel_loop3A_96, %parallel_loop3A_314 : vector<16xi32>
        %parallel_loop3A_316 = tpu.vector_load_idx %arg7[%parallel_loop3A_89, %parallel_loop3A_315] : memref<256x64xf32, #tpu.memory_space<vmem>>[vector<16xi32>, vector<16xi32>], vector<16xf32>,
        %parallel_loop3A_317 = arith.cmpi sgt, %parallel_loop3A_315, %parallel_loop3A_79 : vector<16xi32>
        %parallel_loop3A_318 = arith.select %parallel_loop3A_317, %parallel_loop3A_316, %parallel_loop3A_102 : vector<16xi1>, vector<16xf32>
        %parallel_loop3A_319 = arith.addf %parallel_loop3A_291, %parallel_loop3A_318 : vector<16xf32>
        %parallel_loop3A_320 = arith.constant 30 : i32
        %parallel_loop3A_321 = vector.broadcast %parallel_loop3A_320 : i32 to vector<16xi32>
        %parallel_loop3A_322 = arith.xori %parallel_loop3A_96, %parallel_loop3A_321 : vector<16xi32>
        %parallel_loop3A_323 = tpu.vector_load_idx %arg7[%parallel_loop3A_89, %parallel_loop3A_322] : memref<256x64xf32, #tpu.memory_space<vmem>>[vector<16xi32>, vector<16xi32>], vector<16xf32>,
        %parallel_loop3A_324 = arith.cmpi sgt, %parallel_loop3A_322, %parallel_loop3A_79 : vector<16xi32>
        %parallel_loop3A_325 = arith.select %parallel_loop3A_324, %parallel_loop3A_323, %parallel_loop3A_102 : vector<16xi1>, vector<16xf32>
        %parallel_loop3A_326 = arith.addf %parallel_loop3A_298, %parallel_loop3A_325 : vector<16xf32>
        %parallel_loop3A_327 = arith.constant 31 : i32
        %parallel_loop3A_328 = vector.broadcast %parallel_loop3A_327 : i32 to vector<16xi32>
        %parallel_loop3A_329 = arith.xori %parallel_loop3A_96, %parallel_loop3A_328 : vector<16xi32>
        %parallel_loop3A_330 = tpu.vector_load_idx %arg7[%parallel_loop3A_89, %parallel_loop3A_329] : memref<256x64xf32, #tpu.memory_space<vmem>>[vector<16xi32>, vector<16xi32>], vector<16xf32>,
        %parallel_loop3A_331 = arith.cmpi sgt, %parallel_loop3A_329, %parallel_loop3A_79 : vector<16xi32>
        %parallel_loop3A_332 = arith.select %parallel_loop3A_331, %parallel_loop3A_330, %parallel_loop3A_102 : vector<16xi1>, vector<16xf32>
        %parallel_loop3A_333 = arith.addf %parallel_loop3A_305, %parallel_loop3A_332 : vector<16xf32>
        %parallel_loop3A_334 = arith.constant 32 : i32
        %parallel_loop3A_335 = vector.broadcast %parallel_loop3A_334 : i32 to vector<16xi32>
        %parallel_loop3A_336 = arith.xori %parallel_loop3A_96, %parallel_loop3A_335 : vector<16xi32>
        %parallel_loop3A_337 = tpu.vector_load_idx %arg7[%parallel_loop3A_89, %parallel_loop3A_336] : memref<256x64xf32, #tpu.memory_space<vmem>>[vector<16xi32>, vector<16xi32>], vector<16xf32>,
        %parallel_loop3A_338 = arith.cmpi sgt, %parallel_loop3A_336, %parallel_loop3A_79 : vector<16xi32>
        %parallel_loop3A_339 = arith.select %parallel_loop3A_338, %parallel_loop3A_337, %parallel_loop3A_102 : vector<16xi1>, vector<16xf32>
        %parallel_loop3A_340 = arith.addf %parallel_loop3A_312, %parallel_loop3A_339 : vector<16xf32>
        %parallel_loop3A_341 = arith.constant 33 : i32
        %parallel_loop3A_342 = vector.broadcast %parallel_loop3A_341 : i32 to vector<16xi32>
        %parallel_loop3A_343 = arith.xori %parallel_loop3A_96, %parallel_loop3A_342 : vector<16xi32>
        %parallel_loop3A_344 = tpu.vector_load_idx %arg7[%parallel_loop3A_89, %parallel_loop3A_343] : memref<256x64xf32, #tpu.memory_space<vmem>>[vector<16xi32>, vector<16xi32>], vector<16xf32>,
        %parallel_loop3A_345 = arith.cmpi sgt, %parallel_loop3A_343, %parallel_loop3A_79 : vector<16xi32>
        %parallel_loop3A_346 = arith.select %parallel_loop3A_345, %parallel_loop3A_344, %parallel_loop3A_102 : vector<16xi1>, vector<16xf32>
        %parallel_loop3A_347 = arith.addf %parallel_loop3A_319, %parallel_loop3A_346 : vector<16xf32>
        %parallel_loop3A_348 = arith.constant 34 : i32
        %parallel_loop3A_349 = vector.broadcast %parallel_loop3A_348 : i32 to vector<16xi32>
        %parallel_loop3A_350 = arith.xori %parallel_loop3A_96, %parallel_loop3A_349 : vector<16xi32>
        %parallel_loop3A_351 = tpu.vector_load_idx %arg7[%parallel_loop3A_89, %parallel_loop3A_350] : memref<256x64xf32, #tpu.memory_space<vmem>>[vector<16xi32>, vector<16xi32>], vector<16xf32>,
        %parallel_loop3A_352 = arith.cmpi sgt, %parallel_loop3A_350, %parallel_loop3A_79 : vector<16xi32>
        %parallel_loop3A_353 = arith.select %parallel_loop3A_352, %parallel_loop3A_351, %parallel_loop3A_102 : vector<16xi1>, vector<16xf32>
        %parallel_loop3A_354 = arith.addf %parallel_loop3A_326, %parallel_loop3A_353 : vector<16xf32>
        %parallel_loop3A_355 = arith.constant 35 : i32
        %parallel_loop3A_356 = vector.broadcast %parallel_loop3A_355 : i32 to vector<16xi32>
        %parallel_loop3A_357 = arith.xori %parallel_loop3A_96, %parallel_loop3A_356 : vector<16xi32>
        %parallel_loop3A_358 = tpu.vector_load_idx %arg7[%parallel_loop3A_89, %parallel_loop3A_357] : memref<256x64xf32, #tpu.memory_space<vmem>>[vector<16xi32>, vector<16xi32>], vector<16xf32>,
        %parallel_loop3A_359 = arith.cmpi sgt, %parallel_loop3A_357, %parallel_loop3A_79 : vector<16xi32>
        %parallel_loop3A_360 = arith.select %parallel_loop3A_359, %parallel_loop3A_358, %parallel_loop3A_102 : vector<16xi1>, vector<16xf32>
        %parallel_loop3A_361 = arith.addf %parallel_loop3A_333, %parallel_loop3A_360 : vector<16xf32>
        %parallel_loop3A_362 = arith.constant 36 : i32
        %parallel_loop3A_363 = vector.broadcast %parallel_loop3A_362 : i32 to vector<16xi32>
        %parallel_loop3A_364 = arith.xori %parallel_loop3A_96, %parallel_loop3A_363 : vector<16xi32>
        %parallel_loop3A_365 = tpu.vector_load_idx %arg7[%parallel_loop3A_89, %parallel_loop3A_364] : memref<256x64xf32, #tpu.memory_space<vmem>>[vector<16xi32>, vector<16xi32>], vector<16xf32>,
        %parallel_loop3A_366 = arith.cmpi sgt, %parallel_loop3A_364, %parallel_loop3A_79 : vector<16xi32>
        %parallel_loop3A_367 = arith.select %parallel_loop3A_366, %parallel_loop3A_365, %parallel_loop3A_102 : vector<16xi1>, vector<16xf32>
        %parallel_loop3A_368 = arith.addf %parallel_loop3A_340, %parallel_loop3A_367 : vector<16xf32>
        %parallel_loop3A_369 = arith.constant 37 : i32
        %parallel_loop3A_370 = vector.broadcast %parallel_loop3A_369 : i32 to vector<16xi32>
        %parallel_loop3A_371 = arith.xori %parallel_loop3A_96, %parallel_loop3A_370 : vector<16xi32>
        %parallel_loop3A_372 = tpu.vector_load_idx %arg7[%parallel_loop3A_89, %parallel_loop3A_371] : memref<256x64xf32, #tpu.memory_space<vmem>>[vector<16xi32>, vector<16xi32>], vector<16xf32>,
        %parallel_loop3A_373 = arith.cmpi sgt, %parallel_loop3A_371, %parallel_loop3A_79 : vector<16xi32>
        %parallel_loop3A_374 = arith.select %parallel_loop3A_373, %parallel_loop3A_372, %parallel_loop3A_102 : vector<16xi1>, vector<16xf32>
        %parallel_loop3A_375 = arith.addf %parallel_loop3A_347, %parallel_loop3A_374 : vector<16xf32>
        %parallel_loop3A_376 = arith.constant 38 : i32
        %parallel_loop3A_377 = vector.broadcast %parallel_loop3A_376 : i32 to vector<16xi32>
        %parallel_loop3A_378 = arith.xori %parallel_loop3A_96, %parallel_loop3A_377 : vector<16xi32>
        %parallel_loop3A_379 = tpu.vector_load_idx %arg7[%parallel_loop3A_89, %parallel_loop3A_378] : memref<256x64xf32, #tpu.memory_space<vmem>>[vector<16xi32>, vector<16xi32>], vector<16xf32>,
        %parallel_loop3A_380 = arith.cmpi sgt, %parallel_loop3A_378, %parallel_loop3A_79 : vector<16xi32>
        %parallel_loop3A_381 = arith.select %parallel_loop3A_380, %parallel_loop3A_379, %parallel_loop3A_102 : vector<16xi1>, vector<16xf32>
        %parallel_loop3A_382 = arith.addf %parallel_loop3A_354, %parallel_loop3A_381 : vector<16xf32>
        %parallel_loop3A_383 = arith.constant 39 : i32
        %parallel_loop3A_384 = vector.broadcast %parallel_loop3A_383 : i32 to vector<16xi32>
        %parallel_loop3A_385 = arith.xori %parallel_loop3A_96, %parallel_loop3A_384 : vector<16xi32>
        %parallel_loop3A_386 = tpu.vector_load_idx %arg7[%parallel_loop3A_89, %parallel_loop3A_385] : memref<256x64xf32, #tpu.memory_space<vmem>>[vector<16xi32>, vector<16xi32>], vector<16xf32>,
        %parallel_loop3A_387 = arith.cmpi sgt, %parallel_loop3A_385, %parallel_loop3A_79 : vector<16xi32>
        %parallel_loop3A_388 = arith.select %parallel_loop3A_387, %parallel_loop3A_386, %parallel_loop3A_102 : vector<16xi1>, vector<16xf32>
        %parallel_loop3A_389 = arith.addf %parallel_loop3A_361, %parallel_loop3A_388 : vector<16xf32>
        %parallel_loop3A_390 = arith.constant 40 : i32
        %parallel_loop3A_391 = vector.broadcast %parallel_loop3A_390 : i32 to vector<16xi32>
        %parallel_loop3A_392 = arith.xori %parallel_loop3A_96, %parallel_loop3A_391 : vector<16xi32>
        %parallel_loop3A_393 = tpu.vector_load_idx %arg7[%parallel_loop3A_89, %parallel_loop3A_392] : memref<256x64xf32, #tpu.memory_space<vmem>>[vector<16xi32>, vector<16xi32>], vector<16xf32>,
        %parallel_loop3A_394 = arith.cmpi sgt, %parallel_loop3A_392, %parallel_loop3A_79 : vector<16xi32>
        %parallel_loop3A_395 = arith.select %parallel_loop3A_394, %parallel_loop3A_393, %parallel_loop3A_102 : vector<16xi1>, vector<16xf32>
        %parallel_loop3A_396 = arith.addf %parallel_loop3A_368, %parallel_loop3A_395 : vector<16xf32>
        %parallel_loop3A_397 = arith.constant 41 : i32
        %parallel_loop3A_398 = vector.broadcast %parallel_loop3A_397 : i32 to vector<16xi32>
        %parallel_loop3A_399 = arith.xori %parallel_loop3A_96, %parallel_loop3A_398 : vector<16xi32>
        %parallel_loop3A_400 = tpu.vector_load_idx %arg7[%parallel_loop3A_89, %parallel_loop3A_399] : memref<256x64xf32, #tpu.memory_space<vmem>>[vector<16xi32>, vector<16xi32>], vector<16xf32>,
        %parallel_loop3A_401 = arith.cmpi sgt, %parallel_loop3A_399, %parallel_loop3A_79 : vector<16xi32>
        %parallel_loop3A_402 = arith.select %parallel_loop3A_401, %parallel_loop3A_400, %parallel_loop3A_102 : vector<16xi1>, vector<16xf32>
        %parallel_loop3A_403 = arith.addf %parallel_loop3A_375, %parallel_loop3A_402 : vector<16xf32>
        %parallel_loop3A_404 = arith.constant 42 : i32
        %parallel_loop3A_405 = vector.broadcast %parallel_loop3A_404 : i32 to vector<16xi32>
        %parallel_loop3A_406 = arith.xori %parallel_loop3A_96, %parallel_loop3A_405 : vector<16xi32>
        %parallel_loop3A_407 = tpu.vector_load_idx %arg7[%parallel_loop3A_89, %parallel_loop3A_406] : memref<256x64xf32, #tpu.memory_space<vmem>>[vector<16xi32>, vector<16xi32>], vector<16xf32>,
        %parallel_loop3A_408 = arith.cmpi sgt, %parallel_loop3A_406, %parallel_loop3A_79 : vector<16xi32>
        %parallel_loop3A_409 = arith.select %parallel_loop3A_408, %parallel_loop3A_407, %parallel_loop3A_102 : vector<16xi1>, vector<16xf32>
        %parallel_loop3A_410 = arith.addf %parallel_loop3A_382, %parallel_loop3A_409 : vector<16xf32>
        %parallel_loop3A_411 = arith.constant 43 : i32
        %parallel_loop3A_412 = vector.broadcast %parallel_loop3A_411 : i32 to vector<16xi32>
        %parallel_loop3A_413 = arith.xori %parallel_loop3A_96, %parallel_loop3A_412 : vector<16xi32>
        %parallel_loop3A_414 = tpu.vector_load_idx %arg7[%parallel_loop3A_89, %parallel_loop3A_413] : memref<256x64xf32, #tpu.memory_space<vmem>>[vector<16xi32>, vector<16xi32>], vector<16xf32>,
        %parallel_loop3A_415 = arith.cmpi sgt, %parallel_loop3A_413, %parallel_loop3A_79 : vector<16xi32>
        %parallel_loop3A_416 = arith.select %parallel_loop3A_415, %parallel_loop3A_414, %parallel_loop3A_102 : vector<16xi1>, vector<16xf32>
        %parallel_loop3A_417 = arith.addf %parallel_loop3A_389, %parallel_loop3A_416 : vector<16xf32>
        %parallel_loop3A_418 = arith.constant 44 : i32
        %parallel_loop3A_419 = vector.broadcast %parallel_loop3A_418 : i32 to vector<16xi32>
        %parallel_loop3A_420 = arith.xori %parallel_loop3A_96, %parallel_loop3A_419 : vector<16xi32>
        %parallel_loop3A_421 = tpu.vector_load_idx %arg7[%parallel_loop3A_89, %parallel_loop3A_420] : memref<256x64xf32, #tpu.memory_space<vmem>>[vector<16xi32>, vector<16xi32>], vector<16xf32>,
        %parallel_loop3A_422 = arith.cmpi sgt, %parallel_loop3A_420, %parallel_loop3A_79 : vector<16xi32>
        %parallel_loop3A_423 = arith.select %parallel_loop3A_422, %parallel_loop3A_421, %parallel_loop3A_102 : vector<16xi1>, vector<16xf32>
        %parallel_loop3A_424 = arith.addf %parallel_loop3A_396, %parallel_loop3A_423 : vector<16xf32>
        %parallel_loop3A_425 = arith.constant 45 : i32
        %parallel_loop3A_426 = vector.broadcast %parallel_loop3A_425 : i32 to vector<16xi32>
        %parallel_loop3A_427 = arith.xori %parallel_loop3A_96, %parallel_loop3A_426 : vector<16xi32>
        %parallel_loop3A_428 = tpu.vector_load_idx %arg7[%parallel_loop3A_89, %parallel_loop3A_427] : memref<256x64xf32, #tpu.memory_space<vmem>>[vector<16xi32>, vector<16xi32>], vector<16xf32>,
        %parallel_loop3A_429 = arith.cmpi sgt, %parallel_loop3A_427, %parallel_loop3A_79 : vector<16xi32>
        %parallel_loop3A_430 = arith.select %parallel_loop3A_429, %parallel_loop3A_428, %parallel_loop3A_102 : vector<16xi1>, vector<16xf32>
        %parallel_loop3A_431 = arith.addf %parallel_loop3A_403, %parallel_loop3A_430 : vector<16xf32>
        %parallel_loop3A_432 = arith.constant 46 : i32
        %parallel_loop3A_433 = vector.broadcast %parallel_loop3A_432 : i32 to vector<16xi32>
        %parallel_loop3A_434 = arith.xori %parallel_loop3A_96, %parallel_loop3A_433 : vector<16xi32>
        %parallel_loop3A_435 = tpu.vector_load_idx %arg7[%parallel_loop3A_89, %parallel_loop3A_434] : memref<256x64xf32, #tpu.memory_space<vmem>>[vector<16xi32>, vector<16xi32>], vector<16xf32>,
        %parallel_loop3A_436 = arith.cmpi sgt, %parallel_loop3A_434, %parallel_loop3A_79 : vector<16xi32>
        %parallel_loop3A_437 = arith.select %parallel_loop3A_436, %parallel_loop3A_435, %parallel_loop3A_102 : vector<16xi1>, vector<16xf32>
        %parallel_loop3A_438 = arith.addf %parallel_loop3A_410, %parallel_loop3A_437 : vector<16xf32>
        %parallel_loop3A_439 = arith.constant 47 : i32
        %parallel_loop3A_440 = vector.broadcast %parallel_loop3A_439 : i32 to vector<16xi32>
        %parallel_loop3A_441 = arith.xori %parallel_loop3A_96, %parallel_loop3A_440 : vector<16xi32>
        %parallel_loop3A_442 = tpu.vector_load_idx %arg7[%parallel_loop3A_89, %parallel_loop3A_441] : memref<256x64xf32, #tpu.memory_space<vmem>>[vector<16xi32>, vector<16xi32>], vector<16xf32>,
        %parallel_loop3A_443 = arith.cmpi sgt, %parallel_loop3A_441, %parallel_loop3A_79 : vector<16xi32>
        %parallel_loop3A_444 = arith.select %parallel_loop3A_443, %parallel_loop3A_442, %parallel_loop3A_102 : vector<16xi1>, vector<16xf32>
        %parallel_loop3A_445 = arith.addf %parallel_loop3A_417, %parallel_loop3A_444 : vector<16xf32>
        %parallel_loop3A_446 = arith.constant 48 : i32
        %parallel_loop3A_447 = vector.broadcast %parallel_loop3A_446 : i32 to vector<16xi32>
        %parallel_loop3A_448 = arith.xori %parallel_loop3A_96, %parallel_loop3A_447 : vector<16xi32>
        %parallel_loop3A_449 = tpu.vector_load_idx %arg7[%parallel_loop3A_89, %parallel_loop3A_448] : memref<256x64xf32, #tpu.memory_space<vmem>>[vector<16xi32>, vector<16xi32>], vector<16xf32>,
        %parallel_loop3A_450 = arith.cmpi sgt, %parallel_loop3A_448, %parallel_loop3A_79 : vector<16xi32>
        %parallel_loop3A_451 = arith.select %parallel_loop3A_450, %parallel_loop3A_449, %parallel_loop3A_102 : vector<16xi1>, vector<16xf32>
        %parallel_loop3A_452 = arith.addf %parallel_loop3A_424, %parallel_loop3A_451 : vector<16xf32>
        %parallel_loop3A_453 = arith.constant 49 : i32
        %parallel_loop3A_454 = vector.broadcast %parallel_loop3A_453 : i32 to vector<16xi32>
        %parallel_loop3A_455 = arith.xori %parallel_loop3A_96, %parallel_loop3A_454 : vector<16xi32>
        %parallel_loop3A_456 = tpu.vector_load_idx %arg7[%parallel_loop3A_89, %parallel_loop3A_455] : memref<256x64xf32, #tpu.memory_space<vmem>>[vector<16xi32>, vector<16xi32>], vector<16xf32>,
        %parallel_loop3A_457 = arith.cmpi sgt, %parallel_loop3A_455, %parallel_loop3A_79 : vector<16xi32>
        %parallel_loop3A_458 = arith.select %parallel_loop3A_457, %parallel_loop3A_456, %parallel_loop3A_102 : vector<16xi1>, vector<16xf32>
        %parallel_loop3A_459 = arith.addf %parallel_loop3A_431, %parallel_loop3A_458 : vector<16xf32>
        %parallel_loop3A_460 = arith.constant 50 : i32
        %parallel_loop3A_461 = vector.broadcast %parallel_loop3A_460 : i32 to vector<16xi32>
        %parallel_loop3A_462 = arith.xori %parallel_loop3A_96, %parallel_loop3A_461 : vector<16xi32>
        %parallel_loop3A_463 = tpu.vector_load_idx %arg7[%parallel_loop3A_89, %parallel_loop3A_462] : memref<256x64xf32, #tpu.memory_space<vmem>>[vector<16xi32>, vector<16xi32>], vector<16xf32>,
        %parallel_loop3A_464 = arith.cmpi sgt, %parallel_loop3A_462, %parallel_loop3A_79 : vector<16xi32>
        %parallel_loop3A_465 = arith.select %parallel_loop3A_464, %parallel_loop3A_463, %parallel_loop3A_102 : vector<16xi1>, vector<16xf32>
        %parallel_loop3A_466 = arith.addf %parallel_loop3A_438, %parallel_loop3A_465 : vector<16xf32>
        %parallel_loop3A_467 = arith.constant 51 : i32
        %parallel_loop3A_468 = vector.broadcast %parallel_loop3A_467 : i32 to vector<16xi32>
        %parallel_loop3A_469 = arith.xori %parallel_loop3A_96, %parallel_loop3A_468 : vector<16xi32>
        %parallel_loop3A_470 = tpu.vector_load_idx %arg7[%parallel_loop3A_89, %parallel_loop3A_469] : memref<256x64xf32, #tpu.memory_space<vmem>>[vector<16xi32>, vector<16xi32>], vector<16xf32>,
        %parallel_loop3A_471 = arith.cmpi sgt, %parallel_loop3A_469, %parallel_loop3A_79 : vector<16xi32>
        %parallel_loop3A_472 = arith.select %parallel_loop3A_471, %parallel_loop3A_470, %parallel_loop3A_102 : vector<16xi1>, vector<16xf32>
        %parallel_loop3A_473 = arith.addf %parallel_loop3A_445, %parallel_loop3A_472 : vector<16xf32>
        %parallel_loop3A_474 = arith.constant 52 : i32
        %parallel_loop3A_475 = vector.broadcast %parallel_loop3A_474 : i32 to vector<16xi32>
        %parallel_loop3A_476 = arith.xori %parallel_loop3A_96, %parallel_loop3A_475 : vector<16xi32>
        %parallel_loop3A_477 = tpu.vector_load_idx %arg7[%parallel_loop3A_89, %parallel_loop3A_476] : memref<256x64xf32, #tpu.memory_space<vmem>>[vector<16xi32>, vector<16xi32>], vector<16xf32>,
        %parallel_loop3A_478 = arith.cmpi sgt, %parallel_loop3A_476, %parallel_loop3A_79 : vector<16xi32>
        %parallel_loop3A_479 = arith.select %parallel_loop3A_478, %parallel_loop3A_477, %parallel_loop3A_102 : vector<16xi1>, vector<16xf32>
        %parallel_loop3A_480 = arith.addf %parallel_loop3A_452, %parallel_loop3A_479 : vector<16xf32>
        %parallel_loop3A_481 = arith.constant 53 : i32
        %parallel_loop3A_482 = vector.broadcast %parallel_loop3A_481 : i32 to vector<16xi32>
        %parallel_loop3A_483 = arith.xori %parallel_loop3A_96, %parallel_loop3A_482 : vector<16xi32>
        %parallel_loop3A_484 = tpu.vector_load_idx %arg7[%parallel_loop3A_89, %parallel_loop3A_483] : memref<256x64xf32, #tpu.memory_space<vmem>>[vector<16xi32>, vector<16xi32>], vector<16xf32>,
        %parallel_loop3A_485 = arith.cmpi sgt, %parallel_loop3A_483, %parallel_loop3A_79 : vector<16xi32>
        %parallel_loop3A_486 = arith.select %parallel_loop3A_485, %parallel_loop3A_484, %parallel_loop3A_102 : vector<16xi1>, vector<16xf32>
        %parallel_loop3A_487 = arith.addf %parallel_loop3A_459, %parallel_loop3A_486 : vector<16xf32>
        %parallel_loop3A_488 = arith.constant 54 : i32
        %parallel_loop3A_489 = vector.broadcast %parallel_loop3A_488 : i32 to vector<16xi32>
        %parallel_loop3A_490 = arith.xori %parallel_loop3A_96, %parallel_loop3A_489 : vector<16xi32>
        %parallel_loop3A_491 = tpu.vector_load_idx %arg7[%parallel_loop3A_89, %parallel_loop3A_490] : memref<256x64xf32, #tpu.memory_space<vmem>>[vector<16xi32>, vector<16xi32>], vector<16xf32>,
        %parallel_loop3A_492 = arith.cmpi sgt, %parallel_loop3A_490, %parallel_loop3A_79 : vector<16xi32>
        %parallel_loop3A_493 = arith.select %parallel_loop3A_492, %parallel_loop3A_491, %parallel_loop3A_102 : vector<16xi1>, vector<16xf32>
        %parallel_loop3A_494 = arith.addf %parallel_loop3A_466, %parallel_loop3A_493 : vector<16xf32>
        %parallel_loop3A_495 = arith.constant 55 : i32
        %parallel_loop3A_496 = vector.broadcast %parallel_loop3A_495 : i32 to vector<16xi32>
        %parallel_loop3A_497 = arith.xori %parallel_loop3A_96, %parallel_loop3A_496 : vector<16xi32>
        %parallel_loop3A_498 = tpu.vector_load_idx %arg7[%parallel_loop3A_89, %parallel_loop3A_497] : memref<256x64xf32, #tpu.memory_space<vmem>>[vector<16xi32>, vector<16xi32>], vector<16xf32>,
        %parallel_loop3A_499 = arith.cmpi sgt, %parallel_loop3A_497, %parallel_loop3A_79 : vector<16xi32>
        %parallel_loop3A_500 = arith.select %parallel_loop3A_499, %parallel_loop3A_498, %parallel_loop3A_102 : vector<16xi1>, vector<16xf32>
        %parallel_loop3A_501 = arith.addf %parallel_loop3A_473, %parallel_loop3A_500 : vector<16xf32>
        %parallel_loop3A_502 = arith.constant 56 : i32
        %parallel_loop3A_503 = vector.broadcast %parallel_loop3A_502 : i32 to vector<16xi32>
        %parallel_loop3A_504 = arith.xori %parallel_loop3A_96, %parallel_loop3A_503 : vector<16xi32>
        %parallel_loop3A_505 = tpu.vector_load_idx %arg7[%parallel_loop3A_89, %parallel_loop3A_504] : memref<256x64xf32, #tpu.memory_space<vmem>>[vector<16xi32>, vector<16xi32>], vector<16xf32>,
        %parallel_loop3A_506 = arith.cmpi sgt, %parallel_loop3A_504, %parallel_loop3A_79 : vector<16xi32>
        %parallel_loop3A_507 = arith.select %parallel_loop3A_506, %parallel_loop3A_505, %parallel_loop3A_102 : vector<16xi1>, vector<16xf32>
        %parallel_loop3A_508 = arith.addf %parallel_loop3A_480, %parallel_loop3A_507 : vector<16xf32>
        %parallel_loop3A_509 = arith.constant 57 : i32
        %parallel_loop3A_510 = vector.broadcast %parallel_loop3A_509 : i32 to vector<16xi32>
        %parallel_loop3A_511 = arith.xori %parallel_loop3A_96, %parallel_loop3A_510 : vector<16xi32>
        %parallel_loop3A_512 = tpu.vector_load_idx %arg7[%parallel_loop3A_89, %parallel_loop3A_511] : memref<256x64xf32, #tpu.memory_space<vmem>>[vector<16xi32>, vector<16xi32>], vector<16xf32>,
        %parallel_loop3A_513 = arith.cmpi sgt, %parallel_loop3A_511, %parallel_loop3A_79 : vector<16xi32>
        %parallel_loop3A_514 = arith.select %parallel_loop3A_513, %parallel_loop3A_512, %parallel_loop3A_102 : vector<16xi1>, vector<16xf32>
        %parallel_loop3A_515 = arith.addf %parallel_loop3A_487, %parallel_loop3A_514 : vector<16xf32>
        %parallel_loop3A_516 = arith.constant 58 : i32
        %parallel_loop3A_517 = vector.broadcast %parallel_loop3A_516 : i32 to vector<16xi32>
        %parallel_loop3A_518 = arith.xori %parallel_loop3A_96, %parallel_loop3A_517 : vector<16xi32>
        %parallel_loop3A_519 = tpu.vector_load_idx %arg7[%parallel_loop3A_89, %parallel_loop3A_518] : memref<256x64xf32, #tpu.memory_space<vmem>>[vector<16xi32>, vector<16xi32>], vector<16xf32>,
        %parallel_loop3A_520 = arith.cmpi sgt, %parallel_loop3A_518, %parallel_loop3A_79 : vector<16xi32>
        %parallel_loop3A_521 = arith.select %parallel_loop3A_520, %parallel_loop3A_519, %parallel_loop3A_102 : vector<16xi1>, vector<16xf32>
        %parallel_loop3A_522 = arith.addf %parallel_loop3A_494, %parallel_loop3A_521 : vector<16xf32>
        %parallel_loop3A_523 = arith.constant 59 : i32
        %parallel_loop3A_524 = vector.broadcast %parallel_loop3A_523 : i32 to vector<16xi32>
        %parallel_loop3A_525 = arith.xori %parallel_loop3A_96, %parallel_loop3A_524 : vector<16xi32>
        %parallel_loop3A_526 = tpu.vector_load_idx %arg7[%parallel_loop3A_89, %parallel_loop3A_525] : memref<256x64xf32, #tpu.memory_space<vmem>>[vector<16xi32>, vector<16xi32>], vector<16xf32>,
        %parallel_loop3A_527 = arith.cmpi sgt, %parallel_loop3A_525, %parallel_loop3A_79 : vector<16xi32>
        %parallel_loop3A_528 = arith.select %parallel_loop3A_527, %parallel_loop3A_526, %parallel_loop3A_102 : vector<16xi1>, vector<16xf32>
        %parallel_loop3A_529 = arith.addf %parallel_loop3A_501, %parallel_loop3A_528 : vector<16xf32>
        %parallel_loop3A_530 = arith.constant 60 : i32
        %parallel_loop3A_531 = vector.broadcast %parallel_loop3A_530 : i32 to vector<16xi32>
        %parallel_loop3A_532 = arith.xori %parallel_loop3A_96, %parallel_loop3A_531 : vector<16xi32>
        %parallel_loop3A_533 = tpu.vector_load_idx %arg7[%parallel_loop3A_89, %parallel_loop3A_532] : memref<256x64xf32, #tpu.memory_space<vmem>>[vector<16xi32>, vector<16xi32>], vector<16xf32>,
        %parallel_loop3A_534 = arith.cmpi sgt, %parallel_loop3A_532, %parallel_loop3A_79 : vector<16xi32>
        %parallel_loop3A_535 = arith.select %parallel_loop3A_534, %parallel_loop3A_533, %parallel_loop3A_102 : vector<16xi1>, vector<16xf32>
        %parallel_loop3A_536 = arith.addf %parallel_loop3A_508, %parallel_loop3A_535 : vector<16xf32>
        %parallel_loop3A_537 = arith.constant 61 : i32
        %parallel_loop3A_538 = vector.broadcast %parallel_loop3A_537 : i32 to vector<16xi32>
        %parallel_loop3A_539 = arith.xori %parallel_loop3A_96, %parallel_loop3A_538 : vector<16xi32>
        %parallel_loop3A_540 = tpu.vector_load_idx %arg7[%parallel_loop3A_89, %parallel_loop3A_539] : memref<256x64xf32, #tpu.memory_space<vmem>>[vector<16xi32>, vector<16xi32>], vector<16xf32>,
        %parallel_loop3A_541 = arith.cmpi sgt, %parallel_loop3A_539, %parallel_loop3A_79 : vector<16xi32>
        %parallel_loop3A_542 = arith.select %parallel_loop3A_541, %parallel_loop3A_540, %parallel_loop3A_102 : vector<16xi1>, vector<16xf32>
        %parallel_loop3A_543 = arith.addf %parallel_loop3A_515, %parallel_loop3A_542 : vector<16xf32>
        %parallel_loop3A_544 = arith.constant 62 : i32
        %parallel_loop3A_545 = vector.broadcast %parallel_loop3A_544 : i32 to vector<16xi32>
        %parallel_loop3A_546 = arith.xori %parallel_loop3A_96, %parallel_loop3A_545 : vector<16xi32>
        %parallel_loop3A_547 = tpu.vector_load_idx %arg7[%parallel_loop3A_89, %parallel_loop3A_546] : memref<256x64xf32, #tpu.memory_space<vmem>>[vector<16xi32>, vector<16xi32>], vector<16xf32>,
        %parallel_loop3A_548 = arith.cmpi sgt, %parallel_loop3A_546, %parallel_loop3A_79 : vector<16xi32>
        %parallel_loop3A_549 = arith.select %parallel_loop3A_548, %parallel_loop3A_547, %parallel_loop3A_102 : vector<16xi1>, vector<16xf32>
        %parallel_loop3A_550 = arith.addf %parallel_loop3A_522, %parallel_loop3A_549 : vector<16xf32>
        %parallel_loop3A_551 = arith.constant 63 : i32
        %parallel_loop3A_552 = vector.broadcast %parallel_loop3A_551 : i32 to vector<16xi32>
        %parallel_loop3A_553 = arith.xori %parallel_loop3A_96, %parallel_loop3A_552 : vector<16xi32>
        %parallel_loop3A_554 = tpu.vector_load_idx %arg7[%parallel_loop3A_89, %parallel_loop3A_553] : memref<256x64xf32, #tpu.memory_space<vmem>>[vector<16xi32>, vector<16xi32>], vector<16xf32>,
        %parallel_loop3A_555 = arith.cmpi sgt, %parallel_loop3A_553, %parallel_loop3A_79 : vector<16xi32>
        %parallel_loop3A_556 = arith.select %parallel_loop3A_555, %parallel_loop3A_554, %parallel_loop3A_102 : vector<16xi1>, vector<16xf32>
        %parallel_loop3A_557 = arith.addf %parallel_loop3A_529, %parallel_loop3A_556 : vector<16xf32>
        %parallel_loop3A_558 = arith.addf %parallel_loop3A_536, %parallel_loop3A_543 : vector<16xf32>
        %parallel_loop3A_559 = arith.addf %parallel_loop3A_550, %parallel_loop3A_557 : vector<16xf32>
        %parallel_loop3A_560 = arith.addf %parallel_loop3A_558, %parallel_loop3A_559 : vector<16xf32>
        %parallel_loop3A_561 = arith.constant 0 : i32
        %parallel_loop3A_562 = vector.broadcast %parallel_loop3A_561 : i32 to vector<16xi32>
        %parallel_loop3A_563 = arith.cmpi eq, %parallel_loop3A_83, %parallel_loop3A_562 : vector<16xi32>
        %parallel_loop3A_564 = arith.select %parallel_loop3A_563, %parallel_loop3A_100, %parallel_loop3A_560 : vector<16xi1>, vector<16xf32>
        %parallel_loop3A_565 = arith.constant 1.000000e+00 : f32
        %parallel_loop3A_566 = arith.constant 5.000000e-01 : f32
        %parallel_loop3A_567 = vector.broadcast %parallel_loop3A_565 : f32 to vector<16xf32>
        %parallel_loop3A_568 = vector.broadcast %parallel_loop3A_566 : f32 to vector<16xf32>
        %parallel_loop3A_569 = arith.select %parallel_loop3A_563, %parallel_loop3A_567, %parallel_loop3A_568 : vector<16xi1>, vector<16xf32>
        %parallel_loop3A_570 = tpu.bitcast %parallel_loop3A_564 : vector<16xf32> -> vector<16xi32>
        %parallel_loop3A_571 = arith.constant 23 : i32
        %parallel_loop3A_572 = vector.broadcast %parallel_loop3A_571 : i32 to vector<16xi32>
        %parallel_loop3A_573 = arith.shrsi %parallel_loop3A_570, %parallel_loop3A_572 : vector<16xi32>
        %parallel_loop3A_574 = arith.constant 126 : i32
        %parallel_loop3A_575 = vector.broadcast %parallel_loop3A_574 : i32 to vector<16xi32>
        %parallel_loop3A_576 = arith.subi %parallel_loop3A_573, %parallel_loop3A_575 : vector<16xi32>
        %parallel_loop3A_577 = arith.constant 8388607 : i32
        %parallel_loop3A_578 = vector.broadcast %parallel_loop3A_577 : i32 to vector<16xi32>
        %parallel_loop3A_579 = arith.andi %parallel_loop3A_570, %parallel_loop3A_578 : vector<16xi32>
        %parallel_loop3A_580 = arith.constant 1056964608 : i32
        %parallel_loop3A_581 = vector.broadcast %parallel_loop3A_580 : i32 to vector<16xi32>
        %parallel_loop3A_582 = arith.ori %parallel_loop3A_579, %parallel_loop3A_581 : vector<16xi32>
        %parallel_loop3A_583 = tpu.bitcast %parallel_loop3A_582 : vector<16xi32> -> vector<16xf32>
        %parallel_loop3A_584 = arith.constant 0.707106769 : f32
        %parallel_loop3A_585 = vector.broadcast %parallel_loop3A_584 : f32 to vector<16xf32>
        %parallel_loop3A_586 = arith.cmpf olt, %parallel_loop3A_583, %parallel_loop3A_585 : vector<16xf32>
        %parallel_loop3A_587 = arith.extui %parallel_loop3A_586 : vector<16xi1> to vector<16xi32>
        %parallel_loop3A_588 = arith.subi %parallel_loop3A_576, %parallel_loop3A_587 : vector<16xi32>
        %parallel_loop3A_589 = arith.addf %parallel_loop3A_583, %parallel_loop3A_583 : vector<16xf32>
        %parallel_loop3A_590 = arith.constant 1.000000e+00 : f32
        %parallel_loop3A_591 = vector.broadcast %parallel_loop3A_590 : f32 to vector<16xf32>
        %parallel_loop3A_592 = arith.subf %parallel_loop3A_589, %parallel_loop3A_591 : vector<16xf32>
        %parallel_loop3A_593 = arith.constant 1.000000e+00 : f32
        %parallel_loop3A_594 = vector.broadcast %parallel_loop3A_593 : f32 to vector<16xf32>
        %parallel_loop3A_595 = arith.subf %parallel_loop3A_583, %parallel_loop3A_594 : vector<16xf32>
        %parallel_loop3A_596 = arith.select %parallel_loop3A_586, %parallel_loop3A_592, %parallel_loop3A_595 : vector<16xi1>, vector<16xf32>
        %parallel_loop3A_597 = arith.mulf %parallel_loop3A_596, %parallel_loop3A_596 : vector<16xf32>
        %parallel_loop3A_598 = arith.constant 0.0703768358 : f32
        %parallel_loop3A_599 = vector.broadcast %parallel_loop3A_598 : f32 to vector<16xf32>
        %parallel_loop3A_600 = arith.mulf %parallel_loop3A_599, %parallel_loop3A_596 : vector<16xf32>
        %parallel_loop3A_601 = arith.constant -0.115146101 : f32
        %parallel_loop3A_602 = vector.broadcast %parallel_loop3A_601 : f32 to vector<16xf32>
        %parallel_loop3A_603 = arith.addf %parallel_loop3A_600, %parallel_loop3A_602 : vector<16xf32>
        %parallel_loop3A_604 = arith.mulf %parallel_loop3A_603, %parallel_loop3A_596 : vector<16xf32>
        %parallel_loop3A_605 = arith.constant 0.116769984 : f32
        %parallel_loop3A_606 = vector.broadcast %parallel_loop3A_605 : f32 to vector<16xf32>
        %parallel_loop3A_607 = arith.addf %parallel_loop3A_604, %parallel_loop3A_606 : vector<16xf32>
        %parallel_loop3A_608 = arith.mulf %parallel_loop3A_607, %parallel_loop3A_596 : vector<16xf32>
        %parallel_loop3A_609 = arith.constant -0.12420141 : f32
        %parallel_loop3A_610 = vector.broadcast %parallel_loop3A_609 : f32 to vector<16xf32>
        %parallel_loop3A_611 = arith.addf %parallel_loop3A_608, %parallel_loop3A_610 : vector<16xf32>
        %parallel_loop3A_612 = arith.mulf %parallel_loop3A_611, %parallel_loop3A_596 : vector<16xf32>
        %parallel_loop3A_613 = arith.constant 0.142493233 : f32
        %parallel_loop3A_614 = vector.broadcast %parallel_loop3A_613 : f32 to vector<16xf32>
        %parallel_loop3A_615 = arith.addf %parallel_loop3A_612, %parallel_loop3A_614 : vector<16xf32>
        %parallel_loop3A_616 = arith.mulf %parallel_loop3A_615, %parallel_loop3A_596 : vector<16xf32>
        %parallel_loop3A_617 = arith.constant -0.166680574 : f32
        %parallel_loop3A_618 = vector.broadcast %parallel_loop3A_617 : f32 to vector<16xf32>
        %parallel_loop3A_619 = arith.addf %parallel_loop3A_616, %parallel_loop3A_618 : vector<16xf32>
        %parallel_loop3A_620 = arith.mulf %parallel_loop3A_619, %parallel_loop3A_596 : vector<16xf32>
        %parallel_loop3A_621 = arith.constant 0.200007141 : f32
        %parallel_loop3A_622 = vector.broadcast %parallel_loop3A_621 : f32 to vector<16xf32>
        %parallel_loop3A_623 = arith.addf %parallel_loop3A_620, %parallel_loop3A_622 : vector<16xf32>
        %parallel_loop3A_624 = arith.mulf %parallel_loop3A_623, %parallel_loop3A_596 : vector<16xf32>
        %parallel_loop3A_625 = arith.constant -0.24999994 : f32
        %parallel_loop3A_626 = vector.broadcast %parallel_loop3A_625 : f32 to vector<16xf32>
        %parallel_loop3A_627 = arith.addf %parallel_loop3A_624, %parallel_loop3A_626 : vector<16xf32>
        %parallel_loop3A_628 = arith.mulf %parallel_loop3A_627, %parallel_loop3A_596 : vector<16xf32>
        %parallel_loop3A_629 = arith.constant 0.333333313 : f32
        %parallel_loop3A_630 = vector.broadcast %parallel_loop3A_629 : f32 to vector<16xf32>
        %parallel_loop3A_631 = arith.addf %parallel_loop3A_628, %parallel_loop3A_630 : vector<16xf32>
        %parallel_loop3A_632 = arith.mulf %parallel_loop3A_631, %parallel_loop3A_596 : vector<16xf32>
        %parallel_loop3A_633 = arith.mulf %parallel_loop3A_632, %parallel_loop3A_597 : vector<16xf32>
        %parallel_loop3A_634 = arith.sitofp %parallel_loop3A_588 : vector<16xi32> to vector<16xf32>
        %parallel_loop3A_635 = arith.constant -2.12194442E-4 : f32
        %parallel_loop3A_636 = vector.broadcast %parallel_loop3A_635 : f32 to vector<16xf32>
        %parallel_loop3A_637 = arith.mulf %parallel_loop3A_634, %parallel_loop3A_636 : vector<16xf32>
        %parallel_loop3A_638 = arith.addf %parallel_loop3A_633, %parallel_loop3A_637 : vector<16xf32>
        %parallel_loop3A_639 = arith.constant 5.000000e-01 : f32
        %parallel_loop3A_640 = vector.broadcast %parallel_loop3A_639 : f32 to vector<16xf32>
        %parallel_loop3A_641 = arith.mulf %parallel_loop3A_640, %parallel_loop3A_597 : vector<16xf32>
        %parallel_loop3A_642 = arith.subf %parallel_loop3A_638, %parallel_loop3A_641 : vector<16xf32>
        %parallel_loop3A_643 = arith.addf %parallel_loop3A_596, %parallel_loop3A_642 : vector<16xf32>
        %parallel_loop3A_644 = arith.constant 0.693359375 : f32
        %parallel_loop3A_645 = vector.broadcast %parallel_loop3A_644 : f32 to vector<16xf32>
        %parallel_loop3A_646 = arith.mulf %parallel_loop3A_634, %parallel_loop3A_645 : vector<16xf32>
        %parallel_loop3A_647 = arith.addf %parallel_loop3A_643, %parallel_loop3A_646 : vector<16xf32>
        %parallel_loop3A_648 = arith.mulf %parallel_loop3A_569, %parallel_loop3A_647 : vector<16xf32>
        %parallel_loop3A_649 = arith.addf %parallel_loop3A_75, %parallel_loop3A_648 : vector<16xf32>
        scf.yield %parallel_loop3A_649 : vector<16xf32>
      } {sc.loop_unroll_factor = 1 : i64, sc.parallel_access}
      scf.yield %parallel_loop3A_73 : vector<16xf32>
    }
    %scan3A_20 = arith.constant 16 : i32
    %swap3A_21 = arith.constant 0 : index
    %swap3A_22 = tpu.vector_load %arg12[%swap3A_21] {strides = array<i32>} : memref<16xf32, #tpu.memory_space<vmem>>, vector<16xf32>,
    tpu.vector_store %arg12[%swap3A_21], %scan3A_19 {strides = array<i32>} : memref<16xf32, #tpu.memory_space<vmem>>, vector<16xf32>,
    %mul3A_23 = arith.constant 16 : i32
    %mul3A_24 = arith.muli %add3A, %mul3A_23 : i32
    "tpu.region"() ({
      %run_scoped3A = tpu.sem_alloc : memref<!tpu.dma_semaphore, #tpu.memory_space<semaphore_mem>>
      %dma_start3A_25 = tpu.memref_slice %arg5[%mul3A_24] : memref<512xf32, #tpu.memory_space<hbm>> -> memref<16xf32, #tpu.memory_space<hbm>>
      %dma_start3A_26 = tpu.memref_slice %arg5[%mul3A_24] : memref<512xf32, #tpu.memory_space<hbm>> -> memref<16xf32, #tpu.memory_space<hbm>>
      tpu.enqueue_dma source(%arg12 : memref<16xf32, #tpu.memory_space<vmem>>) target(%dma_start3A_26 : memref<16xf32, #tpu.memory_space<hbm>>) target_semaphore(%run_scoped3A : memref<!tpu.dma_semaphore, #tpu.memory_space<semaphore_mem>>)
      %dma_wait3A = tpu.memref_slice %arg5[%mul3A_24] : memref<512xf32, #tpu.memory_space<hbm>> -> memref<16xf32, #tpu.memory_space<hbm>>
      %dma_wait3A_27 = tpu.memref_slice %arg5[%mul3A_24] : memref<512xf32, #tpu.memory_space<hbm>> -> memref<16xf32, #tpu.memory_space<hbm>>
      tpu.wait_dma2 semaphore(%run_scoped3A : memref<!tpu.dma_semaphore, #tpu.memory_space<semaphore_mem>>) src(%arg12 : memref<16xf32, #tpu.memory_space<vmem>>) dst(%dma_wait3A_27 : memref<16xf32, #tpu.memory_space<hbm>>)
      tpu.yield
    }) : () -> ()
    return
  }
}

module attributes {stable_mosaic.version = 14 : i64} {
  func.func @_tc_body(%arg0: i32, %arg1: memref<1x1x8192xi32, #tpu.memory_space<vmem>>, %arg2: memref<8192x64xf32, #tpu.memory_space<vmem>>, %arg3: memref<1x1xf32, #tpu.memory_space<vmem>>) attributes {dimension_semantics = [#tpu.dimension_semantics<arbitrary>], iteration_bounds = array<i64: 96>, scalar_prefetch = 0 : i64, scratch_operands = 0 : i64, tpu.core_type = #tpu.core_type<tc>, window_params = [{transform_indices = @transform_0, window_bounds = array<i64: 1, 1, 8192>}, {transform_indices = @transform_1, window_bounds = array<i64: 8192, 64>}, {pipeline_mode = #tpu.pipeline_mode<synchronous>, transform_indices = @transform_2, window_bounds = array<i64: 1, 1>}]} {
    %get3A = arith.constant 0 : index
    %get3A_0 = arith.constant 0 : index
    %get3A_1 = arith.constant 0 : index
    %get3A_2 = vector.load %arg1[%get3A, %get3A_0, %get3A_1] : memref<1x1x8192xi32, #tpu.memory_space<vmem>>, vector<1x1x8192xi32>
    %get3A_3 = vector.shape_cast %get3A_2 : vector<1x1x8192xi32> to vector<1x8192xi32>
    %and3A = arith.constant 63 : i32
    %and3A_4 = vector.broadcast %and3A : i32 to vector<1x8192xi32>
    %and3A_5 = arith.andi %get3A_3, %and3A_4 : vector<1x8192xi32>
    %shift_right_arithmetic3A = arith.constant 6 : i32
    %shift_right_arithmetic3A_6 = vector.broadcast %shift_right_arithmetic3A : i32 to vector<1x8192xi32>
    %shift_right_arithmetic3A_7 = arith.shrsi %get3A_3, %shift_right_arithmetic3A_6 : vector<1x8192xi32>
    %get3A_8 = arith.constant 0 : index
    %get3A_9 = arith.constant 0 : index
    %get3A_10 = vector.load %arg2[%get3A_8, %get3A_9] : memref<8192x64xf32, #tpu.memory_space<vmem>>, vector<8192x64xf32>
    %transpose3A = tpu.transpose %get3A_10, [1, 0] : vector<8192x64xf32> -> vector<64x8192xf32>
    %iota3A = tpu.iota {dimensions = array<i32: 0>} : vector<64x8192xi32>
    %gt3A = vector.broadcast %and3A_5 : vector<1x8192xi32> to vector<64x8192xi32>
    %gt3A_11 = arith.cmpi sgt, %iota3A, %gt3A : vector<64x8192xi32>
    %jit3A = arith.constant 0.000000e+00 : f32
    %broadcast_in_dim3A = vector.broadcast %jit3A : f32 to vector<64x8192xf32>
    %select_n3A = arith.select %gt3A_11, %transpose3A, %broadcast_in_dim3A : vector<64x8192xi1>, vector<64x8192xf32>
    %reduce_sum3A = arith.constant dense<0.000000e+00> : vector<8192xf32>
    %reduce_sum3A_12 = vector.multi_reduction <add>, %select_n3A, %reduce_sum3A [0] : vector<64x8192xf32> to vector<8192xf32>
    %broadcast_in_dim3A_13 = vector.shape_cast %reduce_sum3A_12 : vector<8192xf32> to vector<1x8192xf32>
    %sub3A = arith.constant 63 : i32
    %sub3A_14 = vector.broadcast %sub3A : i32 to vector<1x8192xi32>
    %sub3A_15 = arith.subi %sub3A_14, %and3A_5 : vector<1x8192xi32>
    %convert_element_type3A = arith.sitofp %sub3A_15 : vector<1x8192xi32> to vector<1x8192xf32>
    %mul3A = arith.constant 1.000000e-10 : f32
    %mul3A_16 = vector.broadcast %mul3A : f32 to vector<1x8192xf32>
    %mul3A_17 = arith.mulf %convert_element_type3A, %mul3A_16 : vector<1x8192xf32>
    %add3A = arith.addf %broadcast_in_dim3A_13, %mul3A_17 : vector<1x8192xf32>
    %eq3A = vector.broadcast %and3A_5 : vector<1x8192xi32> to vector<64x8192xi32>
    %eq3A_18 = arith.cmpi eq, %iota3A, %eq3A : vector<64x8192xi32>
    %jit3A_19 = arith.constant 0.000000e+00 : f32
    %broadcast_in_dim3A_20 = vector.broadcast %jit3A_19 : f32 to vector<64x8192xf32>
    %select_n3A_21 = arith.select %eq3A_18, %transpose3A, %broadcast_in_dim3A_20 : vector<64x8192xi1>, vector<64x8192xf32>
    %reduce_sum3A_22 = arith.constant dense<0.000000e+00> : vector<8192xf32>
    %reduce_sum3A_23 = vector.multi_reduction <add>, %select_n3A_21, %reduce_sum3A_22 [0] : vector<64x8192xf32> to vector<8192xf32>
    %broadcast_in_dim3A_24 = vector.shape_cast %reduce_sum3A_23 : vector<8192xf32> to vector<1x8192xf32>
    %add3A_25 = arith.constant 1.000000e-10 : f32
    %add3A_26 = vector.broadcast %add3A_25 : f32 to vector<1x8192xf32>
    %add3A_27 = arith.addf %broadcast_in_dim3A_24, %add3A_26 : vector<1x8192xf32>
    %eq3A_28 = arith.constant 0 : i32
    %eq3A_29 = vector.broadcast %eq3A_28 : i32 to vector<1x8192xi32>
    %eq3A_30 = arith.cmpi eq, %shift_right_arithmetic3A_7, %eq3A_29 : vector<1x8192xi32>
    %select_n3A_31 = arith.select %eq3A_30, %add3A_27, %add3A : vector<1x8192xi1>, vector<1x8192xf32>
    %jit3A_32 = arith.constant 1.000000e+00 : f32
    %jit3A_33 = arith.constant 5.000000e-01 : f32
    %broadcast_in_dim3A_34 = vector.broadcast %jit3A_32 : f32 to vector<1x8192xf32>
    %broadcast_in_dim3A_35 = vector.broadcast %jit3A_33 : f32 to vector<1x8192xf32>
    %select_n3A_36 = arith.select %eq3A_30, %broadcast_in_dim3A_34, %broadcast_in_dim3A_35 : vector<1x8192xi1>, vector<1x8192xf32>
    %log3A = math.log %select_n3A_31 : vector<1x8192xf32>
    %mul3A_37 = arith.mulf %select_n3A_36, %log3A : vector<1x8192xf32>
    %reduce_sum3A_38 = vector.shape_cast %mul3A_37 : vector<1x8192xf32> to vector<1x1x8192xf32>
    %reduce_sum3A_39 = arith.constant dense<0.000000e+00> : vector<1xf32>
    %reduce_sum3A_40 = vector.multi_reduction <add>, %reduce_sum3A_38, %reduce_sum3A_39 [1, 2] : vector<1x1x8192xf32> to vector<1xf32>
    %reduce_sum3A_41 = vector.shape_cast %reduce_sum3A_40 : vector<1xf32> to vector<1x1x1xf32>
    %reduce_sum3A_42 = vector.extract %reduce_sum3A_41[0, 0, 0] : f32 from vector<1x1x1xf32>
    %eq3A_43 = arith.constant 0 : i32
    %eq3A_44 = arith.cmpi eq, %arg0, %eq3A_43 : i32
    %convert_element_type3A_45 = arith.extui %eq3A_44 : i1 to i32
    %cond3A = arith.constant 0 : i32
    %cond3A_46 = arith.cmpi ne, %convert_element_type3A_45, %cond3A : i32
    scf.if %cond3A_46 {
      %broadcast_in_dim3A_53 = arith.constant 0.000000e+00 : f32
      %broadcast_in_dim3A_54 = vector.broadcast %broadcast_in_dim3A_53 : f32 to vector<1x1xf32>
      %swap3A_55 = arith.constant 0 : index
      %swap3A_56 = arith.constant 0 : index
      %swap3A_57 = vector.load %arg3[%swap3A_55, %swap3A_56] : memref<1x1xf32, #tpu.memory_space<vmem>>, vector<1x1xf32>
      tpu.vector_store %arg3[%swap3A_55, %swap3A_56], %broadcast_in_dim3A_54 {strides = array<i32>} : memref<1x1xf32, #tpu.memory_space<vmem>>, vector<1x1xf32>,
    } else {
    }
    %get3A_47 = arith.constant 0 : index
    %get3A_48 = arith.constant 0 : index
    %get3A_49 = vector.load %arg3[%get3A_47, %get3A_48] : memref<1x1xf32, #tpu.memory_space<vmem>>, vector<1x1xf32>
    %reshape3A = vector.broadcast %reduce_sum3A_42 : f32 to vector<1x1xf32>
    %add3A_50 = arith.addf %get3A_49, %reshape3A : vector<1x1xf32>
    %swap3A = arith.constant 0 : index
    %swap3A_51 = arith.constant 0 : index
    %swap3A_52 = vector.load %arg3[%swap3A, %swap3A_51] : memref<1x1xf32, #tpu.memory_space<vmem>>, vector<1x1xf32>
    tpu.vector_store %arg3[%swap3A, %swap3A_51], %add3A_50 {strides = array<i32>} : memref<1x1xf32, #tpu.memory_space<vmem>>, vector<1x1xf32>,
    return
  }
  func.func @transform_0(%arg0: i32) -> (i32, i32, i32) {
    %c0_i32 = arith.constant 0 : i32
    %c0_i32_0 = arith.constant 0 : i32
    %c0_i32_1 = arith.constant 0 : i32
    return %arg0, %c0_i32, %c0_i32_0 : i32, i32, i32
  }
  func.func @transform_1(%arg0: i32) -> (i32, i32) {
    %c0_i32 = arith.constant 0 : i32
    %c0_i32_0 = arith.constant 0 : i32
    return %arg0, %c0_i32 : i32, i32
  }
  func.func @transform_2(%arg0: i32) -> (i32, i32) {
    %c0_i32 = arith.constant 0 : i32
    %c0_i32_0 = arith.constant 0 : i32
    %c0_i32_1 = arith.constant 0 : i32
    return %c0_i32, %c0_i32_0 : i32, i32
  }
}

</mosaic_0001>

<sc_bundles>
// kernel: kernel.4.cloned.1.call-start
scs
__scs_entry_jumppad:
0x0: {  	(pc) =	sbr.rel $0x88, $3  }
0x1: {  	(tag) =	ssettag $0x0;
	lr =	simm.s32 $0x1  }
0x2: {  	[smem:$0x3F9E] =	sst lr;
	_ =	strace $0xD0000000  }
0x3: {  	_ = 	snop  }
0x4: {  	_ = 	snop  }
0x5: {  	_ = 	snop  }
0x6: {  	_ = 	snop  }
0x7: {  	_ = 	snop  }
__scs_overlays_trampoline_lowered:
0x8: {  	[smem:$0x3FAD] =	sst s0  }
0x9: {  	[smem:$0x3FAE] =	sst s1  }
0xa: {  	[smem:$0x3FAF] =	sst s2  }
0xb: {  	[smem:$0x3FB0] =	sst s3  }
0xc: {  	[smem:$0x3FB1] =	sst s4  }
0xd: {  	[smem:$0x3FB2] =	sst s5  }
0xe: {  	[smem:$0x3FB3] =	sst s6  }
0xf: {  	[smem:$0x3FB4] =	sst s7  }
0x10: {  	[smem:$0x3FB5] =	sst s8  }
0x11: {  	[smem:$0x3FB6] =	sst s9;
	s0 =	simm.s32 @!p0 $0x0  }
0x12: {  	s1 =	sld [smem:$0x3F9C];
	s0 =	simm.s32 @p0 $0x1  }
0x13: {  	[smem:$0x3FB7] =	sst s0;
	s0 =	simm.s32 @!p1 $0x0  }
0x14: {  	s2 =	sld [smem:$0x3F9B];
	s0 =	simm.s32 @p1 $0x1  }
0x15: {  	[smem:$0x3FB8] =	sst s0;
	s0 =	simm.s32 @!p2 $0x0  }
0x16: {  	s3 =	sld [smem:$0x3FDB];
	s0 =	simm.s32 @p2 $0x1  }
0x17: {  	s4 =	simm.s32 $0x1BF5;
	[smem:$0x3FBA] =	sst s0  }
0x18: {  	s0 =	sld [smem:$0x3F9D];
	_ =	swait.ge [sflag:s4], $0x0  }
0x19: {  	s7 =	sld [smem:$0x3F9E]  }
0x1a: {  	s8 =	sadd.s32 $0xFFFFE003, lr  }
0x1b: {  	s9 =	sadd.s32 $0xFFFFFEF7, lr;
	s5 =	simm.s32 $0xFFFFFFFF;
	p2 =	slt.u32 s8, $0xFFFFF086  }
0x1c: {  	p1 =	slt.u32 s9, $0xF7A;
	s5 =	simm.s32 @!p2 $0x0  }
0x1d: {  	s5 =	simm.s32 @p1 $0x1;
	p0 =	seq.s32 s7, s2  }
0x1e: {  	s7 =	smul.u32 @!p0 $0xF7A, s2;
	p2 =	seq.s32 @!p0 s5, $0x0  }
0x1f: {  	s9 =	smul.u32 $0xF7A, s1;
	s8 =	simm.s32 @!p0 $0x1BF5;
	p2 =	por !p2, p0  }
0x20: {  	[sflag:s8] =	ssyncset.s32 @!p0 $0xFFFFF086;
	s6 =	sadd.s32 @!p0 s3, s7;
	s7 =	simm.s32 @!p0 $0x108  }
0x21: {  	s3 =	sadd.s32 s3, s9;
	s6 =	sadd.s32 @!p0 $0x88, s6;
	s7 =	simm.s32 @p2 $0x1082  }
0x22: {  	[simem:s7], [sflag:s8] =	dma.local @!p0 [hbm:s6], $0xF7A  }
0x23: {  	s9 =	sor.u32 $0xD0000000, s2;
	s6 =	simm.s32 $0x108;
	_ =	swait.ge @!p0 [sflag:s8], $0x0  }
0x24: {  	s3 =	sadd.s32 $0x88, s3;
	s6 =	simm.s32 @!p1 $0x1082;
	[sflag:s4] =	ssyncset.s32 $0xFFFFF086  }
0x25: {  	[simem:s6], [sflag:s4] =	dma.local [hbm:s3], $0xF7A  }
0x26: {  	[smem:$0x3F9E] =	sst s1;
	(tag) =	ssettag s2;
	_ =	strace s9  }
0x27: {  	s1 =	sld [smem:$0x3FAE]  }
0x28: {  	s2 =	sld [smem:$0x3FAF]  }
0x29: {  	s4 =	sld [smem:$0x3FB1]  }
0x2a: {  	p0 =	seq.s32 s5, $0x0;
	s5 =	sld [smem:$0x3FB2]  }
0x2b: {  	s6 =	sld [smem:$0x3FB3]  }
0x2c: {  	s7 =	sld [smem:$0x3FB4]  }
0x2d: {  	s3 =	simm.s32 $0x108;
	s8 =	sld [smem:$0x3FB5]  }
0x2e: {  	s3 =	simm.s32 @!p0 $0x1082;
	s9 =	sld [smem:$0x3FB6]  }
0x2f: {  	lr =	sadd.s32 s0, s3;
	s0 =	sld [smem:$0x3FAD]  }
0x30: {  	s3 =	sld [smem:$0x3FB0]  }
0x31: {  	[smem:$0x3FB9] =	sst s10  }
0x32: {  	s10 =	sld [smem:$0x3FB7];
	_ =	sdelay $0x3  }
0x33: {  	p0 =	seq.s32 s10, $0x1;
	s10 =	sld [smem:$0x3FB9];
	_ =	sdelay $0x3  }
0x34: {  	[smem:$0x3FB9] =	sst s10  }
0x35: {  	s10 =	sld [smem:$0x3FB8];
	_ =	sdelay $0x3  }
0x36: {  	p1 =	seq.s32 s10, $0x1;
	s10 =	sld [smem:$0x3FB9];
	_ =	sdelay $0x3  }
0x37: {  	[smem:$0x3FB9] =	sst s10  }
0x38: {  	s10 =	sld [smem:$0x3FBA]  }
0x39: {  	_ = 	snop;
	(pc) =	sbr.ind lr, $3  }
0x3a: {  	_ = 	snop  }
0x3b: {  	_ = 	snop  }
0x3c: {  	p2 =	seq.s32 s10, $0x1;
	s10 =	sld [smem:$0x3FB9]  }
0x3d: {  	_ =	shalt  }
0x3e: {  	_ =	shalt  }
0x3f: {  	_ =	shalt  }
0x40: {  	_ =	shalt  }
0x41: {  	_ =	shalt  }
0x42: {  	_ =	shalt  }
0x43: {  	_ =	shalt  }
0x44: {  	_ =	shalt  }
0x45: {  	_ =	shalt  }
0x46: {  	_ =	shalt  }
0x47: {  	_ =	shalt  }
0x48: {  	_ =	shalt  }
0x49: {  	_ =	shalt  }
0x4a: {  	_ =	shalt  }
0x4b: {  	_ =	shalt  }
0x4c: {  	_ =	shalt  }
0x4d: {  	_ =	shalt  }
0x4e: {  	_ =	shalt  }
0x4f: {  	_ =	shalt  }
0x50: {  	_ =	shalt  }
0x51: {  	_ =	shalt  }
0x52: {  	_ =	shalt  }
0x53: {  	_ =	shalt  }
0x54: {  	_ =	shalt  }
0x55: {  	_ =	shalt  }
0x56: {  	_ =	shalt  }
0x57: {  	_ =	shalt  }
0x58: {  	_ =	shalt  }
0x59: {  	_ =	shalt  }
0x5a: {  	_ =	shalt  }
0x5b: {  	_ =	shalt  }
0x5c: {  	_ =	shalt  }
0x5d: {  	_ =	shalt  }
0x5e: {  	_ =	shalt  }
0x5f: {  	_ =	shalt  }
0x60: {  	_ =	shalt  }
0x61: {  	_ =	shalt  }
0x62: {  	_ =	shalt  }
0x63: {  	_ =	shalt  }
0x64: {  	_ =	shalt  }
0x65: {  	_ =	shalt  }
0x66: {  	_ =	shalt  }
0x67: {  	_ =	shalt  }
0x68: {  	_ =	shalt  }
0x69: {  	_ =	shalt  }
0x6a: {  	_ =	shalt  }
0x6b: {  	_ =	shalt  }
0x6c: {  	_ =	shalt  }
0x6d: {  	_ =	shalt  }
0x6e: {  	_ =	shalt  }
0x6f: {  	_ =	shalt  }
0x70: {  	_ =	shalt  }
0x71: {  	_ =	shalt  }
0x72: {  	_ =	shalt  }
0x73: {  	_ =	shalt  }
0x74: {  	_ =	shalt  }
0x75: {  	_ =	shalt  }
0x76: {  	_ =	shalt  }
0x77: {  	_ =	shalt  }
0x78: {  	_ =	shalt  }
0x79: {  	_ =	shalt  }
0x7a: {  	_ =	shalt  }
0x7b: {  	_ =	shalt  }
0x7c: {  	_ =	shalt  }
0x7d: {  	_ =	shalt  }
0x7e: {  	_ =	shalt  }
0x7f: {  	_ =	shalt  }
0x80: {  	_ =	shalt  }
0x81: {  	_ =	shalt  }
0x82: {  	_ =	shalt  }
0x83: {  	_ =	shalt  }
0x84: {  	_ =	shalt  }
0x85: {  	_ =	shalt  }
0x86: {  	_ =	shalt  }
0x87: {  	_ =	shalt  }
.Lfunc_end0:
.L_simem_size_0:
called_computation_lowered:
.L_overlay_start_0:
0x88: {  	s2 =	sld [smem:$0x3FD9]  }
0x89: {  	s3 =	sld [smem:$0x3FFE];
	_ =	sdelay $0x1  }
0x8a: {  	s1 =	srdreg.scid  }
0x8b: {  	s0 =	sand.u32 $0x1, s1  }
0x8c: {  	s17 =	sshll.u32 s0, $0xA;
	s2 =	sadd.s32 s3, s2  }
0x8d: {  	s2 =	sadd.s32 s2, s17  }
0x8e: {  	[smem:$0x3FC5] =	sst s2  }
0x8f: {  	_ = 	snop  }
0x90: {  	s2 =	sld [smem:$0x3FC8]  }
0x91: {  	s18 =	sld [smem:$0x3FC7];
	(tm) =	ssettm $0x1  }
0x92: {  	s4 =	sld [smem:$0x3FFB];
	_ =	sdelay $0x3  }
0x93: {  	_ =	strace s4  }
0x94: {  	s4 =	sld [smem:$0x3FFC];
	_ =	sdelay $0x3  }
0x95: {  	_ =	strace s4  }
0x96: {  	s4 =	sld [smem:$0x3FFD];
	_ =	sdelay $0x3  }
0x97: {  	_ =	strace s4  }
0x98: {  	_ =	strace $0x8FFFFFFF  }
0x99: {  	s19 =	sld [smem:$0x3FDB];
	_ =	sdelay $0x1  }
0x9a: {  	s5 =	simm.s32 $_scs_section_size  }
0x9b: {  	s6 =	simm.s32 $_size__tile_overlayer_lowered;
	s7 =	simm.s32 $_tile_overlayer_lowered  }
0x9c: {  	s22 =	simm.s32 $0x1BFF;
	s21 =	sshll.u32 s7, $0x1;
	s4 =	sadd.s32 s5, s19  }
0x9d: {  	s8 =	simm.s32 $0x0;
	s20 =	sshll.u32 s6, $0x1;
	s6 =	sadd.s32 s21, s4  }
0x9e: {  	[timem:s8], [sflag:s22] =	dma.local [hbm:s6], s20  }
0x9f: {  	_ =	swait.ge [sflag:s22], s20  }
0xa0: {  	s5 =	ssub.s32 $0x0, s20;
	[sflag:s22] =	ssyncset.done $0x0  }
0xa1: {  	[sflag:s22] =	ssyncadd.s32 s5;
	_ =	sdelay $0x1  }
0xa2: {  	s23 =	simm.s32 $0x1B8B  }
0xa3: {  	_ =	swait.ge [sflag:s23], $0x1  }
0xa4: {  	[sflag:s23] =	ssyncset.done $0x0  }
0xa5: {  	s25 =	simm.s32 $0x1B8E;
	s24 =	sld [smem:$0x3FFE];
	[sflag:s23] =	ssyncadd.s32 $0xFFFFFFFF  }
0xa6: {  	s26 =	simm.s32 $execute0_lowered;
	[smem:$0x3FD2] =	sst s25  }
0xa7: {  	s6 =	sshll.u32 s26, $0x1;
	_ =	strace $0x80000046;
	[dreg:$0x1] =	wrdreg $0xFFFFFFFF  }
0xa8: {  	s28 =	simm.s32 $_size_execute0_lowered;
	s4 =	sadd.s32 s4, s6;
	[dreg:$0x0] =	wrdreg $0x0  }
0xa9: {  	s6 =	sshll.u32 s28, $0x1;
	[dreg:$0x2] =	wrdreg s4  }
0xaa: {  	[dreg:$0x3] =	wrdreg s6  }
0xab: {  	[dreg:$0x4] =	wrdreg $0xC0  }
0xac: {  	_ =	task [dreg:s8], $0x5FFFF  }
0xad: {  	[dreg:$0x1] =	wrdreg $0xFFFFFFFF  }
0xae: {  	[dreg:$0x0] =	wrdreg $0x60  }
0xaf: {  	[dreg:$0x2] =	wrdreg s24  }
0xb0: {  	[dreg:$0x3] =	wrdreg s2  }
0xb1: {  	[dreg:$0x4] =	wrdreg s18  }
0xb2: {  	[dreg:$0x5] =	wrdreg $0x9  }
0xb3: {  	_ =	task.clear_ibuf [dreg:s8], $0x6FFFF;
	_ =	strace $0x90000046  }
0xb4: {  	s29 =	simm.s32 $0x9;
	_ =	strace $0x80000048  }
0xb5: {  	_ =	swait.ge [sflag:s29], $0x1  }
0xb6: {  	[sflag:s29] =	ssyncadd.s32 $0xFFFFFFFF  }
0xb7: {  	_ =	strace $0x90000048  }
0xb8: {  	_ =	sfence  }
0xb9: {  	s30 =	sld [smem:$0x0];
	_ =	sdelay $0x2  }
0xba: {  	s31 =	sshll.u32 s1, $0xD;
	s1 =	sshrl.u32 s1, $0x2  }
0xbb: {  	s3 =	sand.u32 $0x4000, s31;
	s1 =	sadd.s32 s1, s30  }
0xbc: {  	s0 =	sor.u32 s3, s0;
	s1 =	sshll.u32 s1, $0x11  }
0xbd: {  	s0 =	sor.u32 s1, s0  }
0xbe: {  	s0 =	sadd.s32 $0x8F2B, s0  }
0xbf: {  	[sflag:s0] =	ssyncadd.remote.s32 $0x1  }
0xc0: {  	_ =	sfence.sel $0xFFFF  }
0xc1: {  	[dreg:$0x0] =	wrdreg $0xFFFFFFFF;
	(pc) =	sbr.abs _section_cstart, $3  }
0xc2: {  	[dreg:$0x1] =	wrdreg $0xFFFFFFFF  }
0xc3: {  	_ =	task.clear_ibuf [dreg:s8], $0x2FFFF;
	_ =	strace $0x9FFFFFFF  }
0xc4: {  	(tm) =	ssettm $0x7FFFFFFF  }
0xc5: {  	_ =	shalt  }
tec
execute0_lowered:
.L_overlay_start_1:
0x0: {  	(tag) =	ssettag $0x1  }
0x1: {  	s6 =	rddreg [dreg:$0x0]  }
0x2: {  	s1 =	rddreg [dreg:$0x1]  }
0x3: {  	s3 =	rddreg [dreg:$0x2]  }
0x4: {  	s0 =	rddreg [dreg:$0x3];
	s4 =	simm.s32 $0x0;
	s5 =	srdreg.scid  }
0x5: {  	s2 =	stileid.u32;
	s14 =	simm.s32 $0x10200;
	s15 =	simm.s32 $0x8000  }
0x6: {  	s16 =	simm.s32 $0x10100;
	s17 =	simm.s32 $0x10300;
	s18 =	simm.s32 $0x1  }
0x7: {  	s19 =	simm.s32 $0x2;
	s20 =	simm.s32 $0x10400;
	s21 =	simm.s32 $0x3  }
0x8: {  	s22 =	simm.s32 $0x0;
	s7 =	sand.u32 $0x1, s5;
	s26 =	sshll.u32 s2, $0x1  }
0x9: {  	[smem:$0x7FF] =	sst s4;
	s5 =	sadd.s32 $0x400, s6;
	s8 =	sor.u32 s7, s26  }
0xa: {  	_ =	strace $0x80000047;
	s28 =	ssub.s32 $0x2, s7;
	s9 =	sshll.u32 s8, $0x1  }
0xb: {  	s12 =	sshll.u32 s8, $0xD;
	s30 =	sshrl.u32 s28, $0x1;
	s10 =	sadd.s32 s9, s6  }
0xc: {  	s29 =	sor.u32 $0xC0000, s12;
	s13 =	ssub.s32 s28, s30;
	s9 =	sor.u32 $0xC0200, s12  }
0xd: {  	s12 =	sor.u32 $0xC0100, s12;
	s31 =	sshll.u32 s29, $0x4;
	s11 =	sshrl.u32 s29, $0x3  }
0xe: {  	s10 =	sadd.s32 $0x1000400, s10;
	s6 =	sadd.s32 s5, s31;
	s7 =	sadd.s32 s1, s11  }
0xf: {  	s8 =	sadd.s32 s3, s11;
	s11 =	smax.u32 s13, $0x1;
	s13 =	simm.s32 $0x10000  }
.LBB2_1:
0x10: {  	v0 =	vlaneseq.u32  }
0x11: {  	[tilespmem:$0x10480] =	vst v0  }
0x12: {  	[tilespmem:s4], [sflag:$0x1] =	stream.linear.gather [hbm4b:s6+s4], $0x8000, $0x38;
	[tilespmem:$0x10500] =	vst v63  }
0x13: {  	_ = 	snop  }
0x14: {  	[tilespmem:s13], [sflag:$0x1] =	stream.linear.gather [hbm4b:s7+s4], $0x100, $0x38;
	[tilespmem:$0x10500] =	vst v63  }
0x15: {  	s23 =	simm.s32 $0x0  }
0x16: {  	v0 =	vimm.f32 $0.0e+00;
	[tilespmem:s14], [sflag:$0x1] =	stream.linear.gather [hbm4b:s8+s4], $0x100, $0x38;
	[tilespmem:$0x10500] =	vst v63  }
.LBB2_2:
0x17: {  	s24 =	sshll.u32 s23, $0x9  }
0x18: {  	s25 =	sor.u32 s12, s24  }
0x19: {  	s26 =	sshll.u32 s25, $0x4  }
0x1a: {  	s28 =	simm.s32 $0x0;
	s25 =	sshrl.u32 s25, $0x3;
	s26 =	sadd.s32 s5, s26  }
0x1b: {  	[tilespmem:s15], [sflag:$0x2] =	stream.linear.gather [hbm4b:s26+s28], $0x8000, $0x38;
	[tilespmem:$0x10500] =	vst v63  }
0x1c: {  	s29 =	sadd.s32 s1, s25  }
0x1d: {  	[tilespmem:s16], [sflag:$0x2] =	stream.linear.gather [hbm4b:s29+s28], $0x100, $0x38;
	[tilespmem:$0x10500] =	vst v63  }
0x1e: {  	[tilespmem:$0x1F390] =	vst v0;
	s25 =	sadd.s32 s3, s25  }
0x1f: {  	[tilespmem:s17], [sflag:$0x2] =	stream.linear.gather [hbm4b:s25+s28], $0x100, $0x38;
	[tilespmem:$0x10500] =	vst v63  }
0x20: {  	_ =	swait.ge [sflag:s18], $0x8000  }
0x21: {  	[sflag:s18] =	ssyncset.done $0x0  }
0x22: {  	[sflag:s18] =	ssyncadd.s32 $0xFFFF8000  }
0x23: {  	_ =	swait.ge [sflag:s18], $0x100  }
0x24: {  	[sflag:s18] =	ssyncset.done $0x0  }
0x25: {  	[sflag:s18] =	ssyncadd.s32 $0xFFFFFF00  }
0x26: {  	_ =	swait.ge [sflag:s18], $0x100  }
0x27: {  	[sflag:s18] =	ssyncset.done $0x0  }
0x28: {  	[sflag:s18] =	ssyncadd.s32 $0xFFFFFF00  }
0x29: {  	v44 =	vld [tilespmem:$0x10480];
	_ =	sdelay $0x4  }
0x2a: {  	v0 =	vshll.u32 v44, $0x2  }
0x2b: {  	v0 =	vand.u32 $0x3C, v0  }
0x2c: {  	v3 =	vand.u32 $0xFFFFFF80, v44;
	v30 =	vxor.u32 v44, v0  }
0x2d: {  	[tilespmem:$0x1F400] =	vst v3;
	v6 =	vand.u32 $0x7F, v30  }
0x2e: {  	v17 =	vxor.u32 $0x1, v30;
	[tilespmem:$0x1F880] =	vst v6  }
0x2f: {  	v16 =	vxor.u32 $0x2, v30;
	[tilespmem:$0x1FF70] =	vst v17  }
0x30: {  	v19 =	vxor.u32 $0x3, v30;
	[tilespmem:$0x1FFA0] =	vst v16  }
0x31: {  	v20 =	vxor.u32 $0x4, v30;
	[tilespmem:$0x1FFB0] =	vst v19  }
0x32: {  	v18 =	vxor.u32 $0x5, v30;
	[tilespmem:$0x1FFC0] =	vst v20  }
0x33: {  	v21 =	vxor.u32 $0x6, v30;
	[tilespmem:$0x1FFD0] =	vst v18  }
0x34: {  	v22 =	vxor.u32 $0x7, v30;
	[tilespmem:$0x1FFE0] =	vst v21  }
0x35: {  	v23 =	vxor.u32 $0x8, v30;
	[tilespmem:$0x1FFF0] =	vst v22  }
0x36: {  	v26 =	vxor.u32 $0x9, v30;
	[tilespmem:$0x1FF30] =	vst v23  }
0x37: {  	v24 =	vxor.u32 $0xA, v30;
	[tilespmem:$0x1FF40] =	vst v26  }
0x38: {  	v25 =	vxor.u32 $0xB, v30;
	[tilespmem:$0x1FF50] =	vst v24  }
0x39: {  	v27 =	vxor.u32 $0xC, v30;
	[tilespmem:$0x1FF80] =	vst v25  }
0x3a: {  	v28 =	vxor.u32 $0xD, v30;
	[tilespmem:$0x1FED0] =	vst v27  }
0x3b: {  	v31 =	vxor.u32 $0xE, v30;
	[tilespmem:$0x1FEE0] =	vst v28  }
0x3c: {  	v29 =	vxor.u32 $0xF, v30;
	[tilespmem:$0x1FEF0] =	vst v31  }
0x3d: {  	v32 =	vxor.u32 $0x10, v30;
	[tilespmem:$0x1FF10] =	vst v29  }
0x3e: {  	v7 =	vand.u32 $0x7F, v17;
	[tilespmem:$0x1FE50] =	vst v32  }
0x3f: {  	v8 =	vand.u32 $0x7F, v16;
	[tilespmem:$0x1F890] =	vst v7  }
0x40: {  	v13 =	vand.u32 $0x7F, v19;
	[tilespmem:$0x1F8A0] =	vst v8  }
0x41: {  	v9 =	vand.u32 $0x7F, v20;
	[tilespmem:$0x1F8B0] =	vst v13  }
0x42: {  	v10 =	vand.u32 $0x7F, v18;
	[tilespmem:$0x1F830] =	vst v9  }
0x43: {  	v11 =	vand.u32 $0x7F, v21;
	[tilespmem:$0x1F850] =	vst v10  }
0x44: {  	v14 =	vand.u32 $0x7F, v22;
	[tilespmem:$0x1F860] =	vst v11  }
0x45: {  	v15 =	vand.u32 $0x7F, v23;
	[tilespmem:$0x1F870] =	vst v14  }
0x46: {  	v40 =	vand.u32 $0x7F, v26;
	[tilespmem:$0x1F800] =	vst v15  }
0x47: {  	v41 =	vand.u32 $0x7F, v24;
	[tilespmem:$0x1F810] =	vst v40  }
0x48: {  	v39 =	vand.u32 $0x7F, v25;
	[tilespmem:$0x1F820] =	vst v41  }
0x49: {  	v42 =	vand.u32 $0x7F, v27;
	[tilespmem:$0x1F840] =	vst v39  }
0x4a: {  	v43 =	vand.u32 $0x7F, v28;
	[tilespmem:$0x1F7B0] =	vst v42  }
0x4b: {  	v45 =	vand.u32 $0x7F, v31;
	[tilespmem:$0x1F7C0] =	vst v43  }
0x4c: {  	v46 =	vand.u32 $0x7F, v29;
	[tilespmem:$0x1F7E0] =	vst v45  }
0x4d: {  	v34 =	vxor.u32 $0x11, v30;
	v48 =	vand.u32 $0x7F, v32;
	[tilespmem:$0x1F7F0] =	vst v46  }
0x4e: {  	s30 =	simm.s32 $0x10000;
	v49 =	vand.u32 $0x7F, v34;
	[tilespmem:$0x1F760] =	vst v48  }
0x4f: {  	v0 =	vadd.s32 s28, v44;
	v33 =	vxor.u32 $0x12, v30;
	v5 =	vld [tilespmem:s30+$0x0];
	[tilespmem:$0x1F790] =	vst v49  }
0x50: {  	v0 =	vshll.u32 v0, $0x7;
	v47 =	vand.u32 $0x7F, v33;
	[tilespmem:$0x1FE60] =	vst v34  }
0x51: {  	v35 =	vxor.u32 $0x13, v30;
	v4 =	vadd.s32 v3, v0;
	[tilespmem:$0x1F7A0] =	vst v47  }
0x52: {  	v50 =	vand.u32 $0x7F, v35;
	v1 =	vor.u32 v4, v6;
	[tilespmem:$0x1FE90] =	vst v33  }
0x53: {  	v36 =	vxor.u32 $0x14, v30;
	v2 =	vor.u32 v4, v7;
	[tilespmem:$0x1F7D0] =	vst v50  }
0x54: {  	v51 =	vand.u32 $0x7F, v36;
	[tilespmem:$0x1FEB0] =	vst v35  }
0x55: {  	[tilespmem:$0x1F740] =	vst v51  }
0x56: {  	v38 =	vxor.u32 $0x15, v30;
	[tilespmem:$0x1FDD0] =	vst v36  }
0x57: {  	v53 =	vand.u32 $0x7F, v38;
	v3 =	vor.u32 v4, v8;
	v1 =	vld.idx.msk [tilespmem:v1+s4+$0x0], $0xffff  }
0x58: {  	v37 =	vxor.u32 $0x16, v30;
	v6 =	vor.u32 v4, v10;
	v2 =	vld.idx.msk [tilespmem:v2+s4+$0x0], $0xffff;
	[tilespmem:$0x1F750] =	vst v53  }
0x59: {  	v52 =	vand.u32 $0x7F, v37;
	v7 =	vor.u32 v4, v11;
	[tilespmem:$0x1FDE0] =	vst v38  }
0x5a: {  	v8 =	vor.u32 v4, v9;
	[tilespmem:$0x1F770] =	vst v52  }
0x5b: {  	v10 =	vor.u32 v4, v13;
	[tilespmem:$0x1FE30] =	vst v37  }
0x5c: {  	v12 =	vor.u32 v4, v14;
	v14 =	vor.u32 v4, v40;
	v3 =	vld.idx.msk [tilespmem:v3+s4+$0x0], $0xffff  }
0x5d: {  	v54 =	vxor.u32 $0x23, v30;
	v55 =	vxor.u32 $0x26, v30;
	v11 =	vor.u32 v4, v43;
	v6 =	vld.idx.msk [tilespmem:v6+s4+$0x0], $0xffff  }
0x5e: {  	v13 =	vor.u32 v4, v15;
	v15 =	vor.u32 v4, v41;
	v9 =	vsub.s32 $0x3F, v5;
	v7 =	vld.idx.msk [tilespmem:v7+s4+$0x0], $0xffff  }
0x5f: {  	vm0 =	vgt.s32 v30, v5;
	v8 =	vld.idx.msk [tilespmem:v8+s4+$0x0], $0xffff;
	vm1 =	vgt.s32 v16, v5;
	v9 =	vcvt.s32.f32 v9  }
0x60: {  	v10 =	vld.idx.msk [tilespmem:v10+s4+$0x0], $0xffff;
	vm2 =	vgt.s32 v20, v5;
	vm3 =	vgt.s32 v18, v5;
	vm4 =	vgt.s32 v21, v5  }
0x61: {  	v14 =	vld.idx.msk [tilespmem:v14+s4+$0x0], $0xffff;
	v18 =	vxor.u32 $0x18, v30;
	v9 =	vmul.f32 $1.000000010e-10, v9;
	v1 =	vnsel vm0, $0x0, v1  }
0x62: {  	vm0 =	vgt.s32 v17, v5;
	v2 =	vadd.f32 $0.0e+00, v2;
	v17 =	vxor.u32 $0x17, v30  }
0x63: {  	v1 =	vadd.f32 v1, v9;
	v9 =	vor.u32 v4, v39;
	v3 =	vadd.f32 $0.0e+00, v3  }
0x64: {  	v12 =	vld.idx.msk [tilespmem:v12+s4+$0x0], $0xffff;
	v6 =	vnsel vm3, $0x0, v6;
	v7 =	vnsel vm4, $0x0, v7;
	v8 =	vnsel vm2, $0x0, v8  }
0x65: {  	v10 =	vadd.f32 $0.0e+00, v10;
	vm2 =	vgt.s32 v26, v5;
	v2 =	vnsel vm0, $0x0, v2  }
0x66: {  	v15 =	vld.idx.msk [tilespmem:v15+s4+$0x0], $0xffff;
	vm0 =	vgt.s32 v19, v5;
	v14 =	vnsel vm2, $0x0, v14;
	v3 =	vnsel vm1, $0x0, v3  }
0x67: {  	v2 =	vadd.f32 v6, v2;
	v6 =	vor.u32 v4, v42;
	v1 =	vadd.f32 v8, v1  }
0x68: {  	v13 =	vld.idx.msk [tilespmem:v13+s4+$0x0], $0xffff;
	v8 =	vor.u32 v4, v46;
	vm1 =	vgt.s32 v22, v5;
	v10 =	vnsel vm0, $0x0, v10  }
0x69: {  	v11 =	vld.idx.msk [tilespmem:v11+s4+$0x0], $0xffff;
	v3 =	vadd.f32 v7, v3;
	v7 =	vor.u32 v4, v45;
	v12 =	vnsel vm1, $0x0, v12  }
0x6a: {  	vm0 =	vgt.s32 v24, v5;
	v10 =	vadd.f32 v12, v10;
	v12 =	vor.u32 v4, v49;
	v9 =	vld.idx.msk [tilespmem:v9+s4+$0x0], $0xffff  }
0x6b: {  	v15 =	vnsel vm0, $0x0, v15;
	v2 =	vadd.f32 v14, v2;
	v14 =	vor.u32 v4, v47  }
0x6c: {  	vm0 =	vgt.s32 v23, v5;
	v3 =	vadd.f32 v15, v3;
	v15 =	vor.u32 v4, v48;
	v6 =	vld.idx.msk [tilespmem:v6+s4+$0x0], $0xffff  }
0x6d: {  	v20 =	vand.u32 $0x7F, v17;
	vm1 =	vgt.s32 v25, v5;
	v13 =	vnsel vm0, $0x0, v13;
	v8 =	vld.idx.msk [tilespmem:v8+s4+$0x0], $0xffff  }
0x6e: {  	vm0 =	vgt.s32 v28, v5;
	v1 =	vadd.f32 v13, v1;
	v13 =	vor.u32 v4, v50;
	v7 =	vld.idx.msk [tilespmem:v7+s4+$0x0], $0xffff  }
0x6f: {  	v19 =	vxor.u32 $0x19, v30;
	v11 =	vnsel vm0, $0x0, v11;
	v12 =	vld.idx.msk [tilespmem:v12+s4+$0x0], $0xffff;
	v9 =	vnsel vm1, $0x0, v9  }
0x70: {  	vm0 =	vgt.s32 v31, v5;
	v14 =	vld.idx.msk [tilespmem:v14+s4+$0x0], $0xffff;
	v9 =	vadd.f32 v9, v10;
	v10 =	vor.u32 v4, v53  }
0x71: {  	v25 =	vxor.u32 $0x31, v30;
	v2 =	vadd.f32 v11, v2;
	vm1 =	vgt.s32 v27, v5;
	v15 =	vld.idx.msk [tilespmem:v15+s4+$0x0], $0xffff;
	[tilespmem:$0x1F780] =	vst v20  }
0x72: {  	v11 =	vor.u32 v4, v52;
	[tilespmem:$0x1FE70] =	vst v17;
	v6 =	vnsel vm1, $0x0, v6;
	vm1 =	vgt.s32 v33, v5  }
0x73: {  	v7 =	vnsel vm0, $0x0, v7;
	vm0 =	vgt.s32 v29, v5;
	v1 =	vadd.f32 v6, v1;
	v6 =	vld.idx.msk [tilespmem:v13+s4+$0x0], $0xffff  }
0x74: {  	v3 =	vadd.f32 v7, v3;
	v7 =	vnsel vm0, $0x0, v8;
	vm0 =	vgt.s32 v34, v5  }
0x75: {  	v7 =	vadd.f32 v7, v9;
	v9 =	vnsel vm0, $0x0, v12;
	vm0 =	vgt.s32 v32, v5;
	v8 =	vld.idx.msk [tilespmem:v10+s4+$0x0], $0xffff  }
0x76: {  	v12 =	vand.u32 $0x7F, v19;
	v10 =	vnsel vm1, $0x0, v14;
	v14 =	vand.u32 $0x7F, v18;
	[tilespmem:$0x1FD30] =	vst v18  }
0x77: {  	v2 =	vadd.f32 v9, v2;
	v9 =	vnsel vm0, $0x0, v15;
	vm0 =	vgt.s32 v35, v5;
	[tilespmem:$0x1F6F0] =	vst v14  }
0x78: {  	v56 =	vxor.u32 $0x27, v30;
	v16 =	vand.u32 $0x7F, v25;
	v11 =	vld.idx.msk [tilespmem:v11+s4+$0x0], $0xffff;
	[tilespmem:$0x1F710] =	vst v12;
	v6 =	vnsel vm0, $0x0, v6  }
0x79: {  	vm1 =	vgt.s32 v38, v5;
	[tilespmem:$0x1FD60] =	vst v19;
	v6 =	vadd.f32 v6, v7;
	v7 =	vor.u32 v4, v51  }
0x7a: {  	v57 =	vxor.u32 $0x2A, v30;
	v58 =	vxor.u32 $0x2B, v30;
	[tilespmem:$0x1F540] =	vst v16;
	v8 =	vnsel vm1, $0x0, v8  }
0x7b: {  	[tilespmem:$0x1FA50] =	vst v25;
	v2 =	vadd.f32 v8, v2;
	v8 =	vor.u32 v4, v20;
	v20 =	vxor.u32 $0x1A, v30  }
0x7c: {  	v22 =	vxor.u32 $0x2C, v30;
	v24 =	vxor.u32 $0x2D, v30;
	v15 =	vand.u32 $0x7F, v20;
	[tilespmem:$0x1FDA0] =	vst v20  }
0x7d: {  	v21 =	vand.u32 $0x7F, v22;
	v3 =	vadd.f32 v10, v3;
	v10 =	vor.u32 v4, v12;
	[tilespmem:$0x1F720] =	vst v15  }
0x7e: {  	v59 =	vxor.u32 $0x2E, v30;
	v26 =	vand.u32 $0x7F, v24;
	vm0 =	vgt.s32 v37, v5;
	v7 =	vld.idx.msk [tilespmem:v7+s4+$0x0], $0xffff;
	[tilespmem:$0x1F570] =	vst v21  }
0x7f: {  	v1 =	vadd.f32 v9, v1;
	v9 =	vnsel vm0, $0x0, v11;
	v11 =	vor.u32 v4, v14;
	[tilespmem:$0x1FAB0] =	vst v22  }
0x80: {  	v43 =	vand.u32 $0x7F, v56;
	v23 =	vxor.u32 $0x28, v30;
	v12 =	vor.u32 v4, v15;
	v8 =	vld.idx.msk [tilespmem:v8+s4+$0x0], $0xffff;
	[tilespmem:$0x1F5A0] =	vst v26  }
0x81: {  	v41 =	vand.u32 $0x7F, v57;
	v27 =	vand.u32 $0x7F, v23;
	v13 =	vor.u32 v4, v16;
	[tilespmem:$0x1FAD0] =	vst v24  }
0x82: {  	v40 =	vand.u32 $0x7F, v58;
	v16 =	vxor.u32 $0x29, v30;
	v14 =	vor.u32 v4, v21;
	v10 =	vld.idx.msk [tilespmem:v10+s4+$0x0], $0xffff;
	[tilespmem:$0x1F5F0] =	vst v27  }
0x83: {  	vm1 =	vgt.s32 v17, v5;
	v15 =	vor.u32 v4, v26;
	v21 =	vxor.u32 $0x20, v30;
	[tilespmem:$0x1FB10] =	vst v23  }
0x84: {  	v61 =	vand.u32 $0x7F, v16;
	v63 =	vand.u32 $0x7F, v21;
	v26 =	vmovc v16;
	v11 =	vld.idx.msk [tilespmem:v11+s4+$0x0], $0xffff;
	[tilespmem:$0x1FB50] =	vst v16;
	v16 =	vor.u32 v4, v27  }
0x85: {  	v39 =	vand.u32 $0x7F, v59;
	v3 =	vadd.f32 v9, v3;
	v17 =	vor.u32 v4, v63;
	v9 =	vld.idx.msk [tilespmem:v12+s4+$0x0], $0xffff;
	[tilespmem:$0x1FBF0] =	vst v21  }
0x86: {  	vm2 =	vgt.s32 v19, v5;
	vm0 =	vgt.s32 v36, v5;
	v12 =	vor.u32 v4, v61;
	v13 =	vld.idx.msk [tilespmem:v13+s4+$0x0], $0xffff  }
0x87: {  	v28 =	vxor.u32 $0x21, v30;
	v7 =	vnsel vm0, $0x0, v7;
	v14 =	vld.idx.msk [tilespmem:v14+s4+$0x0], $0xffff;
	v8 =	vnsel vm1, $0x0, v8  }
0x88: {  	v1 =	vadd.f32 v7, v1;
	v15 =	vld.idx.msk [tilespmem:v15+s4+$0x0], $0xffff;
	v7 =	vadd.f32 v8, v6;
	v6 =	vnsel vm2, $0x0, v10  }
0x89: {  	vm3 =	vgt.s32 v23, v5;
	v50 =	vand.u32 $0x7F, v28;
	v8 =	vadd.f32 v6, v2;
	v2 =	vld.idx.msk [tilespmem:v16+s4+$0x0], $0xffff  }
0x8a: {  	vm4 =	vgt.s32 v26, v5;
	v26 =	vxor.u32 $0x24, v30;
	v27 =	vxor.u32 $0x25, v30;
	v16 =	vld.idx.msk [tilespmem:v17+s4+$0x0], $0xffff  }
0x8b: {  	vm0 =	vgt.s32 v18, v5;
	vm1 =	vgt.s32 v20, v5;
	v10 =	vand.u32 $0xFFFFFF80, v5;
	v12 =	vld.idx.msk [tilespmem:v12+s4+$0x0], $0xffff;
	[tilespmem:$0x1FBB0] =	vst v26  }
0x8c: {  	v6 =	vnsel vm0, $0x0, v11;
	v11 =	vadd.s32 v10, v0;
	v9 =	vnsel vm1, $0x0, v9;
	[tilespmem:$0x1FBD0] =	vst v27  }
0x8d: {  	v10 =	vadd.f32 v6, v1;
	vm1 =	vgt.s32 v22, v5;
	[tilespmem:$0x1FC50] =	vst v28;
	v1 =	vxor.u32 $0x1D, v30  }
0x8e: {  	vm5 =	vgt.s32 v21, v5;
	vm0 =	vgt.s32 v25, v5;
	v0 =	vnsel vm1, $0x0, v14;
	[tilespmem:$0x1FCF0] =	vst v1  }
0x8f: {  	v60 =	vand.u32 $0x7F, v26;
	v52 =	vand.u32 $0x7F, v27;
	[tilespmem:$0x1F3D0] =	vst v0;
	v0 =	vnsel vm0, $0x0, v13  }
0x90: {  	vm2 =	vgt.s32 v24, v5;
	v9 =	vadd.f32 v9, v3;
	[tilespmem:$0x1F3E0] =	vst v0;
	v0 =	vnsel vm3, $0x0, v2  }
0x91: {  	v14 =	vor.u32 v4, v52;
	v13 =	vor.u32 v4, v60;
	v2 =	vxor.u32 $0x1C, v30;
	[tilespmem:$0x1F3B0] =	vst v0  }
0x92: {  	v49 =	vand.u32 $0x7F, v1;
	v3 =	vnsel vm4, $0x0, v12;
	v0 =	vnsel vm2, $0x0, v15;
	[tilespmem:$0x1FCC0] =	vst v2  }
0x93: {  	v62 =	vand.u32 $0x7F, v2;
	v15 =	vor.u32 v4, v50;
	[tilespmem:$0x1F3C0] =	vst v0;
	v0 =	vxor.u32 $0x1B, v30  }
0x94: {  	v12 =	vnsel vm5, $0x0, v16;
	v16 =	vor.u32 v4, v62;
	v20 =	vand.u32 $0x7F, v0;
	[tilespmem:$0x1FE00] =	vst v0  }
0x95: {  	v42 =	vxor.u32 $0x37, v30;
	v31 =	vxor.u32 $0x1E, v30;
	v17 =	vor.u32 v4, v49;
	[tilespmem:$0x1F730] =	vst v20  }
0x96: {  	v45 =	vand.u32 $0x7F, v54;
	vm9 =	vgt.s32 v42, v5;
	v29 =	vxor.u32 $0x1F, v30;
	v13 =	vld.idx.msk [tilespmem:v13+s4+$0x0], $0xffff;
	[tilespmem:$0x1FD10] =	vst v31  }
0x97: {  	v47 =	vand.u32 $0x7F, v55;
	v32 =	vxor.u32 $0x22, v30;
	v18 =	vor.u32 v4, v20;
	v14 =	vld.idx.msk [tilespmem:v14+s4+$0x0], $0xffff;
	[tilespmem:$0x1FD80] =	vst v29  }
0x98: {  	v53 =	vand.u32 $0x7F, v31;
	v46 =	vand.u32 $0x7F, v29;
	v51 =	vxor.u32 $0x33, v30;
	v15 =	vld.idx.msk [tilespmem:v15+s4+$0x0], $0xffff;
	[tilespmem:$0x1FC80] =	vst v32  }
0x99: {  	v48 =	vand.u32 $0x7F, v32;
	v19 =	vor.u32 v4, v53;
	vm13 =	vgt.s32 v51, v5;
	v16 =	vld.idx.msk [tilespmem:v16+s4+$0x0], $0xffff;
	[tilespmem:$0x1FCA0] =	vst v54  }
0x9a: {  	v23 =	vor.u32 v4, v47;
	v21 =	vor.u32 v4, v48;
	v20 =	vor.u32 v4, v46;
	v17 =	vld.idx.msk [tilespmem:v17+s4+$0x0], $0xffff  }
0x9b: {  	v24 =	vor.u32 v4, v43;
	v25 =	vor.u32 v4, v41;
	vm0 =	vgt.s32 v26, v5;
	[tilespmem:$0x1FC10] =	vst v55  }
0x9c: {  	v22 =	vor.u32 v4, v45;
	v18 =	vld.idx.msk [tilespmem:v18+s4+$0x0], $0xffff;
	v13 =	vnsel vm0, $0x0, v13;
	vm0 =	vgt.s32 v27, v5  }
0x9d: {  	vm1 =	vgt.s32 v1, v5;
	[tilespmem:$0x1FC30] =	vst v56;
	v14 =	vnsel vm0, $0x0, v14;
	vm0 =	vgt.s32 v2, v5  }
0x9e: {  	v26 =	vor.u32 v4, v40;
	v19 =	vld.idx.msk [tilespmem:v19+s4+$0x0], $0xffff;
	[tilespmem:$0x1FB70] =	vst v57;
	v16 =	vnsel vm0, $0x0, v16;
	vm0 =	vgt.s32 v28, v5  }
0x9f: {  	v27 =	vor.u32 v4, v39;
	v20 =	vld.idx.msk [tilespmem:v20+s4+$0x0], $0xffff;
	v17 =	vnsel vm1, $0x0, v17;
	v15 =	vnsel vm0, $0x0, v15  }
0xa0: {  	[tilespmem:$0x1FB90] =	vst v58;
	vm0 =	vgt.s32 v31, v5;
	vm1 =	vgt.s32 v0, v5;
	v0 =	vxor.u32 $0x38, v30  }
0xa1: {  	v21 =	vld.idx.msk [tilespmem:v21+s4+$0x0], $0xffff;
	v10 =	vadd.f32 v16, v10;
	v18 =	vnsel vm1, $0x0, v18;
	vm1 =	vgt.s32 v54, v5  }
0xa2: {  	[tilespmem:$0x1FAF0] =	vst v59;
	v54 =	vxor.u32 $0x3E, v30;
	vm4 =	vgt.s32 v0, v5;
	v8 =	vadd.f32 v17, v8  }
0xa3: {  	v22 =	vld.idx.msk [tilespmem:v22+s4+$0x0], $0xffff;
	v31 =	vnsel vm0, $0x0, v19;
	vm0 =	vgt.s32 v29, v5;
	v19 =	vxor.u32 $0x35, v30  }
0xa4: {  	v23 =	vld.idx.msk [tilespmem:v23+s4+$0x0], $0xffff;
	v7 =	vadd.f32 v18, v7;
	v10 =	vadd.f32 v12, v10;
	v20 =	vnsel vm0, $0x0, v20  }
0xa5: {  	vm0 =	vgt.s32 v32, v5;
	vm11 =	vgt.s32 v19, v5;
	v9 =	vadd.f32 v31, v9  }
0xa6: {  	v8 =	vadd.f32 v15, v8;
	v29 =	vnsel vm0, $0x0, v21;
	vm0 =	vgt.s32 v55, v5  }
0xa7: {  	v24 =	vld.idx.msk [tilespmem:v24+s4+$0x0], $0xffff;
	v21 =	vxor.u32 $0x3B, v30;
	v55 =	vxor.u32 $0x34, v30;
	v7 =	vadd.f32 v20, v7  }
0xa8: {  	v25 =	vld.idx.msk [tilespmem:v25+s4+$0x0], $0xffff;
	v10 =	vadd.f32 v13, v10;
	v13 =	vand.u32 $0x7F, v0;
	v28 =	vnsel vm1, $0x0, v22  }
0xa9: {  	v1 =	vnsel vm0, $0x0, v23;
	vm0 =	vgt.s32 v57, v5;
	vm1 =	vgt.s32 v56, v5  }
0xaa: {  	v22 =	vxor.u32 $0x3A, v30;
	v56 =	vxor.u32 $0x3F, v30;
	vm5 =	vgt.s32 v21, v5  }
0xab: {  	vm8 =	vgt.s32 v55, v5;
	v57 =	vxor.u32 $0x36, v30;
	v23 =	vxor.u32 $0x2F, v30  }
0xac: {  	v26 =	vld.idx.msk [tilespmem:v26+s4+$0x0], $0xffff;
	v9 =	vadd.f32 v29, v9;
	v29 =	vand.u32 $0x7F, v55;
	v8 =	vadd.f32 v14, v8  }
0xad: {  	v2 =	vnsel vm1, $0x0, v24;
	v6 =	vnsel vm0, $0x0, v25;
	vm0 =	vgt.s32 v58, v5  }
0xae: {  	v24 =	vxor.u32 $0x3C, v30;
	v25 =	vxor.u32 $0x3D, v30;
	vm1 =	vgt.s32 v54, v5  }
0xaf: {  	vm3 =	vgt.s32 v56, v5;
	vm7 =	vgt.s32 v22, v5;
	vm10 =	vgt.s32 v57, v5  }
0xb0: {  	v27 =	vld.idx.msk [tilespmem:v27+s4+$0x0], $0xffff;
	[tilespmem:$0x1F920] =	vst v0;
	v58 =	vxor.u32 $0x32, v30;
	vm15 =	vgt.s32 v23, v5;
	v12 =	vor.u32 v4, v29  }
0xb1: {  	[tilespmem:$0x1F3A0] =	vst v30;
	v7 =	vadd.f32 v28, v7;
	v34 =	vand.u32 $0x7F, v23;
	v35 =	vnsel vm0, $0x0, v26  }
0xb2: {  	[tilespmem:$0x1F9D0] =	vst v19;
	vm0 =	vgt.s32 v59, v5;
	vm2 =	vgt.s32 v25, v5;
	v26 =	vxor.u32 $0x39, v30  }
0xb3: {  	v0 =	vld [tilespmem:$0x1F3C0];
	[tilespmem:$0x1F990] =	vst v21;
	v59 =	vxor.u32 $0x30, v30;
	vm14 =	vgt.s32 v58, v5;
	v33 =	vand.u32 $0x7F, v24  }
0xb4: {  	[tilespmem:$0x1F970] =	vst v22;
	v30 =	vand.u32 $0x7F, v25;
	v28 =	vand.u32 $0x7F, v58;
	v14 =	vor.u32 v4, v34  }
0xb5: {  	[tilespmem:$0x1FB30] =	vst v23;
	v9 =	vadd.f32 v1, v9;
	v3 =	vadd.f32 v3, v8;
	v37 =	vnsel vm0, $0x0, v27  }
0xb6: {  	[tilespmem:$0x1F8C0] =	vst v24;
	vm0 =	vgt.s32 v24, v5;
	vm6 =	vgt.s32 v26, v5;
	v15 =	vor.u32 v4, v30  }
0xb7: {  	[tilespmem:$0x1F8E0] =	vst v25;
	v1 =	vld [tilespmem:$0x1F3B0];
	v31 =	vand.u32 $0x7F, v26;
	v32 =	vand.u32 $0x7F, v59;
	v18 =	vor.u32 v4, v28  }
0xb8: {  	[tilespmem:$0x1F930] =	vst v26;
	v7 =	vadd.f32 v2, v7;
	v16 =	vor.u32 v4, v31;
	v2 =	vadd.f32 v0, v3;
	v0 =	vld [tilespmem:$0x1F3D0]  }
0xb9: {  	vm12 =	vgt.s32 v59, v5;
	v5 =	vand.u32 $0x7F, v5;
	v17 =	vor.u32 v4, v32;
	v12 =	vld.idx.msk [tilespmem:v12+s4+$0x0], $0xffff  }
0xba: {  	v38 =	vor.u32 v5, v11;
	v11 =	vor.u32 v4, v33;
	v14 =	vld.idx.msk [tilespmem:v14+s4+$0x0], $0xffff  }
0xbb: {  	v27 =	vand.u32 $0x7F, v51;
	v26 =	vand.u32 $0x7F, v19;
	v24 =	vld.idx.msk [tilespmem:v15+s4+$0x0], $0xffff  }
0xbc: {  	v19 =	vor.u32 v4, v26;
	v9 =	vadd.f32 v6, v9;
	v6 =	vadd.f32 v1, v10;
	v10 =	vld.idx.msk [tilespmem:v18+s4+$0x0], $0xffff  }
0xbd: {  	v25 =	vand.u32 $0x7F, v57;
	v5 =	vld.idx.msk [tilespmem:v16+s4+$0x0], $0xffff;
	v16 =	vor.u32 v4, v27  }
0xbe: {  	v23 =	vand.u32 $0x7F, v42;
	v8 =	vld.idx.msk [tilespmem:v17+s4+$0x0], $0xffff;
	v17 =	vor.u32 v4, v25  }
0xbf: {  	v20 =	vor.u32 v4, v23;
	v15 =	vand.u32 $0x7F, v22;
	v36 =	vld.idx.msk [tilespmem:v11+s4+$0x0], $0xffff  }
0xc0: {  	v18 =	vor.u32 v4, v15;
	v1 =	vadd.f32 v0, v6;
	v0 =	vld [tilespmem:$0x1F3E0]  }
0xc1: {  	v7 =	vadd.f32 v35, v7;
	v35 =	vand.u32 $0x7F, v21;
	v21 =	vor.u32 v4, v13;
	v3 =	vld.idx.msk [tilespmem:v19+s4+$0x0], $0xffff  }
0xc2: {  	v11 =	vand.u32 $0x7F, v54;
	v19 =	vor.u32 v4, v35;
	v16 =	vld.idx.msk [tilespmem:v16+s4+$0x0], $0xffff  }
0xc3: {  	v9 =	vadd.f32 v37, v9;
	v37 =	vand.u32 $0x7F, v56;
	v22 =	vor.u32 v4, v11;
	v17 =	vld.idx.msk [tilespmem:v17+s4+$0x0], $0xffff  }
0xc4: {  	v4 =	vor.u32 v4, v37;
	v6 =	vnsel vm15, $0x0, v14;
	v14 =	vld.idx.msk [tilespmem:v20+s4+$0x0], $0xffff  }
0xc5: {  	v6 =	vadd.f32 v6, v7;
	v0 =	vadd.f32 v0, v2;
	v2 =	vnsel vm14, $0x0, v10;
	v7 =	vld.idx.msk [tilespmem:v18+s4+$0x0], $0xffff  }
0xc6: {  	v8 =	vnsel vm12, $0x0, v8;
	v10 =	vld.idx.msk [tilespmem:v21+s4+$0x0], $0xffff;
	v3 =	vnsel vm11, $0x0, v3;
	v2 =	vadd.f32 v2, v9  }
0xc7: {  	v1 =	vadd.f32 v8, v1;
	v8 =	vld.idx.msk [tilespmem:v19+s4+$0x0], $0xffff;
	v0 =	vadd.f32 v3, v0;
	v9 =	vnsel vm13, $0x0, v16  }
0xc8: {  	v3 =	vnsel vm8, $0x0, v12;
	v12 =	vld.idx.msk [tilespmem:v22+s4+$0x0], $0xffff;
	v6 =	vadd.f32 v9, v6;
	v9 =	vnsel vm10, $0x0, v17  }
0xc9: {  	v4 =	vld.idx.msk [tilespmem:v4+s4+$0x0], $0xffff;
	v1 =	vadd.f32 v3, v1;
	v3 =	vnsel vm9, $0x0, v14;
	v2 =	vadd.f32 v9, v2  }
0xca: {  	v7 =	vnsel vm7, $0x0, v7;
	v3 =	vadd.f32 v3, v6;
	v6 =	vnsel vm6, $0x0, v5  }
0xcb: {  	v0 =	vadd.f32 v6, v0;
	v2 =	vadd.f32 v7, v2;
	v6 =	vnsel vm4, $0x0, v10  }
0xcc: {  	v7 =	vnsel vm5, $0x0, v8;
	v1 =	vadd.f32 v6, v1;
	v6 =	vnsel vm2, $0x0, v24  }
0xcd: {  	v3 =	vadd.f32 v7, v3;
	v0 =	vadd.f32 v6, v0;
	v6 =	vnsel vm1, $0x0, v12  }
0xce: {  	s25 =	simm.s32 $0x10200;
	v4 =	vnsel vm3, $0x0, v4;
	v5 =	vld.idx.msk [tilespmem:v38+s4+$0x0], $0xffff;
	v2 =	vadd.f32 v6, v2;
	v6 =	vnsel vm0, $0x0, v36  }
0xcf: {  	v3 =	vadd.f32 v4, v3;
	v4 =	vld [tilespmem:s25+$0x0];
	v1 =	vadd.f32 v6, v1;
	_ =	sdelay $0x1  }
0xd0: {  	v0 =	vadd.f32 v0, v1;
	v1 =	vadd.f32 v3, v2;
	_ =	sdelay $0x1  }
0xd1: {  	v0 =	vadd.f32 v1, v0;
	v1 =	vadd.f32 $1.000000010e-10, v5  }
0xd2: {  	vm0 =	veq.s32 v4, $0x0  }
0xd3: {  	v0 =	vsel vm0, v1, v0  }
0xd4: {  	v1 =	vand.u32 $0x7FFFFF, v0  }
0xd5: {  	v1 =	vor.u32 $0x3F000000, v1  }
0xd6: {  	vm1 =	vlt.f32 v1, $7.071067690e-01  }
0xd7: {  	v2 =	vnsel vm1, $0x80000000, v1  }
0xd8: {  	v1 =	vadd.f32 v1, v2;
	_ =	sdelay $0x1  }
0xd9: {  	v1 =	vadd.f32 $-1.000000000e+00, v1;
	_ =	sdelay $0x1  }
0xda: {  	v2 =	vmul.f32 $7.037683580e-02, v1;
	_ =	sdelay $0x1  }
0xdb: {  	v2 =	vadd.f32 $-1.151461010e-01, v2;
	_ =	sdelay $0x1  }
0xdc: {  	v2 =	vmul.f32 v2, v1;
	_ =	sdelay $0x1  }
0xdd: {  	v2 =	vadd.f32 $1.167699840e-01, v2;
	_ =	sdelay $0x1  }
0xde: {  	v2 =	vmul.f32 v2, v1;
	_ =	sdelay $0x1  }
0xdf: {  	v2 =	vadd.f32 $-1.242014100e-01, v2;
	_ =	sdelay $0x1  }
0xe0: {  	v2 =	vmul.f32 v2, v1;
	_ =	sdelay $0x1  }
0xe1: {  	v2 =	vadd.f32 $1.424932330e-01, v2;
	_ =	sdelay $0x1  }
0xe2: {  	v2 =	vmul.f32 v2, v1;
	_ =	sdelay $0x1  }
0xe3: {  	v2 =	vadd.f32 $-1.666805740e-01, v2;
	_ =	sdelay $0x1  }
0xe4: {  	v2 =	vmul.f32 v2, v1;
	_ =	sdelay $0x1  }
0xe5: {  	v2 =	vadd.f32 $2.000071410e-01, v2;
	_ =	sdelay $0x1  }
0xe6: {  	v2 =	vmul.f32 v2, v1;
	_ =	sdelay $0x1  }
0xe7: {  	v2 =	vadd.f32 $-2.499999400e-01, v2  }
0xe8: {  	v3 =	vimm.s32 $0x0  }
0xe9: {  	v0 =	vshra.s32 v0, $0x17;
	v3 =	vsel vm1, $0xFFFFFFFF, v3;
	v2 =	vmul.f32 v2, v1  }
0xea: {  	v0 =	vadd.s32 v3, v0  }
0xeb: {  	v0 =	vadd.s32 $0xFFFFFF82, v0;
	v2 =	vadd.f32 $3.333333130e-01, v2  }
0xec: {  	v0 =	vcvt.s32.f32 v0  }
0xed: {  	v3 =	vmul.f32 v1, v1;
	v2 =	vmul.f32 v2, v1;
	_ =	sdelay $0x1  }
0xee: {  	v4 =	vmul.f32 $-2.121944420e-04, v0;
	v2 =	vmul.f32 v2, v3  }
0xef: {  	[tilespmem:$0x1F3F0] =	vst v44  }
0xf0: {  	[tilespmem:$0x1F410] =	vst v33;
	v3 =	vmul.f32 $5.000000000e-01, v3;
	v2 =	vadd.f32 v4, v2  }
0xf1: {  	[tilespmem:$0x1F420] =	vst v30  }
0xf2: {  	[tilespmem:$0x1F430] =	vst v11;
	v2 =	vsub.f32 v2, v3  }
0xf3: {  	[tilespmem:$0x1F450] =	vst v13  }
0xf4: {  	[tilespmem:$0x1F460] =	vst v37;
	v0 =	vmul.f32 $6.933593750e-01, v0;
	v1 =	vadd.f32 v2, v1  }
0xf5: {  	[tilespmem:$0x1F480] =	vst v31  }
0xf6: {  	[tilespmem:$0x1F490] =	vst v15;
	v0 =	vadd.f32 v1, v0;
	v1 =	vld [tilespmem:$0x1F400]  }
0xf7: {  	[tilespmem:$0x1F4B0] =	vst v29  }
0xf8: {  	s31 =	simm.s32 $0x10;
	[tilespmem:$0x1F4C0] =	vst v35  }
0xf9: {  	[tilespmem:$0x1F4E0] =	vst v26;
	v2 =	vadd.s32 s31, v44  }
0xfa: {  	[tilespmem:$0x1F4F0] =	vst v25;
	v24 =	vshll.u32 v2, $0x7  }
0xfb: {  	[tilespmem:$0x1F510] =	vst v32;
	v3 =	vadd.s32 v1, v24  }
0xfc: {  	[tilespmem:$0x1F520] =	vst v23;
	v16 =	vor.u32 v3, v49  }
0xfd: {  	[tilespmem:$0x1FC70] =	vst v16;
	v16 =	vld [tilespmem:$0x1F6F0]  }
0xfe: {  	[tilespmem:$0x1F550] =	vst v28  }
0xff: {  	[tilespmem:$0x1F580] =	vst v27  }
0x100: {  	[tilespmem:$0x1F5B0] =	vst v39  }
0x101: {  	[tilespmem:$0x1F5D0] =	vst v34  }
0x102: {  	[tilespmem:$0x1F600] =	vst v61;
	v16 =	vor.u32 v3, v16  }
0x103: {  	[tilespmem:$0x1FCE0] =	vst v16;
	v16 =	vld [tilespmem:$0x1F710]  }
0x104: {  	[tilespmem:$0x1F610] =	vst v60  }
0x105: {  	[tilespmem:$0x1F620] =	vst v41  }
0x106: {  	[tilespmem:$0x1F630] =	vst v40  }
0x107: {  	[tilespmem:$0x1F650] =	vst v52  }
0x108: {  	[tilespmem:$0x1F660] =	vst v47;
	v16 =	vor.u32 v3, v16  }
0x109: {  	[tilespmem:$0x1FD50] =	vst v16;
	v16 =	vld [tilespmem:$0x1F720]  }
0x10a: {  	[tilespmem:$0x1F670] =	vst v63  }
0x10b: {  	[tilespmem:$0x1F680] =	vst v50  }
0x10c: {  	[tilespmem:$0x1F690] =	vst v43;
	v1 =	vimm.f32 $5.000000000e-01  }
0x10d: {  	[tilespmem:$0x1F6A0] =	vst v48;
	v1 =	vsel vm0, $0x3F800000, v1  }
0x10e: {  	[tilespmem:$0x1F6B0] =	vst v45;
	v4 =	vmul.f32 v0, v1;
	v1 =	vor.u32 v3, v30;
	v30 =	vor.u32 v3, v16;
	v16 =	vld [tilespmem:$0x1F730]  }
0x10f: {  	[tilespmem:$0x1F6C0] =	vst v62  }
0x110: {  	[tilespmem:$0x1F6D0] =	vst v49  }
0x111: {  	[tilespmem:$0x1F6E0] =	vst v53  }
0x112: {  	[tilespmem:$0x1F700] =	vst v46;
	v2 =	vor.u32 v3, v11  }
0x113: {  	v5 =	vor.u32 v3, v37;
	v10 =	vor.u32 v3, v28;
	[tilespmem:$0x1F440] =	vst v2;
	v28 =	vor.u32 v3, v16;
	v16 =	vld [tilespmem:$0x1F740]  }
0x114: {  	v6 =	vor.u32 v3, v15;
	[tilespmem:$0x1F470] =	vst v5  }
0x115: {  	v7 =	vor.u32 v3, v35;
	[tilespmem:$0x1F4A0] =	vst v6  }
0x116: {  	v8 =	vor.u32 v3, v25;
	[tilespmem:$0x1F4D0] =	vst v7  }
0x117: {  	v9 =	vor.u32 v3, v23;
	[tilespmem:$0x1F500] =	vst v8  }
0x118: {  	[tilespmem:$0x1F530] =	vst v9;
	v16 =	vor.u32 v3, v16  }
0x119: {  	[tilespmem:$0x1FDC0] =	vst v16;
	v16 =	vld [tilespmem:$0x1F750]  }
0x11a: {  	v11 =	vor.u32 v3, v27;
	[tilespmem:$0x1F560] =	vst v10  }
0x11b: {  	v12 =	vor.u32 v3, v39;
	v0 =	vor.u32 v3, v33;
	[tilespmem:$0x1F590] =	vst v11  }
0x11c: {  	v14 =	vor.u32 v3, v40;
	[tilespmem:$0x1F5C0] =	vst v12  }
0x11d: {  	v12 =	vor.u32 v3, v34;
	[tilespmem:$0x1F640] =	vst v14  }
0x11e: {  	[tilespmem:$0x1F5E0] =	vst v12;
	v16 =	vor.u32 v3, v16  }
0x11f: {  	[tilespmem:$0x1FE20] =	vst v16  }
0x120: {  	v44 =	vld.idx.msk [tilespmem:v0+s4+$0x0], $0xffff  }
0x121: {  	v0 =	vld [tilespmem:$0x1F770];
	_ =	sdelay $0x4  }
0x122: {  	v8 =	vor.u32 v3, v32;
	v32 =	vor.u32 v3, v0;
	v0 =	vld [tilespmem:$0x1F780];
	_ =	sdelay $0x4  }
0x123: {  	v5 =	vor.u32 v3, v31;
	v31 =	vor.u32 v3, v0;
	v0 =	vld [tilespmem:$0x1F790];
	_ =	sdelay $0x4  }
0x124: {  	v20 =	vor.u32 v3, v0;
	v0 =	vld [tilespmem:$0x1F7A0];
	_ =	sdelay $0x4  }
0x125: {  	v34 =	vor.u32 v3, v0;
	v0 =	vld [tilespmem:$0x1F7B0];
	_ =	sdelay $0x4  }
0x126: {  	v21 =	vor.u32 v3, v0;
	v0 =	vld [tilespmem:$0x1F7C0];
	_ =	sdelay $0x4  }
0x127: {  	v23 =	vor.u32 v3, v41;
	v41 =	vor.u32 v3, v0;
	v0 =	vld [tilespmem:$0x1F7D0];
	_ =	sdelay $0x4  }
0x128: {  	v33 =	vor.u32 v3, v0;
	v0 =	vld [tilespmem:$0x1F7E0];
	_ =	sdelay $0x4  }
0x129: {  	v36 =	vor.u32 v3, v0;
	v0 =	vld [tilespmem:$0x1F7F0];
	_ =	sdelay $0x4  }
0x12a: {  	v35 =	vor.u32 v3, v0;
	v0 =	vld [tilespmem:$0x1F800];
	_ =	sdelay $0x4  }
0x12b: {  	v49 =	vor.u32 v3, v0;
	v0 =	vld [tilespmem:$0x1F810];
	_ =	sdelay $0x4  }
0x12c: {  	v7 =	vor.u32 v3, v26;
	v26 =	vor.u32 v3, v45;
	v45 =	vor.u32 v3, v0;
	v0 =	vld [tilespmem:$0x1F820];
	_ =	sdelay $0x4  }
0x12d: {  	v39 =	vor.u32 v3, v0;
	v0 =	vld.idx.msk [tilespmem:v5+s4+$0x0], $0xffff  }
0x12e: {  	v5 =	vld [tilespmem:$0x1F860];
	_ =	sdelay $0x4  }
0x12f: {  	v27 =	vor.u32 v3, v46;
	v46 =	vor.u32 v3, v5;
	v5 =	vld [tilespmem:$0x1F870];
	_ =	sdelay $0x2  }
0x130: {  	v2 =	vor.u32 v3, v13;
	_ =	sdelay $0x1  }
0x131: {  	v22 =	vor.u32 v3, v43;
	v43 =	vor.u32 v3, v5;
	v5 =	vld [tilespmem:$0x1F880];
	_ =	sdelay $0x1  }
0x132: {  	v13 =	vor.u32 v3, v61;
	v61 =	vor.u32 v3, v50;
	v50 =	vld.idx.msk [tilespmem:v1+s4+$0x0], $0xffff  }
0x133: {  	v1 =	vld.idx.msk [tilespmem:v2+s4+$0x0], $0xffff  }
0x134: {  	v2 =	vld [tilespmem:$0x1F830]  }
0x135: {  	v40 =	vor.u32 v3, v5;
	v5 =	vld [tilespmem:$0x1F890];
	_ =	sdelay $0x1  }
0x136: {  	v9 =	vld [tilespmem:$0x1F540]  }
0x137: {  	v10 =	vld [tilespmem:$0x1F570]  }
0x138: {  	v14 =	vor.u32 v3, v47;
	v47 =	vor.u32 v3, v2;
	v2 =	vld [tilespmem:$0x1F840]  }
0x139: {  	v18 =	vor.u32 v3, v5;
	v5 =	vld [tilespmem:$0x1F8A0]  }
0x13a: {  	v11 =	vld [tilespmem:$0x1F5A0]  }
0x13b: {  	v12 =	vld [tilespmem:$0x1F5F0]  }
0x13c: {  	v16 =	vld [tilespmem:$0x1F760]  }
0x13d: {  	v38 =	vor.u32 v3, v2;
	v2 =	vld [tilespmem:$0x1F850]  }
0x13e: {  	v17 =	vor.u32 v3, v5;
	v5 =	vld [tilespmem:$0x1F8B0]  }
0x13f: {  	v15 =	vor.u32 v3, v60;
	v60 =	vor.u32 v3, v52  }
0x140: {  	v63 =	vor.u32 v3, v63;
	v25 =	vor.u32 v3, v48;
	v62 =	vor.u32 v3, v62  }
0x141: {  	s26 =	simm.s32 $0x10010;
	v6 =	vor.u32 v3, v29;
	v29 =	vor.u32 v3, v53;
	v9 =	vor.u32 v3, v9  }
0x142: {  	v10 =	vor.u32 v3, v10;
	v11 =	vor.u32 v3, v11;
	v12 =	vor.u32 v3, v12;
	v37 =	vld [tilespmem:s26+$0x0]  }
0x143: {  	v19 =	vor.u32 v3, v16;
	v48 =	vor.u32 v3, v2;
	v16 =	vor.u32 v3, v5;
	v3 =	vld [tilespmem:$0x1F8C0];
	_ =	sdelay $0x3  }
0x144: {  	v53 =	vld.idx.msk [tilespmem:v7+s4+$0x0], $0xffff  }
0x145: {  	v52 =	vld.idx.msk [tilespmem:v8+s4+$0x0], $0xffff;
	vm0 =	vgt.s32 v3, v37;
	v3 =	vimm.s32 $0x0  }
0x146: {  	v2 =	vld.idx.msk [tilespmem:v6+s4+$0x0], $0xffff;
	v3 =	vsel vm0, $0xFFFFFFFF, v3  }
0x147: {  	[tilespmem:$0x1F8D0] =	vst v3;
	v3 =	vld [tilespmem:$0x1F8E0];
	_ =	sdelay $0x4  }
0x148: {  	vm0 =	vgt.s32 v3, v37;
	v3 =	vimm.s32 $0x0  }
0x149: {  	v3 =	vsel vm0, $0xFFFFFFFF, v3  }
0x14a: {  	vm0 =	vgt.s32 v54, v37;
	[tilespmem:$0x1F8F0] =	vst v3;
	v3 =	vimm.s32 $0x0  }
0x14b: {  	v3 =	vsel vm0, $0xFFFFFFFF, v3  }
0x14c: {  	[tilespmem:$0x1F910] =	vst v3;
	v3 =	vld [tilespmem:$0x1F920];
	_ =	sdelay $0x4  }
0x14d: {  	vm15 =	vgt.s32 v3, v37;
	v3 =	vld [tilespmem:$0x1F930];
	_ =	sdelay $0x4  }
0x14e: {  	vm0 =	vgt.s32 v3, v37;
	v3 =	vimm.s32 $0x0  }
0x14f: {  	[tilespmem:$0x1F900] =	vst v54;
	v3 =	vsel vm0, $0xFFFFFFFF, v3  }
0x150: {  	v54 =	vld.idx.msk [tilespmem:v9+s4+$0x0], $0xffff;
	vm0 =	vgt.s32 v56, v37;
	[tilespmem:$0x1F940] =	vst v3;
	v3 =	vimm.s32 $0x0  }
0x151: {  	v3 =	vsel vm0, $0xFFFFFFFF, v3  }
0x152: {  	[tilespmem:$0x1F960] =	vst v3;
	v3 =	vld [tilespmem:$0x1F970];
	_ =	sdelay $0x4  }
0x153: {  	[tilespmem:$0x1F950] =	vst v56;
	vm0 =	vgt.s32 v3, v37;
	v3 =	vimm.s32 $0x0  }
0x154: {  	v56 =	vld.idx.msk [tilespmem:v10+s4+$0x0], $0xffff;
	v3 =	vsel vm0, $0xFFFFFFFF, v3  }
0x155: {  	[tilespmem:$0x1F980] =	vst v3;
	v3 =	vld [tilespmem:$0x1F990];
	_ =	sdelay $0x4  }
0x156: {  	vm0 =	vgt.s32 v3, v37;
	v3 =	vimm.s32 $0x0  }
0x157: {  	v3 =	vsel vm0, $0xFFFFFFFF, v3  }
0x158: {  	vm0 =	vgt.s32 v55, v37;
	[tilespmem:$0x1F9A0] =	vst v3;
	v3 =	vimm.s32 $0x0  }
0x159: {  	v3 =	vsel vm0, $0xFFFFFFFF, v3  }
0x15a: {  	[tilespmem:$0x1F9C0] =	vst v3;
	v3 =	vld [tilespmem:$0x1F9D0];
	_ =	sdelay $0x4  }
0x15b: {  	vm0 =	vgt.s32 v3, v37;
	v3 =	vimm.s32 $0x0  }
0x15c: {  	[tilespmem:$0x1F9B0] =	vst v55;
	v3 =	vsel vm0, $0xFFFFFFFF, v3  }
0x15d: {  	v55 =	vld.idx.msk [tilespmem:v11+s4+$0x0], $0xffff;
	vm0 =	vgt.s32 v57, v37;
	[tilespmem:$0x1F9E0] =	vst v3;
	v3 =	vimm.s32 $0x0  }
0x15e: {  	[tilespmem:$0x1F9F0] =	vst v57;
	v3 =	vsel vm0, $0xFFFFFFFF, v3  }
0x15f: {  	vm0 =	vgt.s32 v42, v37;
	[tilespmem:$0x1FA00] =	vst v3;
	v3 =	vimm.s32 $0x0  }
0x160: {  	[tilespmem:$0x1FA10] =	vst v42;
	v3 =	vsel vm0, $0xFFFFFFFF, v3  }
0x161: {  	vm0 =	vgt.s32 v59, v37;
	[tilespmem:$0x1FA20] =	vst v3;
	v3 =	vimm.s32 $0x0  }
0x162: {  	v57 =	vld.idx.msk [tilespmem:v12+s4+$0x0], $0xffff;
	v3 =	vsel vm0, $0xFFFFFFFF, v3  }
0x163: {  	[tilespmem:$0x1FA40] =	vst v3;
	v3 =	vld [tilespmem:$0x1FA50];
	_ =	sdelay $0x4  }
0x164: {  	vm0 =	vgt.s32 v3, v37;
	v3 =	vimm.s32 $0x0  }
0x165: {  	[tilespmem:$0x1FA30] =	vst v59;
	v3 =	vsel vm0, $0xFFFFFFFF, v3  }
0x166: {  	vm0 =	vgt.s32 v58, v37;
	[tilespmem:$0x1FA60] =	vst v3;
	v3 =	vimm.s32 $0x0  }
0x167: {  	[tilespmem:$0x1FA70] =	vst v58;
	v3 =	vsel vm0, $0xFFFFFFFF, v3  }
0x168: {  	vm0 =	vgt.s32 v51, v37;
	[tilespmem:$0x1FA80] =	vst v3;
	v3 =	vimm.s32 $0x0  }
0x169: {  	v58 =	vld.idx.msk [tilespmem:v13+s4+$0x0], $0xffff;
	v3 =	vsel vm0, $0xFFFFFFFF, v3  }
0x16a: {  	[tilespmem:$0x1FAA0] =	vst v3;
	v3 =	vld [tilespmem:$0x1FAB0];
	_ =	sdelay $0x4  }
0x16b: {  	[tilespmem:$0x1FA90] =	vst v51;
	vm0 =	vgt.s32 v3, v37;
	v3 =	vimm.s32 $0x0  }
0x16c: {  	v59 =	vld.idx.msk [tilespmem:v15+s4+$0x0], $0xffff;
	v3 =	vsel vm0, $0xFFFFFFFF, v3  }
0x16d: {  	[tilespmem:$0x1FAC0] =	vst v3;
	v3 =	vld [tilespmem:$0x1FAD0];
	_ =	sdelay $0x4  }
0x16e: {  	vm0 =	vgt.s32 v3, v37;
	v3 =	vimm.s32 $0x0  }
0x16f: {  	v3 =	vsel vm0, $0xFFFFFFFF, v3  }
0x170: {  	[tilespmem:$0x1FAE0] =	vst v3;
	v3 =	vld [tilespmem:$0x1FAF0];
	_ =	sdelay $0x4  }
0x171: {  	vm0 =	vgt.s32 v3, v37;
	v3 =	vimm.s32 $0x0  }
0x172: {  	v60 =	vld.idx.msk [tilespmem:v60+s4+$0x0], $0xffff;
	v3 =	vsel vm0, $0xFFFFFFFF, v3  }
0x173: {  	[tilespmem:$0x1FB00] =	vst v3;
	v3 =	vld [tilespmem:$0x1FB10];
	_ =	sdelay $0x4  }
0x174: {  	vm0 =	vgt.s32 v3, v37;
	v3 =	vimm.s32 $0x0  }
0x175: {  	v3 =	vsel vm0, $0xFFFFFFFF, v3  }
0x176: {  	[tilespmem:$0x1FB20] =	vst v3;
	v3 =	vld [tilespmem:$0x1FB30];
	_ =	sdelay $0x4  }
0x177: {  	vm0 =	vgt.s32 v3, v37;
	v3 =	vimm.s32 $0x0  }
0x178: {  	v3 =	vsel vm0, $0xFFFFFFFF, v3  }
0x179: {  	[tilespmem:$0x1FB40] =	vst v3;
	v3 =	vld [tilespmem:$0x1FB50];
	_ =	sdelay $0x4  }
0x17a: {  	vm0 =	vgt.s32 v3, v37;
	v3 =	vimm.s32 $0x0  }
0x17b: {  	v63 =	vld.idx.msk [tilespmem:v63+s4+$0x0], $0xffff;
	v3 =	vsel vm0, $0xFFFFFFFF, v3  }
0x17c: {  	[tilespmem:$0x1FB60] =	vst v3;
	v3 =	vld [tilespmem:$0x1FB70];
	_ =	sdelay $0x4  }
0x17d: {  	vm0 =	vgt.s32 v3, v37;
	v3 =	vimm.s32 $0x0  }
0x17e: {  	v3 =	vsel vm0, $0xFFFFFFFF, v3  }
0x17f: {  	[tilespmem:$0x1FB80] =	vst v3;
	v3 =	vld [tilespmem:$0x1FB90];
	_ =	sdelay $0x4  }
0x180: {  	vm0 =	vgt.s32 v3, v37;
	v3 =	vimm.s32 $0x0  }
0x181: {  	v3 =	vsel vm0, $0xFFFFFFFF, v3  }
0x182: {  	[tilespmem:$0x1FBA0] =	vst v3;
	v3 =	vld [tilespmem:$0x1FBB0];
	_ =	sdelay $0x4  }
0x183: {  	vm0 =	vgt.s32 v3, v37;
	v3 =	vimm.s32 $0x0  }
0x184: {  	v61 =	vld.idx.msk [tilespmem:v61+s4+$0x0], $0xffff;
	v3 =	vsel vm0, $0xFFFFFFFF, v3  }
0x185: {  	[tilespmem:$0x1FBC0] =	vst v3;
	v3 =	vld [tilespmem:$0x1FBD0];
	_ =	sdelay $0x4  }
0x186: {  	vm0 =	vgt.s32 v3, v37;
	v3 =	vimm.s32 $0x0  }
0x187: {  	v3 =	vsel vm0, $0xFFFFFFFF, v3  }
0x188: {  	[tilespmem:$0x1FBE0] =	vst v3;
	v3 =	vld [tilespmem:$0x1FBF0];
	_ =	sdelay $0x4  }
0x189: {  	vm0 =	vgt.s32 v3, v37;
	v3 =	vimm.s32 $0x0  }
0x18a: {  	v3 =	vsel vm0, $0xFFFFFFFF, v3  }
0x18b: {  	[tilespmem:$0x1FC00] =	vst v3;
	v3 =	vld [tilespmem:$0x1FC10];
	_ =	sdelay $0x4  }
0x18c: {  	vm0 =	vgt.s32 v3, v37;
	v3 =	vimm.s32 $0x0  }
0x18d: {  	v62 =	vld.idx.msk [tilespmem:v62+s4+$0x0], $0xffff;
	v3 =	vsel vm0, $0xFFFFFFFF, v3  }
0x18e: {  	[tilespmem:$0x1FC20] =	vst v3;
	v3 =	vld [tilespmem:$0x1FC30];
	_ =	sdelay $0x4  }
0x18f: {  	vm0 =	vgt.s32 v3, v37;
	v3 =	vimm.s32 $0x0  }
0x190: {  	v3 =	vsel vm0, $0xFFFFFFFF, v3  }
0x191: {  	[tilespmem:$0x1FC40] =	vst v3;
	v3 =	vld [tilespmem:$0x1FC50];
	_ =	sdelay $0x4  }
0x192: {  	vm0 =	vgt.s32 v3, v37;
	v3 =	vimm.s32 $0x0  }
0x193: {  	v3 =	vsel vm0, $0xFFFFFFFF, v3  }
0x194: {  	[tilespmem:$0x1FC60] =	vst v3;
	v3 =	vld [tilespmem:$0x1FC70];
	_ =	sdelay $0x7  }
0x195: {  	v6 =	vld.idx.msk [tilespmem:v3+s4+$0x0], $0xffff  }
0x196: {  	v3 =	vld [tilespmem:$0x1FC80];
	_ =	sdelay $0x4  }
0x197: {  	vm0 =	vgt.s32 v3, v37;
	v3 =	vimm.s32 $0x0  }
0x198: {  	v3 =	vsel vm0, $0xFFFFFFFF, v3  }
0x199: {  	[tilespmem:$0x1FC90] =	vst v3;
	v3 =	vld [tilespmem:$0x1FCA0];
	_ =	sdelay $0x4  }
0x19a: {  	vm0 =	vgt.s32 v3, v37;
	v3 =	vimm.s32 $0x0  }
0x19b: {  	v3 =	vsel vm0, $0xFFFFFFFF, v3  }
0x19c: {  	[tilespmem:$0x1FCB0] =	vst v3;
	v3 =	vld [tilespmem:$0x1FCC0];
	_ =	sdelay $0x4  }
0x19d: {  	vm0 =	vgt.s32 v3, v37;
	v3 =	vimm.s32 $0x0  }
0x19e: {  	v3 =	vsel vm0, $0xFFFFFFFF, v3  }
0x19f: {  	[tilespmem:$0x1FCD0] =	vst v3;
	v3 =	vld [tilespmem:$0x1FCE0];
	_ =	sdelay $0x7  }
0x1a0: {  	v5 =	vld.idx.msk [tilespmem:v3+s4+$0x0], $0xffff  }
0x1a1: {  	v3 =	vld [tilespmem:$0x1FCF0];
	_ =	sdelay $0x4  }
0x1a2: {  	vm0 =	vgt.s32 v3, v37;
	v3 =	vimm.s32 $0x0  }
0x1a3: {  	v3 =	vsel vm0, $0xFFFFFFFF, v3  }
0x1a4: {  	[tilespmem:$0x1FD00] =	vst v3;
	v3 =	vld [tilespmem:$0x1FD10];
	_ =	sdelay $0x4  }
0x1a5: {  	vm0 =	vgt.s32 v3, v37;
	v3 =	vimm.s32 $0x0  }
0x1a6: {  	v3 =	vsel vm0, $0xFFFFFFFF, v3  }
0x1a7: {  	[tilespmem:$0x1FD20] =	vst v3;
	v3 =	vld [tilespmem:$0x1FD30];
	_ =	sdelay $0x4  }
0x1a8: {  	vm0 =	vgt.s32 v3, v37;
	v3 =	vimm.s32 $0x0  }
0x1a9: {  	v3 =	vsel vm0, $0xFFFFFFFF, v3  }
0x1aa: {  	[tilespmem:$0x1FD40] =	vst v3;
	v3 =	vld [tilespmem:$0x1FD50];
	_ =	sdelay $0x1  }
0x1ab: {  	v8 =	vld [tilespmem:$0x1FD60];
	_ =	sdelay $0x4  }
0x1ac: {  	vm0 =	vgt.s32 v8, v37;
	v8 =	vimm.s32 $0x0  }
0x1ad: {  	v8 =	vsel vm0, $0xFFFFFFFF, v8;
	v3 =	vld.idx.msk [tilespmem:v3+s4+$0x0], $0xffff  }
0x1ae: {  	[tilespmem:$0x1FD70] =	vst v8;
	v8 =	vld [tilespmem:$0x1FD80];
	_ =	sdelay $0x4  }
0x1af: {  	vm0 =	vgt.s32 v8, v37;
	v8 =	vimm.s32 $0x0  }
0x1b0: {  	v8 =	vsel vm0, $0xFFFFFFFF, v8  }
0x1b1: {  	[tilespmem:$0x1FD90] =	vst v8;
	v8 =	vld [tilespmem:$0x1FDA0];
	_ =	sdelay $0x4  }
0x1b2: {  	vm0 =	vgt.s32 v8, v37;
	v8 =	vimm.s32 $0x0  }
0x1b3: {  	v8 =	vsel vm0, $0xFFFFFFFF, v8  }
0x1b4: {  	[tilespmem:$0x1FDB0] =	vst v8;
	v8 =	vld [tilespmem:$0x1FDC0];
	_ =	sdelay $0x7  }
0x1b5: {  	v10 =	vld.idx.msk [tilespmem:v8+s4+$0x0], $0xffff  }
0x1b6: {  	v8 =	vld [tilespmem:$0x1FDD0];
	_ =	sdelay $0x4  }
0x1b7: {  	vm2 =	vgt.s32 v8, v37;
	v8 =	vld [tilespmem:$0x1FDE0];
	_ =	sdelay $0x4  }
0x1b8: {  	vm0 =	vgt.s32 v8, v37;
	v8 =	vimm.s32 $0x0  }
0x1b9: {  	v8 =	vsel vm0, $0xFFFFFFFF, v8  }
0x1ba: {  	[tilespmem:$0x1FDF0] =	vst v8;
	v8 =	vld [tilespmem:$0x1FE00];
	_ =	sdelay $0x4  }
0x1bb: {  	vm1 =	vgt.s32 v8, v37;
	v8 =	vimm.s32 $0x0  }
0x1bc: {  	v8 =	vsel vm1, $0xFFFFFFFF, v8  }
0x1bd: {  	[tilespmem:$0x1FE10] =	vst v8;
	v8 =	vld [tilespmem:$0x1FE20];
	_ =	sdelay $0x7  }
0x1be: {  	v11 =	vld.idx.msk [tilespmem:v8+s4+$0x0], $0xffff  }
0x1bf: {  	v8 =	vld [tilespmem:$0x1FE30];
	_ =	sdelay $0x4  }
0x1c0: {  	vm1 =	vgt.s32 v8, v37;
	v8 =	vimm.s32 $0x0  }
0x1c1: {  	v8 =	vsel vm1, $0xFFFFFFFF, v8  }
0x1c2: {  	[tilespmem:$0x1FE40] =	vst v8;
	v8 =	vld [tilespmem:$0x1FE50];
	_ =	sdelay $0x4  }
0x1c3: {  	vm1 =	vgt.s32 v8, v37;
	v8 =	vld [tilespmem:$0x1FE60];
	_ =	sdelay $0x4  }
0x1c4: {  	vm4 =	vgt.s32 v8, v37;
	v8 =	vld [tilespmem:$0x1FE70];
	_ =	sdelay $0x4  }
0x1c5: {  	vm3 =	vgt.s32 v8, v37;
	v8 =	vimm.s32 $0x0  }
0x1c6: {  	v12 =	vld.idx.msk [tilespmem:v18+s4+$0x0], $0xffff;
	v8 =	vsel vm3, $0xFFFFFFFF, v8  }
0x1c7: {  	[tilespmem:$0x1FE80] =	vst v8;
	v8 =	vld [tilespmem:$0x1FE90];
	_ =	sdelay $0x4  }
0x1c8: {  	vm0 =	vgt.s32 v8, v37;
	v8 =	vimm.s32 $0x0  }
0x1c9: {  	v8 =	vsel vm0, $0xFFFFFFFF, v8  }
0x1ca: {  	[tilespmem:$0x1FEA0] =	vst v8;
	v8 =	vld [tilespmem:$0x1FEB0];
	_ =	sdelay $0x4  }
0x1cb: {  	vm0 =	vgt.s32 v8, v37;
	v8 =	vimm.s32 $0x0  }
0x1cc: {  	v8 =	vsel vm0, $0xFFFFFFFF, v8  }
0x1cd: {  	[tilespmem:$0x1FEC0] =	vst v8;
	v8 =	vld [tilespmem:$0x1FED0];
	_ =	sdelay $0x4  }
0x1ce: {  	vm8 =	vgt.s32 v8, v37;
	v8 =	vld [tilespmem:$0x1FEE0];
	_ =	sdelay $0x4  }
0x1cf: {  	vm7 =	vgt.s32 v8, v37;
	v8 =	vld [tilespmem:$0x1FEF0];
	_ =	sdelay $0x4  }
0x1d0: {  	vm0 =	vgt.s32 v8, v37;
	v8 =	vimm.s32 $0x0  }
0x1d1: {  	v17 =	vld.idx.msk [tilespmem:v17+s4+$0x0], $0xffff;
	v8 =	vsel vm0, $0xFFFFFFFF, v8  }
0x1d2: {  	[tilespmem:$0x1FF00] =	vst v8;
	v8 =	vld [tilespmem:$0x1FF10];
	_ =	sdelay $0x4  }
0x1d3: {  	vm0 =	vgt.s32 v8, v37;
	v8 =	vimm.s32 $0x0  }
0x1d4: {  	v13 =	vld.idx.msk [tilespmem:v16+s4+$0x0], $0xffff;
	v8 =	vsel vm0, $0xFFFFFFFF, v8  }
0x1d5: {  	[tilespmem:$0x1FF20] =	vst v8;
	v8 =	vld [tilespmem:$0x1FF30];
	_ =	sdelay $0x4  }
0x1d6: {  	vm10 =	vgt.s32 v8, v37;
	v8 =	vld [tilespmem:$0x1FF40];
	_ =	sdelay $0x4  }
0x1d7: {  	vm9 =	vgt.s32 v8, v37;
	v8 =	vld [tilespmem:$0x1FF50];
	_ =	sdelay $0x4  }
0x1d8: {  	vm0 =	vgt.s32 v8, v37;
	v8 =	vimm.s32 $0x0  }
0x1d9: {  	v15 =	vld.idx.msk [tilespmem:v19+s4+$0x0], $0xffff;
	v8 =	vsel vm0, $0xFFFFFFFF, v8  }
0x1da: {  	[tilespmem:$0x1FF60] =	vst v8;
	v8 =	vld [tilespmem:$0x1FF70];
	_ =	sdelay $0x4  }
0x1db: {  	vm3 =	vgt.s32 v8, v37;
	v8 =	vld [tilespmem:$0x1FF80];
	_ =	sdelay $0x4  }
0x1dc: {  	vm0 =	vgt.s32 v8, v37;
	v8 =	vimm.s32 $0x0  }
0x1dd: {  	v8 =	vsel vm0, $0xFFFFFFFF, v8  }
0x1de: {  	[tilespmem:$0x1FF90] =	vst v8;
	v8 =	vld [tilespmem:$0x1FFA0];
	_ =	sdelay $0x4  }
0x1df: {  	vm6 =	vgt.s32 v8, v37;
	v8 =	vld [tilespmem:$0x1FFB0];
	_ =	sdelay $0x4  }
0x1e0: {  	vm5 =	vgt.s32 v8, v37;
	v8 =	vld [tilespmem:$0x1FFC0];
	_ =	sdelay $0x4  }
0x1e1: {  	vm13 =	vgt.s32 v8, v37;
	v8 =	vld [tilespmem:$0x1FFD0];
	_ =	sdelay $0x4  }
0x1e2: {  	vm14 =	vgt.s32 v8, v37;
	v8 =	vld [tilespmem:$0x1FFE0];
	_ =	sdelay $0x4  }
0x1e3: {  	vm12 =	vgt.s32 v8, v37;
	v8 =	vld [tilespmem:$0x1FFF0];
	_ =	sdelay $0x3  }
0x1e4: {  	v7 =	vsub.s32 $0x3F, v37;
	v16 =	vld.idx.msk [tilespmem:v20+s4+$0x0], $0xffff  }
0x1e5: {  	s28 =	simm.s32 $0x20;
	v42 =	vand.u32 $0x7F, v37;
	v51 =	vand.u32 $0xFFFFFF80, v37;
	v18 =	vld.idx.msk [tilespmem:v21+s4+$0x0], $0xffff;
	vm11 =	vgt.s32 v8, v37  }
.LBB2_3:
0x1e6: {  	v9 =	vld [tilespmem:$0x1F390];
	_ =	sdelay $0x3  }
0x1e7: {  	v8 =	vadd.s32 v51, v24  }
0x1e8: {  	v9 =	vadd.f32 v4, v9;
	v4 =	vor.u32 v42, v8;
	v8 =	vld [tilespmem:$0x1F3A0];
	_ =	sdelay $0x3  }
0x1e9: {  	v7 =	vcvt.s32.f32 v7;
	vm0 =	vmmov vm15  }
0x1ea: {  	vm15 =	vgt.s32 v8, v37;
	v37 =	vnsel vm0, $0x0, v1;
	v1 =	vld [tilespmem:$0x1F8D0]  }
0x1eb: {  	v19 =	vmul.f32 $1.000000010e-10, v7;
	v7 =	vld [tilespmem:$0x1F8F0];
	_ =	sdelay $0x3  }
0x1ec: {  	vm0 =	vnez.u8 v1  }
0x1ed: {  	v1 =	vnsel vm0, $0x0, v44;
	vm0 =	vnez.u8 v7;
	v7 =	vld [tilespmem:$0x1F9C0];
	_ =	sdelay $0x4  }
0x1ee: {  	v24 =	vnsel vm0, $0x0, v50;
	vm0 =	vnez.u8 v7;
	v7 =	vld [tilespmem:$0x1F9E0]  }
0x1ef: {  	v8 =	vld [tilespmem:$0x1F940];
	_ =	sdelay $0x3  }
0x1f0: {  	v2 =	vnsel vm0, $0x0, v2;
	vm0 =	vnez.u8 v7  }
0x1f1: {  	v7 =	vnsel vm0, $0x0, v53;
	vm0 =	vnez.u8 v8;
	v8 =	vld [tilespmem:$0x1FAC0];
	_ =	sdelay $0x4  }
0x1f2: {  	v0 =	vnsel vm0, $0x0, v0;
	vm0 =	vnez.u8 v8;
	v8 =	vld [tilespmem:$0x1FA40]  }
0x1f3: {  	[tilespmem:$0x1F390] =	vst v9;
	v9 =	vld [tilespmem:$0x1FA60]  }
0x1f4: {  	v21 =	vadd.f32 $0.0e+00, v13;
	v13 =	vld [tilespmem:$0x1FB20];
	_ =	sdelay $0x2  }
0x1f5: {  	v20 =	vadd.f32 $0.0e+00, v12;
	v12 =	vnsel vm0, $0x0, v56;
	vm0 =	vnez.u8 v8  }
0x1f6: {  	v8 =	vnsel vm0, $0x0, v52;
	vm0 =	vnez.u8 v9  }
0x1f7: {  	v9 =	vnsel vm0, $0x0, v54;
	vm0 =	vnez.u8 v13;
	v13 =	vld [tilespmem:$0x1FB60];
	_ =	sdelay $0x3  }
0x1f8: {  	v56 =	vld [tilespmem:$0x1FAE0]  }
0x1f9: {  	v42 =	vnsel vm0, $0x0, v57;
	v57 =	vld [tilespmem:$0x1FC00];
	vm0 =	vnez.u8 v13  }
0x1fa: {  	v13 =	vnsel vm0, $0x0, v58;
	v58 =	vld [tilespmem:$0x1FBC0];
	_ =	sdelay $0x2  }
0x1fb: {  	vm0 =	vnez.u8 v56  }
0x1fc: {  	v51 =	vld.idx.msk [tilespmem:v41+s4+$0x0], $0xffff;
	v41 =	vnsel vm0, $0x0, v55;
	vm0 =	vnez.u8 v57  }
0x1fd: {  	v44 =	vld.idx.msk [tilespmem:v48+s4+$0x0], $0xffff;
	v48 =	vnsel vm0, $0x0, v63;
	vm0 =	vnez.u8 v58  }
0x1fe: {  	v50 =	vnsel vm0, $0x0, v59;
	v59 =	vld [tilespmem:$0x1FBE0];
	_ =	sdelay $0x3  }
0x1ff: {  	v49 =	vld.idx.msk [tilespmem:v49+s4+$0x0], $0xffff  }
0x200: {  	v45 =	vld.idx.msk [tilespmem:v45+s4+$0x0], $0xffff;
	vm0 =	vnez.u8 v59  }
0x201: {  	v52 =	vnsel vm0, $0x0, v60;
	v60 =	vld [tilespmem:$0x1FCD0]  }
0x202: {  	v47 =	vld.idx.msk [tilespmem:v47+s4+$0x0], $0xffff  }
0x203: {  	v43 =	vld.idx.msk [tilespmem:v43+s4+$0x0], $0xffff  }
0x204: {  	v40 =	vld.idx.msk [tilespmem:v40+s4+$0x0], $0xffff  }
0x205: {  	v39 =	vld.idx.msk [tilespmem:v39+s4+$0x0], $0xffff  }
0x206: {  	v38 =	vld.idx.msk [tilespmem:v38+s4+$0x0], $0xffff;
	vm0 =	vnez.u8 v60  }
0x207: {  	v53 =	vnsel vm0, $0x0, v62;
	v62 =	vld [tilespmem:$0x1FD00]  }
0x208: {  	v63 =	vld [tilespmem:$0x1FC60]  }
0x209: {  	v36 =	vld.idx.msk [tilespmem:v36+s4+$0x0], $0xffff  }
0x20a: {  	v57 =	vld [tilespmem:$0x1FD40]  }
0x20b: {  	v49 =	vnsel vm10, $0x0, v49;
	v51 =	vnsel vm7, $0x0, v51;
	v47 =	vnsel vm13, $0x0, v47;
	v58 =	vld [tilespmem:$0x1FD70]  }
0x20c: {  	v45 =	vnsel vm9, $0x0, v45;
	v43 =	vnsel vm11, $0x0, v43;
	v59 =	vld [tilespmem:$0x1FDF0];
	vm0 =	vnez.u8 v62  }
0x20d: {  	v40 =	vnsel vm15, $0x0, v40;
	v60 =	vld [tilespmem:$0x1FF60];
	v6 =	vnsel vm0, $0x0, v6;
	vm0 =	vnez.u8 v63  }
0x20e: {  	v21 =	vnsel vm5, $0x0, v21;
	v19 =	vadd.f32 v40, v19;
	v54 =	vnsel vm0, $0x0, v61;
	v61 =	vld [tilespmem:$0x1FF90]  }
0x20f: {  	v20 =	vnsel vm3, $0x0, v20;
	v21 =	vadd.f32 v43, v21;
	v62 =	vld [tilespmem:$0x1FF00];
	vm0 =	vnez.u8 v57  }
0x210: {  	v19 =	vadd.f32 v47, v19;
	v63 =	vld [tilespmem:$0x1FF20];
	v5 =	vnsel vm0, $0x0, v5;
	vm0 =	vnez.u8 v58  }
0x211: {  	v35 =	vld.idx.msk [tilespmem:v35+s4+$0x0], $0xffff;
	v44 =	vnsel vm14, $0x0, v44;
	v3 =	vnsel vm0, $0x0, v3;
	vm0 =	vnez.u8 v59  }
0x212: {  	v20 =	vadd.f32 v44, v20;
	v11 =	vnsel vm0, $0x0, v11;
	vm0 =	vnez.u8 v60  }
0x213: {  	v19 =	vadd.f32 v49, v19;
	v39 =	vnsel vm0, $0x0, v39;
	vm0 =	vnez.u8 v61  }
0x214: {  	v20 =	vadd.f32 v45, v20;
	v38 =	vnsel vm0, $0x0, v38;
	vm0 =	vnez.u8 v62  }
0x215: {  	v46 =	vld.idx.msk [tilespmem:v46+s4+$0x0], $0xffff;
	v21 =	vadd.f32 v38, v21;
	v36 =	vnsel vm0, $0x0, v36;
	vm0 =	vnez.u8 v63  }
0x216: {  	v34 =	vld.idx.msk [tilespmem:v34+s4+$0x0], $0xffff;
	v18 =	vnsel vm8, $0x0, v18;
	v20 =	vadd.f32 v51, v20;
	v35 =	vnsel vm0, $0x0, v35  }
0x217: {  	v16 =	vnsel vm4, $0x0, v16;
	v18 =	vadd.f32 v18, v19;
	v19 =	vadd.f32 v35, v21;
	v21 =	vld [tilespmem:$0x1FEA0]  }
0x218: {  	v16 =	vadd.f32 v16, v20;
	v20 =	vld [tilespmem:$0x1FEC0]  }
0x219: {  	v33 =	vld.idx.msk [tilespmem:v33+s4+$0x0], $0xffff;
	_ =	sdelay $0x1  }
0x21a: {  	v17 =	vadd.f32 $0.0e+00, v17  }
0x21b: {  	v46 =	vnsel vm12, $0x0, v46;
	vm0 =	vnez.u8 v21  }
0x21c: {  	v17 =	vnsel vm6, $0x0, v17;
	v21 =	vnsel vm0, $0x0, v34;
	vm0 =	vnez.u8 v20  }
0x21d: {  	v15 =	vnsel vm1, $0x0, v15;
	v17 =	vadd.f32 v46, v17;
	v20 =	vnsel vm0, $0x0, v33  }
0x21e: {  	v15 =	vadd.f32 v15, v18;
	v18 =	vadd.f32 v20, v19;
	v19 =	vld [tilespmem:$0x1FE40]  }
0x21f: {  	v32 =	vld.idx.msk [tilespmem:v32+s4+$0x0], $0xffff;
	v17 =	vadd.f32 v39, v17;
	_ =	sdelay $0x1  }
0x220: {  	v17 =	vadd.f32 v36, v17;
	_ =	sdelay $0x1  }
0x221: {  	v17 =	vadd.f32 v21, v17;
	vm0 =	vnez.u8 v19  }
0x222: {  	v19 =	vnsel vm0, $0x0, v32  }
0x223: {  	v11 =	vadd.f32 v11, v16;
	v16 =	vadd.f32 v19, v17;
	v17 =	vld [tilespmem:$0x1FE80]  }
0x224: {  	v31 =	vld.idx.msk [tilespmem:v31+s4+$0x0], $0xffff;
	_ =	sdelay $0x3  }
0x225: {  	vm0 =	vnez.u8 v17  }
0x226: {  	v10 =	vnsel vm2, $0x0, v10;
	v17 =	vnsel vm0, $0x0, v31  }
0x227: {  	v10 =	vadd.f32 v10, v15;
	v15 =	vadd.f32 v17, v18;
	v17 =	vld [tilespmem:$0x1FDB0]  }
0x228: {  	v30 =	vld.idx.msk [tilespmem:v30+s4+$0x0], $0xffff;
	_ =	sdelay $0x3  }
0x229: {  	vm0 =	vnez.u8 v17  }
0x22a: {  	v17 =	vnsel vm0, $0x0, v30  }
0x22b: {  	v3 =	vadd.f32 v3, v11;
	v11 =	vadd.f32 v17, v16;
	v16 =	vld [tilespmem:$0x1FE10]  }
0x22c: {  	v28 =	vld.idx.msk [tilespmem:v28+s4+$0x0], $0xffff;
	_ =	sdelay $0x3  }
0x22d: {  	vm0 =	vnez.u8 v16  }
0x22e: {  	v16 =	vnsel vm0, $0x0, v28  }
0x22f: {  	v5 =	vadd.f32 v5, v10;
	v10 =	vadd.f32 v16, v15;
	v15 =	vld [tilespmem:$0x1FD20]  }
0x230: {  	v29 =	vld.idx.msk [tilespmem:v29+s4+$0x0], $0xffff;
	_ =	sdelay $0x3  }
0x231: {  	vm0 =	vnez.u8 v15  }
0x232: {  	v15 =	vnsel vm0, $0x0, v29  }
0x233: {  	v3 =	vadd.f32 v6, v3;
	v6 =	vadd.f32 v15, v11;
	v11 =	vld [tilespmem:$0x1FD90]  }
0x234: {  	v21 =	vld.idx.msk [tilespmem:v27+s4+$0x0], $0xffff;
	_ =	sdelay $0x3  }
0x235: {  	vm0 =	vnez.u8 v11  }
0x236: {  	v11 =	vnsel vm0, $0x0, v21  }
0x237: {  	v10 =	vadd.f32 v11, v10;
	v11 =	vld [tilespmem:$0x1FC90]  }
0x238: {  	v20 =	vld.idx.msk [tilespmem:v25+s4+$0x0], $0xffff;
	_ =	sdelay $0x3  }
0x239: {  	vm0 =	vnez.u8 v11  }
0x23a: {  	v11 =	vnsel vm0, $0x0, v20  }
0x23b: {  	v6 =	vadd.f32 v11, v6;
	v11 =	vld [tilespmem:$0x1FCB0]  }
0x23c: {  	v19 =	vld.idx.msk [tilespmem:v26+s4+$0x0], $0xffff;
	_ =	sdelay $0x3  }
0x23d: {  	vm0 =	vnez.u8 v11  }
0x23e: {  	v11 =	vnsel vm0, $0x0, v19  }
0x23f: {  	v10 =	vadd.f32 v11, v10;
	v11 =	vld [tilespmem:$0x1FC20]  }
0x240: {  	v14 =	vld.idx.msk [tilespmem:v14+s4+$0x0], $0xffff;
	_ =	sdelay $0x3  }
0x241: {  	vm0 =	vnez.u8 v11  }
0x242: {  	v11 =	vnsel vm0, $0x0, v14  }
0x243: {  	v6 =	vadd.f32 v11, v6;
	v11 =	vld [tilespmem:$0x1FC40]  }
0x244: {  	v17 =	vld.idx.msk [tilespmem:v22+s4+$0x0], $0xffff;
	_ =	sdelay $0x3  }
0x245: {  	vm0 =	vnez.u8 v11  }
0x246: {  	v15 =	vld [tilespmem:$0x1F640];
	v11 =	vnsel vm0, $0x0, v17  }
0x247: {  	v10 =	vadd.f32 v11, v10;
	v11 =	vld [tilespmem:$0x1FB80]  }
0x248: {  	v16 =	vld.idx.msk [tilespmem:v23+s4+$0x0], $0xffff;
	_ =	sdelay $0x3  }
0x249: {  	vm0 =	vnez.u8 v11  }
0x24a: {  	v18 =	vld [tilespmem:$0x1F5C0];
	v11 =	vnsel vm0, $0x0, v16  }
0x24b: {  	v6 =	vadd.f32 v11, v6;
	v11 =	vld [tilespmem:$0x1FBA0]  }
0x24c: {  	v15 =	vld.idx.msk [tilespmem:v15+s4+$0x0], $0xffff;
	_ =	sdelay $0x3  }
0x24d: {  	v19 =	vld [tilespmem:$0x1F5E0];
	vm0 =	vnez.u8 v11  }
0x24e: {  	v11 =	vnsel vm0, $0x0, v15  }
0x24f: {  	v10 =	vadd.f32 v11, v10;
	v11 =	vld [tilespmem:$0x1FB00]  }
0x250: {  	v18 =	vld.idx.msk [tilespmem:v18+s4+$0x0], $0xffff;
	_ =	sdelay $0x2  }
0x251: {  	v3 =	vadd.f32 v54, v3  }
0x252: {  	v14 =	vld [tilespmem:$0x1F560];
	vm0 =	vnez.u8 v11  }
0x253: {  	v3 =	vadd.f32 v52, v3;
	v19 =	vld.idx.msk [tilespmem:v19+s4+$0x0], $0xffff;
	v11 =	vnsel vm0, $0x0, v18  }
0x254: {  	v6 =	vadd.f32 v11, v6;
	v11 =	vld [tilespmem:$0x1FB40]  }
0x255: {  	v3 =	vadd.f32 v13, v3;
	v17 =	vld [tilespmem:$0x1F590];
	_ =	sdelay $0x1  }
0x256: {  	v3 =	vadd.f32 v41, v3  }
0x257: {  	v5 =	vadd.f32 v53, v5;
	v13 =	vld [tilespmem:$0x1F530]  }
0x258: {  	v3 =	vadd.f32 v9, v3;
	v9 =	vld [tilespmem:$0x1FAA0];
	vm0 =	vnez.u8 v11  }
0x259: {  	v5 =	vadd.f32 v48, v5;
	v14 =	vld.idx.msk [tilespmem:v14+s4+$0x0], $0xffff;
	v11 =	vnsel vm0, $0x0, v19  }
0x25a: {  	v10 =	vadd.f32 v11, v10;
	v11 =	vld [tilespmem:$0x1FA80]  }
0x25b: {  	v5 =	vadd.f32 v50, v5;
	v16 =	vld [tilespmem:$0x1F500]  }
0x25c: {  	v17 =	vld.idx.msk [tilespmem:v17+s4+$0x0], $0xffff  }
0x25d: {  	v5 =	vadd.f32 v42, v5;
	_ =	sdelay $0x1  }
0x25e: {  	v5 =	vadd.f32 v12, v5;
	vm0 =	vnez.u8 v11  }
0x25f: {  	v3 =	vadd.f32 v7, v3;
	v7 =	vld [tilespmem:$0x1FA20];
	v11 =	vnsel vm0, $0x0, v14;
	vm0 =	vnez.u8 v9  }
0x260: {  	v15 =	vld [tilespmem:$0x1F4A0];
	v9 =	vnsel vm0, $0x0, v17  }
0x261: {  	v5 =	vadd.f32 v8, v5;
	v8 =	vadd.f32 v9, v10;
	v9 =	vld [tilespmem:$0x1FA00]  }
0x262: {  	v16 =	vld.idx.msk [tilespmem:v16+s4+$0x0], $0xffff  }
0x263: {  	v13 =	vld.idx.msk [tilespmem:v13+s4+$0x0], $0xffff;
	_ =	sdelay $0x2  }
0x264: {  	vm0 =	vnez.u8 v9  }
0x265: {  	v9 =	vnsel vm0, $0x0, v16;
	vm0 =	vnez.u8 v7  }
0x266: {  	v18 =	vld [tilespmem:$0x1F4D0];
	v7 =	vnsel vm0, $0x0, v13  }
0x267: {  	v2 =	vadd.f32 v2, v5;
	v5 =	vadd.f32 v7, v8;
	v7 =	vld [tilespmem:$0x1F980]  }
0x268: {  	v15 =	vld.idx.msk [tilespmem:v15+s4+$0x0], $0xffff;
	_ =	sdelay $0x1  }
0x269: {  	v6 =	vadd.f32 v11, v6;
	_ =	sdelay $0x1  }
0x26a: {  	v6 =	vadd.f32 v9, v6;
	vm0 =	vnez.u8 v7  }
0x26b: {  	v12 =	vld [tilespmem:$0x1F440];
	v7 =	vnsel vm0, $0x0, v15  }
0x26c: {  	v0 =	vadd.f32 v0, v3;
	v3 =	vadd.f32 v7, v6;
	v6 =	vld [tilespmem:$0x1F9A0]  }
0x26d: {  	v18 =	vld.idx.msk [tilespmem:v18+s4+$0x0], $0xffff;
	_ =	sdelay $0x3  }
0x26e: {  	vm0 =	vnez.u8 v6  }
0x26f: {  	v11 =	vld [tilespmem:$0x1F470];
	v6 =	vnsel vm0, $0x0, v18  }
0x270: {  	v5 =	vadd.f32 v6, v5;
	v6 =	vld [tilespmem:$0x1F910]  }
0x271: {  	v12 =	vld.idx.msk [tilespmem:v12+s4+$0x0], $0xffff;
	_ =	sdelay $0x3  }
0x272: {  	vm0 =	vnez.u8 v6  }
0x273: {  	v6 =	vnsel vm0, $0x0, v12  }
0x274: {  	v3 =	vadd.f32 v6, v3;
	v6 =	vld [tilespmem:$0x1F960]  }
0x275: {  	v11 =	vld.idx.msk [tilespmem:v11+s4+$0x0], $0xffff;
	_ =	sdelay $0x2  }
0x276: {  	v2 =	vadd.f32 v37, v2  }
0x277: {  	vm0 =	vnez.u8 v6  }
0x278: {  	v1 =	vadd.f32 v1, v2;
	v7 =	vld [tilespmem:$0x1F3F0];
	v6 =	vnsel vm0, $0x0, v11  }
0x279: {  	v0 =	vadd.f32 v24, v0;
	v2 =	vadd.f32 v6, v5  }
0x27a: {  	v5 =	vld [tilespmem:$0x1F400]  }
0x27b: {  	v0 =	vadd.f32 v0, v1;
	v1 =	vadd.f32 v2, v3;
	v3 =	vld [tilespmem:$0x1F420];
	_ =	sdelay $0x1  }
0x27c: {  	v7 =	vadd.s32 s28, v7  }
0x27d: {  	v24 =	vshll.u32 v7, $0x7  }
0x27e: {  	v13 =	vadd.s32 v5, v24  }
0x27f: {  	v15 =	vor.u32 v13, v3;
	v3 =	vld [tilespmem:$0x1F430]  }
0x280: {  	v4 =	vld.idx.msk [tilespmem:v4+s4+$0x0], $0xffff;
	_ =	sdelay $0x3  }
0x281: {  	v3 =	vor.u32 v13, v3  }
0x282: {  	[tilespmem:$0x1F440] =	vst v3;
	v3 =	vadd.f32 $1.000000010e-10, v4;
	v4 =	vld [tilespmem:$0x1F460];
	_ =	sdelay $0x4  }
0x283: {  	v4 =	vor.u32 v13, v4  }
0x284: {  	[tilespmem:$0x1F470] =	vst v4;
	v4 =	vld [tilespmem:$0x1F480];
	_ =	sdelay $0x4  }
0x285: {  	v16 =	vor.u32 v13, v4;
	v4 =	vld [tilespmem:$0x1F490];
	_ =	sdelay $0x4  }
0x286: {  	v4 =	vor.u32 v13, v4  }
0x287: {  	[tilespmem:$0x1F4A0] =	vst v4;
	v4 =	vld [tilespmem:$0x1F4E0];
	_ =	sdelay $0x4  }
0x288: {  	v53 =	vor.u32 v13, v4;
	v4 =	vld [tilespmem:$0x1F4F0];
	_ =	sdelay $0x4  }
0x289: {  	v4 =	vor.u32 v13, v4  }
0x28a: {  	s25 =	sadd.s32 $0x10, s25;
	[tilespmem:$0x1F500] =	vst v4;
	v4 =	vld [tilespmem:$0x1F510]  }
0x28b: {  	v8 =	vld [tilespmem:s25+$0x0]  }
0x28c: {  	v18 =	vld [tilespmem:$0x1F7C0];
	_ =	sdelay $0x2  }
0x28d: {  	v52 =	vor.u32 v13, v4;
	v4 =	vld [tilespmem:$0x1F520]  }
0x28e: {  	v0 =	vadd.f32 v1, v0  }
0x28f: {  	vm11 =	veq.s32 v8, $0x0;
	v41 =	vor.u32 v13, v18;
	v18 =	vld [tilespmem:$0x1F7D0]  }
0x290: {  	v3 =	vsel vm11, v3, v0;
	v0 =	vld [tilespmem:$0x1F4B0];
	_ =	sdelay $0x1  }
0x291: {  	v4 =	vor.u32 v13, v4  }
0x292: {  	[tilespmem:$0x1F530] =	vst v4;
	v4 =	vld [tilespmem:$0x1F540]  }
0x293: {  	v33 =	vor.u32 v13, v18;
	v18 =	vld [tilespmem:$0x1F7E0]  }
0x294: {  	v17 =	vor.u32 v13, v0;
	v0 =	vld [tilespmem:$0x1F4C0];
	_ =	sdelay $0x1  }
0x295: {  	v5 =	vld [tilespmem:$0x1F570]  }
0x296: {  	v54 =	vor.u32 v13, v4;
	v4 =	vld [tilespmem:$0x1F550]  }
0x297: {  	v36 =	vor.u32 v13, v18;
	v18 =	vld [tilespmem:$0x1F7F0]  }
0x298: {  	v0 =	vor.u32 v13, v0  }
0x299: {  	v7 =	vld [tilespmem:$0x1F700];
	[tilespmem:$0x1F4D0] =	vst v0;
	v0 =	vand.u32 $0x7FFFFF, v3  }
0x29a: {  	v56 =	vor.u32 v13, v5;
	v5 =	vld [tilespmem:$0x1F580];
	v0 =	vor.u32 $0x3F000000, v0  }
0x29b: {  	vm0 =	vlt.f32 v0, $7.071067690e-01;
	v4 =	vor.u32 v13, v4  }
0x29c: {  	v35 =	vor.u32 v13, v18;
	v18 =	vld [tilespmem:$0x1F800];
	[tilespmem:$0x1F560] =	vst v4;
	v4 =	vnsel vm0, $0x80000000, v0  }
0x29d: {  	v0 =	vadd.f32 v0, v4;
	v4 =	vld [tilespmem:$0x1F5A0];
	_ =	sdelay $0x1  }
0x29e: {  	v27 =	vor.u32 v13, v7;
	v7 =	vld [tilespmem:$0x1F710];
	v5 =	vor.u32 v13, v5  }
0x29f: {  	[tilespmem:$0x1F590] =	vst v5;
	v5 =	vld [tilespmem:$0x1F670]  }
0x2a0: {  	v49 =	vor.u32 v13, v18;
	v18 =	vld [tilespmem:$0x1F810]  }
0x2a1: {  	v55 =	vor.u32 v13, v4;
	v4 =	vld [tilespmem:$0x1F5B0];
	_ =	sdelay $0x2  }
0x2a2: {  	v12 =	vor.u32 v13, v7;
	v7 =	vld [tilespmem:$0x1F720]  }
0x2a3: {  	v63 =	vor.u32 v13, v5;
	v5 =	vld [tilespmem:$0x1F680]  }
0x2a4: {  	v45 =	vor.u32 v13, v18;
	v18 =	vld [tilespmem:$0x1F820];
	v4 =	vor.u32 v13, v4  }
0x2a5: {  	[tilespmem:$0x1F5C0] =	vst v4;
	v4 =	vld [tilespmem:$0x1F5D0];
	_ =	sdelay $0x2  }
0x2a6: {  	v30 =	vor.u32 v13, v7;
	v7 =	vld [tilespmem:$0x1F730]  }
0x2a7: {  	v61 =	vor.u32 v13, v5;
	v5 =	vld [tilespmem:$0x1F690]  }
0x2a8: {  	v39 =	vor.u32 v13, v18;
	v18 =	vld [tilespmem:$0x1F830];
	v4 =	vor.u32 v13, v4  }
0x2a9: {  	[tilespmem:$0x1F5E0] =	vst v4;
	v4 =	vld [tilespmem:$0x1F5F0];
	_ =	sdelay $0x1  }
0x2aa: {  	v28 =	vor.u32 v13, v7;
	v7 =	vld [tilespmem:$0x1F740]  }
0x2ab: {  	v22 =	vor.u32 v13, v5;
	v5 =	vld [tilespmem:$0x1F6A0]  }
0x2ac: {  	v47 =	vor.u32 v13, v18;
	v18 =	vld [tilespmem:$0x1F840]  }
0x2ad: {  	v57 =	vor.u32 v13, v4;
	v4 =	vld [tilespmem:$0x1F600]  }
0x2ae: {  	v20 =	vld [tilespmem:$0x1F8B0]  }
0x2af: {  	v10 =	vor.u32 v13, v7;
	v7 =	vld [tilespmem:$0x1F750]  }
0x2b0: {  	v25 =	vor.u32 v13, v5;
	v5 =	vld [tilespmem:$0x1F6B0]  }
0x2b1: {  	v38 =	vor.u32 v13, v18;
	v18 =	vld [tilespmem:$0x1F850]  }
0x2b2: {  	v58 =	vor.u32 v13, v4;
	v4 =	vadd.f32 $-1.000000000e+00, v0;
	v0 =	vld [tilespmem:$0x1F610]  }
0x2b3: {  	v19 =	vld [tilespmem:$0x1F8A0]  }
0x2b4: {  	v11 =	vor.u32 v13, v7;
	v7 =	vld [tilespmem:$0x1F760]  }
0x2b5: {  	v26 =	vor.u32 v13, v5;
	v5 =	vld [tilespmem:$0x1F6C0]  }
0x2b6: {  	v48 =	vor.u32 v13, v18;
	v18 =	vld [tilespmem:$0x1F860]  }
0x2b7: {  	v59 =	vor.u32 v13, v0;
	v0 =	vld [tilespmem:$0x1F620]  }
0x2b8: {  	v8 =	vld [tilespmem:$0x1F7A0]  }
0x2b9: {  	v9 =	vor.u32 v13, v7;
	v7 =	vld [tilespmem:$0x1F770]  }
0x2ba: {  	v62 =	vor.u32 v13, v5;
	v5 =	vld [tilespmem:$0x1F6D0]  }
0x2bb: {  	v46 =	vor.u32 v13, v18;
	v18 =	vld [tilespmem:$0x1F870]  }
0x2bc: {  	v23 =	vor.u32 v13, v0;
	v0 =	vld [tilespmem:$0x1F630]  }
0x2bd: {  	v2 =	vld [tilespmem:$0x1F410]  }
0x2be: {  	v1 =	vld [tilespmem:$0x1F450]  }
0x2bf: {  	v32 =	vor.u32 v13, v7;
	v7 =	vld [tilespmem:$0x1F780]  }
0x2c0: {  	v6 =	vor.u32 v13, v5;
	v5 =	vld [tilespmem:$0x1F6E0]  }
0x2c1: {  	v43 =	vor.u32 v13, v18;
	v18 =	vld [tilespmem:$0x1F880];
	v0 =	vor.u32 v13, v0  }
0x2c2: {  	[tilespmem:$0x1F640] =	vst v0;
	v0 =	vld [tilespmem:$0x1F650]  }
0x2c3: {  	v34 =	vor.u32 v13, v8;
	v8 =	vld [tilespmem:$0x1F7B0]  }
0x2c4: {  	v31 =	vor.u32 v13, v7;
	v7 =	vld [tilespmem:$0x1F790]  }
0x2c5: {  	v29 =	vor.u32 v13, v5;
	v5 =	vld [tilespmem:$0x1F6F0]  }
0x2c6: {  	v40 =	vor.u32 v13, v18;
	v18 =	vld [tilespmem:$0x1F890]  }
0x2c7: {  	v60 =	vor.u32 v13, v0;
	v0 =	vld [tilespmem:$0x1F660];
	_ =	sdelay $0x2  }
0x2c8: {  	s26 =	sadd.s32 $0x10, s26;
	v19 =	vor.u32 v13, v19;
	v2 =	vor.u32 v13, v2;
	v1 =	vor.u32 v13, v1  }
0x2c9: {  	v37 =	vld [tilespmem:s26+$0x0];
	v8 =	vor.u32 v13, v8;
	v7 =	vor.u32 v13, v7;
	v5 =	vor.u32 v13, v5  }
0x2ca: {  	v18 =	vor.u32 v13, v18;
	v14 =	vor.u32 v13, v0;
	v13 =	vor.u32 v13, v20;
	v20 =	vld [tilespmem:$0x1F8C0];
	_ =	sdelay $0x4  }
0x2cb: {  	vm1 =	vgt.s32 v20, v37;
	v20 =	vimm.s32 $0x0  }
0x2cc: {  	v20 =	vsel vm1, $0xFFFFFFFF, v20  }
0x2cd: {  	[tilespmem:$0x1F8D0] =	vst v20;
	v20 =	vld [tilespmem:$0x1F8E0];
	_ =	sdelay $0x4  }
0x2ce: {  	vm1 =	vgt.s32 v20, v37;
	v20 =	vimm.s32 $0x0  }
0x2cf: {  	v20 =	vsel vm1, $0xFFFFFFFF, v20  }
0x2d0: {  	[tilespmem:$0x1F8F0] =	vst v20;
	v20 =	vld [tilespmem:$0x1F900];
	_ =	sdelay $0x4  }
0x2d1: {  	vm1 =	vgt.s32 v20, v37;
	v20 =	vimm.s32 $0x0  }
0x2d2: {  	v20 =	vsel vm1, $0xFFFFFFFF, v20  }
0x2d3: {  	[tilespmem:$0x1F910] =	vst v20;
	v20 =	vld [tilespmem:$0x1F920];
	_ =	sdelay $0x4  }
0x2d4: {  	vm15 =	vgt.s32 v20, v37;
	v20 =	vld [tilespmem:$0x1F930];
	_ =	sdelay $0x4  }
0x2d5: {  	vm1 =	vgt.s32 v20, v37;
	v20 =	vimm.s32 $0x0  }
0x2d6: {  	v20 =	vsel vm1, $0xFFFFFFFF, v20  }
0x2d7: {  	[tilespmem:$0x1F940] =	vst v20;
	v20 =	vld [tilespmem:$0x1F950];
	_ =	sdelay $0x4  }
0x2d8: {  	vm1 =	vgt.s32 v20, v37;
	v20 =	vimm.s32 $0x0  }
0x2d9: {  	v20 =	vsel vm1, $0xFFFFFFFF, v20  }
0x2da: {  	[tilespmem:$0x1F960] =	vst v20;
	v20 =	vld [tilespmem:$0x1F970];
	_ =	sdelay $0x4  }
0x2db: {  	vm1 =	vgt.s32 v20, v37;
	v20 =	vimm.s32 $0x0  }
0x2dc: {  	v44 =	vld.idx.msk [tilespmem:v2+s4+$0x0], $0xffff;
	v20 =	vsel vm1, $0xFFFFFFFF, v20  }
0x2dd: {  	[tilespmem:$0x1F980] =	vst v20;
	v20 =	vld [tilespmem:$0x1F990]  }
0x2de: {  	v2 =	vld [tilespmem:$0x1F9B0];
	_ =	sdelay $0x1  }
0x2df: {  	v0 =	vmul.f32 $7.037683580e-02, v4;
	_ =	sdelay $0x1  }
0x2e0: {  	v0 =	vadd.f32 $-1.151461010e-01, v0;
	vm1 =	vgt.s32 v20, v37;
	v20 =	vimm.s32 $0x0  }
0x2e1: {  	v20 =	vsel vm1, $0xFFFFFFFF, v20;
	vm1 =	vgt.s32 v2, v37;
	v2 =	vimm.s32 $0x0  }
0x2e2: {  	v0 =	vmul.f32 v0, v4;
	v2 =	vsel vm1, $0xFFFFFFFF, v2  }
0x2e3: {  	[tilespmem:$0x1F9C0] =	vst v2;
	v2 =	vld [tilespmem:$0x1F9D0]  }
0x2e4: {  	v0 =	vadd.f32 $1.167699840e-01, v0;
	_ =	sdelay $0x1  }
0x2e5: {  	v0 =	vmul.f32 v0, v4;
	_ =	sdelay $0x1  }
0x2e6: {  	v0 =	vadd.f32 $-1.242014100e-01, v0;
	vm1 =	vgt.s32 v2, v37;
	v2 =	vimm.s32 $0x0  }
0x2e7: {  	v2 =	vsel vm1, $0xFFFFFFFF, v2  }
0x2e8: {  	v0 =	vmul.f32 v0, v4;
	[tilespmem:$0x1F9E0] =	vst v2;
	v2 =	vld [tilespmem:$0x1F9F0];
	_ =	sdelay $0x1  }
0x2e9: {  	v0 =	vadd.f32 $1.424932330e-01, v0;
	_ =	sdelay $0x1  }
0x2ea: {  	v0 =	vmul.f32 v0, v4  }
0x2eb: {  	vm1 =	vgt.s32 v2, v37;
	v2 =	vimm.s32 $0x0  }
0x2ec: {  	v50 =	vld.idx.msk [tilespmem:v15+s4+$0x0], $0xffff;
	v0 =	vadd.f32 $-1.666805740e-01, v0;
	v2 =	vsel vm1, $0xFFFFFFFF, v2  }
0x2ed: {  	[tilespmem:$0x1FA00] =	vst v2;
	v2 =	vld [tilespmem:$0x1FA10]  }
0x2ee: {  	v15 =	vmul.f32 v0, v4;
	v0 =	vld [tilespmem:$0x1FA30];
	_ =	sdelay $0x3  }
0x2ef: {  	vm1 =	vgt.s32 v2, v37;
	v2 =	vimm.s32 $0x0  }
0x2f0: {  	v2 =	vsel vm1, $0xFFFFFFFF, v2;
	vm1 =	vgt.s32 v0, v37;
	v0 =	vimm.s32 $0x0  }
0x2f1: {  	v0 =	vsel vm1, $0xFFFFFFFF, v0  }
0x2f2: {  	[tilespmem:$0x1FA40] =	vst v0;
	v0 =	vld [tilespmem:$0x1FA50];
	_ =	sdelay $0x4  }
0x2f3: {  	vm1 =	vgt.s32 v0, v37;
	v0 =	vimm.s32 $0x0  }
0x2f4: {  	v0 =	vsel vm1, $0xFFFFFFFF, v0  }
0x2f5: {  	[tilespmem:$0x1FA60] =	vst v0;
	v0 =	vld [tilespmem:$0x1FA70];
	_ =	sdelay $0x4  }
0x2f6: {  	vm1 =	vgt.s32 v0, v37;
	v0 =	vimm.s32 $0x0  }
0x2f7: {  	[tilespmem:$0x1FA20] =	vst v2;
	v2 =	vld [tilespmem:$0x1FA90];
	v0 =	vsel vm1, $0xFFFFFFFF, v0  }
0x2f8: {  	[tilespmem:$0x1FA80] =	vst v0;
	v0 =	vld.idx.msk [tilespmem:v16+s4+$0x0], $0xffff  }
0x2f9: {  	v16 =	vld [tilespmem:$0x1FAB0];
	_ =	sdelay $0x3  }
0x2fa: {  	vm1 =	vgt.s32 v2, v37;
	v2 =	vimm.s32 $0x0  }
0x2fb: {  	v2 =	vsel vm1, $0xFFFFFFFF, v2;
	vm1 =	vgt.s32 v16, v37;
	v16 =	vimm.s32 $0x0  }
0x2fc: {  	v16 =	vsel vm1, $0xFFFFFFFF, v16  }
0x2fd: {  	[tilespmem:$0x1FAC0] =	vst v16;
	v16 =	vld [tilespmem:$0x1FAD0];
	_ =	sdelay $0x4  }
0x2fe: {  	vm1 =	vgt.s32 v16, v37;
	v16 =	vimm.s32 $0x0  }
0x2ff: {  	v16 =	vsel vm1, $0xFFFFFFFF, v16  }
0x300: {  	[tilespmem:$0x1FAE0] =	vst v16;
	v16 =	vld [tilespmem:$0x1FAF0];
	_ =	sdelay $0x4  }
0x301: {  	vm1 =	vgt.s32 v16, v37;
	v16 =	vimm.s32 $0x0  }
0x302: {  	v16 =	vsel vm1, $0xFFFFFFFF, v16  }
0x303: {  	[tilespmem:$0x1FB00] =	vst v16;
	v16 =	vld [tilespmem:$0x1FB10];
	_ =	sdelay $0x4  }
0x304: {  	vm1 =	vgt.s32 v16, v37;
	v16 =	vimm.s32 $0x0  }
0x305: {  	v16 =	vsel vm1, $0xFFFFFFFF, v16  }
0x306: {  	[tilespmem:$0x1FB20] =	vst v16;
	v16 =	vld [tilespmem:$0x1FB30];
	_ =	sdelay $0x4  }
0x307: {  	vm1 =	vgt.s32 v16, v37;
	v16 =	vimm.s32 $0x0  }
0x308: {  	v16 =	vsel vm1, $0xFFFFFFFF, v16  }
0x309: {  	[tilespmem:$0x1FB40] =	vst v16;
	v16 =	vld [tilespmem:$0x1FB50];
	_ =	sdelay $0x4  }
0x30a: {  	vm1 =	vgt.s32 v16, v37;
	v16 =	vimm.s32 $0x0  }
0x30b: {  	v16 =	vsel vm1, $0xFFFFFFFF, v16  }
0x30c: {  	[tilespmem:$0x1FB60] =	vst v16;
	v16 =	vld [tilespmem:$0x1FB70];
	_ =	sdelay $0x4  }
0x30d: {  	vm1 =	vgt.s32 v16, v37;
	v16 =	vimm.s32 $0x0  }
0x30e: {  	v16 =	vsel vm1, $0xFFFFFFFF, v16  }
0x30f: {  	[tilespmem:$0x1FB80] =	vst v16;
	v16 =	vld [tilespmem:$0x1FB90];
	_ =	sdelay $0x4  }
0x310: {  	vm1 =	vgt.s32 v16, v37;
	v16 =	vimm.s32 $0x0  }
0x311: {  	v16 =	vsel vm1, $0xFFFFFFFF, v16  }
0x312: {  	[tilespmem:$0x1FBA0] =	vst v16;
	v16 =	vld [tilespmem:$0x1FBB0];
	_ =	sdelay $0x4  }
0x313: {  	vm1 =	vgt.s32 v16, v37;
	v16 =	vimm.s32 $0x0  }
0x314: {  	v16 =	vsel vm1, $0xFFFFFFFF, v16  }
0x315: {  	[tilespmem:$0x1FBC0] =	vst v16;
	v16 =	vld [tilespmem:$0x1FBD0];
	_ =	sdelay $0x4  }
0x316: {  	vm1 =	vgt.s32 v16, v37;
	v16 =	vimm.s32 $0x0  }
0x317: {  	v16 =	vsel vm1, $0xFFFFFFFF, v16  }
0x318: {  	[tilespmem:$0x1FBE0] =	vst v16;
	v16 =	vld [tilespmem:$0x1FBF0];
	_ =	sdelay $0x4  }
0x319: {  	vm1 =	vgt.s32 v16, v37;
	v16 =	vimm.s32 $0x0  }
0x31a: {  	v16 =	vsel vm1, $0xFFFFFFFF, v16  }
0x31b: {  	[tilespmem:$0x1FC00] =	vst v16;
	v16 =	vld [tilespmem:$0x1FC10];
	_ =	sdelay $0x4  }
0x31c: {  	vm1 =	vgt.s32 v16, v37;
	v16 =	vimm.s32 $0x0  }
0x31d: {  	v16 =	vsel vm1, $0xFFFFFFFF, v16  }
0x31e: {  	[tilespmem:$0x1FC20] =	vst v16;
	v16 =	vld [tilespmem:$0x1FC30];
	_ =	sdelay $0x1  }
0x31f: {  	[tilespmem:$0x1FAA0] =	vst v2;
	v2 =	vld.idx.msk [tilespmem:v17+s4+$0x0], $0xffff  }
0x320: {  	v17 =	vld [tilespmem:$0x1FC50];
	_ =	sdelay $0x1  }
0x321: {  	vm1 =	vgt.s32 v16, v37;
	v16 =	vimm.s32 $0x0  }
0x322: {  	v16 =	vsel vm1, $0xFFFFFFFF, v16  }
0x323: {  	[tilespmem:$0x1FC40] =	vst v16;
	v16 =	vimm.s32 $0x0  }
0x324: {  	v16 =	vsel vm0, $0xFFFFFFFF, v16;
	vm0 =	vgt.s32 v17, v37;
	v17 =	vimm.s32 $0x0  }
0x325: {  	v17 =	vsel vm0, $0xFFFFFFFF, v17  }
0x326: {  	v3 =	vshra.s32 v3, $0x17;
	[tilespmem:$0x1FC60] =	vst v17;
	v17 =	vld [tilespmem:$0x1FC80]  }
0x327: {  	v3 =	vadd.s32 v16, v3;
	v16 =	vld [tilespmem:$0x1FCA0];
	_ =	sdelay $0x3  }
0x328: {  	vm0 =	vgt.s32 v17, v37;
	v17 =	vimm.s32 $0x0  }
0x329: {  	v17 =	vsel vm0, $0xFFFFFFFF, v17;
	vm0 =	vgt.s32 v16, v37;
	v16 =	vimm.s32 $0x0  }
0x32a: {  	v16 =	vsel vm0, $0xFFFFFFFF, v16  }
0x32b: {  	[tilespmem:$0x1FCB0] =	vst v16;
	v16 =	vld [tilespmem:$0x1FCC0];
	_ =	sdelay $0x4  }
0x32c: {  	vm0 =	vgt.s32 v16, v37;
	v16 =	vimm.s32 $0x0  }
0x32d: {  	v16 =	vsel vm0, $0xFFFFFFFF, v16  }
0x32e: {  	[tilespmem:$0x1FCD0] =	vst v16;
	v16 =	vld [tilespmem:$0x1FCF0];
	_ =	sdelay $0x4  }
0x32f: {  	vm0 =	vgt.s32 v16, v37;
	v16 =	vimm.s32 $0x0  }
0x330: {  	v3 =	vadd.s32 $0xFFFFFF82, v3;
	v16 =	vsel vm0, $0xFFFFFFFF, v16  }
0x331: {  	[tilespmem:$0x1FD00] =	vst v16;
	v16 =	vcvt.s32.f32 v3;
	v3 =	vld [tilespmem:$0x1FD10]  }
0x332: {  	[tilespmem:$0x1FC90] =	vst v17;
	v17 =	vld [tilespmem:$0x1FD30];
	_ =	sdelay $0x3  }
0x333: {  	vm0 =	vgt.s32 v3, v37;
	v3 =	vimm.s32 $0x0  }
0x334: {  	v3 =	vsel vm0, $0xFFFFFFFF, v3;
	vm0 =	vgt.s32 v17, v37;
	v17 =	vimm.s32 $0x0  }
0x335: {  	v17 =	vsel vm0, $0xFFFFFFFF, v17  }
0x336: {  	[tilespmem:$0x1FD40] =	vst v17;
	v17 =	vld [tilespmem:$0x1FD60];
	_ =	sdelay $0x4  }
0x337: {  	vm0 =	vgt.s32 v17, v37;
	v17 =	vimm.s32 $0x0  }
0x338: {  	v17 =	vsel vm0, $0xFFFFFFFF, v17  }
0x339: {  	[tilespmem:$0x1FD70] =	vst v17;
	v17 =	vld [tilespmem:$0x1FD80];
	_ =	sdelay $0x2  }
0x33a: {  	[tilespmem:$0x1F9A0] =	vst v20;
	v20 =	vld [tilespmem:$0x1FDD0];
	_ =	sdelay $0x1  }
0x33b: {  	vm0 =	vgt.s32 v17, v37;
	v17 =	vimm.s32 $0x0  }
0x33c: {  	v17 =	vsel vm0, $0xFFFFFFFF, v17  }
0x33d: {  	[tilespmem:$0x1FD90] =	vst v17;
	v17 =	vld [tilespmem:$0x1FDA0]  }
0x33e: {  	v15 =	vadd.f32 $2.000071410e-01, v15;
	vm2 =	vgt.s32 v20, v37;
	v20 =	vld [tilespmem:$0x1FDE0];
	_ =	sdelay $0x1  }
0x33f: {  	v15 =	vmul.f32 v15, v4;
	_ =	sdelay $0x1  }
0x340: {  	v15 =	vadd.f32 $-2.499999400e-01, v15;
	vm0 =	vgt.s32 v17, v37;
	v17 =	vimm.s32 $0x0  }
0x341: {  	v17 =	vsel vm0, $0xFFFFFFFF, v17;
	vm0 =	vgt.s32 v20, v37;
	v20 =	vimm.s32 $0x0  }
0x342: {  	v20 =	vsel vm0, $0xFFFFFFFF, v20  }
0x343: {  	v15 =	vmul.f32 v15, v4;
	[tilespmem:$0x1FDF0] =	vst v20;
	v20 =	vld [tilespmem:$0x1FE00];
	_ =	sdelay $0x1  }
0x344: {  	v15 =	vadd.f32 $3.333333130e-01, v15;
	_ =	sdelay $0x1  }
0x345: {  	v15 =	vmul.f32 v15, v4;
	[tilespmem:$0x1FD20] =	vst v3;
	v3 =	vmul.f32 v4, v4  }
0x346: {  	vm1 =	vgt.s32 v20, v37;
	v20 =	vimm.s32 $0x0  }
0x347: {  	v15 =	vmul.f32 v15, v3;
	[tilespmem:$0x1FDB0] =	vst v17;
	v17 =	vmul.f32 $-2.121944420e-04, v16;
	v20 =	vsel vm1, $0xFFFFFFFF, v20  }
0x348: {  	[tilespmem:$0x1FE10] =	vst v20;
	v20 =	vld [tilespmem:$0x1FE30]  }
0x349: {  	v15 =	vadd.f32 v17, v15;
	v17 =	vmul.f32 $5.000000000e-01, v3;
	v3 =	vld [tilespmem:$0x1FE50];
	_ =	sdelay $0x3  }
0x34a: {  	vm1 =	vgt.s32 v20, v37;
	v20 =	vimm.s32 $0x0  }
0x34b: {  	v20 =	vsel vm1, $0xFFFFFFFF, v20;
	vm1 =	vgt.s32 v3, v37;
	v3 =	vld [tilespmem:$0x1FE60];
	_ =	sdelay $0x4  }
0x34c: {  	vm4 =	vgt.s32 v3, v37;
	v3 =	vld [tilespmem:$0x1FE70];
	_ =	sdelay $0x4  }
0x34d: {  	vm3 =	vgt.s32 v3, v37;
	v3 =	vimm.s32 $0x0  }
0x34e: {  	v3 =	vsel vm3, $0xFFFFFFFF, v3  }
0x34f: {  	[tilespmem:$0x1FE80] =	vst v3;
	v3 =	vld.idx.msk [tilespmem:v12+s4+$0x0], $0xffff  }
0x350: {  	v12 =	vld [tilespmem:$0x1FE90];
	_ =	sdelay $0x4  }
0x351: {  	vm0 =	vgt.s32 v12, v37;
	v12 =	vimm.s32 $0x0  }
0x352: {  	v12 =	vsel vm0, $0xFFFFFFFF, v12  }
0x353: {  	[tilespmem:$0x1FEA0] =	vst v12;
	v12 =	vld [tilespmem:$0x1FEB0];
	_ =	sdelay $0x4  }
0x354: {  	vm0 =	vgt.s32 v12, v37;
	v12 =	vimm.s32 $0x0  }
0x355: {  	v12 =	vsel vm0, $0xFFFFFFFF, v12  }
0x356: {  	v15 =	vsub.f32 v15, v17;
	[tilespmem:$0x1FEC0] =	vst v12;
	v12 =	vld [tilespmem:$0x1FED0];
	_ =	sdelay $0x1  }
0x357: {  	v4 =	vadd.f32 v15, v4;
	v15 =	vmul.f32 $6.933593750e-01, v16;
	v16 =	vld [tilespmem:$0x1FF30];
	_ =	sdelay $0x2  }
0x358: {  	vm8 =	vgt.s32 v12, v37;
	v12 =	vld [tilespmem:$0x1FEE0];
	_ =	sdelay $0x1  }
0x359: {  	vm10 =	vgt.s32 v16, v37;
	v16 =	vld [tilespmem:$0x1FF40]  }
0x35a: {  	v1 =	vld.idx.msk [tilespmem:v1+s4+$0x0], $0xffff  }
0x35b: {  	v56 =	vld.idx.msk [tilespmem:v56+s4+$0x0], $0xffff  }
0x35c: {  	vm7 =	vgt.s32 v12, v37;
	v12 =	vld [tilespmem:$0x1FEF0]  }
0x35d: {  	v17 =	vld [tilespmem:$0x1FF10]  }
0x35e: {  	vm9 =	vgt.s32 v16, v37;
	v16 =	vld [tilespmem:$0x1FF50]  }
0x35f: {  	v63 =	vld.idx.msk [tilespmem:v63+s4+$0x0], $0xffff  }
0x360: {  	v61 =	vld.idx.msk [tilespmem:v61+s4+$0x0], $0xffff  }
0x361: {  	v10 =	vld.idx.msk [tilespmem:v10+s4+$0x0], $0xffff;
	vm0 =	vgt.s32 v12, v37;
	v12 =	vimm.s32 $0x0  }
0x362: {  	v11 =	vld.idx.msk [tilespmem:v11+s4+$0x0], $0xffff;
	v12 =	vsel vm0, $0xFFFFFFFF, v12;
	vm0 =	vgt.s32 v17, v37;
	v17 =	vimm.s32 $0x0  }
0x363: {  	v53 =	vld.idx.msk [tilespmem:v53+s4+$0x0], $0xffff;
	v17 =	vsel vm0, $0xFFFFFFFF, v17;
	vm0 =	vgt.s32 v16, v37;
	v16 =	vimm.s32 $0x0  }
0x364: {  	v4 =	vadd.f32 v4, v15;
	v15 =	vld [tilespmem:$0x1FFA0];
	v16 =	vsel vm0, $0xFFFFFFFF, v16  }
0x365: {  	[tilespmem:$0x1FF60] =	vst v16;
	v16 =	vld [tilespmem:$0x1FF70]  }
0x366: {  	v52 =	vld.idx.msk [tilespmem:v52+s4+$0x0], $0xffff  }
0x367: {  	v62 =	vld.idx.msk [tilespmem:v62+s4+$0x0], $0xffff  }
0x368: {  	v6 =	vld.idx.msk [tilespmem:v6+s4+$0x0], $0xffff  }
0x369: {  	vm6 =	vgt.s32 v15, v37;
	v15 =	vld [tilespmem:$0x1FFB0]  }
0x36a: {  	vm3 =	vgt.s32 v16, v37;
	v16 =	vld [tilespmem:$0x1FF80]  }
0x36b: {  	v54 =	vld.idx.msk [tilespmem:v54+s4+$0x0], $0xffff  }
0x36c: {  	v5 =	vld.idx.msk [tilespmem:v5+s4+$0x0], $0xffff  }
0x36d: {  	v55 =	vld.idx.msk [tilespmem:v55+s4+$0x0], $0xffff  }
0x36e: {  	vm5 =	vgt.s32 v15, v37;
	v15 =	vld.idx.msk [tilespmem:v9+s4+$0x0], $0xffff;
	v9 =	vimm.f32 $5.000000000e-01  }
0x36f: {  	v57 =	vld.idx.msk [tilespmem:v57+s4+$0x0], $0xffff;
	v9 =	vsel vm11, $0x3F800000, v9;
	vm0 =	vgt.s32 v16, v37;
	v16 =	vimm.s32 $0x0  }
0x370: {  	v4 =	vmul.f32 v4, v9;
	v9 =	vld [tilespmem:$0x1FFE0];
	v16 =	vsel vm0, $0xFFFFFFFF, v16  }
0x371: {  	[tilespmem:$0x1FF90] =	vst v16;
	v16 =	vld [tilespmem:$0x1FFC0]  }
0x372: {  	v58 =	vld.idx.msk [tilespmem:v58+s4+$0x0], $0xffff  }
0x373: {  	v59 =	vld.idx.msk [tilespmem:v59+s4+$0x0], $0xffff  }
0x374: {  	v60 =	vld.idx.msk [tilespmem:v60+s4+$0x0], $0xffff  }
0x375: {  	vm12 =	vgt.s32 v9, v37;
	v9 =	vld [tilespmem:$0x1FFF0]  }
0x376: {  	p0 =	sne.s32 s28, $0xF0;
	vm13 =	vgt.s32 v16, v37;
	v16 =	vld [tilespmem:$0x1FFD0]  }
.Ltmp0:
0x377: {  	v13 =	vld.idx.msk [tilespmem:v13+s4+$0x0], $0xffff;
	(pc) =	sbr.rel @p0 .LBB2_3-.Ltmp0, $4  }
0x378: {  	[tilespmem:$0x1FF00] =	vst v12;
	v12 =	vld.idx.msk [tilespmem:v18+s4+$0x0], $0xffff  }
0x379: {  	v18 =	vld.idx.msk [tilespmem:v8+s4+$0x0], $0xffff  }
0x37a: {  	v42 =	vand.u32 $0x7F, v37;
	v51 =	vand.u32 $0xFFFFFF80, v37;
	[tilespmem:$0x1FF20] =	vst v17;
	v17 =	vld.idx.msk [tilespmem:v19+s4+$0x0], $0xffff  }
0x37b: {  	s28 =	sadd.s32 $0x10, s28;
	[tilespmem:$0x1FE40] =	vst v20;
	vm11 =	vgt.s32 v9, v37;
	vm14 =	vgt.s32 v16, v37;
	v16 =	vld.idx.msk [tilespmem:v7+s4+$0x0], $0xffff;
	v7 =	vsub.s32 $0x3F, v37  }
0x37c: {  	_ =	sdelay $0x3  }
0x37d: {  	v19 =	vld.idx.msk [tilespmem:v41+s4+$0x0], $0xffff  }
0x37e: {  	v20 =	vld.idx.msk [tilespmem:v49+s4+$0x0], $0xffff  }
0x37f: {  	v21 =	vld.idx.msk [tilespmem:v45+s4+$0x0], $0xffff  }
0x380: {  	v41 =	vld.idx.msk [tilespmem:v47+s4+$0x0], $0xffff  }
0x381: {  	v45 =	vld.idx.msk [tilespmem:v48+s4+$0x0], $0xffff  }
0x382: {  	v46 =	vld.idx.msk [tilespmem:v46+s4+$0x0], $0xffff  }
0x383: {  	v43 =	vld.idx.msk [tilespmem:v43+s4+$0x0], $0xffff  }
0x384: {  	v8 =	vld [tilespmem:$0x1F8D0];
	_ =	sdelay $0x1  }
0x385: {  	v40 =	vld.idx.msk [tilespmem:v40+s4+$0x0], $0xffff  }
0x386: {  	v39 =	vld.idx.msk [tilespmem:v39+s4+$0x0], $0xffff  }
0x387: {  	v38 =	vld.idx.msk [tilespmem:v38+s4+$0x0], $0xffff  }
0x388: {  	v47 =	vld.idx.msk [tilespmem:v36+s4+$0x0], $0xffff;
	v1 =	vnsel vm15, $0x0, v1;
	vm15 =	vnez.u8 v8  }
0x389: {  	v48 =	vld.idx.msk [tilespmem:v35+s4+$0x0], $0xffff;
	v8 =	vnsel vm15, $0x0, v44  }
0x38a: {  	[tilespmem:$0x1E700] =	vst v8;
	v8 =	vld [tilespmem:$0x1F8F0]  }
0x38b: {  	v9 =	vld [tilespmem:$0x1F9C0];
	_ =	sdelay $0x3  }
0x38c: {  	vm0 =	vnez.u8 v8  }
0x38d: {  	v8 =	vnsel vm0, $0x0, v50;
	vm0 =	vnez.u8 v9;
	v9 =	vld [tilespmem:$0x1F9E0];
	_ =	sdelay $0x4  }
0x38e: {  	v2 =	vnsel vm0, $0x0, v2;
	vm0 =	vnez.u8 v9  }
0x38f: {  	v9 =	vnsel vm0, $0x0, v53;
	v53 =	vld [tilespmem:$0x1F940]  }
0x390: {  	v36 =	vld [tilespmem:$0x1FAC0]  }
0x391: {  	v50 =	vld [tilespmem:$0x1FA40];
	_ =	sdelay $0x2  }
0x392: {  	vm0 =	vnez.u8 v53  }
0x393: {  	v0 =	vnsel vm0, $0x0, v0;
	vm0 =	vnez.u8 v36  }
0x394: {  	v49 =	vld.idx.msk [tilespmem:v33+s4+$0x0], $0xffff;
	v33 =	vnsel vm0, $0x0, v56;
	vm0 =	vnez.u8 v50  }
0x395: {  	v36 =	vnsel vm0, $0x0, v52;
	v52 =	vld [tilespmem:$0x1FA60];
	_ =	sdelay $0x1  }
0x396: {  	v53 =	vld [tilespmem:$0x1FB20];
	_ =	sdelay $0x2  }
0x397: {  	v50 =	vld.idx.msk [tilespmem:v32+s4+$0x0], $0xffff;
	vm0 =	vnez.u8 v52  }
0x398: {  	v32 =	vnsel vm0, $0x0, v54;
	v54 =	vld [tilespmem:$0x1FB60]  }
0x399: {  	vm0 =	vnez.u8 v53;
	v53 =	vld.idx.msk [tilespmem:v31+s4+$0x0], $0xffff  }
0x39a: {  	v31 =	vld [tilespmem:$0x1FAE0];
	_ =	sdelay $0x3  }
0x39b: {  	v44 =	vld.idx.msk [tilespmem:v34+s4+$0x0], $0xffff;
	v34 =	vnsel vm0, $0x0, v57;
	vm0 =	vnez.u8 v54  }
0x39c: {  	v52 =	vnsel vm0, $0x0, v58;
	vm0 =	vnez.u8 v31  }
0x39d: {  	v31 =	vnsel vm0, $0x0, v55;
	v55 =	vld [tilespmem:$0x1FC00]  }
0x39e: {  	v56 =	vld [tilespmem:$0x1FBC0]  }
0x39f: {  	v12 =	vadd.f32 $0.0e+00, v12;
	v57 =	vld [tilespmem:$0x1FBE0]  }
0x3a0: {  	v35 =	vld [tilespmem:$0x1F3A0];
	v24 =	vadd.s32 v51, v24  }
0x3a1: {  	v24 =	vor.u32 v42, v24;
	v42 =	vld [tilespmem:$0x1FEA0];
	v12 =	vnsel vm3, $0x0, v12;
	v45 =	vnsel vm14, $0x0, v45  }
0x3a2: {  	v12 =	vadd.f32 v45, v12;
	v45 =	vld [tilespmem:$0x1FF00];
	vm0 =	vnez.u8 v55  }
0x3a3: {  	v58 =	vld [tilespmem:$0x1FCD0];
	v54 =	vnsel vm0, $0x0, v63;
	vm0 =	vnez.u8 v56  }
0x3a4: {  	v55 =	vnsel vm0, $0x0, v59;
	vm0 =	vnez.u8 v57;
	v59 =	vld [tilespmem:$0x1FD00]  }
0x3a5: {  	v56 =	vnsel vm0, $0x0, v60;
	v60 =	vld [tilespmem:$0x1FC60]  }
0x3a6: {  	v30 =	vld.idx.msk [tilespmem:v30+s4+$0x0], $0xffff  }
0x3a7: {  	v28 =	vld.idx.msk [tilespmem:v28+s4+$0x0], $0xffff  }
0x3a8: {  	v29 =	vld.idx.msk [tilespmem:v29+s4+$0x0], $0xffff;
	vm0 =	vnez.u8 v58  }
0x3a9: {  	v27 =	vld.idx.msk [tilespmem:v27+s4+$0x0], $0xffff;
	v57 =	vnsel vm0, $0x0, v62;
	vm0 =	vnez.u8 v59  }
0x3aa: {  	v25 =	vld.idx.msk [tilespmem:v25+s4+$0x0], $0xffff;
	v6 =	vnsel vm0, $0x0, v6;
	vm0 =	vnez.u8 v60  }
0x3ab: {  	v58 =	vnsel vm0, $0x0, v61;
	v61 =	vld [tilespmem:$0x1FD40]  }
0x3ac: {  	v62 =	vld [tilespmem:$0x1FD70]  }
0x3ad: {  	v26 =	vld.idx.msk [tilespmem:v26+s4+$0x0], $0xffff  }
0x3ae: {  	v60 =	vld [tilespmem:$0x1F640]  }
0x3af: {  	v14 =	vld.idx.msk [tilespmem:v14+s4+$0x0], $0xffff  }
0x3b0: {  	v63 =	vld [tilespmem:$0x1FDF0];
	vm0 =	vnez.u8 v61  }
0x3b1: {  	v21 =	vnsel vm9, $0x0, v21;
	v5 =	vnsel vm0, $0x0, v5;
	vm0 =	vnez.u8 v62;
	v62 =	vld [tilespmem:$0x1F5C0]  }
0x3b2: {  	v22 =	vld.idx.msk [tilespmem:v22+s4+$0x0], $0xffff;
	v12 =	vadd.f32 v21, v12  }
0x3b3: {  	v19 =	vnsel vm7, $0x0, v19;
	v21 =	vld [tilespmem:$0x1F590]  }
0x3b4: {  	v12 =	vadd.f32 v19, v12;
	v19 =	vld [tilespmem:$0x1F530]  }
0x3b5: {  	v7 =	vcvt.s32.f32 v7;
	v61 =	vld [tilespmem:$0x1FF60]  }
0x3b6: {  	v59 =	vnsel vm12, $0x0, v46;
	v3 =	vnsel vm0, $0x0, v3;
	vm0 =	vnez.u8 v63;
	v46 =	vld.idx.msk [tilespmem:v60+s4+$0x0], $0xffff  }
0x3b7: {  	v7 =	vmul.f32 $1.000000010e-10, v7;
	v63 =	vld [tilespmem:$0x1FF90];
	v11 =	vnsel vm0, $0x0, v11;
	vm0 =	vgt.s32 v35, v37  }
0x3b8: {  	v60 =	vld [tilespmem:$0x1F560];
	v37 =	vnsel vm0, $0x0, v40  }
0x3b9: {  	v7 =	vadd.f32 v37, v7;
	v37 =	vld.idx.msk [tilespmem:v62+s4+$0x0], $0xffff  }
0x3ba: {  	v62 =	vld [tilespmem:$0x1FF20]  }
0x3bb: {  	v17 =	vadd.f32 $0.0e+00, v17;
	v23 =	vld.idx.msk [tilespmem:v23+s4+$0x0], $0xffff  }
0x3bc: {  	v20 =	vnsel vm10, $0x0, v20;
	v41 =	vnsel vm13, $0x0, v41;
	v21 =	vld.idx.msk [tilespmem:v21+s4+$0x0], $0xffff;
	vm0 =	vnez.u8 v61  }
0x3bd: {  	v17 =	vnsel vm6, $0x0, v17;
	v19 =	vld.idx.msk [tilespmem:v19+s4+$0x0], $0xffff;
	v39 =	vnsel vm0, $0x0, v39;
	vm0 =	vnez.u8 v63  }
0x3be: {  	v40 =	vld [tilespmem:$0x1F5E0];
	v7 =	vadd.f32 v41, v7;
	v38 =	vnsel vm0, $0x0, v38;
	vm0 =	vnez.u8 v45  }
0x3bf: {  	v17 =	vadd.f32 v59, v17;
	v45 =	vld [tilespmem:$0x1FEC0];
	v59 =	vnsel vm0, $0x0, v47;
	vm0 =	vnez.u8 v62  }
0x3c0: {  	v7 =	vadd.f32 v20, v7;
	v63 =	vnsel vm0, $0x0, v48;
	v48 =	vld [tilespmem:$0x1FE40]  }
0x3c1: {  	v18 =	vnsel vm8, $0x0, v18;
	v17 =	vadd.f32 v39, v17;
	v20 =	vld [tilespmem:$0x1F500]  }
0x3c2: {  	v15 =	vnsel vm1, $0x0, v15;
	v16 =	vnsel vm4, $0x0, v16;
	v61 =	vld.idx.msk [tilespmem:v60+s4+$0x0], $0xffff;
	v7 =	vadd.f32 v18, v7  }
0x3c3: {  	v12 =	vadd.f32 v16, v12;
	v17 =	vadd.f32 v59, v17;
	v18 =	vld [tilespmem:$0x1F4A0];
	vm0 =	vnez.u8 v42  }
0x3c4: {  	v7 =	vadd.f32 v15, v7;
	v15 =	vld [tilespmem:$0x1F440];
	v44 =	vnsel vm0, $0x0, v44;
	vm0 =	vnez.u8 v45  }
0x3c5: {  	v47 =	vnsel vm0, $0x0, v49;
	v16 =	vadd.f32 v44, v17;
	v17 =	vld [tilespmem:$0x1F4D0];
	vm0 =	vnez.u8 v48  }
0x3c6: {  	v40 =	vld.idx.msk [tilespmem:v40+s4+$0x0], $0xffff;
	v49 =	vnsel vm0, $0x0, v50  }
0x3c7: {  	v11 =	vadd.f32 v11, v12;
	v12 =	vadd.f32 v49, v16;
	v16 =	vld [tilespmem:$0x1F470]  }
0x3c8: {  	v10 =	vnsel vm2, $0x0, v10;
	v50 =	vld [tilespmem:$0x1FE80]  }
0x3c9: {  	v7 =	vadd.f32 v10, v7;
	v10 =	vld.idx.msk [tilespmem:v24+s4+$0x0], $0xffff  }
0x3ca: {  	v20 =	vld.idx.msk [tilespmem:v20+s4+$0x0], $0xffff  }
0x3cb: {  	v18 =	vld.idx.msk [tilespmem:v18+s4+$0x0], $0xffff  }
0x3cc: {  	v15 =	vld.idx.msk [tilespmem:v15+s4+$0x0], $0xffff  }
0x3cd: {  	v17 =	vld.idx.msk [tilespmem:v17+s4+$0x0], $0xffff;
	vm0 =	vnez.u8 v50  }
0x3ce: {  	v51 =	vnsel vm0, $0x0, v53;
	v53 =	vld [tilespmem:$0x1FDB0]  }
0x3cf: {  	v16 =	vld.idx.msk [tilespmem:v16+s4+$0x0], $0xffff  }
0x3d0: {  	[tilespmem:$0x1E730] =	vst v10;
	v10 =	vld [tilespmem:$0x1FE10];
	_ =	sdelay $0x3  }
0x3d1: {  	s25 =	sadd.s32 $0x10, s25;
	vm0 =	vnez.u8 v53  }
0x3d2: {  	v30 =	vnsel vm0, $0x0, v30;
	vm0 =	vnez.u8 v10;
	v10 =	vld [tilespmem:s25+$0x0];
	_ =	sdelay $0x4  }
0x3d3: {  	[tilespmem:$0x1E740] =	vst v10;
	v10 =	vld [tilespmem:$0x1FD20];
	_ =	sdelay $0x1  }
0x3d4: {  	v13 =	vadd.f32 $0.0e+00, v13;
	_ =	sdelay $0x1  }
0x3d5: {  	v13 =	vnsel vm5, $0x0, v13;
	v43 =	vnsel vm11, $0x0, v43  }
0x3d6: {  	v13 =	vadd.f32 v43, v13;
	v24 =	vnsel vm0, $0x0, v28;
	vm0 =	vnez.u8 v10;
	v10 =	vld [tilespmem:$0x1FD90];
	_ =	sdelay $0x1  }
0x3d7: {  	v13 =	vadd.f32 v38, v13;
	_ =	sdelay $0x1  }
0x3d8: {  	v13 =	vadd.f32 v63, v13  }
0x3d9: {  	v28 =	vnsel vm0, $0x0, v29;
	vm0 =	vnez.u8 v10;
	v10 =	vld [tilespmem:$0x1FC90]  }
0x3da: {  	v13 =	vadd.f32 v47, v13;
	_ =	sdelay $0x1  }
0x3db: {  	v13 =	vadd.f32 v51, v13  }
0x3dc: {  	v5 =	vadd.f32 v5, v7  }
0x3dd: {  	v7 =	vadd.f32 v24, v13;
	v13 =	vnsel vm0, $0x0, v27;
	vm0 =	vnez.u8 v10;
	v10 =	vld [tilespmem:$0x1FCB0];
	_ =	sdelay $0x1  }
0x3de: {  	v3 =	vadd.f32 v3, v11  }
0x3df: {  	v12 =	vadd.f32 v30, v12  }
0x3e0: {  	v3 =	vadd.f32 v6, v3  }
0x3e1: {  	v6 =	vadd.f32 v28, v12;
	v12 =	vnsel vm0, $0x0, v25;
	vm0 =	vnez.u8 v10;
	v10 =	vld [tilespmem:$0x1FC20];
	_ =	sdelay $0x4  }
0x3e2: {  	p0 =	seq.s32 s23, $0xF;
	v6 =	vadd.f32 v12, v6;
	v12 =	vnsel vm0, $0x0, v26;
	vm0 =	vnez.u8 v10;
	v10 =	vld [tilespmem:$0x1FC40]  }
0x3e3: {  	s24 =	sadd.s32 @!p0 s24, s9  }
0x3e4: {  	s26 =	sshll.u32 @!p0 s24, $0x4  }
0x3e5: {  	s24 =	sshrl.u32 @!p0 s24, $0x3;
	s25 =	sadd.s32 @!p0 s5, s26;
	s26 =	simm.s32 @!p0 $0x0;
	v7 =	vadd.f32 v13, v7  }
0x3e6: {  	[tilespmem:s26], [sflag:$0x1] =	stream.linear.gather @!p0 [hbm4b:s25+s26], $0x8000, $0x38;
	[tilespmem:$0x10500] =	vst v63  }
0x3e7: {  	s28 =	simm.s32 @!p0 $0x10000;
	s25 =	sadd.s32 @!p0 s1, s24;
	v7 =	vadd.f32 v12, v7;
	v12 =	vnsel vm0, $0x0, v14;
	vm0 =	vnez.u8 v10;
	v10 =	vld [tilespmem:$0x1FB80]  }
0x3e8: {  	[tilespmem:s28], [sflag:$0x1] =	stream.linear.gather @!p0 [hbm4b:s25+s26], $0x100, $0x38;
	[tilespmem:$0x10500] =	vst v63  }
0x3e9: {  	s24 =	sadd.s32 @!p0 s3, s24;
	s25 =	simm.s32 @!p0 $0x10200  }
0x3ea: {  	[tilespmem:s25], [sflag:$0x1] =	stream.linear.gather @!p0 [hbm4b:s24+s26], $0x100, $0x38;
	[tilespmem:$0x10500] =	vst v63  }
0x3eb: {  	_ =	swait.ge [sflag:s19], $0x8000  }
0x3ec: {  	v6 =	vadd.f32 v12, v6;
	v12 =	vnsel vm0, $0x0, v22;
	vm0 =	vnez.u8 v10;
	v10 =	vld [tilespmem:$0x1FBA0];
	_ =	sdelay $0x4  }
0x3ed: {  	v7 =	vadd.f32 v12, v7;
	v12 =	vnsel vm0, $0x0, v23;
	vm0 =	vnez.u8 v10;
	v10 =	vld [tilespmem:$0x1FB00];
	_ =	sdelay $0x4  }
0x3ee: {  	v6 =	vadd.f32 v12, v6;
	v12 =	vnsel vm0, $0x0, v46;
	vm0 =	vnez.u8 v10;
	v10 =	vld [tilespmem:$0x1FB40];
	_ =	sdelay $0x1  }
0x3ef: {  	[sflag:s19] =	ssyncset.done $0x0  }
0x3f0: {  	[sflag:s19] =	ssyncadd.s32 $0xFFFF8000  }
0x3f1: {  	v3 =	vadd.f32 v58, v3;
	_ =	swait.ge [sflag:s19], $0x100  }
0x3f2: {  	v7 =	vadd.f32 v12, v7;
	v12 =	vnsel vm0, $0x0, v37;
	vm0 =	vnez.u8 v10;
	v10 =	vld [tilespmem:$0x1FA80];
	_ =	sdelay $0x1  }
0x3f3: {  	v3 =	vadd.f32 v56, v3;
	v5 =	vadd.f32 v57, v5;
	_ =	sdelay $0x1  }
0x3f4: {  	v3 =	vadd.f32 v52, v3;
	v5 =	vadd.f32 v54, v5  }
0x3f5: {  	v6 =	vadd.f32 v12, v6;
	v12 =	vnsel vm0, $0x0, v40;
	vm0 =	vnez.u8 v10;
	v10 =	vld [tilespmem:$0x1FAA0];
	_ =	sdelay $0x1  }
0x3f6: {  	v3 =	vadd.f32 v31, v3;
	v5 =	vadd.f32 v55, v5  }
0x3f7: {  	[sflag:s19] =	ssyncset.done $0x0  }
0x3f8: {  	v3 =	vadd.f32 v32, v3;
	v5 =	vadd.f32 v34, v5;
	[sflag:s19] =	ssyncadd.s32 $0xFFFFFF00  }
0x3f9: {  	v7 =	vadd.f32 v12, v7;
	v12 =	vnsel vm0, $0x0, v61;
	vm0 =	vnez.u8 v10;
	v10 =	vld [tilespmem:$0x1FA00];
	_ =	swait.ge [sflag:s19], $0x100  }
0x3fa: {  	v3 =	vadd.f32 v9, v3;
	v9 =	vld [tilespmem:$0x1FA20]  }
0x3fb: {  	v5 =	vadd.f32 v33, v5;
	_ =	sdelay $0x1  }
0x3fc: {  	v5 =	vadd.f32 v36, v5  }
0x3fd: {  	v6 =	vadd.f32 v12, v6;
	v12 =	vnsel vm0, $0x0, v21;
	vm0 =	vnez.u8 v10  }
0x3fe: {  	v7 =	vadd.f32 v12, v7;
	v12 =	vnsel vm0, $0x0, v20;
	vm0 =	vnez.u8 v9  }
0x3ff: {  	v9 =	vnsel vm0, $0x0, v19  }
0x400: {  	v2 =	vadd.f32 v2, v5;
	v5 =	vadd.f32 v9, v7;
	v7 =	vld [tilespmem:$0x1F980];
	_ =	sdelay $0x4  }
0x401: {  	v6 =	vadd.f32 v12, v6;
	vm0 =	vnez.u8 v7  }
0x402: {  	v7 =	vnsel vm0, $0x0, v18  }
0x403: {  	v0 =	vadd.f32 v0, v3;
	v3 =	vadd.f32 v7, v6;
	v6 =	vld [tilespmem:$0x1F9A0]  }
0x404: {  	v2 =	vadd.f32 v1, v2;
	v1 =	vld [tilespmem:$0x1F910];
	_ =	sdelay $0x3  }
0x405: {  	vm0 =	vnez.u8 v6  }
0x406: {  	v6 =	vnsel vm0, $0x0, v17;
	vm0 =	vnez.u8 v1;
	v1 =	vld [tilespmem:$0x1F960];
	_ =	sdelay $0x4  }
0x407: {  	v5 =	vadd.f32 v6, v5;
	v6 =	vnsel vm0, $0x0, v15;
	vm0 =	vnez.u8 v1;
	v1 =	vld [tilespmem:$0x1E700]  }
0x408: {  	[sflag:s19] =	ssyncset.done $0x0  }
0x409: {  	[sflag:s19] =	ssyncadd.s32 $0xFFFFFF00  }
0x40a: {  	v50 =	vld [tilespmem:$0x10480]  }
0x40b: {  	v0 =	vadd.f32 v8, v0;
	v3 =	vadd.f32 v6, v3;
	v6 =	vnsel vm0, $0x0, v16  }
0x40c: {  	v1 =	vadd.f32 v1, v2;
	v2 =	vadd.f32 v6, v5;
	_ =	sdelay $0x1  }
0x40d: {  	v0 =	vadd.f32 v0, v1;
	v1 =	vadd.f32 v2, v3  }
0x40e: {  	v2 =	vshll.u32 v50, $0x2  }
0x40f: {  	v5 =	vand.u32 $0xFFFFFF80, v50;
	v2 =	vand.u32 $0x3C, v2;
	v0 =	vadd.f32 v1, v0  }
0x410: {  	[tilespmem:$0x1E770] =	vst v5;
	v31 =	vxor.u32 v50, v2  }
0x411: {  	v3 =	vand.u32 $0x7F, v31;
	[tilespmem:$0x1E750] =	vst v0  }
0x412: {  	v12 =	vxor.u32 $0x1, v31;
	[tilespmem:$0x1EC20] =	vst v3  }
0x413: {  	v10 =	vxor.u32 $0x2, v31;
	[tilespmem:$0x1F300] =	vst v12  }
0x414: {  	v11 =	vxor.u32 $0x3, v31;
	[tilespmem:$0x1F330] =	vst v10  }
0x415: {  	v22 =	vxor.u32 $0x4, v31;
	[tilespmem:$0x1F340] =	vst v11  }
0x416: {  	v20 =	vxor.u32 $0x5, v31;
	[tilespmem:$0x1F350] =	vst v22  }
0x417: {  	v21 =	vxor.u32 $0x6, v31;
	[tilespmem:$0x1F360] =	vst v20  }
0x418: {  	v23 =	vxor.u32 $0x7, v31;
	[tilespmem:$0x1F370] =	vst v21  }
0x419: {  	v24 =	vxor.u32 $0x8, v31;
	[tilespmem:$0x1F380] =	vst v23  }
0x41a: {  	v25 =	vxor.u32 $0x9, v31;
	[tilespmem:$0x1F2C0] =	vst v24  }
0x41b: {  	v26 =	vxor.u32 $0xA, v31;
	[tilespmem:$0x1F2D0] =	vst v25  }
0x41c: {  	v27 =	vxor.u32 $0xB, v31;
	[tilespmem:$0x1F2E0] =	vst v26  }
0x41d: {  	v28 =	vxor.u32 $0xC, v31;
	[tilespmem:$0x1F310] =	vst v27  }
0x41e: {  	v29 =	vxor.u32 $0xD, v31;
	[tilespmem:$0x1F260] =	vst v28  }
0x41f: {  	v30 =	vxor.u32 $0xE, v31;
	[tilespmem:$0x1F270] =	vst v29  }
0x420: {  	v6 =	vand.u32 $0x7F, v12;
	[tilespmem:$0x1F280] =	vst v30  }
0x421: {  	v7 =	vand.u32 $0x7F, v10;
	[tilespmem:$0x1EC30] =	vst v6  }
0x422: {  	v15 =	vand.u32 $0x7F, v11;
	[tilespmem:$0x1EC40] =	vst v7  }
0x423: {  	v16 =	vand.u32 $0x7F, v22;
	[tilespmem:$0x1EC50] =	vst v15  }
0x424: {  	v8 =	vand.u32 $0x7F, v20;
	[tilespmem:$0x1EBD0] =	vst v16  }
0x425: {  	v17 =	vand.u32 $0x7F, v21;
	[tilespmem:$0x1EBF0] =	vst v8  }
0x426: {  	v19 =	vand.u32 $0x7F, v23;
	[tilespmem:$0x1EC00] =	vst v17  }
0x427: {  	v18 =	vand.u32 $0x7F, v24;
	[tilespmem:$0x1EC10] =	vst v19  }
0x428: {  	v38 =	vand.u32 $0x7F, v25;
	[tilespmem:$0x1EBA0] =	vst v18  }
0x429: {  	v39 =	vand.u32 $0x7F, v26;
	[tilespmem:$0x1EBB0] =	vst v38  }
0x42a: {  	v40 =	vand.u32 $0x7F, v27;
	[tilespmem:$0x1EBC0] =	vst v39  }
0x42b: {  	v41 =	vand.u32 $0x7F, v28;
	[tilespmem:$0x1EBE0] =	vst v40  }
0x42c: {  	v42 =	vand.u32 $0x7F, v29;
	[tilespmem:$0x1EB50] =	vst v41  }
0x42d: {  	s29 =	simm.s32 $0x0;
	v57 =	vxor.u32 $0xF, v31;
	v56 =	vand.u32 $0x7F, v30;
	[tilespmem:$0x1EB60] =	vst v42  }
0x42e: {  	s30 =	simm.s32 $0x10100;
	v0 =	vadd.s32 s29, v50;
	v58 =	vand.u32 $0x7F, v57;
	[tilespmem:$0x1EB80] =	vst v56  }
0x42f: {  	v59 =	vxor.u32 $0x10, v31;
	v1 =	vshll.u32 v0, $0x7;
	v0 =	vld [tilespmem:s30+$0x0];
	[tilespmem:$0x1EB90] =	vst v58  }
0x430: {  	v60 =	vand.u32 $0x7F, v59;
	[tilespmem:$0x1F2A0] =	vst v57  }
0x431: {  	v61 =	vxor.u32 $0x11, v31;
	[tilespmem:$0x1EB00] =	vst v60  }
0x432: {  	v52 =	vand.u32 $0x7F, v61;
	[tilespmem:$0x1F1E0] =	vst v59  }
0x433: {  	v62 =	vxor.u32 $0x12, v31;
	v13 =	vadd.s32 v5, v1;
	[tilespmem:$0x1EB30] =	vst v52  }
0x434: {  	v53 =	vand.u32 $0x7F, v62;
	[tilespmem:$0x1F1F0] =	vst v61;
	v2 =	vor.u32 v13, v3  }
0x435: {  	v63 =	vxor.u32 $0x13, v31;
	[tilespmem:$0x1EB40] =	vst v53;
	v3 =	vor.u32 v13, v6  }
0x436: {  	v54 =	vand.u32 $0x7F, v63;
	[tilespmem:$0x1F220] =	vst v62;
	v5 =	vor.u32 v13, v7  }
0x437: {  	[tilespmem:$0x1EB70] =	vst v54;
	v6 =	vor.u32 v13, v8  }
0x438: {  	[tilespmem:$0x1F240] =	vst v63;
	v7 =	vor.u32 v13, v17  }
0x439: {  	v55 =	vxor.u32 $0x15, v31;
	v8 =	vor.u32 v13, v15;
	v2 =	vld.idx.msk [tilespmem:v2+s15+$0x0], $0xffff  }
0x43a: {  	v14 =	vor.u32 v13, v41;
	v15 =	vor.u32 v13, v16;
	v9 =	vsub.s32 $0x3F, v0;
	v3 =	vld.idx.msk [tilespmem:v3+s15+$0x0], $0xffff  }
0x43b: {  	v16 =	vor.u32 v13, v42;
	v17 =	vor.u32 v13, v18;
	v5 =	vld.idx.msk [tilespmem:v5+s15+$0x0], $0xffff;
	v9 =	vcvt.s32.f32 v9  }
0x43c: {  	v18 =	vor.u32 v13, v19;
	v19 =	vand.u32 $0xFFFFFF80, v0;
	vm0 =	vgt.s32 v31, v0;
	v6 =	vld.idx.msk [tilespmem:v6+s15+$0x0], $0xffff  }
0x43d: {  	vm1 =	vgt.s32 v20, v0;
	vm2 =	vgt.s32 v10, v0;
	v7 =	vld.idx.msk [tilespmem:v7+s15+$0x0], $0xffff;
	v9 =	vmul.f32 $1.000000010e-10, v9  }
0x43e: {  	v1 =	vadd.s32 v19, v1;
	v19 =	vor.u32 v13, v38;
	v8 =	vld.idx.msk [tilespmem:v8+s15+$0x0], $0xffff;
	v2 =	vnsel vm0, $0x0, v2  }
0x43f: {  	v3 =	vadd.f32 $0.0e+00, v3;
	v2 =	vadd.f32 v2, v9;
	v9 =	vor.u32 v13, v39  }
0x440: {  	vm3 =	vgt.s32 v21, v0;
	v10 =	vand.u32 $0x7F, v55;
	v15 =	vld.idx.msk [tilespmem:v15+s15+$0x0], $0xffff;
	vm0 =	vgt.s32 v12, v0  }
0x441: {  	v18 =	vld.idx.msk [tilespmem:v18+s15+$0x0], $0xffff;
	v5 =	vadd.f32 $0.0e+00, v5;
	v6 =	vnsel vm1, $0x0, v6;
	v3 =	vnsel vm0, $0x0, v3  }
0x442: {  	v7 =	vnsel vm3, $0x0, v7;
	v3 =	vadd.f32 v6, v3;
	v6 =	vor.u32 v13, v40  }
0x443: {  	v19 =	vld.idx.msk [tilespmem:v19+s15+$0x0], $0xffff;
	v8 =	vadd.f32 $0.0e+00, v8;
	vm1 =	vgt.s32 v11, v0;
	v5 =	vnsel vm2, $0x0, v5  }
0x444: {  	vm0 =	vgt.s32 v22, v0;
	v5 =	vadd.f32 v7, v5;
	v7 =	vor.u32 v13, v56;
	v9 =	vld.idx.msk [tilespmem:v9+s15+$0x0], $0xffff  }
0x445: {  	v17 =	vld.idx.msk [tilespmem:v17+s15+$0x0], $0xffff;
	vm2 =	vgt.s32 v23, v0;
	v8 =	vnsel vm1, $0x0, v8;
	vm1 =	vgt.s32 v26, v0  }
0x446: {  	v15 =	vnsel vm0, $0x0, v15;
	v18 =	vnsel vm2, $0x0, v18;
	vm0 =	vgt.s32 v25, v0  }
0x447: {  	v2 =	vadd.f32 v15, v2;
	v15 =	vor.u32 v13, v58;
	v8 =	vadd.f32 v18, v8;
	v6 =	vld.idx.msk [tilespmem:v6+s15+$0x0], $0xffff  }
0x448: {  	v16 =	vld.idx.msk [tilespmem:v16+s15+$0x0], $0xffff;
	v18 =	vor.u32 v13, v52;
	v19 =	vnsel vm0, $0x0, v19;
	vm0 =	vgt.s32 v24, v0  }
0x449: {  	v3 =	vadd.f32 v19, v3;
	v19 =	vor.u32 v13, v53;
	v7 =	vld.idx.msk [tilespmem:v7+s15+$0x0], $0xffff;
	[tilespmem:$0x1F180] =	vst v55;
	v9 =	vnsel vm1, $0x0, v9  }
0x44a: {  	v17 =	vnsel vm0, $0x0, v17;
	[tilespmem:$0x1EAF0] =	vst v10;
	v5 =	vadd.f32 v9, v5;
	v9 =	vor.u32 v13, v60  }
0x44b: {  	v2 =	vadd.f32 v17, v2;
	v17 =	vor.u32 v13, v10;
	v14 =	vld.idx.msk [tilespmem:v14+s15+$0x0], $0xffff;
	vm1 =	vgt.s32 v27, v0  }
0x44c: {  	v20 =	vor.u32 v13, v54;
	vm0 =	vgt.s32 v29, v0;
	v15 =	vld.idx.msk [tilespmem:v15+s15+$0x0], $0xffff;
	v6 =	vnsel vm1, $0x0, v6  }
0x44d: {  	vm2 =	vgt.s32 v30, v0;
	v18 =	vld.idx.msk [tilespmem:v18+s15+$0x0], $0xffff;
	v6 =	vadd.f32 v6, v8;
	v8 =	vnsel vm0, $0x0, v16  }
0x44e: {  	v7 =	vnsel vm2, $0x0, v7;
	v3 =	vadd.f32 v8, v3;
	v8 =	vld.idx.msk [tilespmem:v19+s15+$0x0], $0xffff  }
0x44f: {  	v12 =	vxor.u32 $0x14, v31;
	vm0 =	vgt.s32 v28, v0;
	v5 =	vadd.f32 v7, v5;
	v7 =	vld.idx.msk [tilespmem:v9+s15+$0x0], $0xffff  }
0x450: {  	v9 =	vnsel vm0, $0x0, v14;
	v14 =	vld.idx.msk [tilespmem:v17+s15+$0x0], $0xffff;
	v17 =	vand.u32 $0x7F, v12;
	[tilespmem:$0x1F170] =	vst v12  }
0x451: {  	v11 =	vxor.u32 $0x16, v31;
	v22 =	vxor.u32 $0x19, v31;
	v23 =	vxor.u32 $0x1A, v31;
	[tilespmem:$0x1EAE0] =	vst v17  }
0x452: {  	v24 =	vxor.u32 $0x18, v31;
	v10 =	vand.u32 $0x7F, v22;
	vm1 =	vgt.s32 v57, v0;
	v16 =	vld.idx.msk [tilespmem:v20+s15+$0x0], $0xffff  }
0x453: {  	v15 =	vnsel vm1, $0x0, v15;
	vm1 =	vgt.s32 v59, v0;
	vm0 =	vgt.s32 v61, v0;
	[tilespmem:$0x1F1C0] =	vst v11  }
0x454: {  	v6 =	vadd.f32 v15, v6;
	v2 =	vadd.f32 v9, v2;
	v9 =	vnsel vm0, $0x0, v18;
	[tilespmem:$0x1EAB0] =	vst v10  }
0x455: {  	v15 =	vand.u32 $0x7F, v24;
	vm0 =	vgt.s32 v62, v0;
	v3 =	vadd.f32 v9, v3;
	[tilespmem:$0x1F100] =	vst v22  }
0x456: {  	[tilespmem:$0x1EA90] =	vst v15;
	v8 =	vnsel vm0, $0x0, v8;
	v7 =	vnsel vm1, $0x0, v7;
	vm1 =	vgt.s32 v63, v0  }
0x457: {  	v9 =	vand.u32 $0x7F, v11;
	[tilespmem:$0x1F0D0] =	vst v24;
	v5 =	vadd.f32 v8, v5;
	v8 =	vnsel vm1, $0x0, v16  }
0x458: {  	[tilespmem:$0x1F140] =	vst v23;
	vm0 =	vgt.s32 v55, v0;
	v6 =	vadd.f32 v8, v6;
	v8 =	vor.u32 v13, v9  }
0x459: {  	[tilespmem:$0x1EB10] =	vst v9;
	v2 =	vadd.f32 v7, v2;
	v7 =	vnsel vm0, $0x0, v14;
	v16 =	vand.u32 $0x7F, v23  }
0x45a: {  	v3 =	vadd.f32 v7, v3;
	v7 =	vor.u32 v13, v10;
	v9 =	vxor.u32 $0x17, v31;
	[tilespmem:$0x1EAC0] =	vst v16  }
0x45b: {  	vm0 =	vgt.s32 v11, v0;
	v11 =	vxor.u32 $0x1B, v31;
	v14 =	vand.u32 $0x7F, v9;
	[tilespmem:$0x1F200] =	vst v9  }
0x45c: {  	v19 =	vand.u32 $0x7F, v11;
	v10 =	vmov v9;
	v9 =	vor.u32 v13, v17;
	[tilespmem:$0x1EB20] =	vst v14  }
0x45d: {  	v32 =	vxor.u32 $0x1E, v31;
	v25 =	vxor.u32 $0x2C, v31;
	v8 =	vld.idx.msk [tilespmem:v8+s15+$0x0], $0xffff;
	[tilespmem:$0x1EAD0] =	vst v19  }
0x45e: {  	v41 =	vxor.u32 $0x31, v31;
	v20 =	vand.u32 $0x7F, v25;
	v14 =	vor.u32 v13, v14;
	[tilespmem:$0x1F1A0] =	vst v11  }
0x45f: {  	vm15 =	vgt.s32 v41, v0;
	v26 =	vxor.u32 $0x28, v31;
	v28 =	vxor.u32 $0x2D, v31;
	v7 =	vld.idx.msk [tilespmem:v7+s15+$0x0], $0xffff;
	[tilespmem:$0x1E8F0] =	vst v20  }
0x460: {  	v40 =	vxor.u32 $0x32, v31;
	v21 =	vand.u32 $0x7F, v28;
	v15 =	vor.u32 v13, v15;
	[tilespmem:$0x1EE40] =	vst v25  }
0x461: {  	v52 =	vand.u32 $0x7F, v32;
	v58 =	vxor.u32 $0x23, v31;
	vm14 =	vgt.s32 v40, v0;
	v9 =	vld.idx.msk [tilespmem:v9+s15+$0x0], $0xffff;
	[tilespmem:$0x1E920] =	vst v21  }
0x462: {  	v29 =	vxor.u32 $0x29, v31;
	v27 =	vand.u32 $0x7F, v26;
	v16 =	vor.u32 v13, v16;
	[tilespmem:$0x1EE60] =	vst v28  }
0x463: {  	v48 =	vand.u32 $0x7F, v58;
	v56 =	vand.u32 $0x7F, v29;
	vm3 =	vgt.s32 v29, v0;
	v14 =	vld.idx.msk [tilespmem:v14+s15+$0x0], $0xffff;
	[tilespmem:$0x1E970] =	vst v27  }
0x464: {  	v60 =	vxor.u32 $0x27, v31;
	v57 =	vxor.u32 $0x22, v31;
	v17 =	vor.u32 v13, v19;
	[tilespmem:$0x1EEA0] =	vst v26  }
0x465: {  	v46 =	vand.u32 $0x7F, v60;
	v19 =	vor.u32 v13, v21;
	v21 =	vxor.u32 $0x20, v31;
	v15 =	vld.idx.msk [tilespmem:v15+s15+$0x0], $0xffff;
	[tilespmem:$0x1E980] =	vst v56  }
0x466: {  	v59 =	vxor.u32 $0x26, v31;
	v18 =	vor.u32 v13, v20;
	v30 =	vand.u32 $0x7F, v21;
	[tilespmem:$0x1EEE0] =	vst v29  }
0x467: {  	v49 =	vand.u32 $0x7F, v57;
	v47 =	vand.u32 $0x7F, v59;
	v61 =	vxor.u32 $0x2A, v31;
	v16 =	vld.idx.msk [tilespmem:v16+s15+$0x0], $0xffff;
	[tilespmem:$0x1EA00] =	vst v30  }
0x468: {  	v45 =	vand.u32 $0x7F, v61;
	v20 =	vor.u32 v13, v27;
	v8 =	vnsel vm0, $0x0, v8;
	[tilespmem:$0x1EF80] =	vst v21  }
0x469: {  	vm1 =	vgt.s32 v22, v0;
	v5 =	vadd.f32 v8, v5;
	v8 =	vld.idx.msk [tilespmem:v17+s15+$0x0], $0xffff;
	v17 =	vor.u32 v13, v30  }
0x46a: {  	vm2 =	vgt.s32 v10, v0;
	v27 =	vmovc v21;
	v21 =	vor.u32 v13, v56;
	vm0 =	vgt.s32 v12, v0  }
0x46b: {  	vm4 =	vgt.s32 v27, v0;
	v12 =	vxor.u32 $0x24, v31;
	v18 =	vld.idx.msk [tilespmem:v18+s15+$0x0], $0xffff;
	v9 =	vnsel vm0, $0x0, v9  }
0x46c: {  	v19 =	vld.idx.msk [tilespmem:v19+s15+$0x0], $0xffff;
	v7 =	vnsel vm1, $0x0, v7;
	v2 =	vadd.f32 v9, v2;
	v9 =	vnsel vm2, $0x0, v14  }
0x46d: {  	vm0 =	vgt.s32 v23, v0;
	v14 =	vadd.f32 v9, v6;
	v6 =	vadd.f32 v7, v3;
	v3 =	vld.idx.msk [tilespmem:v20+s15+$0x0], $0xffff  }
0x46e: {  	vm1 =	vgt.s32 v24, v0;
	v55 =	vand.u32 $0x7F, v12;
	v7 =	vnsel vm0, $0x0, v16;
	v16 =	vld.idx.msk [tilespmem:v17+s15+$0x0], $0xffff  }
0x46f: {  	v30 =	vxor.u32 $0x25, v31;
	vm2 =	vgt.s32 v11, v0;
	v11 =	vxor.u32 $0x21, v31;
	v20 =	vld.idx.msk [tilespmem:v21+s15+$0x0], $0xffff;
	[tilespmem:$0x1EF40] =	vst v12  }
0x470: {  	v56 =	vand.u32 $0x7F, v30;
	v10 =	vand.u32 $0x7F, v11;
	vm0 =	vgt.s32 v25, v0;
	[tilespmem:$0x1EF60] =	vst v30  }
0x471: {  	v7 =	vadd.f32 v7, v5;
	v5 =	vnsel vm1, $0x0, v15;
	v8 =	vnsel vm2, $0x0, v8;
	[tilespmem:$0x1EA10] =	vst v10  }
0x472: {  	vm1 =	vgt.s32 v28, v0;
	[tilespmem:$0x1EFF0] =	vst v11;
	v17 =	vor.u32 v13, v56;
	v9 =	vadd.f32 v5, v2  }
0x473: {  	[tilespmem:$0x1F0B0] =	vst v32;
	v2 =	vnsel vm0, $0x0, v18;
	v15 =	vnsel vm4, $0x0, v16;
	v16 =	vor.u32 v13, v55  }
0x474: {  	v14 =	vadd.f32 v8, v14;
	v54 =	vnsel vm1, $0x0, v19;
	[tilespmem:$0x1E720] =	vst v2;
	v2 =	vxor.u32 $0x1C, v31  }
0x475: {  	v18 =	vor.u32 v13, v10;
	v19 =	vand.u32 $0x7F, v2;
	v8 =	vmovc v2;
	[tilespmem:$0x1F060] =	vst v2;
	v2 =	vxor.u32 $0x1D, v31  }
0x476: {  	v62 =	vxor.u32 $0x2B, v31;
	[tilespmem:$0x1EA60] =	vst v19;
	v53 =	vand.u32 $0x7F, v2;
	v19 =	vor.u32 v13, v19  }
0x477: {  	v5 =	vnsel vm3, $0x0, v20;
	v10 =	vmovc v2;
	[tilespmem:$0x1F090] =	vst v2;
	v2 =	vxor.u32 $0x1F, v31;
	v20 =	vor.u32 v13, v53  }
0x478: {  	v44 =	vand.u32 $0x7F, v62;
	v21 =	vor.u32 v13, v52;
	v51 =	vand.u32 $0x7F, v2;
	v16 =	vld.idx.msk [tilespmem:v16+s15+$0x0], $0xffff;
	[tilespmem:$0x1F120] =	vst v2  }
0x479: {  	v63 =	vxor.u32 $0x2E, v31;
	v27 =	vor.u32 v13, v45;
	v22 =	vor.u32 v13, v51;
	v17 =	vld.idx.msk [tilespmem:v17+s15+$0x0], $0xffff;
	[tilespmem:$0x1F020] =	vst v57  }
0x47a: {  	v43 =	vand.u32 $0x7F, v63;
	v24 =	vor.u32 v13, v48;
	v23 =	vor.u32 v13, v49;
	v18 =	vld.idx.msk [tilespmem:v18+s15+$0x0], $0xffff;
	[tilespmem:$0x1F040] =	vst v58  }
0x47b: {  	v29 =	vxor.u32 $0x2F, v31;
	v25 =	vor.u32 v13, v47;
	vm2 =	vgt.s32 v26, v0;
	v19 =	vld.idx.msk [tilespmem:v19+s15+$0x0], $0xffff;
	[tilespmem:$0x1EFB0] =	vst v59  }
0x47c: {  	v42 =	vand.u32 $0x7F, v29;
	v26 =	vor.u32 v13, v46;
	v28 =	vor.u32 v13, v44;
	v20 =	vld.idx.msk [tilespmem:v20+s15+$0x0], $0xffff;
	[tilespmem:$0x1EFD0] =	vst v60  }
0x47d: {  	vm0 =	vgt.s32 v12, v0;
	v3 =	vnsel vm2, $0x0, v3;
	vm1 =	vgt.s32 v10, v0;
	v21 =	vld.idx.msk [tilespmem:v21+s15+$0x0], $0xffff;
	[tilespmem:$0x1EF00] =	vst v61  }
0x47e: {  	v10 =	vxor.u32 $0x3C, v31;
	v16 =	vnsel vm0, $0x0, v16;
	vm0 =	vgt.s32 v30, v0;
	v22 =	vld.idx.msk [tilespmem:v22+s15+$0x0], $0xffff;
	[tilespmem:$0x1EF20] =	vst v62  }
0x47f: {  	v12 =	vmovc v29;
	v34 =	vand.u32 $0x7F, v10;
	v30 =	vor.u32 v13, v42;
	v17 =	vnsel vm0, $0x0, v17;
	v23 =	vld.idx.msk [tilespmem:v23+s15+$0x0], $0xffff;
	[tilespmem:$0x1EE80] =	vst v63  }
0x480: {  	vm0 =	vgt.s32 v8, v0;
	v8 =	vxor.u32 $0x3D, v31;
	v24 =	vld.idx.msk [tilespmem:v24+s15+$0x0], $0xffff;
	[tilespmem:$0x1EEC0] =	vst v29;
	v29 =	vor.u32 v13, v43  }
0x481: {  	v19 =	vnsel vm0, $0x0, v19;
	vm0 =	vgt.s32 v11, v0;
	v11 =	vxor.u32 $0x38, v31  }
0x482: {  	v20 =	vnsel vm1, $0x0, v20;
	v18 =	vnsel vm0, $0x0, v18;
	vm0 =	vgt.s32 v32, v0  }
0x483: {  	v25 =	vld.idx.msk [tilespmem:v25+s15+$0x0], $0xffff;
	vm1 =	vgt.s32 v2, v0;
	vm4 =	vgt.s32 v11, v0;
	v35 =	vand.u32 $0x7F, v11  }
0x484: {  	v28 =	vld.idx.msk [tilespmem:v28+s15+$0x0], $0xffff;
	v21 =	vnsel vm0, $0x0, v21;
	vm0 =	vgt.s32 v57, v0;
	v57 =	vxor.u32 $0x3E, v31  }
0x485: {  	v22 =	vnsel vm1, $0x0, v22;
	vm1 =	vgt.s32 v58, v0;
	vm2 =	vgt.s32 v57, v0  }
0x486: {  	v26 =	vld.idx.msk [tilespmem:v26+s15+$0x0], $0xffff;
	v58 =	vxor.u32 $0x34, v31;
	v23 =	vnsel vm0, $0x0, v23;
	vm0 =	vgt.s32 v59, v0  }
0x487: {  	v59 =	vxor.u32 $0x3F, v31;
	vm8 =	vgt.s32 v58, v0;
	v24 =	vnsel vm1, $0x0, v24  }
0x488: {  	v27 =	vld.idx.msk [tilespmem:v27+s15+$0x0], $0xffff;
	vm1 =	vgt.s32 v62, v0;
	vm3 =	vgt.s32 v59, v0;
	v62 =	vxor.u32 $0x36, v31  }
0x489: {  	v25 =	vnsel vm0, $0x0, v25;
	vm0 =	vgt.s32 v60, v0;
	v2 =	vnsel vm1, $0x0, v28  }
0x48a: {  	v29 =	vld.idx.msk [tilespmem:v29+s15+$0x0], $0xffff;
	vm1 =	vgt.s32 v8, v0;
	v28 =	vxor.u32 $0x39, v31;
	vm11 =	vgt.s32 v62, v0  }
0x48b: {  	v30 =	vld.idx.msk [tilespmem:v30+s15+$0x0], $0xffff;
	v60 =	vxor.u32 $0x37, v31;
	v26 =	vnsel vm0, $0x0, v26;
	vm0 =	vgt.s32 v61, v0  }
0x48c: {  	vm7 =	vgt.s32 v28, v0;
	vm9 =	vgt.s32 v60, v0;
	v61 =	vxor.u32 $0x33, v31  }
0x48d: {  	v27 =	vnsel vm0, $0x0, v27;
	vm0 =	vgt.s32 v63, v0;
	v63 =	vxor.u32 $0x30, v31  }
0x48e: {  	v32 =	vand.u32 $0x7F, v28;
	vm13 =	vgt.s32 v61, v0;
	vm12 =	vgt.s32 v63, v0  }
0x48f: {  	v36 =	vnsel vm0, $0x0, v29;
	vm0 =	vgt.s32 v12, v0;
	v12 =	vxor.u32 $0x3A, v31  }
0x490: {  	v29 =	vxor.u32 $0x3B, v31;
	v38 =	vnsel vm0, $0x0, v30;
	vm0 =	vgt.s32 v10, v0  }
0x491: {  	[tilespmem:$0x1EC60] =	vst v10;
	vm6 =	vgt.s32 v12, v0;
	vm5 =	vgt.s32 v29, v0;
	v30 =	vxor.u32 $0x35, v31  }
0x492: {  	[tilespmem:$0x1EC80] =	vst v8;
	vm10 =	vgt.s32 v30, v0;
	v0 =	vand.u32 $0x7F, v0;
	v37 =	vand.u32 $0x7F, v30  }
0x493: {  	[tilespmem:$0x1ECB0] =	vst v11;
	v39 =	vor.u32 v0, v1;
	v1 =	vadd.f32 v20, v6;
	v6 =	vadd.f32 v21, v7  }
0x494: {  	[tilespmem:$0x1E710] =	vst v31;
	v7 =	vadd.f32 v19, v9;
	v9 =	vadd.f32 v22, v14;
	v14 =	vor.u32 v13, v34  }
0x495: {  	[tilespmem:$0x1ECC0] =	vst v28;
	v28 =	vand.u32 $0x7F, v61;
	v33 =	vand.u32 $0x7F, v63;
	v19 =	vor.u32 v13, v37  }
0x496: {  	[tilespmem:$0x1ED00] =	vst v12;
	v31 =	vand.u32 $0x7F, v41;
	v1 =	vadd.f32 v18, v1;
	v18 =	vor.u32 v13, v35  }
0x497: {  	[tilespmem:$0x1ED60] =	vst v30;
	v30 =	vand.u32 $0x7F, v40;
	v20 =	vor.u32 v13, v31;
	v6 =	vadd.f32 v23, v6  }
0x498: {  	[tilespmem:$0x1ED20] =	vst v29;
	v21 =	vor.u32 v13, v28;
	v7 =	vadd.f32 v15, v7;
	v1 =	vadd.f32 v17, v1  }
0x499: {  	v15 =	vor.u32 v13, v32;
	v9 =	vadd.f32 v24, v9;
	v6 =	vadd.f32 v25, v6;
	v0 =	vld.idx.msk [tilespmem:v14+s15+$0x0], $0xffff  }
0x49a: {  	v17 =	vor.u32 v13, v33;
	v7 =	vadd.f32 v16, v7;
	v1 =	vadd.f32 v5, v1;
	v5 =	vld.idx.msk [tilespmem:v19+s15+$0x0], $0xffff  }
0x49b: {  	v9 =	vadd.f32 v26, v9;
	v25 =	vand.u32 $0x7F, v58;
	v16 =	vld.idx.msk [tilespmem:v18+s15+$0x0], $0xffff;
	v18 =	vor.u32 v13, v30  }
0x49c: {  	v26 =	vand.u32 $0x7F, v62;
	v22 =	vor.u32 v13, v25;
	v3 =	vadd.f32 v3, v7;
	v7 =	vld.idx.msk [tilespmem:v20+s15+$0x0], $0xffff  }
0x49d: {  	v19 =	vor.u32 v13, v26;
	v6 =	vadd.f32 v27, v6;
	v9 =	vadd.f32 v2, v9;
	v2 =	vld.idx.msk [tilespmem:v21+s15+$0x0], $0xffff  }
0x49e: {  	v27 =	vand.u32 $0x7F, v60;
	v1 =	vadd.f32 v54, v1;
	v54 =	vand.u32 $0x7F, v8;
	v8 =	vld [tilespmem:$0x1E720]  }
0x49f: {  	v14 =	vand.u32 $0x7F, v12;
	v12 =	vand.u32 $0x7F, v29;
	v20 =	vor.u32 v13, v27;
	v17 =	vld.idx.msk [tilespmem:v17+s15+$0x0], $0xffff  }
0x4a0: {  	v21 =	vor.u32 v13, v12;
	v18 =	vld.idx.msk [tilespmem:v18+s15+$0x0], $0xffff  }
0x4a1: {  	v11 =	vand.u32 $0x7F, v57;
	v23 =	vor.u32 v13, v14;
	v15 =	vld.idx.msk [tilespmem:v15+s15+$0x0], $0xffff  }
0x4a2: {  	v10 =	vand.u32 $0x7F, v59;
	v6 =	vadd.f32 v36, v6;
	v24 =	vor.u32 v13, v54;
	v19 =	vld.idx.msk [tilespmem:v19+s15+$0x0], $0xffff  }
0x4a3: {  	v7 =	vnsel vm15, $0x0, v7;
	v3 =	vadd.f32 v8, v3;
	v8 =	vld.idx.msk [tilespmem:v22+s15+$0x0], $0xffff;
	v22 =	vor.u32 v13, v11  }
0x4a4: {  	v9 =	vadd.f32 v38, v9;
	v20 =	vld.idx.msk [tilespmem:v20+s15+$0x0], $0xffff;
	v1 =	vadd.f32 v7, v1;
	v7 =	vnsel vm12, $0x0, v17  }
0x4a5: {  	v13 =	vor.u32 v13, v10;
	v3 =	vadd.f32 v7, v3;
	v7 =	vld.idx.msk [tilespmem:v21+s15+$0x0], $0xffff;
	v17 =	vnsel vm14, $0x0, v18  }
0x4a6: {  	v2 =	vnsel vm13, $0x0, v2;
	v18 =	vld.idx.msk [tilespmem:v23+s15+$0x0], $0xffff;
	v6 =	vadd.f32 v17, v6  }
0x4a7: {  	v5 =	vnsel vm10, $0x0, v5;
	v2 =	vadd.f32 v2, v9;
	v9 =	vnsel vm11, $0x0, v19;
	v17 =	vld.idx.msk [tilespmem:v24+s15+$0x0], $0xffff  }
0x4a8: {  	v1 =	vadd.f32 v5, v1;
	v5 =	vadd.f32 v9, v6;
	v6 =	vnsel vm8, $0x0, v8;
	v8 =	vld.idx.msk [tilespmem:v22+s15+$0x0], $0xffff  }
0x4a9: {  	v9 =	vnsel vm9, $0x0, v20  }
0x4aa: {  	v13 =	vld.idx.msk [tilespmem:v13+s15+$0x0], $0xffff;
	v3 =	vadd.f32 v6, v3;
	v6 =	vnsel vm7, $0x0, v15;
	v2 =	vadd.f32 v9, v2  }
0x4ab: {  	v7 =	vnsel vm5, $0x0, v7;
	v1 =	vadd.f32 v6, v1;
	v6 =	vnsel vm6, $0x0, v18  }
0x4ac: {  	v5 =	vadd.f32 v6, v5;
	v6 =	vnsel vm4, $0x0, v16;
	v2 =	vadd.f32 v7, v2  }
0x4ad: {  	v3 =	vadd.f32 v6, v3;
	v6 =	vnsel vm1, $0x0, v17;
	v7 =	vnsel vm2, $0x0, v8;
	v8 =	vld [tilespmem:$0x1E740]  }
0x4ae: {  	v1 =	vadd.f32 v6, v1;
	v6 =	vnsel vm0, $0x0, v0  }
0x4af: {  	v3 =	vadd.f32 v6, v3;
	v6 =	vnsel vm3, $0x0, v13  }
0x4b0: {  	v2 =	vadd.f32 v6, v2;
	v6 =	vld [tilespmem:$0x1E730];
	_ =	sdelay $0x1  }
0x4b1: {  	vm0 =	veq.s32 v8, $0x0;
	v8 =	vld [tilespmem:$0x1E750];
	_ =	sdelay $0x1  }
0x4b2: {  	s24 =	simm.s32 $0x10300;
	v0 =	vld.idx.msk [tilespmem:v39+s15+$0x0], $0xffff  }
0x4b3: {  	v5 =	vadd.f32 v7, v5;
	v7 =	vld [tilespmem:s24+$0x0];
	v6 =	vadd.f32 $1.000000010e-10, v6;
	_ =	sdelay $0x1  }
0x4b4: {  	v1 =	vadd.f32 v1, v3;
	v2 =	vadd.f32 v2, v5;
	v6 =	vsel vm0, v6, v8  }
0x4b5: {  	v3 =	vand.u32 $0x7FFFFF, v6  }
0x4b6: {  	v0 =	vadd.f32 $1.000000010e-10, v0;
	v1 =	vadd.f32 v2, v1;
	v2 =	vor.u32 $0x3F000000, v3  }
0x4b7: {  	vm1 =	veq.s32 v7, $0x0;
	vm2 =	vlt.f32 v2, $7.071067690e-01  }
0x4b8: {  	v0 =	vsel vm1, v0, v1;
	v1 =	vnsel vm2, $0x80000000, v2  }
0x4b9: {  	v1 =	vadd.f32 v2, v1;
	v2 =	vand.u32 $0x7FFFFF, v0  }
0x4ba: {  	v2 =	vor.u32 $0x3F000000, v2  }
0x4bb: {  	vm3 =	vlt.f32 v2, $7.071067690e-01  }
0x4bc: {  	v3 =	vnsel vm3, $0x80000000, v2  }
0x4bd: {  	v1 =	vadd.f32 $-1.000000000e+00, v1;
	v2 =	vadd.f32 v2, v3;
	_ =	sdelay $0x1  }
0x4be: {  	v3 =	vmul.f32 $7.037683580e-02, v1;
	v2 =	vadd.f32 $-1.000000000e+00, v2;
	_ =	sdelay $0x1  }
0x4bf: {  	v3 =	vadd.f32 $-1.151461010e-01, v3;
	v5 =	vmul.f32 $7.037683580e-02, v2;
	_ =	sdelay $0x1  }
0x4c0: {  	v3 =	vmul.f32 v3, v1;
	v5 =	vadd.f32 $-1.151461010e-01, v5;
	_ =	sdelay $0x1  }
0x4c1: {  	v3 =	vadd.f32 $1.167699840e-01, v3;
	v5 =	vmul.f32 v5, v2;
	_ =	sdelay $0x1  }
0x4c2: {  	v3 =	vmul.f32 v3, v1;
	v5 =	vadd.f32 $1.167699840e-01, v5;
	_ =	sdelay $0x1  }
0x4c3: {  	v3 =	vadd.f32 $-1.242014100e-01, v3;
	v5 =	vmul.f32 v5, v2;
	_ =	sdelay $0x1  }
0x4c4: {  	v3 =	vmul.f32 v3, v1;
	v5 =	vadd.f32 $-1.242014100e-01, v5;
	_ =	sdelay $0x1  }
0x4c5: {  	v3 =	vadd.f32 $1.424932330e-01, v3;
	v5 =	vmul.f32 v5, v2;
	_ =	sdelay $0x1  }
0x4c6: {  	v3 =	vmul.f32 v3, v1;
	v5 =	vadd.f32 $1.424932330e-01, v5;
	_ =	sdelay $0x1  }
0x4c7: {  	v3 =	vadd.f32 $-1.666805740e-01, v3;
	v5 =	vmul.f32 v5, v2;
	_ =	sdelay $0x1  }
0x4c8: {  	v3 =	vmul.f32 v3, v1;
	v5 =	vadd.f32 $-1.666805740e-01, v5;
	_ =	sdelay $0x1  }
0x4c9: {  	v3 =	vadd.f32 $2.000071410e-01, v3;
	v5 =	vmul.f32 v5, v2;
	_ =	sdelay $0x1  }
0x4ca: {  	v3 =	vmul.f32 v3, v1;
	v5 =	vadd.f32 $2.000071410e-01, v5  }
0x4cb: {  	v8 =	vimm.s32 $0x0;
	v6 =	vshra.s32 v6, $0x17  }
0x4cc: {  	v7 =	vsel vm2, $0xFFFFFFFF, v8;
	v3 =	vadd.f32 $-2.499999400e-01, v3;
	v5 =	vmul.f32 v5, v2  }
0x4cd: {  	v6 =	vadd.s32 v7, v6  }
0x4ce: {  	v6 =	vadd.s32 $0xFFFFFF82, v6;
	v3 =	vmul.f32 v3, v1;
	v5 =	vadd.f32 $-2.499999400e-01, v5  }
0x4cf: {  	v0 =	vshra.s32 v0, $0x17;
	v6 =	vcvt.s32.f32 v6  }
0x4d0: {  	v8 =	vsel vm3, $0xFFFFFFFF, v8;
	v3 =	vadd.f32 $3.333333130e-01, v3;
	v5 =	vmul.f32 v5, v2  }
0x4d1: {  	v7 =	vmul.f32 v1, v1;
	v0 =	vadd.s32 v8, v0;
	v8 =	vmul.f32 $-2.121944420e-04, v6  }
0x4d2: {  	v0 =	vadd.s32 $0xFFFFFF82, v0;
	v3 =	vmul.f32 v3, v1;
	v5 =	vadd.f32 $3.333333130e-01, v5  }
0x4d3: {  	v0 =	vcvt.s32.f32 v0;
	v9 =	vmul.f32 v2, v2  }
0x4d4: {  	v3 =	vmul.f32 v3, v7;
	v5 =	vmul.f32 v5, v2  }
0x4d5: {  	v7 =	vmul.f32 $5.000000000e-01, v7  }
0x4d6: {  	v3 =	vadd.f32 v8, v3;
	v8 =	vmul.f32 $-2.121944420e-04, v0;
	v5 =	vmul.f32 v5, v9;
	_ =	sdelay $0x1  }
0x4d7: {  	v3 =	vsub.f32 v3, v7;
	v7 =	vmul.f32 $5.000000000e-01, v9;
	v5 =	vadd.f32 v8, v5;
	_ =	sdelay $0x1  }
0x4d8: {  	v1 =	vadd.f32 v3, v1;
	v3 =	vsub.f32 v5, v7;
	_ =	sdelay $0x1  }
0x4d9: {  	v0 =	vmul.f32 $6.933593750e-01, v0;
	v2 =	vadd.f32 v3, v2;
	v3 =	vld [tilespmem:$0x1F390];
	_ =	sdelay $0x1  }
0x4da: {  	v5 =	vmul.f32 $6.933593750e-01, v6;
	v0 =	vadd.f32 v2, v0;
	v2 =	vld [tilespmem:$0x1E770];
	_ =	sdelay $0x1  }
0x4db: {  	s31 =	simm.s32 $0x10;
	v6 =	vimm.f32 $5.000000000e-01;
	v1 =	vadd.f32 v1, v5  }
0x4dc: {  	v5 =	vadd.s32 s31, v50;
	v3 =	vadd.f32 v4, v3;
	v4 =	vsel vm0, $0x3F800000, v6  }
0x4dd: {  	v20 =	vshll.u32 v5, $0x7;
	v1 =	vmul.f32 v1, v4  }
0x4de: {  	v2 =	vadd.s32 v2, v20  }
0x4df: {  	v1 =	vadd.f32 v1, v3;
	v3 =	vor.u32 v2, v11  }
0x4e0: {  	[tilespmem:$0x1E7C0] =	vst v3;
	v3 =	vor.u32 v2, v10  }
0x4e1: {  	[tilespmem:$0x1E7F0] =	vst v3;
	v3 =	vor.u32 v2, v14  }
0x4e2: {  	[tilespmem:$0x1E820] =	vst v3;
	v3 =	vor.u32 v2, v12  }
0x4e3: {  	[tilespmem:$0x1E850] =	vst v3;
	v3 =	vor.u32 v2, v26  }
0x4e4: {  	[tilespmem:$0x1E880] =	vst v3;
	v3 =	vor.u32 v2, v27  }
0x4e5: {  	[tilespmem:$0x1E8B0] =	vst v3;
	v3 =	vor.u32 v2, v30  }
0x4e6: {  	[tilespmem:$0x1E8E0] =	vst v3;
	v3 =	vld [tilespmem:$0x1E8F0];
	_ =	sdelay $0x4  }
0x4e7: {  	[tilespmem:$0x1E7E0] =	vst v10;
	v10 =	vor.u32 v2, v3;
	v3 =	vor.u32 v2, v28  }
0x4e8: {  	[tilespmem:$0x1E910] =	vst v3;
	v3 =	vld [tilespmem:$0x1E920];
	_ =	sdelay $0x4  }
0x4e9: {  	[tilespmem:$0x1E7B0] =	vst v11;
	v11 =	vor.u32 v2, v3;
	v3 =	vor.u32 v2, v43  }
0x4ea: {  	[tilespmem:$0x1E940] =	vst v3;
	v3 =	vor.u32 v2, v42  }
0x4eb: {  	[tilespmem:$0x1E960] =	vst v3;
	v3 =	vld [tilespmem:$0x1E970];
	_ =	sdelay $0x4  }
0x4ec: {  	[tilespmem:$0x1E840] =	vst v12;
	v12 =	vor.u32 v2, v3;
	v3 =	vld [tilespmem:$0x1E980];
	_ =	sdelay $0x4  }
0x4ed: {  	v13 =	vor.u32 v2, v3;
	v3 =	vor.u32 v2, v45  }
0x4ee: {  	[tilespmem:$0x1E9B0] =	vst v3;
	v3 =	vor.u32 v2, v44  }
0x4ef: {  	[tilespmem:$0x1E9D0] =	vst v3;
	v3 =	vld [tilespmem:$0x1EA00];
	_ =	sdelay $0x4  }
0x4f0: {  	v16 =	vor.u32 v2, v3;
	v3 =	vld [tilespmem:$0x1EA10];
	_ =	sdelay $0x4  }
0x4f1: {  	v18 =	vor.u32 v2, v3;
	v3 =	vor.u32 v2, v46  }
0x4f2: {  	[tilespmem:$0x1EA30] =	vst v3;
	v3 =	vld [tilespmem:$0x1EA60];
	_ =	sdelay $0x2  }
0x4f3: {  	[tilespmem:$0x1E760] =	vst v50  }
0x4f4: {  	[tilespmem:$0x1E790] =	vst v34  }
0x4f5: {  	[tilespmem:$0x1E7A0] =	vst v54;
	v3 =	vor.u32 v2, v3  }
0x4f6: {  	[tilespmem:$0x1EFA0] =	vst v3;
	v3 =	vor.u32 v2, v53  }
0x4f7: {  	[tilespmem:$0x1F010] =	vst v3;
	v3 =	vld [tilespmem:$0x1EA90]  }
0x4f8: {  	[tilespmem:$0x1E7D0] =	vst v35  }
0x4f9: {  	[tilespmem:$0x1E800] =	vst v32  }
0x4fa: {  	[tilespmem:$0x1E810] =	vst v14  }
0x4fb: {  	[tilespmem:$0x1E830] =	vst v25  }
0x4fc: {  	[tilespmem:$0x1E860] =	vst v37;
	v3 =	vor.u32 v2, v3  }
0x4fd: {  	[tilespmem:$0x1F080] =	vst v3;
	v3 =	vld [tilespmem:$0x1EAB0]  }
0x4fe: {  	[tilespmem:$0x1E870] =	vst v26  }
0x4ff: {  	[tilespmem:$0x1E890] =	vst v33  }
0x500: {  	[tilespmem:$0x1E8A0] =	vst v27  }
0x501: {  	[tilespmem:$0x1E8C0] =	vst v31  }
0x502: {  	[tilespmem:$0x1E8D0] =	vst v30;
	v3 =	vor.u32 v2, v3  }
0x503: {  	[tilespmem:$0x1F0F0] =	vst v3;
	v3 =	vld [tilespmem:$0x1EAC0]  }
0x504: {  	[tilespmem:$0x1E900] =	vst v28  }
0x505: {  	[tilespmem:$0x1E930] =	vst v43  }
0x506: {  	[tilespmem:$0x1E950] =	vst v42  }
0x507: {  	[tilespmem:$0x1E990] =	vst v55  }
0x508: {  	[tilespmem:$0x1E9A0] =	vst v45;
	v29 =	vor.u32 v2, v3;
	v3 =	vld [tilespmem:$0x1EAD0]  }
0x509: {  	[tilespmem:$0x1E9C0] =	vst v44  }
0x50a: {  	[tilespmem:$0x1E9E0] =	vst v56  }
0x50b: {  	[tilespmem:$0x1E9F0] =	vst v47  }
0x50c: {  	[tilespmem:$0x1EA20] =	vst v46  }
0x50d: {  	[tilespmem:$0x1EA40] =	vst v49;
	v28 =	vor.u32 v2, v3;
	v3 =	vld [tilespmem:$0x1EAE0]  }
0x50e: {  	[tilespmem:$0x1EA50] =	vst v48;
	v4 =	vsel vm1, $0x3F800000, v6  }
0x50f: {  	[tilespmem:$0x1EA70] =	vst v53;
	v36 =	vmul.f32 v0, v4;
	v0 =	vor.u32 v2, v34  }
0x510: {  	[tilespmem:$0x1EA80] =	vst v52  }
0x511: {  	[tilespmem:$0x1EAA0] =	vst v51  }
0x512: {  	[tilespmem:$0x1E780] =	vst v1;
	v3 =	vor.u32 v2, v3  }
0x513: {  	[tilespmem:$0x1F160] =	vst v3  }
0x514: {  	v5 =	vor.u32 v2, v32;
	v32 =	vld.idx.msk [tilespmem:v0+s15+$0x0], $0xffff  }
0x515: {  	v0 =	vld [tilespmem:$0x1EB10];
	_ =	sdelay $0x4  }
0x516: {  	v9 =	vor.u32 v2, v31;
	v31 =	vor.u32 v2, v0;
	v0 =	vld [tilespmem:$0x1EB20];
	_ =	sdelay $0x4  }
0x517: {  	v30 =	vor.u32 v2, v0;
	v0 =	vld [tilespmem:$0x1EB30];
	_ =	sdelay $0x4  }
0x518: {  	v19 =	vor.u32 v2, v0;
	v0 =	vld [tilespmem:$0x1EB40];
	_ =	sdelay $0x4  }
0x519: {  	v34 =	vor.u32 v2, v0;
	v0 =	vld [tilespmem:$0x1EB50];
	_ =	sdelay $0x4  }
0x51a: {  	v21 =	vor.u32 v2, v0;
	v0 =	vld [tilespmem:$0x1EB60];
	_ =	sdelay $0x4  }
0x51b: {  	v6 =	vor.u32 v2, v25;
	v25 =	vor.u32 v2, v49;
	v49 =	vor.u32 v2, v0;
	v0 =	vld [tilespmem:$0x1EB70];
	_ =	sdelay $0x4  }
0x51c: {  	v8 =	vor.u32 v2, v33;
	v33 =	vor.u32 v2, v0;
	v0 =	vld [tilespmem:$0x1EB80];
	_ =	sdelay $0x4  }
0x51d: {  	v7 =	vor.u32 v2, v37;
	v37 =	vor.u32 v2, v0;
	v0 =	vld [tilespmem:$0x1EB90];
	_ =	sdelay $0x4  }
0x51e: {  	v4 =	vor.u32 v2, v35;
	v35 =	vor.u32 v2, v0;
	v0 =	vld [tilespmem:$0x1EBA0];
	_ =	sdelay $0x4  }
0x51f: {  	v50 =	vor.u32 v2, v0;
	v0 =	vld [tilespmem:$0x1EBB0];
	_ =	sdelay $0x4  }
0x520: {  	v24 =	vor.u32 v2, v47;
	v47 =	vor.u32 v2, v0;
	v0 =	vld [tilespmem:$0x1EBC0];
	_ =	sdelay $0x4  }
0x521: {  	v39 =	vor.u32 v2, v0;
	v0 =	vld [tilespmem:$0x1EBD0];
	_ =	sdelay $0x4  }
0x522: {  	v23 =	vor.u32 v2, v48;
	v48 =	vor.u32 v2, v0;
	v0 =	vld [tilespmem:$0x1EBE0];
	_ =	sdelay $0x4  }
0x523: {  	v38 =	vor.u32 v2, v0;
	v0 =	vld [tilespmem:$0x1EBF0];
	_ =	sdelay $0x4  }
0x524: {  	v46 =	vor.u32 v2, v0;
	v0 =	vld [tilespmem:$0x1EC00];
	_ =	sdelay $0x4  }
0x525: {  	v45 =	vor.u32 v2, v0;
	v0 =	vld [tilespmem:$0x1EC10];
	_ =	sdelay $0x4  }
0x526: {  	v43 =	vor.u32 v2, v0;
	v0 =	vld [tilespmem:$0x1EC20];
	_ =	sdelay $0x4  }
0x527: {  	v44 =	vor.u32 v2, v0;
	v0 =	vld [tilespmem:$0x1EC30];
	_ =	sdelay $0x3  }
0x528: {  	v53 =	vld.idx.msk [tilespmem:v4+s15+$0x0], $0xffff  }
0x529: {  	v4 =	vor.u32 v2, v0;
	v0 =	vld [tilespmem:$0x1EC40];
	_ =	sdelay $0x2  }
0x52a: {  	v1 =	vor.u32 v2, v54  }
0x52b: {  	v54 =	vld.idx.msk [tilespmem:v6+s15+$0x0], $0xffff  }
0x52c: {  	v6 =	vor.u32 v2, v0;
	v0 =	vld [tilespmem:$0x1EC50];
	_ =	sdelay $0x2  }
0x52d: {  	s25 =	simm.s32 $0x10110;
	v26 =	vor.u32 v2, v51;
	v51 =	vld.idx.msk [tilespmem:v1+s15+$0x0], $0xffff  }
0x52e: {  	v42 =	vld [tilespmem:s25+$0x0]  }
0x52f: {  	v1 =	vor.u32 v2, v0;
	v0 =	vld [tilespmem:$0x1EC60];
	_ =	sdelay $0x3  }
0x530: {  	v27 =	vor.u32 v2, v52;
	v52 =	vld.idx.msk [tilespmem:v5+s15+$0x0], $0xffff  }
0x531: {  	v15 =	vor.u32 v2, v56;
	v56 =	vld.idx.msk [tilespmem:v7+s15+$0x0], $0xffff;
	vm0 =	vgt.s32 v0, v42;
	v0 =	vimm.s32 $0x0  }
0x532: {  	v14 =	vor.u32 v2, v55;
	v55 =	vld.idx.msk [tilespmem:v8+s15+$0x0], $0xffff;
	v0 =	vsel vm0, $0xFFFFFFFF, v0  }
0x533: {  	[tilespmem:$0x1EC70] =	vst v0;
	v0 =	vld [tilespmem:$0x1EC80];
	_ =	sdelay $0x4  }
0x534: {  	vm0 =	vgt.s32 v0, v42;
	v0 =	vimm.s32 $0x0  }
0x535: {  	v0 =	vsel vm0, $0xFFFFFFFF, v0  }
0x536: {  	[tilespmem:$0x1EC90] =	vst v0;
	v0 =	vld [tilespmem:$0x1ECB0];
	_ =	sdelay $0x4  }
0x537: {  	vm1 =	vgt.s32 v0, v42;
	v0 =	vld [tilespmem:$0x1ECC0];
	_ =	sdelay $0x4  }
0x538: {  	vm0 =	vgt.s32 v0, v42;
	v0 =	vimm.s32 $0x0  }
0x539: {  	[tilespmem:$0x1ECA0] =	vst v57;
	v0 =	vsel vm0, $0xFFFFFFFF, v0  }
0x53a: {  	vm15 =	vgt.s32 v57, v42;
	v57 =	vld.idx.msk [tilespmem:v9+s15+$0x0], $0xffff;
	vm0 =	vgt.s32 v59, v42;
	[tilespmem:$0x1ECD0] =	vst v0;
	v0 =	vimm.s32 $0x0  }
0x53b: {  	v0 =	vsel vm0, $0xFFFFFFFF, v0  }
0x53c: {  	[tilespmem:$0x1ECF0] =	vst v0;
	v0 =	vld [tilespmem:$0x1ED00];
	_ =	sdelay $0x4  }
0x53d: {  	[tilespmem:$0x1ECE0] =	vst v59;
	vm0 =	vgt.s32 v0, v42;
	v0 =	vimm.s32 $0x0  }
0x53e: {  	v59 =	vld.idx.msk [tilespmem:v10+s15+$0x0], $0xffff;
	v0 =	vsel vm0, $0xFFFFFFFF, v0  }
0x53f: {  	[tilespmem:$0x1ED10] =	vst v0;
	v0 =	vld [tilespmem:$0x1ED20];
	_ =	sdelay $0x4  }
0x540: {  	vm0 =	vgt.s32 v0, v42;
	v0 =	vimm.s32 $0x0  }
0x541: {  	v0 =	vsel vm0, $0xFFFFFFFF, v0  }
0x542: {  	vm0 =	vgt.s32 v58, v42;
	[tilespmem:$0x1ED30] =	vst v0;
	v0 =	vimm.s32 $0x0  }
0x543: {  	v0 =	vsel vm0, $0xFFFFFFFF, v0  }
0x544: {  	[tilespmem:$0x1ED50] =	vst v0;
	v0 =	vld [tilespmem:$0x1ED60];
	_ =	sdelay $0x4  }
0x545: {  	vm0 =	vgt.s32 v0, v42;
	v0 =	vimm.s32 $0x0  }
0x546: {  	[tilespmem:$0x1ED40] =	vst v58;
	v0 =	vsel vm0, $0xFFFFFFFF, v0  }
0x547: {  	v58 =	vld.idx.msk [tilespmem:v11+s15+$0x0], $0xffff;
	vm0 =	vgt.s32 v62, v42;
	[tilespmem:$0x1ED70] =	vst v0;
	v0 =	vimm.s32 $0x0  }
0x548: {  	[tilespmem:$0x1ED80] =	vst v62;
	v0 =	vsel vm0, $0xFFFFFFFF, v0  }
0x549: {  	vm0 =	vgt.s32 v60, v42;
	[tilespmem:$0x1ED90] =	vst v0;
	v0 =	vimm.s32 $0x0  }
0x54a: {  	[tilespmem:$0x1EDA0] =	vst v60;
	v0 =	vsel vm0, $0xFFFFFFFF, v0  }
0x54b: {  	vm0 =	vgt.s32 v63, v42;
	[tilespmem:$0x1EDB0] =	vst v0;
	v0 =	vimm.s32 $0x0  }
0x54c: {  	v60 =	vld.idx.msk [tilespmem:v12+s15+$0x0], $0xffff;
	[tilespmem:$0x1EDC0] =	vst v63;
	v0 =	vsel vm0, $0xFFFFFFFF, v0  }
0x54d: {  	vm0 =	vgt.s32 v41, v42;
	[tilespmem:$0x1EDD0] =	vst v0;
	v0 =	vimm.s32 $0x0  }
0x54e: {  	[tilespmem:$0x1EDE0] =	vst v41;
	v0 =	vsel vm0, $0xFFFFFFFF, v0  }
0x54f: {  	vm0 =	vgt.s32 v40, v42;
	[tilespmem:$0x1EDF0] =	vst v0;
	v0 =	vimm.s32 $0x0  }
0x550: {  	[tilespmem:$0x1EE00] =	vst v40;
	v0 =	vsel vm0, $0xFFFFFFFF, v0  }
0x551: {  	vm0 =	vgt.s32 v61, v42;
	[tilespmem:$0x1EE10] =	vst v0;
	v0 =	vimm.s32 $0x0  }
0x552: {  	v62 =	vld.idx.msk [tilespmem:v13+s15+$0x0], $0xffff;
	v0 =	vsel vm0, $0xFFFFFFFF, v0  }
0x553: {  	[tilespmem:$0x1EE30] =	vst v0;
	v0 =	vld [tilespmem:$0x1EE40];
	_ =	sdelay $0x4  }
0x554: {  	[tilespmem:$0x1EE20] =	vst v61;
	vm0 =	vgt.s32 v0, v42;
	v0 =	vimm.s32 $0x0  }
0x555: {  	v61 =	vld.idx.msk [tilespmem:v14+s15+$0x0], $0xffff;
	v0 =	vsel vm0, $0xFFFFFFFF, v0  }
0x556: {  	[tilespmem:$0x1EE50] =	vst v0;
	v0 =	vld [tilespmem:$0x1EE60];
	_ =	sdelay $0x4  }
0x557: {  	vm0 =	vgt.s32 v0, v42;
	v0 =	vimm.s32 $0x0  }
0x558: {  	v0 =	vsel vm0, $0xFFFFFFFF, v0  }
0x559: {  	[tilespmem:$0x1EE70] =	vst v0;
	v0 =	vld [tilespmem:$0x1EE80];
	_ =	sdelay $0x4  }
0x55a: {  	vm0 =	vgt.s32 v0, v42;
	v0 =	vimm.s32 $0x0  }
0x55b: {  	v63 =	vld.idx.msk [tilespmem:v15+s15+$0x0], $0xffff;
	v0 =	vsel vm0, $0xFFFFFFFF, v0  }
0x55c: {  	[tilespmem:$0x1EE90] =	vst v0;
	v0 =	vld [tilespmem:$0x1EEA0];
	_ =	sdelay $0x4  }
0x55d: {  	vm0 =	vgt.s32 v0, v42;
	v0 =	vimm.s32 $0x0  }
0x55e: {  	v0 =	vsel vm0, $0xFFFFFFFF, v0  }
0x55f: {  	[tilespmem:$0x1EEB0] =	vst v0;
	v0 =	vld [tilespmem:$0x1EEC0];
	_ =	sdelay $0x2  }
0x560: {  	v3 =	vld [tilespmem:$0x1EAF0];
	_ =	sdelay $0x1  }
0x561: {  	vm0 =	vgt.s32 v0, v42;
	v0 =	vimm.s32 $0x0  }
0x562: {  	v0 =	vsel vm0, $0xFFFFFFFF, v0  }
0x563: {  	[tilespmem:$0x1EED0] =	vst v0;
	v0 =	vld [tilespmem:$0x1EEE0]  }
0x564: {  	v22 =	vor.u32 v2, v3;
	v3 =	vld [tilespmem:$0x1EB00];
	_ =	sdelay $0x3  }
0x565: {  	vm0 =	vgt.s32 v0, v42;
	v0 =	vimm.s32 $0x0  }
0x566: {  	v17 =	vor.u32 v2, v3;
	v2 =	vld.idx.msk [tilespmem:v16+s15+$0x0], $0xffff;
	v0 =	vsel vm0, $0xFFFFFFFF, v0  }
0x567: {  	[tilespmem:$0x1EEF0] =	vst v0;
	v0 =	vld [tilespmem:$0x1EF00];
	_ =	sdelay $0x4  }
0x568: {  	vm0 =	vgt.s32 v0, v42;
	v0 =	vimm.s32 $0x0  }
0x569: {  	v0 =	vsel vm0, $0xFFFFFFFF, v0  }
0x56a: {  	[tilespmem:$0x1EF10] =	vst v0;
	v0 =	vld [tilespmem:$0x1EF20];
	_ =	sdelay $0x1  }
0x56b: {  	v3 =	vld [tilespmem:$0x1EF40];
	_ =	sdelay $0x2  }
0x56c: {  	vm0 =	vgt.s32 v0, v42;
	v0 =	vimm.s32 $0x0  }
0x56d: {  	v0 =	vsel vm0, $0xFFFFFFFF, v0  }
0x56e: {  	vm0 =	vgt.s32 v3, v42;
	v3 =	vimm.s32 $0x0;
	[tilespmem:$0x1EF30] =	vst v0  }
0x56f: {  	v3 =	vsel vm0, $0xFFFFFFFF, v3;
	v0 =	vld.idx.msk [tilespmem:v18+s15+$0x0], $0xffff  }
0x570: {  	[tilespmem:$0x1EF50] =	vst v3;
	v3 =	vld [tilespmem:$0x1EF60];
	_ =	sdelay $0x4  }
0x571: {  	vm0 =	vgt.s32 v3, v42;
	v3 =	vimm.s32 $0x0  }
0x572: {  	v3 =	vsel vm0, $0xFFFFFFFF, v3  }
0x573: {  	[tilespmem:$0x1EF70] =	vst v3;
	v3 =	vld [tilespmem:$0x1EF80];
	_ =	sdelay $0x4  }
0x574: {  	vm0 =	vgt.s32 v3, v42;
	v3 =	vimm.s32 $0x0  }
0x575: {  	v3 =	vsel vm0, $0xFFFFFFFF, v3  }
0x576: {  	[tilespmem:$0x1EF90] =	vst v3;
	v3 =	vld [tilespmem:$0x1EFA0];
	_ =	sdelay $0x7  }
0x577: {  	v9 =	vld.idx.msk [tilespmem:v3+s15+$0x0], $0xffff  }
0x578: {  	v3 =	vld [tilespmem:$0x1EFB0];
	_ =	sdelay $0x4  }
0x579: {  	vm0 =	vgt.s32 v3, v42;
	v3 =	vimm.s32 $0x0  }
0x57a: {  	v3 =	vsel vm0, $0xFFFFFFFF, v3  }
0x57b: {  	[tilespmem:$0x1EFC0] =	vst v3;
	v3 =	vld [tilespmem:$0x1EFD0];
	_ =	sdelay $0x4  }
0x57c: {  	vm0 =	vgt.s32 v3, v42;
	v3 =	vimm.s32 $0x0  }
0x57d: {  	v3 =	vsel vm0, $0xFFFFFFFF, v3  }
0x57e: {  	[tilespmem:$0x1EFE0] =	vst v3;
	v3 =	vld [tilespmem:$0x1EFF0];
	_ =	sdelay $0x4  }
0x57f: {  	vm0 =	vgt.s32 v3, v42;
	v3 =	vimm.s32 $0x0  }
0x580: {  	v3 =	vsel vm0, $0xFFFFFFFF, v3  }
0x581: {  	[tilespmem:$0x1F000] =	vst v3;
	v3 =	vld [tilespmem:$0x1F010];
	_ =	sdelay $0x7  }
0x582: {  	v8 =	vld.idx.msk [tilespmem:v3+s15+$0x0], $0xffff  }
0x583: {  	v3 =	vld [tilespmem:$0x1F020];
	_ =	sdelay $0x4  }
0x584: {  	vm0 =	vgt.s32 v3, v42;
	v3 =	vimm.s32 $0x0  }
0x585: {  	v3 =	vsel vm0, $0xFFFFFFFF, v3  }
0x586: {  	[tilespmem:$0x1F030] =	vst v3;
	v3 =	vld [tilespmem:$0x1F040];
	_ =	sdelay $0x4  }
0x587: {  	vm0 =	vgt.s32 v3, v42;
	v3 =	vimm.s32 $0x0  }
0x588: {  	v3 =	vsel vm0, $0xFFFFFFFF, v3  }
0x589: {  	[tilespmem:$0x1F050] =	vst v3;
	v3 =	vld [tilespmem:$0x1F060];
	_ =	sdelay $0x4  }
0x58a: {  	vm0 =	vgt.s32 v3, v42;
	v3 =	vimm.s32 $0x0  }
0x58b: {  	v3 =	vsel vm0, $0xFFFFFFFF, v3  }
0x58c: {  	[tilespmem:$0x1F070] =	vst v3;
	v3 =	vld [tilespmem:$0x1F080];
	_ =	sdelay $0x7  }
0x58d: {  	v7 =	vld.idx.msk [tilespmem:v3+s15+$0x0], $0xffff  }
0x58e: {  	v3 =	vld [tilespmem:$0x1F090];
	_ =	sdelay $0x4  }
0x58f: {  	vm0 =	vgt.s32 v3, v42;
	v3 =	vimm.s32 $0x0  }
0x590: {  	v3 =	vsel vm0, $0xFFFFFFFF, v3  }
0x591: {  	[tilespmem:$0x1F0A0] =	vst v3;
	v3 =	vld [tilespmem:$0x1F0B0];
	_ =	sdelay $0x4  }
0x592: {  	vm0 =	vgt.s32 v3, v42;
	v3 =	vimm.s32 $0x0  }
0x593: {  	v3 =	vsel vm0, $0xFFFFFFFF, v3  }
0x594: {  	[tilespmem:$0x1F0C0] =	vst v3;
	v3 =	vld [tilespmem:$0x1F0D0];
	_ =	sdelay $0x4  }
0x595: {  	vm0 =	vgt.s32 v3, v42;
	v3 =	vimm.s32 $0x0  }
0x596: {  	v3 =	vsel vm0, $0xFFFFFFFF, v3  }
0x597: {  	[tilespmem:$0x1F0E0] =	vst v3;
	v3 =	vld [tilespmem:$0x1F0F0];
	_ =	sdelay $0x7  }
0x598: {  	v10 =	vld.idx.msk [tilespmem:v3+s15+$0x0], $0xffff  }
0x599: {  	v3 =	vld [tilespmem:$0x1F100];
	_ =	sdelay $0x4  }
0x59a: {  	vm0 =	vgt.s32 v3, v42;
	v3 =	vimm.s32 $0x0  }
0x59b: {  	v3 =	vsel vm0, $0xFFFFFFFF, v3  }
0x59c: {  	[tilespmem:$0x1F110] =	vst v3;
	v3 =	vld [tilespmem:$0x1F120];
	_ =	sdelay $0x4  }
0x59d: {  	vm0 =	vgt.s32 v3, v42;
	v3 =	vimm.s32 $0x0  }
0x59e: {  	v3 =	vsel vm0, $0xFFFFFFFF, v3  }
0x59f: {  	[tilespmem:$0x1F130] =	vst v3;
	v3 =	vld [tilespmem:$0x1F140];
	_ =	sdelay $0x4  }
0x5a0: {  	vm0 =	vgt.s32 v3, v42;
	v3 =	vimm.s32 $0x0  }
0x5a1: {  	v3 =	vsel vm0, $0xFFFFFFFF, v3  }
0x5a2: {  	[tilespmem:$0x1F150] =	vst v3;
	v3 =	vld [tilespmem:$0x1F160];
	_ =	sdelay $0x7  }
0x5a3: {  	v13 =	vld.idx.msk [tilespmem:v3+s15+$0x0], $0xffff  }
0x5a4: {  	v3 =	vld [tilespmem:$0x1F170];
	_ =	sdelay $0x4  }
0x5a5: {  	vm2 =	vgt.s32 v3, v42;
	v3 =	vld [tilespmem:$0x1F180];
	_ =	sdelay $0x4  }
0x5a6: {  	vm0 =	vgt.s32 v3, v42;
	v3 =	vimm.s32 $0x0  }
0x5a7: {  	v3 =	vsel vm0, $0xFFFFFFFF, v3  }
0x5a8: {  	[tilespmem:$0x1F190] =	vst v3;
	v3 =	vld [tilespmem:$0x1F1A0];
	_ =	sdelay $0x4  }
0x5a9: {  	vm0 =	vgt.s32 v3, v42;
	v3 =	vimm.s32 $0x0  }
0x5aa: {  	v3 =	vsel vm0, $0xFFFFFFFF, v3  }
0x5ab: {  	[tilespmem:$0x1F1B0] =	vst v3;
	v3 =	vld [tilespmem:$0x1F1C0];
	_ =	sdelay $0x4  }
0x5ac: {  	vm0 =	vgt.s32 v3, v42;
	v3 =	vimm.s32 $0x0  }
0x5ad: {  	v11 =	vld.idx.msk [tilespmem:v22+s15+$0x0], $0xffff;
	v3 =	vsel vm0, $0xFFFFFFFF, v3  }
0x5ae: {  	[tilespmem:$0x1F1D0] =	vst v3;
	v3 =	vld [tilespmem:$0x1F1E0];
	_ =	sdelay $0x4  }
0x5af: {  	vm3 =	vgt.s32 v3, v42;
	v3 =	vld [tilespmem:$0x1F1F0];
	_ =	sdelay $0x4  }
0x5b0: {  	vm4 =	vgt.s32 v3, v42;
	v3 =	vld [tilespmem:$0x1F200];
	_ =	sdelay $0x4  }
0x5b1: {  	vm0 =	vgt.s32 v3, v42;
	v3 =	vimm.s32 $0x0  }
0x5b2: {  	v4 =	vld.idx.msk [tilespmem:v4+s15+$0x0], $0xffff;
	v3 =	vsel vm0, $0xFFFFFFFF, v3  }
0x5b3: {  	[tilespmem:$0x1F210] =	vst v3;
	v3 =	vld [tilespmem:$0x1F220];
	_ =	sdelay $0x4  }
0x5b4: {  	vm0 =	vgt.s32 v3, v42;
	v3 =	vimm.s32 $0x0  }
0x5b5: {  	v3 =	vsel vm0, $0xFFFFFFFF, v3  }
0x5b6: {  	[tilespmem:$0x1F230] =	vst v3;
	v3 =	vld [tilespmem:$0x1F240];
	_ =	sdelay $0x4  }
0x5b7: {  	vm0 =	vgt.s32 v3, v42;
	v3 =	vimm.s32 $0x0  }
0x5b8: {  	v3 =	vsel vm0, $0xFFFFFFFF, v3  }
0x5b9: {  	[tilespmem:$0x1F250] =	vst v3;
	v3 =	vld [tilespmem:$0x1F260];
	_ =	sdelay $0x4  }
0x5ba: {  	vm7 =	vgt.s32 v3, v42;
	v3 =	vld [tilespmem:$0x1F270];
	_ =	sdelay $0x4  }
0x5bb: {  	vm8 =	vgt.s32 v3, v42;
	v3 =	vld [tilespmem:$0x1F280];
	_ =	sdelay $0x4  }
0x5bc: {  	vm0 =	vgt.s32 v3, v42;
	v3 =	vimm.s32 $0x0  }
0x5bd: {  	v3 =	vsel vm0, $0xFFFFFFFF, v3  }
0x5be: {  	v12 =	vld.idx.msk [tilespmem:v6+s15+$0x0], $0xffff;
	[tilespmem:$0x1F290] =	vst v3  }
0x5bf: {  	v15 =	vld.idx.msk [tilespmem:v1+s15+$0x0], $0xffff  }
0x5c0: {  	v1 =	vld [tilespmem:$0x1F2A0];
	_ =	sdelay $0x4  }
0x5c1: {  	vm0 =	vgt.s32 v1, v42;
	v1 =	vimm.s32 $0x0  }
0x5c2: {  	v1 =	vsel vm0, $0xFFFFFFFF, v1  }
0x5c3: {  	[tilespmem:$0x1F2B0] =	vst v1;
	v1 =	vld [tilespmem:$0x1F2C0];
	_ =	sdelay $0x4  }
0x5c4: {  	vm10 =	vgt.s32 v1, v42;
	v1 =	vld [tilespmem:$0x1F2D0];
	_ =	sdelay $0x4  }
0x5c5: {  	vm9 =	vgt.s32 v1, v42;
	v1 =	vld [tilespmem:$0x1F2E0];
	_ =	sdelay $0x4  }
0x5c6: {  	vm0 =	vgt.s32 v1, v42;
	v1 =	vimm.s32 $0x0  }
0x5c7: {  	v14 =	vld.idx.msk [tilespmem:v17+s15+$0x0], $0xffff;
	v1 =	vsel vm0, $0xFFFFFFFF, v1  }
0x5c8: {  	[tilespmem:$0x1F2F0] =	vst v1;
	v1 =	vld [tilespmem:$0x1F300];
	_ =	sdelay $0x4  }
0x5c9: {  	vm13 =	vgt.s32 v1, v42;
	v1 =	vld [tilespmem:$0x1F310];
	_ =	sdelay $0x4  }
0x5ca: {  	vm0 =	vgt.s32 v1, v42;
	v1 =	vimm.s32 $0x0  }
0x5cb: {  	v1 =	vsel vm0, $0xFFFFFFFF, v1  }
0x5cc: {  	[tilespmem:$0x1F320] =	vst v1;
	v1 =	vld [tilespmem:$0x1F330];
	_ =	sdelay $0x4  }
0x5cd: {  	vm6 =	vgt.s32 v1, v42;
	v1 =	vld [tilespmem:$0x1F340];
	_ =	sdelay $0x4  }
0x5ce: {  	vm5 =	vgt.s32 v1, v42;
	v1 =	vld [tilespmem:$0x1F350];
	_ =	sdelay $0x4  }
0x5cf: {  	vm14 =	vgt.s32 v1, v42;
	v1 =	vld [tilespmem:$0x1F360];
	_ =	sdelay $0x4  }
0x5d0: {  	vm0 =	vgt.s32 v1, v42;
	v1 =	vld [tilespmem:$0x1F370];
	_ =	sdelay $0x4  }
0x5d1: {  	vm11 =	vgt.s32 v1, v42;
	v1 =	vld [tilespmem:$0x1F380];
	_ =	sdelay $0x3  }
0x5d2: {  	v5 =	vsub.s32 $0x3F, v42;
	v16 =	vld.idx.msk [tilespmem:v19+s15+$0x0], $0xffff  }
0x5d3: {  	s26 =	simm.s32 $0x20;
	v41 =	vand.u32 $0xFFFFFF80, v42;
	v40 =	vand.u32 $0x7F, v42;
	v18 =	vld.idx.msk [tilespmem:v21+s15+$0x0], $0xffff;
	vm12 =	vgt.s32 v1, v42  }
.LBB2_5:
0x5d4: {  	v1 =	vimm.s32 $0x0  }
0x5d5: {  	v1 =	vsel vm15, $0xFFFFFFFF, v1  }
0x5d6: {  	[tilespmem:$0x1E6F0] =	vst v1;
	v1 =	vadd.s32 v41, v20  }
0x5d7: {  	v20 =	vor.u32 v40, v1;
	v1 =	vld [tilespmem:$0x1E710];
	_ =	sdelay $0x4  }
0x5d8: {  	vm15 =	vgt.s32 v1, v42;
	v1 =	vld [tilespmem:$0x1EC70];
	_ =	sdelay $0x4  }
0x5d9: {  	v40 =	vnsel vm1, $0x0, v53;
	vm1 =	vnez.u8 v1;
	v1 =	vld [tilespmem:$0x1EC90];
	_ =	sdelay $0x3  }
0x5da: {  	v3 =	vld [tilespmem:$0x1E780]  }
0x5db: {  	v32 =	vnsel vm1, $0x0, v32;
	vm1 =	vnez.u8 v1;
	v1 =	vld [tilespmem:$0x1ED50]  }
0x5dc: {  	v17 =	vadd.f32 $0.0e+00, v4;
	v4 =	vld [tilespmem:$0x1ED70];
	_ =	sdelay $0x3  }
0x5dd: {  	v3 =	vadd.f32 v36, v3;
	v36 =	vnsel vm1, $0x0, v51;
	vm1 =	vnez.u8 v1  }
0x5de: {  	v1 =	vnsel vm1, $0x0, v54;
	vm1 =	vnez.u8 v4;
	v4 =	vld [tilespmem:$0x1ECD0];
	_ =	sdelay $0x2  }
0x5df: {  	v5 =	vcvt.s32.f32 v5;
	_ =	sdelay $0x1  }
0x5e0: {  	v19 =	vmul.f32 $1.000000010e-10, v5;
	v5 =	vnsel vm1, $0x0, v56;
	vm1 =	vnez.u8 v4;
	v4 =	vld [tilespmem:$0x1EE50];
	_ =	sdelay $0x4  }
0x5e1: {  	v56 =	vnsel vm1, $0x0, v52;
	vm1 =	vnez.u8 v4;
	v4 =	vld [tilespmem:$0x1EDD0];
	_ =	sdelay $0x4  }
0x5e2: {  	v21 =	vadd.f32 $0.0e+00, v12;
	v12 =	vnsel vm1, $0x0, v59;
	vm1 =	vnez.u8 v4;
	v4 =	vld [tilespmem:$0x1EDF0]  }
0x5e3: {  	[tilespmem:$0x1E780] =	vst v3;
	v3 =	vadd.f32 $0.0e+00, v15;
	v15 =	vld [tilespmem:$0x1EEB0];
	_ =	sdelay $0x3  }
0x5e4: {  	v6 =	vnsel vm1, $0x0, v55;
	vm1 =	vnez.u8 v4  }
0x5e5: {  	v4 =	vnsel vm1, $0x0, v57;
	vm1 =	vnez.u8 v15;
	v15 =	vld [tilespmem:$0x1EEF0]  }
0x5e6: {  	v22 =	vld [tilespmem:$0x1EE70];
	_ =	sdelay $0x3  }
0x5e7: {  	v59 =	vnsel vm1, $0x0, v60;
	vm1 =	vnez.u8 v15  }
0x5e8: {  	v15 =	vnsel vm1, $0x0, v62;
	vm1 =	vnez.u8 v22;
	v22 =	vld [tilespmem:$0x1EF90];
	_ =	sdelay $0x4  }
0x5e9: {  	v60 =	vnsel vm1, $0x0, v58;
	vm1 =	vnez.u8 v22;
	v22 =	vld [tilespmem:$0x1EF50];
	_ =	sdelay $0x4  }
0x5ea: {  	v2 =	vnsel vm1, $0x0, v2;
	vm1 =	vnez.u8 v22;
	v22 =	vld [tilespmem:$0x1EF70];
	_ =	sdelay $0x4  }
0x5eb: {  	v62 =	vnsel vm1, $0x0, v61;
	vm1 =	vnez.u8 v22;
	v22 =	vld [tilespmem:$0x1F070];
	_ =	sdelay $0x4  }
0x5ec: {  	v63 =	vnsel vm1, $0x0, v63;
	vm1 =	vnez.u8 v22;
	v22 =	vld [tilespmem:$0x1F0A0];
	_ =	sdelay $0x4  }
0x5ed: {  	v9 =	vnsel vm1, $0x0, v9;
	vm1 =	vnez.u8 v22;
	v22 =	vld [tilespmem:$0x1F000];
	_ =	sdelay $0x4  }
0x5ee: {  	v8 =	vnsel vm1, $0x0, v8;
	vm1 =	vnez.u8 v22;
	v22 =	vld [tilespmem:$0x1F0E0];
	_ =	sdelay $0x4  }
0x5ef: {  	v0 =	vnsel vm1, $0x0, v0;
	vm1 =	vnez.u8 v22;
	v22 =	vld [tilespmem:$0x1F110];
	_ =	sdelay $0x4  }
0x5f0: {  	v7 =	vnsel vm1, $0x0, v7;
	vm1 =	vnez.u8 v22;
	v22 =	vld [tilespmem:$0x1F190];
	_ =	sdelay $0x3  }
0x5f1: {  	v46 =	vld.idx.msk [tilespmem:v46+s15+$0x0], $0xffff  }
0x5f2: {  	v10 =	vnsel vm1, $0x0, v10;
	vm1 =	vnez.u8 v22;
	v22 =	vld [tilespmem:$0x1F2F0];
	_ =	sdelay $0x2  }
0x5f3: {  	v44 =	vld.idx.msk [tilespmem:v44+s15+$0x0], $0xffff  }
0x5f4: {  	v39 =	vld.idx.msk [tilespmem:v39+s15+$0x0], $0xffff  }
0x5f5: {  	v46 =	vnsel vm0, $0x0, v46;
	vm0 =	vnez.u8 v22;
	v22 =	vld [tilespmem:$0x1F320]  }
0x5f6: {  	v48 =	vld.idx.msk [tilespmem:v48+s15+$0x0], $0xffff  }
0x5f7: {  	v50 =	vld.idx.msk [tilespmem:v50+s15+$0x0], $0xffff  }
0x5f8: {  	v45 =	vld.idx.msk [tilespmem:v45+s15+$0x0], $0xffff  }
0x5f9: {  	v38 =	vld.idx.msk [tilespmem:v38+s15+$0x0], $0xffff;
	v44 =	vnsel vm15, $0x0, v44  }
0x5fa: {  	v19 =	vadd.f32 v44, v19;
	v39 =	vnsel vm0, $0x0, v39;
	vm0 =	vnez.u8 v22;
	v22 =	vld [tilespmem:$0x1F290]  }
0x5fb: {  	v49 =	vld.idx.msk [tilespmem:v49+s15+$0x0], $0xffff;
	v48 =	vnsel vm14, $0x0, v48  }
0x5fc: {  	v47 =	vld.idx.msk [tilespmem:v47+s15+$0x0], $0xffff;
	v19 =	vadd.f32 v48, v19  }
0x5fd: {  	v37 =	vld.idx.msk [tilespmem:v37+s15+$0x0], $0xffff;
	v50 =	vnsel vm10, $0x0, v50  }
0x5fe: {  	v35 =	vld.idx.msk [tilespmem:v35+s15+$0x0], $0xffff;
	v18 =	vnsel vm7, $0x0, v18;
	v45 =	vnsel vm11, $0x0, v45;
	v19 =	vadd.f32 v50, v19  }
0x5ff: {  	v17 =	vnsel vm13, $0x0, v17;
	v38 =	vnsel vm0, $0x0, v38;
	vm0 =	vnez.u8 v22;
	v22 =	vld [tilespmem:$0x1F2B0]  }
0x600: {  	v21 =	vnsel vm6, $0x0, v21;
	v17 =	vadd.f32 v46, v17;
	v18 =	vadd.f32 v18, v19;
	v19 =	vld [tilespmem:$0x1F230]  }
0x601: {  	v34 =	vld.idx.msk [tilespmem:v34+s15+$0x0], $0xffff;
	v47 =	vnsel vm9, $0x0, v47;
	v21 =	vadd.f32 v45, v21  }
0x602: {  	v17 =	vadd.f32 v47, v17  }
0x603: {  	v49 =	vnsel vm8, $0x0, v49;
	v21 =	vadd.f32 v39, v21  }
0x604: {  	v17 =	vadd.f32 v49, v17;
	v37 =	vnsel vm0, $0x0, v37;
	vm0 =	vnez.u8 v22  }
0x605: {  	v21 =	vadd.f32 v37, v21;
	v35 =	vnsel vm0, $0x0, v35;
	vm0 =	vnez.u8 v19  }
0x606: {  	v33 =	vld.idx.msk [tilespmem:v33+s15+$0x0], $0xffff;
	v16 =	vnsel vm4, $0x0, v16;
	v19 =	vnsel vm0, $0x0, v34  }
0x607: {  	v14 =	vnsel vm3, $0x0, v14;
	v16 =	vadd.f32 v16, v17;
	v17 =	vadd.f32 v19, v21;
	v19 =	vld [tilespmem:$0x1F250]  }
0x608: {  	v14 =	vadd.f32 v14, v18;
	v18 =	vld [tilespmem:$0x1F1D0]  }
0x609: {  	v31 =	vld.idx.msk [tilespmem:v31+s15+$0x0], $0xffff;
	_ =	sdelay $0x2  }
0x60a: {  	vm0 =	vnez.u8 v19  }
0x60b: {  	v19 =	vnsel vm0, $0x0, v33;
	vm0 =	vnez.u8 v18  }
0x60c: {  	v30 =	vld.idx.msk [tilespmem:v30+s15+$0x0], $0xffff;
	v11 =	vnsel vm1, $0x0, v11;
	v18 =	vnsel vm0, $0x0, v31  }
0x60d: {  	v13 =	vnsel vm2, $0x0, v13;
	v11 =	vadd.f32 v11, v16;
	v16 =	vadd.f32 v18, v17;
	v17 =	vld [tilespmem:$0x1F210]  }
0x60e: {  	v13 =	vadd.f32 v13, v14;
	v14 =	vld [tilespmem:$0x1F150]  }
0x60f: {  	v29 =	vld.idx.msk [tilespmem:v29+s15+$0x0], $0xffff;
	_ =	sdelay $0x2  }
0x610: {  	vm0 =	vnez.u8 v17  }
0x611: {  	v57 =	vld.idx.msk [tilespmem:v43+s15+$0x0], $0xffff;
	v17 =	vnsel vm0, $0x0, v30;
	vm0 =	vnez.u8 v14  }
0x612: {  	v28 =	vld.idx.msk [tilespmem:v28+s15+$0x0], $0xffff;
	v14 =	vnsel vm0, $0x0, v29  }
0x613: {  	v10 =	vadd.f32 v10, v11;
	v11 =	vadd.f32 v14, v16;
	v14 =	vld [tilespmem:$0x1F1B0]  }
0x614: {  	v7 =	vadd.f32 v7, v13;
	v13 =	vld [tilespmem:$0x1F0C0]  }
0x615: {  	v27 =	vld.idx.msk [tilespmem:v27+s15+$0x0], $0xffff  }
0x616: {  	v3 =	vnsel vm5, $0x0, v3;
	v51 =	vnsel vm12, $0x0, v57  }
0x617: {  	v3 =	vadd.f32 v51, v3  }
0x618: {  	vm0 =	vnez.u8 v14  }
0x619: {  	v3 =	vadd.f32 v38, v3;
	v14 =	vnsel vm0, $0x0, v28;
	vm0 =	vnez.u8 v13  }
0x61a: {  	v7 =	vadd.f32 v9, v7;
	v9 =	vld [tilespmem:$0x1F030];
	v8 =	vadd.f32 v8, v10;
	v13 =	vnsel vm0, $0x0, v27  }
0x61b: {  	v3 =	vadd.f32 v35, v3;
	v10 =	vadd.f32 v13, v11;
	v11 =	vld [tilespmem:$0x1F130]  }
0x61c: {  	v21 =	vld.idx.msk [tilespmem:v26+s15+$0x0], $0xffff  }
0x61d: {  	v3 =	vadd.f32 v19, v3;
	v19 =	vld.idx.msk [tilespmem:v25+s15+$0x0], $0xffff;
	_ =	sdelay $0x2  }
0x61e: {  	vm0 =	vnez.u8 v11  }
0x61f: {  	v2 =	vadd.f32 v2, v7;
	v7 =	vld [tilespmem:$0x1EFC0];
	v11 =	vnsel vm0, $0x0, v21;
	vm0 =	vnez.u8 v9  }
0x620: {  	v18 =	vld.idx.msk [tilespmem:v23+s15+$0x0], $0xffff;
	v9 =	vnsel vm0, $0x0, v19  }
0x621: {  	v0 =	vadd.f32 v0, v8;
	v8 =	vadd.f32 v9, v10;
	v9 =	vld [tilespmem:$0x1F050]  }
0x622: {  	v16 =	vld [tilespmem:$0x1EA30]  }
0x623: {  	v3 =	vadd.f32 v17, v3;
	v17 =	vld.idx.msk [tilespmem:v24+s15+$0x0], $0xffff;
	_ =	sdelay $0x2  }
0x624: {  	vm0 =	vnez.u8 v9  }
0x625: {  	v9 =	vnsel vm0, $0x0, v18;
	vm0 =	vnez.u8 v7  }
0x626: {  	v3 =	vadd.f32 v14, v3;
	v14 =	vld [tilespmem:$0x1E9B0];
	v7 =	vnsel vm0, $0x0, v17  }
0x627: {  	v7 =	vadd.f32 v7, v8;
	v8 =	vld [tilespmem:$0x1EFE0]  }
0x628: {  	v16 =	vld.idx.msk [tilespmem:v16+s15+$0x0], $0xffff;
	_ =	sdelay $0x1  }
0x629: {  	v3 =	vadd.f32 v11, v3;
	_ =	sdelay $0x1  }
0x62a: {  	v3 =	vadd.f32 v9, v3;
	vm0 =	vnez.u8 v8  }
0x62b: {  	v13 =	vld [tilespmem:$0x1E9D0];
	v8 =	vnsel vm0, $0x0, v16  }
0x62c: {  	v3 =	vadd.f32 v8, v3;
	v8 =	vld [tilespmem:$0x1EF10]  }
0x62d: {  	v14 =	vld.idx.msk [tilespmem:v14+s15+$0x0], $0xffff;
	_ =	sdelay $0x3  }
0x62e: {  	vm0 =	vnez.u8 v8  }
0x62f: {  	v11 =	vld [tilespmem:$0x1E940];
	v8 =	vnsel vm0, $0x0, v14  }
0x630: {  	v7 =	vadd.f32 v8, v7;
	v8 =	vld [tilespmem:$0x1EF30]  }
0x631: {  	v13 =	vld.idx.msk [tilespmem:v13+s15+$0x0], $0xffff;
	_ =	sdelay $0x3  }
0x632: {  	vm0 =	vnez.u8 v8  }
0x633: {  	v10 =	vld [tilespmem:$0x1E960];
	v8 =	vnsel vm0, $0x0, v13  }
0x634: {  	v3 =	vadd.f32 v8, v3;
	v8 =	vld [tilespmem:$0x1EE90]  }
0x635: {  	v11 =	vld.idx.msk [tilespmem:v11+s15+$0x0], $0xffff;
	_ =	sdelay $0x3  }
0x636: {  	vm0 =	vnez.u8 v8  }
0x637: {  	v9 =	vld [tilespmem:$0x1E8E0];
	v8 =	vnsel vm0, $0x0, v11  }
0x638: {  	v7 =	vadd.f32 v8, v7;
	v8 =	vld [tilespmem:$0x1EED0]  }
0x639: {  	v10 =	vld.idx.msk [tilespmem:v10+s15+$0x0], $0xffff;
	_ =	sdelay $0x2  }
0x63a: {  	v0 =	vadd.f32 v63, v0  }
0x63b: {  	v2 =	vadd.f32 v62, v2;
	v16 =	vld [tilespmem:$0x1E910];
	vm0 =	vnez.u8 v8  }
0x63c: {  	v0 =	vadd.f32 v15, v0;
	v14 =	vld [tilespmem:$0x1E880];
	v8 =	vnsel vm0, $0x0, v10  }
0x63d: {  	v2 =	vadd.f32 v59, v2;
	v3 =	vadd.f32 v8, v3;
	v8 =	vld [tilespmem:$0x1EE10]  }
0x63e: {  	v0 =	vadd.f32 v60, v0;
	v9 =	vld.idx.msk [tilespmem:v9+s15+$0x0], $0xffff  }
0x63f: {  	v2 =	vadd.f32 v12, v2;
	v13 =	vld [tilespmem:$0x1E8B0]  }
0x640: {  	v0 =	vadd.f32 v4, v0  }
0x641: {  	v2 =	vadd.f32 v6, v2;
	v6 =	vld [tilespmem:$0x1ED90]  }
0x642: {  	v0 =	vadd.f32 v5, v0;
	v5 =	vld [tilespmem:$0x1EDB0];
	vm0 =	vnez.u8 v8  }
0x643: {  	v16 =	vld.idx.msk [tilespmem:v16+s15+$0x0], $0xffff;
	v8 =	vnsel vm0, $0x0, v9  }
0x644: {  	v4 =	vadd.f32 v8, v7;
	v7 =	vld [tilespmem:$0x1EE30]  }
0x645: {  	v14 =	vld.idx.msk [tilespmem:v14+s15+$0x0], $0xffff  }
0x646: {  	v11 =	vld [tilespmem:$0x1E820]  }
0x647: {  	v13 =	vld.idx.msk [tilespmem:v13+s15+$0x0], $0xffff;
	_ =	sdelay $0x1  }
0x648: {  	vm0 =	vnez.u8 v7  }
0x649: {  	v7 =	vnsel vm0, $0x0, v16;
	vm0 =	vnez.u8 v6  }
0x64a: {  	v3 =	vadd.f32 v7, v3;
	v6 =	vnsel vm0, $0x0, v14;
	vm0 =	vnez.u8 v5  }
0x64b: {  	v10 =	vld [tilespmem:$0x1E850];
	v5 =	vnsel vm0, $0x0, v13  }
0x64c: {  	v1 =	vadd.f32 v1, v2;
	v2 =	vadd.f32 v5, v3;
	v3 =	vld [tilespmem:$0x1ED10]  }
0x64d: {  	v11 =	vld.idx.msk [tilespmem:v11+s15+$0x0], $0xffff;
	_ =	sdelay $0x3  }
0x64e: {  	v4 =	vadd.f32 v6, v4;
	vm0 =	vnez.u8 v3  }
0x64f: {  	v9 =	vld [tilespmem:$0x1E7C0];
	v3 =	vnsel vm0, $0x0, v11  }
0x650: {  	v3 =	vadd.f32 v3, v4;
	v4 =	vld [tilespmem:$0x1ED30]  }
0x651: {  	v10 =	vld.idx.msk [tilespmem:v10+s15+$0x0], $0xffff;
	_ =	sdelay $0x3  }
0x652: {  	vm0 =	vnez.u8 v4  }
0x653: {  	v8 =	vld [tilespmem:$0x1E7F0];
	v4 =	vnsel vm0, $0x0, v10  }
0x654: {  	v2 =	vadd.f32 v4, v2;
	v4 =	vld [tilespmem:$0x1E6F0]  }
0x655: {  	v9 =	vld.idx.msk [tilespmem:v9+s15+$0x0], $0xffff;
	_ =	sdelay $0x3  }
0x656: {  	vm0 =	vnez.u8 v4  }
0x657: {  	v4 =	vnsel vm0, $0x0, v9  }
0x658: {  	v3 =	vadd.f32 v4, v3;
	v4 =	vld [tilespmem:$0x1ECF0]  }
0x659: {  	v8 =	vld.idx.msk [tilespmem:v8+s15+$0x0], $0xffff;
	_ =	sdelay $0x2  }
0x65a: {  	v1 =	vadd.f32 v40, v1  }
0x65b: {  	v0 =	vadd.f32 v56, v0;
	vm0 =	vnez.u8 v4  }
0x65c: {  	v1 =	vadd.f32 v32, v1;
	v6 =	vld [tilespmem:$0x1E760];
	v4 =	vnsel vm0, $0x0, v8  }
0x65d: {  	v0 =	vadd.f32 v36, v0;
	v2 =	vadd.f32 v4, v2  }
0x65e: {  	v4 =	vld [tilespmem:$0x1E770]  }
0x65f: {  	v0 =	vadd.f32 v0, v1;
	v1 =	vadd.f32 v2, v3;
	v2 =	vld [tilespmem:$0x1E790];
	_ =	sdelay $0x1  }
0x660: {  	v6 =	vadd.s32 s26, v6  }
0x661: {  	v5 =	vld.idx.msk [tilespmem:v20+s15+$0x0], $0xffff;
	v20 =	vshll.u32 v6, $0x7  }
0x662: {  	v14 =	vadd.s32 v4, v20  }
0x663: {  	v3 =	vor.u32 v14, v2;
	v2 =	vld [tilespmem:$0x1E7A0];
	_ =	sdelay $0x4  }
0x664: {  	v16 =	vor.u32 v14, v2;
	v2 =	vld [tilespmem:$0x1E7B0]  }
0x665: {  	s24 =	sadd.s32 $0x10, s24  }
0x666: {  	v7 =	vld [tilespmem:s24+$0x0];
	_ =	sdelay $0x2  }
0x667: {  	v0 =	vadd.f32 v1, v0;
	v1 =	vld [tilespmem:$0x1E7D0];
	v2 =	vor.u32 v14, v2  }
0x668: {  	[tilespmem:$0x1E7C0] =	vst v2;
	v2 =	vadd.f32 $1.000000010e-10, v5  }
0x669: {  	vm11 =	veq.s32 v7, $0x0  }
0x66a: {  	v0 =	vsel vm11, v2, v0;
	v2 =	vld [tilespmem:$0x1E860]  }
0x66b: {  	v4 =	vld [tilespmem:$0x1E8F0]  }
0x66c: {  	v17 =	vor.u32 v14, v1;
	v1 =	vld [tilespmem:$0x1E7E0];
	_ =	sdelay $0x1  }
0x66d: {  	v21 =	vld [tilespmem:$0x1EB60]  }
0x66e: {  	v56 =	vor.u32 v14, v2;
	v2 =	vld [tilespmem:$0x1E870]  }
0x66f: {  	v59 =	vor.u32 v14, v4;
	v4 =	vld [tilespmem:$0x1E900]  }
0x670: {  	v1 =	vor.u32 v14, v1  }
0x671: {  	[tilespmem:$0x1E7F0] =	vst v1;
	v1 =	vld [tilespmem:$0x1E800];
	_ =	sdelay $0x1  }
0x672: {  	v49 =	vor.u32 v14, v21;
	v21 =	vld [tilespmem:$0x1EB70];
	v2 =	vor.u32 v14, v2  }
0x673: {  	v4 =	vor.u32 v14, v4;
	[tilespmem:$0x1E880] =	vst v2;
	v2 =	vld [tilespmem:$0x1E890]  }
0x674: {  	[tilespmem:$0x1E910] =	vst v4;
	v4 =	vld [tilespmem:$0x1EA10]  }
0x675: {  	v18 =	vor.u32 v14, v1;
	v1 =	vld [tilespmem:$0x1E810];
	_ =	sdelay $0x2  }
0x676: {  	v55 =	vor.u32 v14, v2;
	v2 =	vld [tilespmem:$0x1E8A0]  }
0x677: {  	v33 =	vor.u32 v14, v21;
	v21 =	vld [tilespmem:$0x1EB80]  }
0x678: {  	v9 =	vor.u32 v14, v4;
	v4 =	vld [tilespmem:$0x1EA20];
	v1 =	vor.u32 v14, v1  }
0x679: {  	[tilespmem:$0x1E820] =	vst v1;
	v1 =	vld [tilespmem:$0x1E830];
	_ =	sdelay $0x1  }
0x67a: {  	v2 =	vor.u32 v14, v2  }
0x67b: {  	[tilespmem:$0x1E8B0] =	vst v2;
	v2 =	vld [tilespmem:$0x1E8C0]  }
0x67c: {  	v37 =	vor.u32 v14, v21;
	v21 =	vld [tilespmem:$0x1EB90]  }
0x67d: {  	v4 =	vor.u32 v14, v4;
	v19 =	vor.u32 v14, v1;
	v1 =	vld [tilespmem:$0x1E840]  }
0x67e: {  	[tilespmem:$0x1EA30] =	vst v4;
	v4 =	vld [tilespmem:$0x1EA40];
	_ =	sdelay $0x1  }
0x67f: {  	v57 =	vor.u32 v14, v2;
	v2 =	vld [tilespmem:$0x1E8D0];
	_ =	sdelay $0x1  }
0x680: {  	v35 =	vor.u32 v14, v21;
	v21 =	vld [tilespmem:$0x1EBA0];
	v1 =	vor.u32 v14, v1  }
0x681: {  	v25 =	vor.u32 v14, v4;
	v4 =	vld [tilespmem:$0x1EA50];
	[tilespmem:$0x1E850] =	vst v1;
	v1 =	vand.u32 $0x7FFFFF, v0  }
0x682: {  	v1 =	vor.u32 $0x3F000000, v1  }
0x683: {  	vm0 =	vlt.f32 v1, $7.071067690e-01;
	v2 =	vor.u32 v14, v2  }
0x684: {  	[tilespmem:$0x1E8E0] =	vst v2;
	v2 =	vnsel vm0, $0x80000000, v1  }
0x685: {  	v50 =	vor.u32 v14, v21;
	v21 =	vld [tilespmem:$0x1EBB0];
	v1 =	vadd.f32 v1, v2  }
0x686: {  	v23 =	vor.u32 v14, v4;
	v4 =	vld [tilespmem:$0x1EA60]  }
0x687: {  	v36 =	vadd.f32 $-1.000000000e+00, v1;
	v1 =	vld [tilespmem:$0x1E990];
	_ =	sdelay $0x2  }
0x688: {  	v47 =	vor.u32 v14, v21;
	v21 =	vld [tilespmem:$0x1EBC0]  }
0x689: {  	v11 =	vor.u32 v14, v4;
	v4 =	vld [tilespmem:$0x1EA70]  }
0x68a: {  	v61 =	vor.u32 v14, v1;
	v1 =	vld [tilespmem:$0x1E9A0];
	_ =	sdelay $0x3  }
0x68b: {  	v8 =	vor.u32 v14, v4;
	v4 =	vld [tilespmem:$0x1EA80]  }
0x68c: {  	v39 =	vor.u32 v14, v21;
	v21 =	vld [tilespmem:$0x1EBD0];
	v1 =	vor.u32 v14, v1  }
0x68d: {  	[tilespmem:$0x1E9B0] =	vst v1;
	v1 =	vld [tilespmem:$0x1E9C0];
	_ =	sdelay $0x2  }
0x68e: {  	v27 =	vor.u32 v14, v4;
	v4 =	vld [tilespmem:$0x1EA90]  }
0x68f: {  	v48 =	vor.u32 v14, v21;
	v21 =	vld [tilespmem:$0x1EBE0]  }
0x690: {  	v2 =	vld [tilespmem:$0x1E920];
	v1 =	vor.u32 v14, v1  }
0x691: {  	[tilespmem:$0x1E9D0] =	vst v1;
	v1 =	vld [tilespmem:$0x1E9E0];
	_ =	sdelay $0x1  }
0x692: {  	v7 =	vor.u32 v14, v4;
	v4 =	vld [tilespmem:$0x1EAA0]  }
0x693: {  	v38 =	vor.u32 v14, v21;
	v21 =	vld [tilespmem:$0x1EBF0]  }
0x694: {  	v58 =	vor.u32 v14, v2;
	v2 =	vld [tilespmem:$0x1E930]  }
0x695: {  	v13 =	vor.u32 v14, v1;
	v1 =	vld [tilespmem:$0x1E9F0];
	_ =	sdelay $0x1  }
0x696: {  	v26 =	vor.u32 v14, v4;
	v4 =	vld [tilespmem:$0x1EAB0]  }
0x697: {  	v5 =	vld [tilespmem:$0x1EB00]  }
0x698: {  	v46 =	vor.u32 v14, v21;
	v21 =	vld [tilespmem:$0x1EC00];
	v2 =	vor.u32 v14, v2  }
0x699: {  	[tilespmem:$0x1E940] =	vst v2;
	v2 =	vld [tilespmem:$0x1E950];
	v24 =	vor.u32 v14, v1;
	v1 =	vmul.f32 $7.037683580e-02, v36  }
0x69a: {  	v15 =	vld [tilespmem:$0x1EB40]  }
0x69b: {  	v10 =	vor.u32 v14, v4;
	v4 =	vld [tilespmem:$0x1EAC0];
	v1 =	vadd.f32 $-1.151461010e-01, v1  }
0x69c: {  	v6 =	vor.u32 v14, v5;
	v5 =	vld [tilespmem:$0x1EB10]  }
0x69d: {  	v1 =	vmul.f32 v1, v36  }
0x69e: {  	v45 =	vor.u32 v14, v21;
	v21 =	vld [tilespmem:$0x1EC10];
	v2 =	vor.u32 v14, v2  }
0x69f: {  	[tilespmem:$0x1E960] =	vst v2;
	v2 =	vld [tilespmem:$0x1E970];
	v1 =	vadd.f32 $1.167699840e-01, v1  }
0x6a0: {  	v29 =	vor.u32 v14, v4;
	v4 =	vld [tilespmem:$0x1EAD0]  }
0x6a1: {  	v34 =	vor.u32 v14, v15;
	v31 =	vor.u32 v14, v5;
	v5 =	vld [tilespmem:$0x1EB20];
	v15 =	vmul.f32 v1, v36;
	_ =	sdelay $0x1  }
0x6a2: {  	v43 =	vor.u32 v14, v21;
	v21 =	vld [tilespmem:$0x1EC20];
	v15 =	vadd.f32 $-1.242014100e-01, v15  }
0x6a3: {  	v60 =	vor.u32 v14, v2;
	v2 =	vld [tilespmem:$0x1E980]  }
0x6a4: {  	v28 =	vor.u32 v14, v4;
	v4 =	vld [tilespmem:$0x1EAE0];
	v15 =	vmul.f32 v15, v36  }
0x6a5: {  	v30 =	vor.u32 v14, v5;
	v5 =	vld [tilespmem:$0x1EB30]  }
0x6a6: {  	v53 =	vadd.f32 $1.424932330e-01, v15;
	v15 =	vld [tilespmem:$0x1EC40]  }
0x6a7: {  	v44 =	vor.u32 v14, v21;
	v21 =	vld [tilespmem:$0x1EC30]  }
0x6a8: {  	v62 =	vor.u32 v14, v2;
	v2 =	vld [tilespmem:$0x1EA00]  }
0x6a9: {  	v12 =	vor.u32 v14, v4;
	v4 =	vld [tilespmem:$0x1EAF0]  }
0x6aa: {  	v1 =	vld [tilespmem:$0x1EB50]  }
0x6ab: {  	v22 =	vor.u32 v14, v15;
	v15 =	vld [tilespmem:$0x1EC50];
	_ =	sdelay $0x2  }
0x6ac: {  	s25 =	sadd.s32 $0x10, s25  }
0x6ad: {  	v42 =	vld [tilespmem:s25+$0x0];
	v5 =	vor.u32 v14, v5;
	v21 =	vor.u32 v14, v21;
	v2 =	vor.u32 v14, v2  }
0x6ae: {  	v4 =	vor.u32 v14, v4;
	v1 =	vor.u32 v14, v1;
	v15 =	vor.u32 v14, v15;
	v14 =	vld [tilespmem:$0x1EC60];
	_ =	sdelay $0x4  }
0x6af: {  	vm1 =	vgt.s32 v14, v42;
	v14 =	vimm.s32 $0x0  }
0x6b0: {  	v14 =	vsel vm1, $0xFFFFFFFF, v14  }
0x6b1: {  	[tilespmem:$0x1EC70] =	vst v14;
	v14 =	vld [tilespmem:$0x1EC80];
	_ =	sdelay $0x2  }
0x6b2: {  	v54 =	vld [tilespmem:$0x1ECB0]  }
0x6b3: {  	v63 =	vld [tilespmem:$0x1ECC0]  }
0x6b4: {  	v41 =	vld [tilespmem:$0x1ECE0];
	vm1 =	vgt.s32 v14, v42;
	v14 =	vimm.s32 $0x0  }
0x6b5: {  	v52 =	vld [tilespmem:$0x1ED00];
	v14 =	vsel vm1, $0xFFFFFFFF, v14  }
0x6b6: {  	[tilespmem:$0x1EC90] =	vst v14;
	v14 =	vld [tilespmem:$0x1ECA0]  }
0x6b7: {  	vm2 =	vgt.s32 v54, v42;
	v54 =	vld [tilespmem:$0x1ED20]  }
0x6b8: {  	v40 =	vimm.s32 $0x0;
	vm1 =	vgt.s32 v63, v42  }
0x6b9: {  	v51 =	vimm.s32 $0x0;
	v32 =	vsel vm1, $0xFFFFFFFF, v40;
	vm1 =	vgt.s32 v41, v42  }
0x6ba: {  	[tilespmem:$0x1ECD0] =	vst v32;
	v32 =	vsel vm1, $0xFFFFFFFF, v51;
	vm1 =	vgt.s32 v52, v42  }
0x6bb: {  	vm15 =	vgt.s32 v14, v42;
	v14 =	vmul.f32 v53, v36;
	v53 =	vimm.s32 $0x0  }
0x6bc: {  	v63 =	vimm.s32 $0x0;
	[tilespmem:$0x1ECF0] =	vst v32;
	v32 =	vsel vm1, $0xFFFFFFFF, v53;
	vm1 =	vgt.s32 v54, v42  }
0x6bd: {  	[tilespmem:$0x1ED10] =	vst v32;
	v32 =	vsel vm1, $0xFFFFFFFF, v63  }
0x6be: {  	[tilespmem:$0x1ED30] =	vst v32;
	v32 =	vld.idx.msk [tilespmem:v3+s15+$0x0], $0xffff  }
0x6bf: {  	v3 =	vadd.f32 $-1.666805740e-01, v14;
	v14 =	vld [tilespmem:$0x1ED40];
	_ =	sdelay $0x4  }
0x6c0: {  	vm1 =	vgt.s32 v14, v42;
	v14 =	vimm.s32 $0x0  }
0x6c1: {  	v14 =	vsel vm1, $0xFFFFFFFF, v14  }
0x6c2: {  	[tilespmem:$0x1ED50] =	vst v14;
	v14 =	vld [tilespmem:$0x1ED60];
	_ =	sdelay $0x4  }
0x6c3: {  	vm1 =	vgt.s32 v14, v42;
	v14 =	vimm.s32 $0x0  }
0x6c4: {  	v14 =	vsel vm1, $0xFFFFFFFF, v14  }
0x6c5: {  	[tilespmem:$0x1ED70] =	vst v14;
	v14 =	vld [tilespmem:$0x1ED80];
	_ =	sdelay $0x4  }
0x6c6: {  	vm1 =	vgt.s32 v14, v42;
	v14 =	vimm.s32 $0x0  }
0x6c7: {  	v14 =	vsel vm1, $0xFFFFFFFF, v14  }
0x6c8: {  	[tilespmem:$0x1ED90] =	vst v14;
	v14 =	vld [tilespmem:$0x1EDA0];
	_ =	sdelay $0x4  }
0x6c9: {  	vm1 =	vgt.s32 v14, v42;
	v14 =	vimm.s32 $0x0  }
0x6ca: {  	v14 =	vsel vm1, $0xFFFFFFFF, v14  }
0x6cb: {  	[tilespmem:$0x1EDB0] =	vst v14;
	v14 =	vld [tilespmem:$0x1EDC0];
	_ =	sdelay $0x4  }
0x6cc: {  	vm1 =	vgt.s32 v14, v42;
	v14 =	vimm.s32 $0x0  }
0x6cd: {  	v14 =	vsel vm1, $0xFFFFFFFF, v14  }
0x6ce: {  	[tilespmem:$0x1EDD0] =	vst v14;
	v14 =	vld [tilespmem:$0x1EDE0];
	_ =	sdelay $0x4  }
0x6cf: {  	vm1 =	vgt.s32 v14, v42;
	v14 =	vimm.s32 $0x0  }
0x6d0: {  	v14 =	vsel vm1, $0xFFFFFFFF, v14  }
0x6d1: {  	[tilespmem:$0x1EDF0] =	vst v14;
	v14 =	vld [tilespmem:$0x1EE00];
	_ =	sdelay $0x4  }
0x6d2: {  	vm1 =	vgt.s32 v14, v42;
	v14 =	vimm.s32 $0x0  }
0x6d3: {  	v14 =	vsel vm1, $0xFFFFFFFF, v14  }
0x6d4: {  	[tilespmem:$0x1EE10] =	vst v14;
	v14 =	vld [tilespmem:$0x1EE20];
	_ =	sdelay $0x4  }
0x6d5: {  	vm1 =	vgt.s32 v14, v42;
	v14 =	vimm.s32 $0x0  }
0x6d6: {  	v14 =	vsel vm1, $0xFFFFFFFF, v14  }
0x6d7: {  	[tilespmem:$0x1EE30] =	vst v14;
	v14 =	vld [tilespmem:$0x1EE40];
	_ =	sdelay $0x4  }
0x6d8: {  	vm1 =	vgt.s32 v14, v42;
	v14 =	vimm.s32 $0x0  }
0x6d9: {  	v14 =	vsel vm1, $0xFFFFFFFF, v14  }
0x6da: {  	[tilespmem:$0x1EE50] =	vst v14;
	v14 =	vld [tilespmem:$0x1EE60];
	_ =	sdelay $0x4  }
0x6db: {  	vm1 =	vgt.s32 v14, v42;
	v14 =	vimm.s32 $0x0  }
0x6dc: {  	v14 =	vsel vm1, $0xFFFFFFFF, v14  }
0x6dd: {  	[tilespmem:$0x1EE70] =	vst v14;
	v14 =	vld [tilespmem:$0x1EE80];
	_ =	sdelay $0x4  }
0x6de: {  	vm1 =	vgt.s32 v14, v42;
	v14 =	vimm.s32 $0x0  }
0x6df: {  	v14 =	vsel vm1, $0xFFFFFFFF, v14  }
0x6e0: {  	[tilespmem:$0x1EE90] =	vst v14;
	v14 =	vld [tilespmem:$0x1EEA0];
	_ =	sdelay $0x4  }
0x6e1: {  	vm1 =	vgt.s32 v14, v42;
	v14 =	vimm.s32 $0x0  }
0x6e2: {  	v14 =	vsel vm1, $0xFFFFFFFF, v14  }
0x6e3: {  	[tilespmem:$0x1EEB0] =	vst v14;
	v14 =	vld [tilespmem:$0x1EEC0];
	_ =	sdelay $0x4  }
0x6e4: {  	vm1 =	vgt.s32 v14, v42;
	v14 =	vimm.s32 $0x0  }
0x6e5: {  	v14 =	vsel vm1, $0xFFFFFFFF, v14  }
0x6e6: {  	[tilespmem:$0x1EED0] =	vst v14;
	v14 =	vld [tilespmem:$0x1EEE0];
	_ =	sdelay $0x4  }
0x6e7: {  	vm1 =	vgt.s32 v14, v42;
	v14 =	vimm.s32 $0x0  }
0x6e8: {  	v14 =	vsel vm1, $0xFFFFFFFF, v14  }
0x6e9: {  	[tilespmem:$0x1EEF0] =	vst v14;
	v14 =	vld [tilespmem:$0x1EF00];
	_ =	sdelay $0x4  }
0x6ea: {  	vm1 =	vgt.s32 v14, v42;
	v14 =	vimm.s32 $0x0  }
0x6eb: {  	v14 =	vsel vm1, $0xFFFFFFFF, v14  }
0x6ec: {  	[tilespmem:$0x1EF10] =	vst v14;
	v14 =	vld [tilespmem:$0x1EF20];
	_ =	sdelay $0x4  }
0x6ed: {  	vm1 =	vgt.s32 v14, v42;
	v14 =	vimm.s32 $0x0  }
0x6ee: {  	v14 =	vsel vm1, $0xFFFFFFFF, v14  }
0x6ef: {  	[tilespmem:$0x1EF30] =	vst v14;
	v14 =	vld [tilespmem:$0x1EF40];
	_ =	sdelay $0x4  }
0x6f0: {  	vm1 =	vgt.s32 v14, v42;
	v14 =	vimm.s32 $0x0  }
0x6f1: {  	v14 =	vsel vm1, $0xFFFFFFFF, v14  }
0x6f2: {  	[tilespmem:$0x1EF50] =	vst v14;
	v14 =	vld [tilespmem:$0x1EF60];
	_ =	sdelay $0x4  }
0x6f3: {  	vm1 =	vgt.s32 v14, v42;
	v14 =	vimm.s32 $0x0  }
0x6f4: {  	v14 =	vsel vm1, $0xFFFFFFFF, v14  }
0x6f5: {  	[tilespmem:$0x1EF70] =	vst v14;
	v14 =	vld [tilespmem:$0x1EF80];
	_ =	sdelay $0x4  }
0x6f6: {  	vm1 =	vgt.s32 v14, v42;
	v14 =	vimm.s32 $0x0  }
0x6f7: {  	v14 =	vsel vm1, $0xFFFFFFFF, v14  }
0x6f8: {  	[tilespmem:$0x1EF90] =	vst v14;
	v14 =	vld [tilespmem:$0x1EFB0];
	_ =	sdelay $0x4  }
0x6f9: {  	vm1 =	vgt.s32 v14, v42;
	v14 =	vimm.s32 $0x0  }
0x6fa: {  	v14 =	vsel vm1, $0xFFFFFFFF, v14  }
0x6fb: {  	[tilespmem:$0x1EFC0] =	vst v14;
	v14 =	vld [tilespmem:$0x1EFD0];
	_ =	sdelay $0x1  }
0x6fc: {  	v51 =	vld.idx.msk [tilespmem:v16+s15+$0x0], $0xffff  }
0x6fd: {  	v16 =	vld [tilespmem:$0x1EFF0];
	_ =	sdelay $0x1  }
0x6fe: {  	vm1 =	vgt.s32 v14, v42;
	v14 =	vimm.s32 $0x0  }
0x6ff: {  	v14 =	vsel vm1, $0xFFFFFFFF, v14  }
0x700: {  	[tilespmem:$0x1EFE0] =	vst v14;
	v14 =	vimm.s32 $0x0  }
0x701: {  	v14 =	vsel vm0, $0xFFFFFFFF, v14;
	vm0 =	vgt.s32 v16, v42;
	v16 =	vimm.s32 $0x0  }
0x702: {  	v16 =	vsel vm0, $0xFFFFFFFF, v16  }
0x703: {  	v0 =	vshra.s32 v0, $0x17;
	[tilespmem:$0x1F000] =	vst v16;
	v16 =	vld [tilespmem:$0x1F020]  }
0x704: {  	v0 =	vadd.s32 v14, v0;
	v14 =	vld [tilespmem:$0x1F040];
	_ =	sdelay $0x3  }
0x705: {  	vm0 =	vgt.s32 v16, v42;
	v16 =	vimm.s32 $0x0  }
0x706: {  	v16 =	vsel vm0, $0xFFFFFFFF, v16;
	vm0 =	vgt.s32 v14, v42;
	v14 =	vimm.s32 $0x0  }
0x707: {  	v14 =	vsel vm0, $0xFFFFFFFF, v14  }
0x708: {  	[tilespmem:$0x1F050] =	vst v14;
	v14 =	vld [tilespmem:$0x1F060];
	_ =	sdelay $0x4  }
0x709: {  	vm0 =	vgt.s32 v14, v42;
	v14 =	vimm.s32 $0x0  }
0x70a: {  	v14 =	vsel vm0, $0xFFFFFFFF, v14  }
0x70b: {  	[tilespmem:$0x1F070] =	vst v14;
	v14 =	vld [tilespmem:$0x1F090];
	_ =	sdelay $0x4  }
0x70c: {  	vm0 =	vgt.s32 v14, v42;
	v14 =	vimm.s32 $0x0  }
0x70d: {  	v0 =	vadd.s32 $0xFFFFFF82, v0;
	v14 =	vsel vm0, $0xFFFFFFFF, v14  }
0x70e: {  	[tilespmem:$0x1F0A0] =	vst v14;
	v14 =	vcvt.s32.f32 v0;
	v0 =	vld [tilespmem:$0x1F0B0];
	_ =	sdelay $0x4  }
0x70f: {  	vm0 =	vgt.s32 v0, v42;
	v0 =	vimm.s32 $0x0  }
0x710: {  	v0 =	vsel vm0, $0xFFFFFFFF, v0  }
0x711: {  	[tilespmem:$0x1F0C0] =	vst v0;
	v0 =	vld [tilespmem:$0x1F0D0];
	_ =	sdelay $0x4  }
0x712: {  	vm0 =	vgt.s32 v0, v42;
	v0 =	vimm.s32 $0x0  }
0x713: {  	v0 =	vsel vm0, $0xFFFFFFFF, v0  }
0x714: {  	[tilespmem:$0x1F0E0] =	vst v0;
	v0 =	vld [tilespmem:$0x1F100];
	_ =	sdelay $0x4  }
0x715: {  	vm0 =	vgt.s32 v0, v42;
	v0 =	vimm.s32 $0x0  }
0x716: {  	v0 =	vsel vm0, $0xFFFFFFFF, v0  }
0x717: {  	[tilespmem:$0x1F110] =	vst v0;
	v0 =	vld [tilespmem:$0x1F120]  }
0x718: {  	v3 =	vmul.f32 v3, v36;
	_ =	sdelay $0x1  }
0x719: {  	v3 =	vadd.f32 $2.000071410e-01, v3;
	_ =	sdelay $0x1  }
0x71a: {  	v3 =	vmul.f32 v3, v36;
	vm0 =	vgt.s32 v0, v42;
	v0 =	vimm.s32 $0x0  }
0x71b: {  	[tilespmem:$0x1F030] =	vst v16;
	v16 =	vld [tilespmem:$0x1F170];
	v0 =	vsel vm0, $0xFFFFFFFF, v0  }
0x71c: {  	v3 =	vadd.f32 $-2.499999400e-01, v3;
	[tilespmem:$0x1F130] =	vst v0;
	v0 =	vld.idx.msk [tilespmem:v9+s15+$0x0], $0xffff  }
0x71d: {  	v9 =	vld [tilespmem:$0x1F140]  }
0x71e: {  	v3 =	vmul.f32 v3, v36;
	_ =	sdelay $0x1  }
0x71f: {  	v3 =	vadd.f32 $3.333333130e-01, v3;
	vm1 =	vmmov vm2;
	vm2 =	vgt.s32 v16, v42;
	v16 =	vld [tilespmem:$0x1F180]  }
0x720: {  	v63 =	vld.idx.msk [tilespmem:v13+s15+$0x0], $0xffff;
	v13 =	vmul.f32 v36, v36  }
0x721: {  	v3 =	vmul.f32 v3, v36;
	vm0 =	vgt.s32 v9, v42;
	v9 =	vimm.s32 $0x0  }
0x722: {  	v9 =	vsel vm0, $0xFFFFFFFF, v9  }
0x723: {  	v3 =	vmul.f32 v3, v13;
	[tilespmem:$0x1F150] =	vst v9;
	v9 =	vld.idx.msk [tilespmem:v11+s15+$0x0], $0xffff;
	v11 =	vmul.f32 $-2.121944420e-04, v14  }
0x724: {  	vm0 =	vgt.s32 v16, v42  }
0x725: {  	v16 =	vimm.s32 $0x0;
	v3 =	vadd.f32 v11, v3;
	v11 =	vmul.f32 $5.000000000e-01, v13;
	v13 =	vld [tilespmem:$0x1F1E0]  }
0x726: {  	v16 =	vsel vm0, $0xFFFFFFFF, v16  }
0x727: {  	[tilespmem:$0x1F190] =	vst v16;
	v16 =	vld [tilespmem:$0x1F1A0];
	_ =	sdelay $0x2  }
0x728: {  	vm3 =	vgt.s32 v13, v42;
	v13 =	vld [tilespmem:$0x1F1F0];
	_ =	sdelay $0x1  }
0x729: {  	vm0 =	vgt.s32 v16, v42;
	v16 =	vimm.s32 $0x0  }
0x72a: {  	v16 =	vsel vm0, $0xFFFFFFFF, v16  }
0x72b: {  	[tilespmem:$0x1F1B0] =	vst v16;
	v16 =	vld [tilespmem:$0x1F1C0]  }
0x72c: {  	vm4 =	vgt.s32 v13, v42;
	v13 =	vld [tilespmem:$0x1F200];
	_ =	sdelay $0x3  }
0x72d: {  	vm0 =	vgt.s32 v16, v42;
	v16 =	vimm.s32 $0x0  }
0x72e: {  	v16 =	vsel vm0, $0xFFFFFFFF, v16;
	vm0 =	vgt.s32 v13, v42;
	v13 =	vimm.s32 $0x0  }
0x72f: {  	v13 =	vsel vm0, $0xFFFFFFFF, v13  }
0x730: {  	[tilespmem:$0x1F210] =	vst v13;
	v13 =	vld [tilespmem:$0x1F220];
	_ =	sdelay $0x2  }
0x731: {  	v3 =	vsub.f32 v3, v11;
	v11 =	vld [tilespmem:$0x1F260];
	_ =	sdelay $0x1  }
0x732: {  	vm0 =	vgt.s32 v13, v42;
	v13 =	vimm.s32 $0x0  }
0x733: {  	[tilespmem:$0x1F1D0] =	vst v16;
	v16 =	vld [tilespmem:$0x1F2C0];
	v13 =	vsel vm0, $0xFFFFFFFF, v13  }
0x734: {  	[tilespmem:$0x1F230] =	vst v13;
	v13 =	vld [tilespmem:$0x1F240]  }
0x735: {  	vm7 =	vgt.s32 v11, v42;
	v11 =	vld [tilespmem:$0x1F270];
	_ =	sdelay $0x2  }
0x736: {  	vm10 =	vgt.s32 v16, v42;
	v16 =	vld [tilespmem:$0x1F2D0]  }
0x737: {  	v59 =	vld.idx.msk [tilespmem:v59+s15+$0x0], $0xffff;
	vm0 =	vgt.s32 v13, v42;
	v13 =	vimm.s32 $0x0  }
0x738: {  	vm8 =	vgt.s32 v11, v42;
	v11 =	vld [tilespmem:$0x1F280];
	v13 =	vsel vm0, $0xFFFFFFFF, v13  }
0x739: {  	[tilespmem:$0x1F250] =	vst v13;
	v13 =	vld.idx.msk [tilespmem:v12+s15+$0x0], $0xffff  }
0x73a: {  	v12 =	vld [tilespmem:$0x1F2A0]  }
0x73b: {  	vm9 =	vgt.s32 v16, v42;
	v16 =	vld [tilespmem:$0x1F2E0]  }
0x73c: {  	v56 =	vld.idx.msk [tilespmem:v56+s15+$0x0], $0xffff  }
0x73d: {  	v55 =	vld.idx.msk [tilespmem:v55+s15+$0x0], $0xffff;
	v14 =	vmul.f32 $6.933593750e-01, v14  }
0x73e: {  	v57 =	vld.idx.msk [tilespmem:v57+s15+$0x0], $0xffff;
	v3 =	vadd.f32 v3, v36;
	vm0 =	vgt.s32 v11, v42;
	v11 =	vimm.s32 $0x0  }
0x73f: {  	v8 =	vld.idx.msk [tilespmem:v8+s15+$0x0], $0xffff;
	v11 =	vsel vm0, $0xFFFFFFFF, v11;
	vm0 =	vgt.s32 v12, v42;
	v12 =	vimm.s32 $0x0  }
0x740: {  	v7 =	vld.idx.msk [tilespmem:v7+s15+$0x0], $0xffff;
	v12 =	vsel vm0, $0xFFFFFFFF, v12;
	vm0 =	vgt.s32 v16, v42;
	v16 =	vimm.s32 $0x0  }
0x741: {  	v3 =	vadd.f32 v3, v14;
	v14 =	vld [tilespmem:$0x1F330];
	v16 =	vsel vm0, $0xFFFFFFFF, v16  }
0x742: {  	[tilespmem:$0x1F2F0] =	vst v16;
	v16 =	vld [tilespmem:$0x1F300]  }
0x743: {  	v58 =	vld.idx.msk [tilespmem:v58+s15+$0x0], $0xffff  }
0x744: {  	v61 =	vld.idx.msk [tilespmem:v61+s15+$0x0], $0xffff  }
0x745: {  	v10 =	vld.idx.msk [tilespmem:v10+s15+$0x0], $0xffff  }
0x746: {  	vm6 =	vgt.s32 v14, v42;
	v14 =	vld [tilespmem:$0x1F340]  }
0x747: {  	vm13 =	vgt.s32 v16, v42;
	v16 =	vld [tilespmem:$0x1F310]  }
0x748: {  	v60 =	vld.idx.msk [tilespmem:v60+s15+$0x0], $0xffff  }
0x749: {  	v62 =	vld.idx.msk [tilespmem:v62+s15+$0x0], $0xffff  }
0x74a: {  	v2 =	vld.idx.msk [tilespmem:v2+s15+$0x0], $0xffff  }
0x74b: {  	vm5 =	vgt.s32 v14, v42;
	v14 =	vld.idx.msk [tilespmem:v6+s15+$0x0], $0xffff;
	v6 =	vimm.f32 $5.000000000e-01  }
0x74c: {  	v15 =	vld.idx.msk [tilespmem:v15+s15+$0x0], $0xffff;
	v6 =	vsel vm11, $0x3F800000, v6;
	vm0 =	vgt.s32 v16, v42;
	v16 =	vimm.s32 $0x0  }
0x74d: {  	v36 =	vmul.f32 v3, v6;
	v3 =	vld [tilespmem:$0x1F370];
	v16 =	vsel vm0, $0xFFFFFFFF, v16  }
0x74e: {  	[tilespmem:$0x1F320] =	vst v16;
	v16 =	vld [tilespmem:$0x1F350]  }
0x74f: {  	v52 =	vld.idx.msk [tilespmem:v18+s15+$0x0], $0xffff  }
0x750: {  	v18 =	vld.idx.msk [tilespmem:v1+s15+$0x0], $0xffff  }
0x751: {  	v53 =	vld.idx.msk [tilespmem:v17+s15+$0x0], $0xffff  }
0x752: {  	vm11 =	vgt.s32 v3, v42;
	v3 =	vld [tilespmem:$0x1F380]  }
0x753: {  	p0 =	sne.s32 s26, $0xF0;
	vm14 =	vgt.s32 v16, v42;
	v16 =	vld [tilespmem:$0x1F360]  }
.Ltmp1:
0x754: {  	v54 =	vld.idx.msk [tilespmem:v19+s15+$0x0], $0xffff;
	(pc) =	sbr.rel @p0 .LBB2_5-.Ltmp1, $4  }
0x755: {  	[tilespmem:$0x1F290] =	vst v11;
	v11 =	vld.idx.msk [tilespmem:v4+s15+$0x0], $0xffff  }
0x756: {  	v4 =	vld.idx.msk [tilespmem:v21+s15+$0x0], $0xffff  }
0x757: {  	v40 =	vand.u32 $0x7F, v42;
	v41 =	vand.u32 $0xFFFFFF80, v42;
	[tilespmem:$0x1F2B0] =	vst v12;
	v12 =	vld.idx.msk [tilespmem:v22+s15+$0x0], $0xffff  }
0x758: {  	s26 =	sadd.s32 $0x10, s26;
	vm12 =	vgt.s32 v3, v42;
	vm0 =	vgt.s32 v16, v42;
	v16 =	vld.idx.msk [tilespmem:v5+s15+$0x0], $0xffff;
	v5 =	vsub.s32 $0x3F, v42  }
0x759: {  	_ =	sdelay $0x2  }
0x75a: {  	v1 =	vld [tilespmem:$0x1EC90]  }
0x75b: {  	v3 =	vld.idx.msk [tilespmem:v49+s15+$0x0], $0xffff  }
0x75c: {  	v6 =	vld [tilespmem:$0x1ED50]  }
0x75d: {  	v17 =	vld [tilespmem:$0x1ED70]  }
0x75e: {  	v49 =	vld [tilespmem:$0x1ECD0]  }
0x75f: {  	v19 =	vld [tilespmem:$0x1EE50]  }
0x760: {  	v21 =	vld [tilespmem:$0x1EEB0]  }
0x761: {  	v22 =	vld [tilespmem:$0x1EEF0]  }
0x762: {  	v48 =	vld.idx.msk [tilespmem:v48+s15+$0x0], $0xffff  }
0x763: {  	v46 =	vld.idx.msk [tilespmem:v46+s15+$0x0], $0xffff  }
0x764: {  	v44 =	vld.idx.msk [tilespmem:v44+s15+$0x0], $0xffff  }
0x765: {  	v53 =	vnsel vm1, $0x0, v53;
	v45 =	vld.idx.msk [tilespmem:v45+s15+$0x0], $0xffff;
	vm1 =	vnez.u8 v1  }
0x766: {  	v43 =	vld.idx.msk [tilespmem:v43+s15+$0x0], $0xffff;
	v1 =	vnsel vm1, $0x0, v51;
	vm1 =	vnez.u8 v6  }
0x767: {  	v6 =	vnsel vm1, $0x0, v54;
	vm1 =	vnez.u8 v17;
	v17 =	vld.idx.msk [tilespmem:v50+s15+$0x0], $0xffff  }
0x768: {  	v50 =	vld [tilespmem:$0x1EDD0]  }
0x769: {  	v54 =	vnsel vm1, $0x0, v56;
	v56 =	vld [tilespmem:$0x1EDF0]  }
0x76a: {  	v39 =	vld.idx.msk [tilespmem:v39+s15+$0x0], $0xffff  }
0x76b: {  	v38 =	vld.idx.msk [tilespmem:v38+s15+$0x0], $0xffff;
	vm1 =	vnez.u8 v49  }
0x76c: {  	v37 =	vld.idx.msk [tilespmem:v37+s15+$0x0], $0xffff;
	v51 =	vnsel vm1, $0x0, v52;
	vm1 =	vnez.u8 v19  }
0x76d: {  	v35 =	vld.idx.msk [tilespmem:v35+s15+$0x0], $0xffff;
	v52 =	vnsel vm1, $0x0, v59;
	vm1 =	vnez.u8 v50  }
0x76e: {  	v34 =	vld.idx.msk [tilespmem:v34+s15+$0x0], $0xffff;
	v49 =	vnsel vm1, $0x0, v55;
	vm1 =	vnez.u8 v56  }
0x76f: {  	v15 =	vadd.f32 $0.0e+00, v15;
	v50 =	vnsel vm1, $0x0, v57;
	v57 =	vld [tilespmem:$0x1EE70]  }
0x770: {  	v33 =	vld.idx.msk [tilespmem:v33+s15+$0x0], $0xffff;
	v12 =	vadd.f32 $0.0e+00, v12  }
0x771: {  	v31 =	vld.idx.msk [tilespmem:v31+s15+$0x0], $0xffff;
	v15 =	vnsel vm5, $0x0, v15;
	v45 =	vnsel vm11, $0x0, v45;
	v43 =	vnsel vm12, $0x0, v43  }
0x772: {  	v12 =	vnsel vm6, $0x0, v12;
	v15 =	vadd.f32 v43, v15;
	v43 =	vld.idx.msk [tilespmem:v28+s15+$0x0], $0xffff;
	vm1 =	vnez.u8 v21  }
0x773: {  	v12 =	vadd.f32 v45, v12;
	v45 =	vld.idx.msk [tilespmem:v27+s15+$0x0], $0xffff;
	v21 =	vnsel vm1, $0x0, v60;
	vm1 =	vnez.u8 v22  }
0x774: {  	v19 =	vld.idx.msk [tilespmem:v47+s15+$0x0], $0xffff;
	v22 =	vnsel vm1, $0x0, v62;
	vm1 =	vnez.u8 v57  }
0x775: {  	v47 =	vnsel vm1, $0x0, v58;
	v58 =	vld [tilespmem:$0x1EF90]  }
0x776: {  	v59 =	vld [tilespmem:$0x1EF50]  }
0x777: {  	v60 =	vld [tilespmem:$0x1EF70]  }
0x778: {  	v62 =	vld [tilespmem:$0x1F0A0]  }
0x779: {  	v4 =	vadd.f32 $0.0e+00, v4;
	v57 =	vld [tilespmem:$0x1F210]  }
0x77a: {  	vm1 =	vnez.u8 v58;
	v58 =	vnsel vm0, $0x0, v46;
	v46 =	vld [tilespmem:$0x1F1D0]  }
0x77b: {  	v4 =	vnsel vm13, $0x0, v4;
	v2 =	vnsel vm1, $0x0, v2;
	vm1 =	vnez.u8 v59;
	v59 =	vld [tilespmem:$0x1F2F0]  }
0x77c: {  	v4 =	vadd.f32 v58, v4;
	v58 =	vld.idx.msk [tilespmem:v25+s15+$0x0], $0xffff  }
0x77d: {  	v25 =	vld [tilespmem:$0x1E9B0]  }
0x77e: {  	v55 =	vnsel vm1, $0x0, v61;
	v61 =	vld [tilespmem:$0x1F070]  }
0x77f: {  	vm1 =	vnez.u8 v60;
	v60 =	vld [tilespmem:$0x1F0E0]  }
0x780: {  	v56 =	vnsel vm1, $0x0, v63;
	v63 =	vld [tilespmem:$0x1F000]  }
0x781: {  	v48 =	vnsel vm14, $0x0, v48;
	vm14 =	vnez.u8 v46;
	v46 =	vld [tilespmem:$0x1E820]  }
0x782: {  	v3 =	vnsel vm8, $0x0, v3;
	vm8 =	vnez.u8 v59;
	v59 =	vld [tilespmem:$0x1F150]  }
0x783: {  	v27 =	vnsel vm14, $0x0, v31;
	v31 =	vld [tilespmem:$0x1EFE0]  }
0x784: {  	vm1 =	vnez.u8 v61;
	v61 =	vld [tilespmem:$0x1F110]  }
0x785: {  	v39 =	vnsel vm8, $0x0, v39;
	v9 =	vnsel vm1, $0x0, v9;
	vm1 =	vnez.u8 v62;
	v62 =	vld [tilespmem:$0x1F190]  }
0x786: {  	v12 =	vadd.f32 v39, v12;
	v39 =	vld.idx.msk [tilespmem:v29+s15+$0x0], $0xffff  }
0x787: {  	v8 =	vnsel vm1, $0x0, v8;
	vm1 =	vnez.u8 v63;
	v63 =	vld [tilespmem:$0x1E710]  }
0x788: {  	v0 =	vnsel vm1, $0x0, v0;
	vm1 =	vnez.u8 v60;
	v60 =	vld [tilespmem:$0x1F320]  }
0x789: {  	vm5 =	vnez.u8 v59;
	v59 =	vld [tilespmem:$0x1EC70]  }
0x78a: {  	v7 =	vnsel vm1, $0x0, v7;
	vm1 =	vnez.u8 v61;
	v61 =	vld [tilespmem:$0x1F290]  }
0x78b: {  	v16 =	vnsel vm4, $0x0, v16;
	vm4 =	vnez.u8 v62;
	v62 =	vld.idx.msk [tilespmem:v30+s15+$0x0], $0xffff  }
0x78c: {  	v18 =	vnsel vm7, $0x0, v18;
	vm7 =	vgt.s32 v63, v42;
	v63 =	vld [tilespmem:$0x1F2B0]  }
0x78d: {  	v5 =	vcvt.s32.f32 v5;
	v42 =	vld [tilespmem:$0x1F230]  }
0x78e: {  	v11 =	vnsel vm4, $0x0, v11;
	vm4 =	vnez.u8 v57;
	v57 =	vld [tilespmem:$0x1ED30]  }
0x78f: {  	v5 =	vmul.f32 $1.000000010e-10, v5;
	v19 =	vnsel vm9, $0x0, v19;
	vm9 =	vnez.u8 v60;
	v60 =	vld.idx.msk [tilespmem:v23+s15+$0x0], $0xffff  }
0x790: {  	v44 =	vnsel vm7, $0x0, v44;
	v23 =	vld [tilespmem:$0x1EA30]  }
0x791: {  	v5 =	vadd.f32 v44, v5;
	v44 =	vld [tilespmem:$0x1F250]  }
0x792: {  	v17 =	vnsel vm10, $0x0, v17;
	v38 =	vnsel vm9, $0x0, v38;
	vm10 =	vnez.u8 v61;
	v61 =	vld [tilespmem:$0x1F1B0]  }
0x793: {  	v15 =	vadd.f32 v38, v15;
	v38 =	vld [tilespmem:$0x1E880]  }
0x794: {  	v4 =	vadd.f32 v19, v4;
	v5 =	vadd.f32 v48, v5;
	v48 =	vld.idx.msk [tilespmem:v26+s15+$0x0], $0xffff  }
0x795: {  	v19 =	vnsel vm4, $0x0, v62;
	v62 =	vld.idx.msk [tilespmem:v24+s15+$0x0], $0xffff  }
0x796: {  	v3 =	vadd.f32 v3, v4;
	v24 =	vld [tilespmem:$0x1F130]  }
0x797: {  	v26 =	vld [tilespmem:$0x1F030]  }
0x798: {  	v3 =	vadd.f32 v16, v3;
	v37 =	vnsel vm10, $0x0, v37;
	vm11 =	vnez.u8 v63;
	v63 =	vld [tilespmem:$0x1F0C0]  }
0x799: {  	v12 =	vadd.f32 v37, v12;
	v37 =	vld [tilespmem:$0x1EF30]  }
0x79a: {  	v3 =	vadd.f32 v11, v3;
	vm12 =	vnez.u8 v42;
	v42 =	vld [tilespmem:$0x1EED0]  }
0x79b: {  	v10 =	vnsel vm1, $0x0, v10;
	v29 =	vnsel vm12, $0x0, v34;
	v34 =	vld [tilespmem:$0x1EF10]  }
0x79c: {  	v3 =	vadd.f32 v10, v3;
	v30 =	vnsel vm11, $0x0, v35;
	v35 =	vld [tilespmem:$0x1E910]  }
0x79d: {  	v5 =	vadd.f32 v17, v5;
	v17 =	vnsel vm5, $0x0, v39;
	v39 =	vld [tilespmem:$0x1EE90]  }
0x79e: {  	v3 =	vadd.f32 v8, v3;
	v12 =	vadd.f32 v29, v12;
	v29 =	vld [tilespmem:$0x1E940]  }
0x79f: {  	v15 =	vadd.f32 v30, v15;
	v30 =	vld [tilespmem:$0x1EFC0]  }
0x7a0: {  	v0 =	vadd.f32 v0, v3;
	v3 =	vld [tilespmem:$0x1E960]  }
0x7a1: {  	vm13 =	vnez.u8 v44;
	v44 =	vld [tilespmem:$0x1E8B0];
	v5 =	vadd.f32 v18, v5  }
0x7a2: {  	v14 =	vnsel vm3, $0x0, v14;
	v28 =	vnsel vm13, $0x0, v33;
	v33 =	vld [tilespmem:$0x1E8E0]  }
0x7a3: {  	v10 =	vld.idx.msk [tilespmem:v23+s15+$0x0], $0xffff;
	v5 =	vadd.f32 v14, v5  }
0x7a4: {  	v13 =	vnsel vm2, $0x0, v13;
	v12 =	vadd.f32 v27, v12;
	v27 =	vld [tilespmem:$0x1E9D0]  }
0x7a5: {  	vm6 =	vnez.u8 v61;
	v15 =	vadd.f32 v28, v15;
	v28 =	vld [tilespmem:$0x1F050];
	v5 =	vadd.f32 v13, v5  }
0x7a6: {  	v4 =	vnsel vm6, $0x0, v43;
	v0 =	vadd.f32 v56, v0;
	v43 =	vld [tilespmem:$0x1EE10]  }
0x7a7: {  	vm8 =	vnez.u8 v24;
	v56 =	vld [tilespmem:$0x1ED10];
	v5 =	vadd.f32 v7, v5  }
0x7a8: {  	vm7 =	vnez.u8 v63;
	v16 =	vnsel vm8, $0x0, v48;
	v48 =	vld [tilespmem:$0x1E850];
	v0 =	vadd.f32 v22, v0  }
0x7a9: {  	vm12 =	vnez.u8 v31;
	v18 =	vnsel vm7, $0x0, v45;
	v45 =	vld [tilespmem:$0x1EE30];
	v5 =	vadd.f32 v9, v5  }
0x7aa: {  	vm9 =	vnez.u8 v26;
	v15 =	vadd.f32 v19, v15;
	v0 =	vadd.f32 v47, v0;
	v47 =	vld [tilespmem:$0x1ED90]  }
0x7ab: {  	v14 =	vnsel vm9, $0x0, v58;
	vm14 =	vnez.u8 v37;
	v7 =	vld.idx.msk [tilespmem:v25+s15+$0x0], $0xffff;
	v2 =	vadd.f32 v2, v5  }
0x7ac: {  	vm5 =	vnez.u8 v42;
	v4 =	vadd.f32 v4, v15;
	vm10 =	vnez.u8 v28;
	v3 =	vld.idx.msk [tilespmem:v3+s15+$0x0], $0xffff  }
0x7ad: {  	v12 =	vadd.f32 v17, v12;
	v11 =	vnsel vm10, $0x0, v60;
	v60 =	vld [tilespmem:$0x1ECF0];
	v2 =	vadd.f32 v55, v2  }
0x7ae: {  	vm13 =	vnez.u8 v34;
	vm4 =	vnez.u8 v39;
	v4 =	vadd.f32 v16, v4;
	v9 =	vld.idx.msk [tilespmem:v29+s15+$0x0], $0xffff  }
0x7af: {  	vm11 =	vnez.u8 v30;
	v12 =	vadd.f32 v18, v12;
	v8 =	vld.idx.msk [tilespmem:v27+s15+$0x0], $0xffff;
	v2 =	vadd.f32 v21, v2  }
0x7b0: {  	v13 =	vnsel vm11, $0x0, v62;
	v0 =	vadd.f32 v50, v0;
	v4 =	vadd.f32 v11, v4;
	v11 =	vld.idx.msk [tilespmem:v35+s15+$0x0], $0xffff  }
0x7b1: {  	vm11 =	vnez.u8 v57;
	v12 =	vadd.f32 v14, v12;
	v2 =	vadd.f32 v52, v2;
	v52 =	vld [tilespmem:$0x1E7C0]  }
0x7b2: {  	v10 =	vnsel vm12, $0x0, v10;
	vm6 =	vnez.u8 v43;
	v0 =	vadd.f32 v54, v0;
	v54 =	vld [tilespmem:$0x1E7F0]  }
0x7b3: {  	vm12 =	vnez.u8 v59;
	v50 =	vadd.s32 v41, v20;
	v12 =	vadd.f32 v13, v12;
	v5 =	vld.idx.msk [tilespmem:v33+s15+$0x0], $0xffff  }
0x7b4: {  	vm10 =	vnez.u8 v56;
	v13 =	vld.idx.msk [tilespmem:v38+s15+$0x0], $0xffff;
	v7 =	vnsel vm13, $0x0, v7;
	v4 =	vadd.f32 v10, v4  }
0x7b5: {  	vm7 =	vnez.u8 v45;
	v7 =	vadd.f32 v7, v12;
	v55 =	vld [tilespmem:$0x1EDB0];
	v8 =	vnsel vm14, $0x0, v8  }
0x7b6: {  	vm8 =	vnez.u8 v47;
	v9 =	vnsel vm4, $0x0, v9;
	v4 =	vadd.f32 v8, v4;
	v8 =	vld.idx.msk [tilespmem:v44+s15+$0x0], $0xffff  }
0x7b7: {  	v0 =	vadd.f32 v51, v0;
	v3 =	vnsel vm5, $0x0, v3;
	v7 =	vadd.f32 v9, v7;
	v9 =	vld.idx.msk [tilespmem:v46+s15+$0x0], $0xffff  }
0x7b8: {  	v12 =	vor.u32 v40, v50;
	v5 =	vnsel vm6, $0x0, v5;
	v3 =	vadd.f32 v3, v4;
	v4 =	vld.idx.msk [tilespmem:v48+s15+$0x0], $0xffff  }
0x7b9: {  	v10 =	vnsel vm7, $0x0, v11;
	v11 =	vnsel vm8, $0x0, v13;
	v5 =	vadd.f32 v5, v7;
	v7 =	vld.idx.msk [tilespmem:v52+s15+$0x0], $0xffff  }
0x7ba: {  	vm9 =	vnez.u8 v55;
	v2 =	vadd.f32 v49, v2;
	v3 =	vadd.f32 v10, v3;
	v10 =	vld.idx.msk [tilespmem:v54+s15+$0x0], $0xffff  }
0x7bb: {  	vm13 =	vnez.u8 v60;
	v5 =	vadd.f32 v11, v5;
	v8 =	vnsel vm9, $0x0, v8  }
0x7bc: {  	v2 =	vadd.f32 v6, v2;
	v6 =	vnsel vm10, $0x0, v9;
	v3 =	vadd.f32 v8, v3  }
0x7bd: {  	v0 =	vadd.f32 v1, v0;
	v5 =	vadd.f32 v6, v5;
	v4 =	vnsel vm11, $0x0, v4  }
0x7be: {  	v2 =	vadd.f32 v53, v2;
	v3 =	vadd.f32 v4, v3;
	v58 =	vnsel vm15, $0x0, v7  }
0x7bf: {  	s24 =	sadd.s32 $0x10, s24;
	v61 =	vld.idx.msk [tilespmem:v12+s15+$0x0], $0xffff;
	v4 =	vnsel vm12, $0x0, v32;
	v1 =	vadd.f32 v58, v5;
	v5 =	vnsel vm13, $0x0, v10  }
0x7c0: {  	v62 =	vld [tilespmem:s24+$0x0];
	v2 =	vadd.f32 v4, v2;
	v3 =	vadd.f32 v5, v3;
	_ =	sdelay $0x1  }
0x7c1: {  	v0 =	vadd.f32 v0, v2;
	v1 =	vadd.f32 v3, v1;
	_ =	sdelay $0x1  }
0x7c2: {  	v2 =	vadd.f32 $1.000000010e-10, v61;
	v0 =	vadd.f32 v1, v0  }
0x7c3: {  	vm14 =	veq.s32 v62, $0x0  }
0x7c4: {  	v0 =	vsel vm14, v2, v0  }
0x7c5: {  	v1 =	vand.u32 $0x7FFFFF, v0  }
0x7c6: {  	v1 =	vor.u32 $0x3F000000, v1  }
0x7c7: {  	vm15 =	vlt.f32 v1, $7.071067690e-01  }
0x7c8: {  	v2 =	vnsel vm15, $0x80000000, v1  }
0x7c9: {  	v1 =	vadd.f32 v1, v2;
	_ =	sdelay $0x1  }
0x7ca: {  	v1 =	vadd.f32 $-1.000000000e+00, v1;
	_ =	sdelay $0x1  }
0x7cb: {  	v2 =	vmul.f32 $7.037683580e-02, v1;
	_ =	sdelay $0x1  }
0x7cc: {  	v2 =	vadd.f32 $-1.151461010e-01, v2;
	_ =	sdelay $0x1  }
0x7cd: {  	v2 =	vmul.f32 v2, v1;
	_ =	sdelay $0x1  }
0x7ce: {  	v2 =	vadd.f32 $1.167699840e-01, v2;
	_ =	sdelay $0x1  }
0x7cf: {  	v2 =	vmul.f32 v2, v1;
	_ =	sdelay $0x1  }
0x7d0: {  	v2 =	vadd.f32 $-1.242014100e-01, v2;
	_ =	sdelay $0x1  }
0x7d1: {  	v2 =	vmul.f32 v2, v1;
	_ =	sdelay $0x1  }
0x7d2: {  	v2 =	vadd.f32 $1.424932330e-01, v2;
	_ =	sdelay $0x1  }
0x7d3: {  	v2 =	vmul.f32 v2, v1;
	_ =	sdelay $0x1  }
0x7d4: {  	v2 =	vadd.f32 $-1.666805740e-01, v2;
	_ =	sdelay $0x1  }
0x7d5: {  	v2 =	vmul.f32 v2, v1;
	_ =	sdelay $0x1  }
0x7d6: {  	v2 =	vadd.f32 $2.000071410e-01, v2;
	_ =	sdelay $0x1  }
0x7d7: {  	v2 =	vmul.f32 v2, v1;
	_ =	sdelay $0x1  }
0x7d8: {  	v2 =	vadd.f32 $-2.499999400e-01, v2  }
0x7d9: {  	v3 =	vimm.s32 $0x0  }
0x7da: {  	v0 =	vshra.s32 v0, $0x17;
	v3 =	vsel vm15, $0xFFFFFFFF, v3;
	v2 =	vmul.f32 v2, v1  }
0x7db: {  	v0 =	vadd.s32 v3, v0  }
0x7dc: {  	v0 =	vadd.s32 $0xFFFFFF82, v0;
	v2 =	vadd.f32 $3.333333130e-01, v2  }
0x7dd: {  	v0 =	vcvt.s32.f32 v0  }
0x7de: {  	v3 =	vmul.f32 v1, v1;
	v2 =	vmul.f32 v2, v1;
	_ =	sdelay $0x1  }
0x7df: {  	v63 =	vmul.f32 $-2.121944420e-04, v0;
	v2 =	vmul.f32 v2, v3;
	_ =	sdelay $0x1  }
0x7e0: {  	v3 =	vmul.f32 $5.000000000e-01, v3;
	v2 =	vadd.f32 v63, v2;
	_ =	sdelay $0x1  }
0x7e1: {  	v2 =	vsub.f32 v2, v3;
	_ =	sdelay $0x1  }
0x7e2: {  	v1 =	vadd.f32 v2, v1;
	v2 =	vld [tilespmem:$0x1E780]  }
0x7e3: {  	s23 =	sadd.s32 $0x1, s23;
	v0 =	vmul.f32 $6.933593750e-01, v0  }
0x7e4: {  	p0 =	sne.s32 s23, $0x10  }
.Ltmp2:
0x7e5: {  	v0 =	vadd.f32 v1, v0;
	v1 =	vimm.f32 $5.000000000e-01;
	(pc) =	sbr.rel @p0 .LBB2_2-.Ltmp2, $3  }
0x7e6: {  	v1 =	vsel vm14, $0x3F800000, v1  }
0x7e7: {  	v0 =	vmul.f32 v0, v1;
	v2 =	vadd.f32 v36, v2;
	_ =	sdelay $0x1  }
0x7e8: {  	v0 =	vadd.f32 v0, v2  }
0x7e9: {  	s22 =	sadd.s32 $0x1, s22  }
0x7ea: {  	p0 =	sne.s32 s22, s11  }
.Ltmp3:
0x7eb: {  	[tilespmem:$0x10400] =	vst v0;
	(pc) =	sbr.rel @p0 .LBB2_1-.Ltmp3, $4  }
0x7ec: {  	[hbm4b:s10+s4] =	stream.linear.scatter [tilespmem:s20], [sflag:$0x3], $0x10, $0x38;
	[tilespmem:$0x10500] =	vst v63  }
0x7ed: {  	_ =	swait.ge [sflag:s21], $0x10  }
0x7ee: {  	[sflag:s21] =	ssyncset.done $0x0  }
0x7ef: {  	[sflag:s21] =	ssyncadd.s32 $0xFFFFFFF0  }
0x7f0: {  	_ =	sfence.sel $0x180000  }
0x7f1: {  	[bflag:$0x0] =	sbarrier.arrive $0xFFFF  }
0x7f2: {  	p0 =	sne.s32 s2, $0x0;
	_ =	strace $0x90000047  }
0x7f3: {  	s0 =	sadd.s32 @!p0 $0x100000, s0;
	[bflag:$0x2] =	sbarrier.arrive $0xFFFF  }
0x7f4: {  	[sflag:s0] =	ssyncadd.tile.s32 @!p0 $0x1;
	_ =	shalt  }
.Lfunc_end2:
_tile_overlayer_lowered:
.L_overlay_start_2:
0x7f5: {  	(tag) =	ssettag $0x2  }
0x7f6: {  	s0 =	rddreg [dreg:$0x0];
	s2 =	stileid.u32  }
0x7f7: {  	s1 =	rddreg [dreg:$0x1];
	p0 =	sne.s32 s2, $0x0  }
0x7f8: {  	s3 =	rddreg [dreg:$0x2];
	[bflag:$0x3] =	sbarrier.arrive $0xFFFF;
	s2 =	simm.s32 @!p0 $0x1C03  }
0x7f9: {  	[timem:s3], [sflag:s2] =	dma.local @!p0 [hbm:s0], s1  }
0x7fa: {  	s0 =	simm.s32 @!p0 $0x3  }
0x7fb: {  	_ =	swait.ge @!p0 [sflag:s0], s1  }
0x7fc: {  	s1 =	ssub.s32 @!p0 $0x0, s1;
	[sflag:s0] =	ssyncset.done @!p0 $0x0  }
0x7fd: {  	[sflag:s0] =	ssyncadd.s32 @!p0 s1  }
0x7fe: {  	[bflag:$0x3] =	sbarrier.arrive $0xFFFF  }
0x7ff: {  	_ =	shalt  }

</sc_bundles>
